<compile_context>
chip_gen: v7x
topology: tpu7x:2x2x1
jax: 0.10.2.dev20260603
libtpu: 0.0.44.dev20260713+nightly
codegen_flags: <defaults>
</compile_context>

<pallas_src>
import functools

import jax
import jax.numpy as jnp
from jax import lax
from jax.experimental import pallas as pl
from jax.experimental.pallas import tpu as pltpu
from jax.experimental.pallas import tpu_sc as plsc

N = 10000
E = 320000
D = 128
H = 64
G = 128

NC = 2
NS = 16
NW = NC * NS
NPAD = 10240
EPC = E // NC
EPT = E // NW
K = 80
NCH = -(-EPT // K)
EPAD = NCH * K - EPT
DEGW = 16
RPT = NPAD // NS

BN = 2048
NB = NPAD // BN

_sc_mesh = plsc.VectorSubcoreMesh(core_axis_name="c", subcore_axis_name="s")


WIN = 16
NBUF = 12
AHEAD = 6


@functools.partial(
    pl.kernel,
    out_type=jax.ShapeDtypeStruct((NC, NPAD, DEGW), jnp.float32),
    mesh=_sc_mesh,
    scratch_types=[
        pltpu.VMEM((NCH, K), jnp.int32),
        pltpu.VMEM((K, DEGW), jnp.float32),
        pltpu.SemaphoreType.DMA,
        pltpu.VMEM_SHARED((NPAD, DEGW), jnp.float32),
    ],
    compiler_params=pltpu.CompilerParams(use_tc_tiling_on_sc=False),
)
def _deg_kernel(ei_hbm, z16_hbm, out_hbm, dst2_v, ones_v, ssem, acc_sh):
    c = lax.axis_index("c")
    s = lax.axis_index("s")
    w = c * NS + s
    pltpu.sync_copy(ei_hbm.at[1, w], dst2_v)

    def fill(i, carry):
        ones_v[i, :] = jnp.ones((16,), jnp.float32)
        return carry

    lax.fori_loop(0, K, fill, 0)
    pltpu.sync_copy(z16_hbm.at[pl.ds(s * RPT, RPT)], acc_sh.at[pl.ds(s * RPT, RPT)])
    plsc.subcore_barrier()

    for b in range(WIN):
        pltpu.async_copy(ones_v, acc_sh.at[dst2_v.at[b]], ssem, add=True)

    def chunk(i, carry):
        pltpu.make_async_copy(ones_v, acc_sh.at[dst2_v.at[0]], ssem).wait()
        pltpu.async_copy(ones_v, acc_sh.at[dst2_v.at[i + WIN]], ssem, add=True)
        return carry

    lax.fori_loop(0, NCH - WIN, chunk, 0)
    for b in range(WIN):
        pltpu.make_async_copy(ones_v, acc_sh.at[dst2_v.at[0]], ssem).wait()
    plsc.subcore_barrier()
    pltpu.sync_copy(acc_sh.at[pl.ds(s * RPT, RPT)],
                    out_hbm.at[c, pl.ds(s * RPT, RPT)])


@functools.partial(
    pl.kernel,
    out_type=jax.ShapeDtypeStruct((NPAD, NC * H), jnp.float32),
    mesh=_sc_mesh,
    scratch_types=[
        pltpu.VMEM((NCH, K), jnp.int32),
        pltpu.VMEM((NCH, K), jnp.int32),
        pltpu.VMEM((NBUF, K, H), jnp.float32),
        pltpu.SemaphoreType.DMA,
    ] + [pltpu.SemaphoreType.DMA] * NBUF + [
        pltpu.VMEM_SHARED((NPAD, H), jnp.float32),
    ],
    compiler_params=pltpu.CompilerParams(use_tc_tiling_on_sc=False),
)
def _msg_kernel(m_hbm, ei_hbm, out_hbm, src2_v, dst2_v, rows_v, gsem,
                *rest):
    ssems = list(rest[:NBUF])
    acc_sh = rest[NBUF]
    c = lax.axis_index("c")
    s = lax.axis_index("s")
    w = c * NS + s
    pltpu.sync_copy(ei_hbm.at[0, w], src2_v)
    pltpu.sync_copy(ei_hbm.at[1, w], dst2_v)
    for b in range(AHEAD):
        pltpu.async_copy(m_hbm.at[src2_v.at[b]], rows_v.at[b], gsem)
    pltpu.sync_copy(m_hbm.at[pl.ds(s * RPT, RPT)], acc_sh.at[pl.ds(s * RPT, RPT)])
    plsc.subcore_barrier()

    def step(j, carry, tail):
        for b in (range(NCH % NBUF) if tail else range(NBUF)):
            i = j * NBUF + b
            pltpu.make_async_copy(m_hbm.at[src2_v.at[0]], rows_v.at[b],
                                  gsem).wait()
            pltpu.async_copy(rows_v.at[b], acc_sh.at[dst2_v.at[i]],
                             ssems[b], add=True)
            if not tail:
                bn = (b + AHEAD) % NBUF

                @pl.when(i + AHEAD < NCH)
                def _():
                    @pl.when(i >= NBUF - AHEAD)
                    def _():
                        pltpu.make_async_copy(rows_v.at[bn],
                                              acc_sh.at[dst2_v.at[0]],
                                              ssems[bn]).wait()

                    pltpu.async_copy(m_hbm.at[src2_v.at[i + AHEAD]],
                                     rows_v.at[bn], gsem)
        return carry

    nfull = NCH // NBUF
    lax.fori_loop(0, nfull, functools.partial(step, tail=False), 0)
    if NCH % NBUF:
        step(nfull, 0, tail=True)
    for b in range(NBUF):
        pltpu.make_async_copy(rows_v.at[0], acc_sh.at[dst2_v.at[0]],
                              ssems[b]).wait()
    plsc.subcore_barrier()

    @pl.when(c == 0)
    def _():
        pltpu.sync_copy(acc_sh.at[pl.ds(s * RPT, RPT)],
                        out_hbm.at[pl.ds(s * RPT, RPT), pl.ds(0, H)])

    @pl.when(c == 1)
    def _():
        pltpu.sync_copy(acc_sh.at[pl.ds(s * RPT, RPT)],
                        out_hbm.at[pl.ds(s * RPT, RPT), pl.ds(H, H)])


def _dinv(deg_ref):
    deg = 1.0 + deg_ref[0, :, 0:1] + deg_ref[1, :, 0:1]
    return 1.0 / jnp.sqrt(deg)


def _tc_m1_body(deg_ref, x_ref, w1_ref, m1_ref):
    m1_ref[...] = jnp.dot(x_ref[...], w1_ref[...],
                          preferred_element_type=jnp.float32) * _dinv(deg_ref)


def _tc_mid_body(acc_ref, m1_ref, deg_ref, b1_ref, w2_ref, m2_ref):
    dinv = _dinv(deg_ref)
    tot = acc_ref[:, 0:H] + acc_ref[:, H:2 * H] - m1_ref[...]
    h1 = jnp.maximum(tot * dinv + b1_ref[...], 0.0)
    m2_ref[...] = jnp.dot(h1, w2_ref[...],
                          preferred_element_type=jnp.float32) * dinv


def _tc_final_body(acc_ref, m2_ref, deg_ref, b2_ref, batch_ref, w3_ref,
                   b3_ref, w4_ref, b4_ref, psum_ref, pcnt_ref, o_ref):
    i = pl.program_id(0)
    dinv = _dinv(deg_ref)
    tot = acc_ref[:, 0:H] + acc_ref[:, H:2 * H] - m2_ref[...]
    h2 = jnp.maximum(tot * dinv + b2_ref[...], 0.0)
    b = batch_ref[0, 0, :]
    onehot = (b[:, None] == lax.broadcasted_iota(jnp.int32, (BN, G), 1))
    onehot = onehot.astype(jnp.float32)
    ps = lax.dot_general(onehot, h2, (((0,), (0,)), ((), ())),
                         preferred_element_type=jnp.float32)
    cs = lax.dot_general(onehot, jnp.ones((BN, H), jnp.float32),
                         (((0,), (0,)), ((), ())),
                         preferred_element_type=jnp.float32)

    @pl.when(i == 0)
    def _():
        psum_ref[...] = jnp.zeros_like(psum_ref)
        pcnt_ref[...] = jnp.zeros_like(pcnt_ref)

    psum_ref[...] += ps
    pcnt_ref[...] += cs

    @pl.when(i == NB - 1)
    def _():
        pooled = psum_ref[...] / jnp.maximum(pcnt_ref[...], 1.0)
        t = jnp.maximum(jnp.dot(pooled, w3_ref[...],
                                preferred_element_type=jnp.float32)
                        + b3_ref[...], 0.0)
        o_ref[...] = jnp.dot(t, w4_ref[...],
                             preferred_element_type=jnp.float32) + b4_ref[...]


def _full(shape):
    nd = len(shape)
    return pl.BlockSpec(shape, lambda i: (0,) * nd)


def kernel(x, edge_index, batch, W1, b1, W2, b2, W3, b3, W4, b4):
    x = x.astype(jnp.float32)
    ei = edge_index.reshape(2, NW, NCH, K)
    xp = jnp.pad(x, ((0, NPAD - N), (0, 0)))
    z16 = jnp.zeros((NPAD, DEGW), jnp.float32)

    degparts = _deg_kernel(ei, z16)

    m1 = pl.pallas_call(
        _tc_m1_body,
        grid=(NB,),
        in_specs=[
            pl.BlockSpec((NC, BN, DEGW), lambda i: (0, i, 0)),
            pl.BlockSpec((BN, D), lambda i: (i, 0)),
            _full((D, H)),
        ],
        out_specs=pl.BlockSpec((BN, H), lambda i: (i, 0)),
        out_shape=jax.ShapeDtypeStruct((NPAD, H), jnp.float32),
    )(degparts, xp, W1)

    acc1 = _msg_kernel(m1, ei)

    m2 = pl.pallas_call(
        _tc_mid_body,
        grid=(NB,),
        in_specs=[
            pl.BlockSpec((BN, NC * H), lambda i: (i, 0)),
            pl.BlockSpec((BN, H), lambda i: (i, 0)),
            pl.BlockSpec((NC, BN, DEGW), lambda i: (0, i, 0)),
            _full((1, H)),
            _full((H, H)),
        ],
        out_specs=pl.BlockSpec((BN, H), lambda i: (i, 0)),
        out_shape=jax.ShapeDtypeStruct((NPAD, H), jnp.float32),
    )(acc1, m1, degparts, b1.reshape(1, H), W2)

    acc2 = _msg_kernel(m2, ei)

    batchp = jnp.pad(batch, (0, NPAD - N), constant_values=G)
    batchp = batchp.reshape(NB, 1, BN)
    w4p = jnp.pad(W4, ((0, 0), (0, 7)))

    _, _, o8 = pl.pallas_call(
        _tc_final_body,
        grid=(NB,),
        in_specs=[
            pl.BlockSpec((BN, NC * H), lambda i: (i, 0)),
            pl.BlockSpec((BN, H), lambda i: (i, 0)),
            pl.BlockSpec((NC, BN, DEGW), lambda i: (0, i, 0)),
            _full((1, H)),
            pl.BlockSpec((1, 1, BN), lambda i: (i, 0, 0)),
            _full((H, H)),
            _full((1, H)),
            _full((H, 8)),
            _full((1, 1)),
        ],
        out_specs=[_full((G, H)), _full((G, H)), _full((G, 8))],
        out_shape=[
            jax.ShapeDtypeStruct((G, H), jnp.float32),
            jax.ShapeDtypeStruct((G, H), jnp.float32),
            jax.ShapeDtypeStruct((G, 8), jnp.float32),
        ],
    )(acc2, m2, degparts, b2.reshape(1, H), batchp, W3,
      b3.reshape(1, H), w4p, b4.reshape(1, 1))

    return o8[:, 0]

# --- scband reference (transcript-rebuilt; emitter-appended) ---
"""Pipeline reference for scband-gnnmodel-53549652246670 (READ-ONLY COPY).

The authoritative reference and input builder live on the scoring server;
editing this copy changes nothing except your own understanding.
"""

import jax, jax.numpy as jnp
import numpy as np

N = 10000
E = 320000
D = 128
H = 64
G = 128


def setup_inputs(seed: int = 0) -> dict:
    key = jax.random.key(seed)
    ks = jax.random.split(key, 12)
    x = jax.random.normal(ks[0], (N, D), dtype=jnp.float32)
    edge_index = jax.random.randint(ks[1], (2, E), 0, N, dtype=jnp.int32)
    batch = jnp.sort(jax.random.randint(ks[2], (N,), 0, G, dtype=jnp.int32))
    W1 = jax.random.normal(ks[3], (D, H), dtype=jnp.float32) * (1.0 / np.sqrt(D))
    b1 = jnp.zeros((H,), dtype=jnp.float32)
    W2 = jax.random.normal(ks[4], (H, H), dtype=jnp.float32) * (1.0 / np.sqrt(H))
    b2 = jnp.zeros((H,), dtype=jnp.float32)
    W3 = jax.random.normal(ks[5], (H, H), dtype=jnp.float32) * (1.0 / np.sqrt(H))
    b3 = jnp.zeros((H,), dtype=jnp.float32)
    W4 = jax.random.normal(ks[6], (H, 1), dtype=jnp.float32) * (1.0 / np.sqrt(H))
    b4 = jnp.zeros((1,), dtype=jnp.float32)
    return {"x": x, "edge_index": edge_index, "batch": batch,
            "W1": W1, "b1": b1, "W2": W2, "b2": b2,
            "W3": W3, "b3": b3, "W4": W4, "b4": b4}


def gcn_conv(x, edge_index, W, b):
    # PyG GCNConv: add self-loops, symmetric normalization D^-1/2 (A+I) D^-1/2 (x W) + b
    n = x.shape[0]
    loop = jnp.arange(n, dtype=edge_index.dtype)
    src = jnp.concatenate([edge_index[0], loop])
    dst = jnp.concatenate([edge_index[1], loop])
    deg = jax.ops.segment_sum(jnp.ones_like(src, dtype=x.dtype), dst, num_segments=n)
    dinv = jnp.where(deg > 0, 1.0 / jnp.sqrt(deg), 0.0)
    norm = dinv[src] * dinv[dst]
    h = x @ W
    msg = h[src] * norm[:, None]
    out = jax.ops.segment_sum(msg, dst, num_segments=n)
    return out + b


def reference(x, edge_index, batch, W1, b1, W2, b2, W3, b3, W4, b4):
    x = x.astype(jnp.float32)
    h = jax.nn.relu(gcn_conv(x, edge_index, W1, b1))
    h = jax.nn.relu(gcn_conv(h, edge_index, W2, b2))
    # global_mean_pool over graph assignment ids
    sums = jax.ops.segment_sum(h, batch, num_segments=G)
    cnt = jax.ops.segment_sum(jnp.ones((h.shape[0],), dtype=h.dtype), batch, num_segments=G)
    pooled = sums / jnp.clip(cnt, 1.0)[:, None]
    # MLP head (dropout = identity in eval)
    o = jax.nn.relu(pooled @ W3 + b3)
    o = o @ W4 + b4
    return o.reshape(-1)

if __name__ == "__main__":
    import jax
    _d = setup_inputs()
    print(jax.jit(kernel)(*tuple(_d.values())))

</pallas_src>

<mosaic_0001>
#map = affine_map<(d0, d1) -> (0, 0)>
#map1 = affine_map<(d0, d1) -> (0, 0, 0, 0)>
module attributes {stable_mosaic.version = 14 : i64} {
  func.func @_msg_kernel(%arg0: i32, %arg1: i32, %arg2: memref<10240x64xf32, #tpu.memory_space<hbm>>, %arg3: memref<2x32x125x80xi32, #tpu.memory_space<hbm>>, %arg4: memref<10240x128xf32, #tpu.memory_space<hbm>>, %arg5: memref<125x80xi32, #tpu.memory_space<vmem>>, %arg6: memref<125x80xi32, #tpu.memory_space<vmem>>, %arg7: memref<12x80x64xf32, #tpu.memory_space<vmem>>, %arg8: memref<!tpu.dma_semaphore, #tpu.memory_space<semaphore_mem>>, %arg9: memref<!tpu.dma_semaphore, #tpu.memory_space<semaphore_mem>>, %arg10: memref<!tpu.dma_semaphore, #tpu.memory_space<semaphore_mem>>, %arg11: memref<!tpu.dma_semaphore, #tpu.memory_space<semaphore_mem>>, %arg12: memref<!tpu.dma_semaphore, #tpu.memory_space<semaphore_mem>>, %arg13: memref<!tpu.dma_semaphore, #tpu.memory_space<semaphore_mem>>, %arg14: memref<!tpu.dma_semaphore, #tpu.memory_space<semaphore_mem>>, %arg15: memref<!tpu.dma_semaphore, #tpu.memory_space<semaphore_mem>>, %arg16: memref<!tpu.dma_semaphore, #tpu.memory_space<semaphore_mem>>, %arg17: memref<!tpu.dma_semaphore, #tpu.memory_space<semaphore_mem>>, %arg18: memref<!tpu.dma_semaphore, #tpu.memory_space<semaphore_mem>>, %arg19: memref<!tpu.dma_semaphore, #tpu.memory_space<semaphore_mem>>, %arg20: memref<!tpu.dma_semaphore, #tpu.memory_space<semaphore_mem>>, %arg21: memref<10240x64xf32, #tpu.memory_space<vmem_shared>>) attributes {dimension_semantics = [#tpu.dimension_semantics<core_parallel>, #tpu.dimension_semantics<subcore_parallel>], iteration_bounds = array<i64: 2, 16>, scalar_prefetch = 0 : i64, scratch_operands = 17 : i64, tpu.core_type = #tpu.core_type<sc_vector_subcore>, window_params = [{transform_indices = #map}, {transform_indices = #map1}, {transform_indices = #map}]} {
    %mul3A = arith.constant 16 : i32
    %mul3A_0 = arith.muli %arg0, %mul3A : i32
    %add3A = arith.addi %mul3A_0, %arg1 : i32
    %run_scoped3A = arith.constant 0 : i32
    "tpu.region"() ({
      %run_scoped3A_353 = tpu.sem_alloc : memref<!tpu.dma_semaphore, #tpu.memory_space<semaphore_mem>>
      %dma_start3A_354 = arith.constant 0 : i32
      %dma_start3A_355 = arith.constant 0 : i32
      %dma_start3A_356 = tpu.memref_slice %arg3[%run_scoped3A, %add3A, %dma_start3A_354, %dma_start3A_355] : memref<2x32x125x80xi32, #tpu.memory_space<hbm>> -> memref<1x1x125x80xi32, #tpu.memory_space<hbm>>
      %dma_start3A_357 = tpu.memref_squeeze %dma_start3A_356 : memref<1x1x125x80xi32, #tpu.memory_space<hbm>> -> memref<125x80xi32, #tpu.memory_space<hbm>>
      %dma_start3A_358 = arith.constant 0 : i32
      %dma_start3A_359 = arith.constant 0 : i32
      %dma_start3A_360 = tpu.memref_slice %arg3[%run_scoped3A, %add3A, %dma_start3A_358, %dma_start3A_359] : memref<2x32x125x80xi32, #tpu.memory_space<hbm>> -> memref<1x1x125x80xi32, #tpu.memory_space<hbm>>
      %dma_start3A_361 = tpu.memref_squeeze %dma_start3A_360 : memref<1x1x125x80xi32, #tpu.memory_space<hbm>> -> memref<125x80xi32, #tpu.memory_space<hbm>>
      tpu.enqueue_dma source(%dma_start3A_361 : memref<125x80xi32, #tpu.memory_space<hbm>>) target(%arg5 : memref<125x80xi32, #tpu.memory_space<vmem>>) target_semaphore(%run_scoped3A_353 : memref<!tpu.dma_semaphore, #tpu.memory_space<semaphore_mem>>)
      %dma_wait3A_362 = arith.constant 0 : i32
      %dma_wait3A_363 = arith.constant 0 : i32
      %dma_wait3A_364 = tpu.memref_slice %arg3[%run_scoped3A, %add3A, %dma_wait3A_362, %dma_wait3A_363] : memref<2x32x125x80xi32, #tpu.memory_space<hbm>> -> memref<1x1x125x80xi32, #tpu.memory_space<hbm>>
      %dma_wait3A_365 = tpu.memref_squeeze %dma_wait3A_364 : memref<1x1x125x80xi32, #tpu.memory_space<hbm>> -> memref<125x80xi32, #tpu.memory_space<hbm>>
      %dma_wait3A_366 = arith.constant 0 : i32
      %dma_wait3A_367 = arith.constant 0 : i32
      %dma_wait3A_368 = tpu.memref_slice %arg3[%run_scoped3A, %add3A, %dma_wait3A_366, %dma_wait3A_367] : memref<2x32x125x80xi32, #tpu.memory_space<hbm>> -> memref<1x1x125x80xi32, #tpu.memory_space<hbm>>
      %dma_wait3A_369 = tpu.memref_squeeze %dma_wait3A_368 : memref<1x1x125x80xi32, #tpu.memory_space<hbm>> -> memref<125x80xi32, #tpu.memory_space<hbm>>
      tpu.wait_dma2 semaphore(%run_scoped3A_353 : memref<!tpu.dma_semaphore, #tpu.memory_space<semaphore_mem>>) src(%dma_wait3A_369 : memref<125x80xi32, #tpu.memory_space<hbm>>) dst(%arg5 : memref<125x80xi32, #tpu.memory_space<vmem>>)
      tpu.yield
    }) : () -> ()
    %run_scoped3A_1 = arith.constant 1 : i32
    "tpu.region"() ({
      %run_scoped3A_353 = tpu.sem_alloc : memref<!tpu.dma_semaphore, #tpu.memory_space<semaphore_mem>>
      %dma_start3A_354 = arith.constant 0 : i32
      %dma_start3A_355 = arith.constant 0 : i32
      %dma_start3A_356 = tpu.memref_slice %arg3[%run_scoped3A_1, %add3A, %dma_start3A_354, %dma_start3A_355] : memref<2x32x125x80xi32, #tpu.memory_space<hbm>> -> memref<1x1x125x80xi32, #tpu.memory_space<hbm>>
      %dma_start3A_357 = tpu.memref_squeeze %dma_start3A_356 : memref<1x1x125x80xi32, #tpu.memory_space<hbm>> -> memref<125x80xi32, #tpu.memory_space<hbm>>
      %dma_start3A_358 = arith.constant 0 : i32
      %dma_start3A_359 = arith.constant 0 : i32
      %dma_start3A_360 = tpu.memref_slice %arg3[%run_scoped3A_1, %add3A, %dma_start3A_358, %dma_start3A_359] : memref<2x32x125x80xi32, #tpu.memory_space<hbm>> -> memref<1x1x125x80xi32, #tpu.memory_space<hbm>>
      %dma_start3A_361 = tpu.memref_squeeze %dma_start3A_360 : memref<1x1x125x80xi32, #tpu.memory_space<hbm>> -> memref<125x80xi32, #tpu.memory_space<hbm>>
      tpu.enqueue_dma source(%dma_start3A_361 : memref<125x80xi32, #tpu.memory_space<hbm>>) target(%arg6 : memref<125x80xi32, #tpu.memory_space<vmem>>) target_semaphore(%run_scoped3A_353 : memref<!tpu.dma_semaphore, #tpu.memory_space<semaphore_mem>>)
      %dma_wait3A_362 = arith.constant 0 : i32
      %dma_wait3A_363 = arith.constant 0 : i32
      %dma_wait3A_364 = tpu.memref_slice %arg3[%run_scoped3A_1, %add3A, %dma_wait3A_362, %dma_wait3A_363] : memref<2x32x125x80xi32, #tpu.memory_space<hbm>> -> memref<1x1x125x80xi32, #tpu.memory_space<hbm>>
      %dma_wait3A_365 = tpu.memref_squeeze %dma_wait3A_364 : memref<1x1x125x80xi32, #tpu.memory_space<hbm>> -> memref<125x80xi32, #tpu.memory_space<hbm>>
      %dma_wait3A_366 = arith.constant 0 : i32
      %dma_wait3A_367 = arith.constant 0 : i32
      %dma_wait3A_368 = tpu.memref_slice %arg3[%run_scoped3A_1, %add3A, %dma_wait3A_366, %dma_wait3A_367] : memref<2x32x125x80xi32, #tpu.memory_space<hbm>> -> memref<1x1x125x80xi32, #tpu.memory_space<hbm>>
      %dma_wait3A_369 = tpu.memref_squeeze %dma_wait3A_368 : memref<1x1x125x80xi32, #tpu.memory_space<hbm>> -> memref<125x80xi32, #tpu.memory_space<hbm>>
      tpu.wait_dma2 semaphore(%run_scoped3A_353 : memref<!tpu.dma_semaphore, #tpu.memory_space<semaphore_mem>>) src(%dma_wait3A_369 : memref<125x80xi32, #tpu.memory_space<hbm>>) dst(%arg6 : memref<125x80xi32, #tpu.memory_space<vmem>>)
      tpu.yield
    }) : () -> ()
    %dma_start3A = arith.constant 0 : i32
    %dma_start3A_2 = arith.constant 0 : i32
    %dma_start3A_3 = arith.constant 0 : i32
    %dma_start3A_4 = arith.constant 0 : i32
    %dma_start3A_5 = tpu.memref_slice %arg7[%dma_start3A_2, %dma_start3A_3, %dma_start3A_4] : memref<12x80x64xf32, #tpu.memory_space<vmem>> -> memref<1x80x64xf32, #tpu.memory_space<vmem>>
    %dma_start3A_6 = tpu.memref_squeeze %dma_start3A_5 : memref<1x80x64xf32, #tpu.memory_space<vmem>> -> memref<80x64xf32, #tpu.memory_space<vmem>>
    %dma_start3A_7 = arith.constant 0 : i32
    %dma_start3A_8 = tpu.memref_slice %arg5[%dma_start3A, %dma_start3A_7] : memref<125x80xi32, #tpu.memory_space<vmem>> -> memref<1x80xi32, #tpu.memory_space<vmem>>
    %dma_start3A_9 = tpu.memref_squeeze %dma_start3A_8 : memref<1x80xi32, #tpu.memory_space<vmem>> -> memref<80xi32, #tpu.memory_space<vmem>>
    %dma_start3A_10 = arith.constant 0 : i32
    %dma_start3A_11 = arith.constant 0 : i32
    %dma_start3A_12 = tpu.memref_slice %arg2[%dma_start3A_10, %dma_start3A_11] : memref<10240x64xf32, #tpu.memory_space<hbm>> -> memref<10240x64xf32, #tpu.memory_space<hbm>>
    tpu.enqueue_indirect_dma source(%dma_start3A_12 : memref<10240x64xf32, #tpu.memory_space<hbm>>) target(%dma_start3A_6 : memref<80x64xf32, #tpu.memory_space<vmem>>) offsets(%dma_start3A_9 : memref<80xi32, #tpu.memory_space<vmem>>) semaphore(%arg8 : memref<!tpu.dma_semaphore, #tpu.memory_space<semaphore_mem>>)
    %dma_start3A_13 = arith.constant 1 : i32
    %dma_start3A_14 = arith.constant 1 : i32
    %dma_start3A_15 = arith.constant 0 : i32
    %dma_start3A_16 = arith.constant 0 : i32
    %dma_start3A_17 = tpu.memref_slice %arg7[%dma_start3A_14, %dma_start3A_15, %dma_start3A_16] : memref<12x80x64xf32, #tpu.memory_space<vmem>> -> memref<1x80x64xf32, #tpu.memory_space<vmem>>
    %dma_start3A_18 = tpu.memref_squeeze %dma_start3A_17 : memref<1x80x64xf32, #tpu.memory_space<vmem>> -> memref<80x64xf32, #tpu.memory_space<vmem>>
    %dma_start3A_19 = arith.constant 0 : i32
    %dma_start3A_20 = tpu.memref_slice %arg5[%dma_start3A_13, %dma_start3A_19] : memref<125x80xi32, #tpu.memory_space<vmem>> -> memref<1x80xi32, #tpu.memory_space<vmem>>
    %dma_start3A_21 = tpu.memref_squeeze %dma_start3A_20 : memref<1x80xi32, #tpu.memory_space<vmem>> -> memref<80xi32, #tpu.memory_space<vmem>>
    %dma_start3A_22 = arith.constant 0 : i32
    %dma_start3A_23 = arith.constant 0 : i32
    %dma_start3A_24 = tpu.memref_slice %arg2[%dma_start3A_22, %dma_start3A_23] : memref<10240x64xf32, #tpu.memory_space<hbm>> -> memref<10240x64xf32, #tpu.memory_space<hbm>>
    tpu.enqueue_indirect_dma source(%dma_start3A_24 : memref<10240x64xf32, #tpu.memory_space<hbm>>) target(%dma_start3A_18 : memref<80x64xf32, #tpu.memory_space<vmem>>) offsets(%dma_start3A_21 : memref<80xi32, #tpu.memory_space<vmem>>) semaphore(%arg8 : memref<!tpu.dma_semaphore, #tpu.memory_space<semaphore_mem>>)
    %dma_start3A_25 = arith.constant 2 : i32
    %dma_start3A_26 = arith.constant 2 : i32
    %dma_start3A_27 = arith.constant 0 : i32
    %dma_start3A_28 = arith.constant 0 : i32
    %dma_start3A_29 = tpu.memref_slice %arg7[%dma_start3A_26, %dma_start3A_27, %dma_start3A_28] : memref<12x80x64xf32, #tpu.memory_space<vmem>> -> memref<1x80x64xf32, #tpu.memory_space<vmem>>
    %dma_start3A_30 = tpu.memref_squeeze %dma_start3A_29 : memref<1x80x64xf32, #tpu.memory_space<vmem>> -> memref<80x64xf32, #tpu.memory_space<vmem>>
    %dma_start3A_31 = arith.constant 0 : i32
    %dma_start3A_32 = tpu.memref_slice %arg5[%dma_start3A_25, %dma_start3A_31] : memref<125x80xi32, #tpu.memory_space<vmem>> -> memref<1x80xi32, #tpu.memory_space<vmem>>
    %dma_start3A_33 = tpu.memref_squeeze %dma_start3A_32 : memref<1x80xi32, #tpu.memory_space<vmem>> -> memref<80xi32, #tpu.memory_space<vmem>>
    %dma_start3A_34 = arith.constant 0 : i32
    %dma_start3A_35 = arith.constant 0 : i32
    %dma_start3A_36 = tpu.memref_slice %arg2[%dma_start3A_34, %dma_start3A_35] : memref<10240x64xf32, #tpu.memory_space<hbm>> -> memref<10240x64xf32, #tpu.memory_space<hbm>>
    tpu.enqueue_indirect_dma source(%dma_start3A_36 : memref<10240x64xf32, #tpu.memory_space<hbm>>) target(%dma_start3A_30 : memref<80x64xf32, #tpu.memory_space<vmem>>) offsets(%dma_start3A_33 : memref<80xi32, #tpu.memory_space<vmem>>) semaphore(%arg8 : memref<!tpu.dma_semaphore, #tpu.memory_space<semaphore_mem>>)
    %dma_start3A_37 = arith.constant 3 : i32
    %dma_start3A_38 = arith.constant 3 : i32
    %dma_start3A_39 = arith.constant 0 : i32
    %dma_start3A_40 = arith.constant 0 : i32
    %dma_start3A_41 = tpu.memref_slice %arg7[%dma_start3A_38, %dma_start3A_39, %dma_start3A_40] : memref<12x80x64xf32, #tpu.memory_space<vmem>> -> memref<1x80x64xf32, #tpu.memory_space<vmem>>
    %dma_start3A_42 = tpu.memref_squeeze %dma_start3A_41 : memref<1x80x64xf32, #tpu.memory_space<vmem>> -> memref<80x64xf32, #tpu.memory_space<vmem>>
    %dma_start3A_43 = arith.constant 0 : i32
    %dma_start3A_44 = tpu.memref_slice %arg5[%dma_start3A_37, %dma_start3A_43] : memref<125x80xi32, #tpu.memory_space<vmem>> -> memref<1x80xi32, #tpu.memory_space<vmem>>
    %dma_start3A_45 = tpu.memref_squeeze %dma_start3A_44 : memref<1x80xi32, #tpu.memory_space<vmem>> -> memref<80xi32, #tpu.memory_space<vmem>>
    %dma_start3A_46 = arith.constant 0 : i32
    %dma_start3A_47 = arith.constant 0 : i32
    %dma_start3A_48 = tpu.memref_slice %arg2[%dma_start3A_46, %dma_start3A_47] : memref<10240x64xf32, #tpu.memory_space<hbm>> -> memref<10240x64xf32, #tpu.memory_space<hbm>>
    tpu.enqueue_indirect_dma source(%dma_start3A_48 : memref<10240x64xf32, #tpu.memory_space<hbm>>) target(%dma_start3A_42 : memref<80x64xf32, #tpu.memory_space<vmem>>) offsets(%dma_start3A_45 : memref<80xi32, #tpu.memory_space<vmem>>) semaphore(%arg8 : memref<!tpu.dma_semaphore, #tpu.memory_space<semaphore_mem>>)
    %dma_start3A_49 = arith.constant 4 : i32
    %dma_start3A_50 = arith.constant 4 : i32
    %dma_start3A_51 = arith.constant 0 : i32
    %dma_start3A_52 = arith.constant 0 : i32
    %dma_start3A_53 = tpu.memref_slice %arg7[%dma_start3A_50, %dma_start3A_51, %dma_start3A_52] : memref<12x80x64xf32, #tpu.memory_space<vmem>> -> memref<1x80x64xf32, #tpu.memory_space<vmem>>
    %dma_start3A_54 = tpu.memref_squeeze %dma_start3A_53 : memref<1x80x64xf32, #tpu.memory_space<vmem>> -> memref<80x64xf32, #tpu.memory_space<vmem>>
    %dma_start3A_55 = arith.constant 0 : i32
    %dma_start3A_56 = tpu.memref_slice %arg5[%dma_start3A_49, %dma_start3A_55] : memref<125x80xi32, #tpu.memory_space<vmem>> -> memref<1x80xi32, #tpu.memory_space<vmem>>
    %dma_start3A_57 = tpu.memref_squeeze %dma_start3A_56 : memref<1x80xi32, #tpu.memory_space<vmem>> -> memref<80xi32, #tpu.memory_space<vmem>>
    %dma_start3A_58 = arith.constant 0 : i32
    %dma_start3A_59 = arith.constant 0 : i32
    %dma_start3A_60 = tpu.memref_slice %arg2[%dma_start3A_58, %dma_start3A_59] : memref<10240x64xf32, #tpu.memory_space<hbm>> -> memref<10240x64xf32, #tpu.memory_space<hbm>>
    tpu.enqueue_indirect_dma source(%dma_start3A_60 : memref<10240x64xf32, #tpu.memory_space<hbm>>) target(%dma_start3A_54 : memref<80x64xf32, #tpu.memory_space<vmem>>) offsets(%dma_start3A_57 : memref<80xi32, #tpu.memory_space<vmem>>) semaphore(%arg8 : memref<!tpu.dma_semaphore, #tpu.memory_space<semaphore_mem>>)
    %dma_start3A_61 = arith.constant 5 : i32
    %dma_start3A_62 = arith.constant 5 : i32
    %dma_start3A_63 = arith.constant 0 : i32
    %dma_start3A_64 = arith.constant 0 : i32
    %dma_start3A_65 = tpu.memref_slice %arg7[%dma_start3A_62, %dma_start3A_63, %dma_start3A_64] : memref<12x80x64xf32, #tpu.memory_space<vmem>> -> memref<1x80x64xf32, #tpu.memory_space<vmem>>
    %dma_start3A_66 = tpu.memref_squeeze %dma_start3A_65 : memref<1x80x64xf32, #tpu.memory_space<vmem>> -> memref<80x64xf32, #tpu.memory_space<vmem>>
    %dma_start3A_67 = arith.constant 0 : i32
    %dma_start3A_68 = tpu.memref_slice %arg5[%dma_start3A_61, %dma_start3A_67] : memref<125x80xi32, #tpu.memory_space<vmem>> -> memref<1x80xi32, #tpu.memory_space<vmem>>
    %dma_start3A_69 = tpu.memref_squeeze %dma_start3A_68 : memref<1x80xi32, #tpu.memory_space<vmem>> -> memref<80xi32, #tpu.memory_space<vmem>>
    %dma_start3A_70 = arith.constant 0 : i32
    %dma_start3A_71 = arith.constant 0 : i32
    %dma_start3A_72 = tpu.memref_slice %arg2[%dma_start3A_70, %dma_start3A_71] : memref<10240x64xf32, #tpu.memory_space<hbm>> -> memref<10240x64xf32, #tpu.memory_space<hbm>>
    tpu.enqueue_indirect_dma source(%dma_start3A_72 : memref<10240x64xf32, #tpu.memory_space<hbm>>) target(%dma_start3A_66 : memref<80x64xf32, #tpu.memory_space<vmem>>) offsets(%dma_start3A_69 : memref<80xi32, #tpu.memory_space<vmem>>) semaphore(%arg8 : memref<!tpu.dma_semaphore, #tpu.memory_space<semaphore_mem>>)
    %mul3A_73 = arith.constant 640 : i32
    %mul3A_74 = arith.muli %arg1, %mul3A_73 : i32
    %mul3A_75 = arith.constant 640 : i32
    %mul3A_76 = arith.muli %arg1, %mul3A_75 : i32
    "tpu.region"() ({
      %run_scoped3A_353 = tpu.sem_alloc : memref<!tpu.dma_semaphore, #tpu.memory_space<semaphore_mem>>
      %dma_start3A_354 = arith.constant 0 : i32
      %dma_start3A_355 = tpu.memref_slice %arg21[%mul3A_76, %dma_start3A_354] : memref<10240x64xf32, #tpu.memory_space<vmem_shared>> -> memref<640x64xf32, #tpu.memory_space<vmem_shared>>
      %dma_start3A_356 = arith.constant 0 : i32
      %dma_start3A_357 = tpu.memref_slice %arg2[%mul3A_74, %dma_start3A_356] : memref<10240x64xf32, #tpu.memory_space<hbm>> -> memref<640x64xf32, #tpu.memory_space<hbm>>
      tpu.enqueue_dma source(%dma_start3A_357 : memref<640x64xf32, #tpu.memory_space<hbm>>) target(%dma_start3A_355 : memref<640x64xf32, #tpu.memory_space<vmem_shared>>) target_semaphore(%run_scoped3A_353 : memref<!tpu.dma_semaphore, #tpu.memory_space<semaphore_mem>>)
      %dma_wait3A_358 = arith.constant 0 : i32
      %dma_wait3A_359 = tpu.memref_slice %arg21[%mul3A_76, %dma_wait3A_358] : memref<10240x64xf32, #tpu.memory_space<vmem_shared>> -> memref<640x64xf32, #tpu.memory_space<vmem_shared>>
      %dma_wait3A_360 = arith.constant 0 : i32
      %dma_wait3A_361 = tpu.memref_slice %arg2[%mul3A_74, %dma_wait3A_360] : memref<10240x64xf32, #tpu.memory_space<hbm>> -> memref<640x64xf32, #tpu.memory_space<hbm>>
      tpu.wait_dma2 semaphore(%run_scoped3A_353 : memref<!tpu.dma_semaphore, #tpu.memory_space<semaphore_mem>>) src(%dma_wait3A_361 : memref<640x64xf32, #tpu.memory_space<hbm>>) dst(%dma_wait3A_359 : memref<640x64xf32, #tpu.memory_space<vmem_shared>>)
      tpu.yield
    }) : () -> ()
    %barrier3A = arith.constant 0 : index
    tpu.barrier barrier_id(%barrier3A)
    %scan3A = arith.constant 0 : i32
    %scan3A_77 = arith.constant 0 : i32
    %scan3A_78 = arith.constant 10 : i32
    %scan3A_79 = arith.addi %scan3A_77, %scan3A_78 : i32
    %scan3A_80 = arith.constant 1 : i32
    scf.for %scan3A_353 = %scan3A_77 to %scan3A_79 step %scan3A_80  : i32 {
      %mul3A_354 = arith.constant 12 : i32
      %mul3A_355 = arith.muli %scan3A_353, %mul3A_354 : i32
      %add3A_356 = arith.constant 0 : i32
      %add3A_357 = arith.addi %mul3A_355, %add3A_356 : i32
      %dma_wait3A_358 = arith.constant 0 : i32
      %dma_wait3A_359 = arith.constant 0 : i32
      %dma_wait3A_360 = arith.constant 0 : i32
      %dma_wait3A_361 = arith.constant 0 : i32
      %dma_wait3A_362 = tpu.memref_slice %arg7[%dma_wait3A_359, %dma_wait3A_360, %dma_wait3A_361] : memref<12x80x64xf32, #tpu.memory_space<vmem>> -> memref<1x80x64xf32, #tpu.memory_space<vmem>>
      %dma_wait3A_363 = tpu.memref_squeeze %dma_wait3A_362 : memref<1x80x64xf32, #tpu.memory_space<vmem>> -> memref<80x64xf32, #tpu.memory_space<vmem>>
      %dma_wait3A_364 = arith.constant 0 : i32
      %dma_wait3A_365 = tpu.memref_slice %arg5[%dma_wait3A_358, %dma_wait3A_364] : memref<125x80xi32, #tpu.memory_space<vmem>> -> memref<1x80xi32, #tpu.memory_space<vmem>>
      %dma_wait3A_366 = tpu.memref_squeeze %dma_wait3A_365 : memref<1x80xi32, #tpu.memory_space<vmem>> -> memref<80xi32, #tpu.memory_space<vmem>>
      %dma_wait3A_367 = arith.constant 0 : i32
      %dma_wait3A_368 = arith.constant 0 : i32
      %dma_wait3A_369 = tpu.memref_slice %arg2[%dma_wait3A_367, %dma_wait3A_368] : memref<10240x64xf32, #tpu.memory_space<hbm>> -> memref<10240x64xf32, #tpu.memory_space<hbm>>
      tpu.wait_indirect_dma semaphore(%arg8 : memref<!tpu.dma_semaphore, #tpu.memory_space<semaphore_mem>>) src(%dma_wait3A_369 : memref<10240x64xf32, #tpu.memory_space<hbm>>) dst(%dma_wait3A_363 : memref<80x64xf32, #tpu.memory_space<vmem>>)
      %dma_start3A_370 = arith.constant 0 : i32
      %dma_start3A_371 = arith.constant 0 : i32
      %dma_start3A_372 = arith.constant 0 : i32
      %dma_start3A_373 = tpu.memref_slice %arg7[%dma_start3A_370, %dma_start3A_371, %dma_start3A_372] : memref<12x80x64xf32, #tpu.memory_space<vmem>> -> memref<1x80x64xf32, #tpu.memory_space<vmem>>
      %dma_start3A_374 = tpu.memref_squeeze %dma_start3A_373 : memref<1x80x64xf32, #tpu.memory_space<vmem>> -> memref<80x64xf32, #tpu.memory_space<vmem>>
      %dma_start3A_375 = arith.constant 0 : i32
      %dma_start3A_376 = tpu.memref_slice %arg6[%add3A_357, %dma_start3A_375] : memref<125x80xi32, #tpu.memory_space<vmem>> -> memref<1x80xi32, #tpu.memory_space<vmem>>
      %dma_start3A_377 = tpu.memref_squeeze %dma_start3A_376 : memref<1x80xi32, #tpu.memory_space<vmem>> -> memref<80xi32, #tpu.memory_space<vmem>>
      %dma_start3A_378 = arith.constant 0 : i32
      %dma_start3A_379 = arith.constant 0 : i32
      %dma_start3A_380 = tpu.memref_slice %arg21[%dma_start3A_378, %dma_start3A_379] : memref<10240x64xf32, #tpu.memory_space<vmem_shared>> -> memref<10240x64xf32, #tpu.memory_space<vmem_shared>>
      tpu.enqueue_indirect_dma source(%dma_start3A_374 : memref<80x64xf32, #tpu.memory_space<vmem>>) target(%dma_start3A_380 : memref<10240x64xf32, #tpu.memory_space<vmem_shared>>) offsets(%dma_start3A_377 : memref<80xi32, #tpu.memory_space<vmem>>) semaphore(%arg9 : memref<!tpu.dma_semaphore, #tpu.memory_space<semaphore_mem>>) {add = true}
      %add3A_381 = arith.constant 6 : i32
      %add3A_382 = arith.addi %add3A_357, %add3A_381 : i32
      %lt3A = arith.constant 125 : i32
      %lt3A_383 = arith.cmpi slt, %add3A_382, %lt3A : i32
      %convert_element_type3A_384 = arith.extui %lt3A_383 : i1 to i32
      %cond3A_385 = arith.constant 0 : i32
      %cond3A_386 = arith.cmpi ne, %convert_element_type3A_384, %cond3A_385 : i32
      scf.if %cond3A_386 {
        %ge3A = arith.constant 6 : i32
        %ge3A_761 = arith.cmpi sge, %add3A_357, %ge3A : i32
        %convert_element_type3A_762 = arith.extui %ge3A_761 : i1 to i32
        %cond3A_763 = arith.constant 0 : i32
        %cond3A_764 = arith.cmpi ne, %convert_element_type3A_762, %cond3A_763 : i32
        scf.if %cond3A_764 {
          %dma_wait3A_778 = arith.constant 6 : i32
          %dma_wait3A_779 = arith.constant 0 : i32
          %dma_wait3A_780 = arith.constant 0 : i32
          %dma_wait3A_781 = arith.constant 0 : i32
          %dma_wait3A_782 = tpu.memref_slice %arg7[%dma_wait3A_778, %dma_wait3A_780, %dma_wait3A_781] : memref<12x80x64xf32, #tpu.memory_space<vmem>> -> memref<1x80x64xf32, #tpu.memory_space<vmem>>
          %dma_wait3A_783 = tpu.memref_squeeze %dma_wait3A_782 : memref<1x80x64xf32, #tpu.memory_space<vmem>> -> memref<80x64xf32, #tpu.memory_space<vmem>>
          %dma_wait3A_784 = arith.constant 0 : i32
          %dma_wait3A_785 = tpu.memref_slice %arg6[%dma_wait3A_779, %dma_wait3A_784] : memref<125x80xi32, #tpu.memory_space<vmem>> -> memref<1x80xi32, #tpu.memory_space<vmem>>
          %dma_wait3A_786 = tpu.memref_squeeze %dma_wait3A_785 : memref<1x80xi32, #tpu.memory_space<vmem>> -> memref<80xi32, #tpu.memory_space<vmem>>
          %dma_wait3A_787 = arith.constant 0 : i32
          %dma_wait3A_788 = arith.constant 0 : i32
          %dma_wait3A_789 = tpu.memref_slice %arg21[%dma_wait3A_787, %dma_wait3A_788] : memref<10240x64xf32, #tpu.memory_space<vmem_shared>> -> memref<10240x64xf32, #tpu.memory_space<vmem_shared>>
          tpu.wait_indirect_dma semaphore(%arg15 : memref<!tpu.dma_semaphore, #tpu.memory_space<semaphore_mem>>) src(%dma_wait3A_783 : memref<80x64xf32, #tpu.memory_space<vmem>>) dst(%dma_wait3A_789 : memref<10240x64xf32, #tpu.memory_space<vmem_shared>>)
        } else {
        }
        %add3A_765 = arith.constant 6 : i32
        %add3A_766 = arith.addi %add3A_357, %add3A_765 : i32
        %dma_start3A_767 = arith.constant 6 : i32
        %dma_start3A_768 = arith.constant 0 : i32
        %dma_start3A_769 = arith.constant 0 : i32
        %dma_start3A_770 = tpu.memref_slice %arg7[%dma_start3A_767, %dma_start3A_768, %dma_start3A_769] : memref<12x80x64xf32, #tpu.memory_space<vmem>> -> memref<1x80x64xf32, #tpu.memory_space<vmem>>
        %dma_start3A_771 = tpu.memref_squeeze %dma_start3A_770 : memref<1x80x64xf32, #tpu.memory_space<vmem>> -> memref<80x64xf32, #tpu.memory_space<vmem>>
        %dma_start3A_772 = arith.constant 0 : i32
        %dma_start3A_773 = tpu.memref_slice %arg5[%add3A_766, %dma_start3A_772] : memref<125x80xi32, #tpu.memory_space<vmem>> -> memref<1x80xi32, #tpu.memory_space<vmem>>
        %dma_start3A_774 = tpu.memref_squeeze %dma_start3A_773 : memref<1x80xi32, #tpu.memory_space<vmem>> -> memref<80xi32, #tpu.memory_space<vmem>>
        %dma_start3A_775 = arith.constant 0 : i32
        %dma_start3A_776 = arith.constant 0 : i32
        %dma_start3A_777 = tpu.memref_slice %arg2[%dma_start3A_775, %dma_start3A_776] : memref<10240x64xf32, #tpu.memory_space<hbm>> -> memref<10240x64xf32, #tpu.memory_space<hbm>>
        tpu.enqueue_indirect_dma source(%dma_start3A_777 : memref<10240x64xf32, #tpu.memory_space<hbm>>) target(%dma_start3A_771 : memref<80x64xf32, #tpu.memory_space<vmem>>) offsets(%dma_start3A_774 : memref<80xi32, #tpu.memory_space<vmem>>) semaphore(%arg8 : memref<!tpu.dma_semaphore, #tpu.memory_space<semaphore_mem>>)
      } else {
      }
      %mul3A_387 = arith.constant 12 : i32
      %mul3A_388 = arith.muli %scan3A_353, %mul3A_387 : i32
      %add3A_389 = arith.constant 1 : i32
      %add3A_390 = arith.addi %mul3A_388, %add3A_389 : i32
      %dma_wait3A_391 = arith.constant 0 : i32
      %dma_wait3A_392 = arith.constant 1 : i32
      %dma_wait3A_393 = arith.constant 0 : i32
      %dma_wait3A_394 = arith.constant 0 : i32
      %dma_wait3A_395 = tpu.memref_slice %arg7[%dma_wait3A_392, %dma_wait3A_393, %dma_wait3A_394] : memref<12x80x64xf32, #tpu.memory_space<vmem>> -> memref<1x80x64xf32, #tpu.memory_space<vmem>>
      %dma_wait3A_396 = tpu.memref_squeeze %dma_wait3A_395 : memref<1x80x64xf32, #tpu.memory_space<vmem>> -> memref<80x64xf32, #tpu.memory_space<vmem>>
      %dma_wait3A_397 = arith.constant 0 : i32
      %dma_wait3A_398 = tpu.memref_slice %arg5[%dma_wait3A_391, %dma_wait3A_397] : memref<125x80xi32, #tpu.memory_space<vmem>> -> memref<1x80xi32, #tpu.memory_space<vmem>>
      %dma_wait3A_399 = tpu.memref_squeeze %dma_wait3A_398 : memref<1x80xi32, #tpu.memory_space<vmem>> -> memref<80xi32, #tpu.memory_space<vmem>>
      %dma_wait3A_400 = arith.constant 0 : i32
      %dma_wait3A_401 = arith.constant 0 : i32
      %dma_wait3A_402 = tpu.memref_slice %arg2[%dma_wait3A_400, %dma_wait3A_401] : memref<10240x64xf32, #tpu.memory_space<hbm>> -> memref<10240x64xf32, #tpu.memory_space<hbm>>
      tpu.wait_indirect_dma semaphore(%arg8 : memref<!tpu.dma_semaphore, #tpu.memory_space<semaphore_mem>>) src(%dma_wait3A_402 : memref<10240x64xf32, #tpu.memory_space<hbm>>) dst(%dma_wait3A_396 : memref<80x64xf32, #tpu.memory_space<vmem>>)
      %dma_start3A_403 = arith.constant 1 : i32
      %dma_start3A_404 = arith.constant 0 : i32
      %dma_start3A_405 = arith.constant 0 : i32
      %dma_start3A_406 = tpu.memref_slice %arg7[%dma_start3A_403, %dma_start3A_404, %dma_start3A_405] : memref<12x80x64xf32, #tpu.memory_space<vmem>> -> memref<1x80x64xf32, #tpu.memory_space<vmem>>
      %dma_start3A_407 = tpu.memref_squeeze %dma_start3A_406 : memref<1x80x64xf32, #tpu.memory_space<vmem>> -> memref<80x64xf32, #tpu.memory_space<vmem>>
      %dma_start3A_408 = arith.constant 0 : i32
      %dma_start3A_409 = tpu.memref_slice %arg6[%add3A_390, %dma_start3A_408] : memref<125x80xi32, #tpu.memory_space<vmem>> -> memref<1x80xi32, #tpu.memory_space<vmem>>
      %dma_start3A_410 = tpu.memref_squeeze %dma_start3A_409 : memref<1x80xi32, #tpu.memory_space<vmem>> -> memref<80xi32, #tpu.memory_space<vmem>>
      %dma_start3A_411 = arith.constant 0 : i32
      %dma_start3A_412 = arith.constant 0 : i32
      %dma_start3A_413 = tpu.memref_slice %arg21[%dma_start3A_411, %dma_start3A_412] : memref<10240x64xf32, #tpu.memory_space<vmem_shared>> -> memref<10240x64xf32, #tpu.memory_space<vmem_shared>>
      tpu.enqueue_indirect_dma source(%dma_start3A_407 : memref<80x64xf32, #tpu.memory_space<vmem>>) target(%dma_start3A_413 : memref<10240x64xf32, #tpu.memory_space<vmem_shared>>) offsets(%dma_start3A_410 : memref<80xi32, #tpu.memory_space<vmem>>) semaphore(%arg10 : memref<!tpu.dma_semaphore, #tpu.memory_space<semaphore_mem>>) {add = true}
      %add3A_414 = arith.constant 6 : i32
      %add3A_415 = arith.addi %add3A_390, %add3A_414 : i32
      %lt3A_416 = arith.constant 125 : i32
      %lt3A_417 = arith.cmpi slt, %add3A_415, %lt3A_416 : i32
      %convert_element_type3A_418 = arith.extui %lt3A_417 : i1 to i32
      %cond3A_419 = arith.constant 0 : i32
      %cond3A_420 = arith.cmpi ne, %convert_element_type3A_418, %cond3A_419 : i32
      scf.if %cond3A_420 {
        %ge3A = arith.constant 6 : i32
        %ge3A_761 = arith.cmpi sge, %add3A_390, %ge3A : i32
        %convert_element_type3A_762 = arith.extui %ge3A_761 : i1 to i32
        %cond3A_763 = arith.constant 0 : i32
        %cond3A_764 = arith.cmpi ne, %convert_element_type3A_762, %cond3A_763 : i32
        scf.if %cond3A_764 {
          %dma_wait3A_778 = arith.constant 7 : i32
          %dma_wait3A_779 = arith.constant 0 : i32
          %dma_wait3A_780 = arith.constant 0 : i32
          %dma_wait3A_781 = arith.constant 0 : i32
          %dma_wait3A_782 = tpu.memref_slice %arg7[%dma_wait3A_778, %dma_wait3A_780, %dma_wait3A_781] : memref<12x80x64xf32, #tpu.memory_space<vmem>> -> memref<1x80x64xf32, #tpu.memory_space<vmem>>
          %dma_wait3A_783 = tpu.memref_squeeze %dma_wait3A_782 : memref<1x80x64xf32, #tpu.memory_space<vmem>> -> memref<80x64xf32, #tpu.memory_space<vmem>>
          %dma_wait3A_784 = arith.constant 0 : i32
          %dma_wait3A_785 = tpu.memref_slice %arg6[%dma_wait3A_779, %dma_wait3A_784] : memref<125x80xi32, #tpu.memory_space<vmem>> -> memref<1x80xi32, #tpu.memory_space<vmem>>
          %dma_wait3A_786 = tpu.memref_squeeze %dma_wait3A_785 : memref<1x80xi32, #tpu.memory_space<vmem>> -> memref<80xi32, #tpu.memory_space<vmem>>
          %dma_wait3A_787 = arith.constant 0 : i32
          %dma_wait3A_788 = arith.constant 0 : i32
          %dma_wait3A_789 = tpu.memref_slice %arg21[%dma_wait3A_787, %dma_wait3A_788] : memref<10240x64xf32, #tpu.memory_space<vmem_shared>> -> memref<10240x64xf32, #tpu.memory_space<vmem_shared>>
          tpu.wait_indirect_dma semaphore(%arg16 : memref<!tpu.dma_semaphore, #tpu.memory_space<semaphore_mem>>) src(%dma_wait3A_783 : memref<80x64xf32, #tpu.memory_space<vmem>>) dst(%dma_wait3A_789 : memref<10240x64xf32, #tpu.memory_space<vmem_shared>>)
        } else {
        }
        %add3A_765 = arith.constant 6 : i32
        %add3A_766 = arith.addi %add3A_390, %add3A_765 : i32
        %dma_start3A_767 = arith.constant 7 : i32
        %dma_start3A_768 = arith.constant 0 : i32
        %dma_start3A_769 = arith.constant 0 : i32
        %dma_start3A_770 = tpu.memref_slice %arg7[%dma_start3A_767, %dma_start3A_768, %dma_start3A_769] : memref<12x80x64xf32, #tpu.memory_space<vmem>> -> memref<1x80x64xf32, #tpu.memory_space<vmem>>
        %dma_start3A_771 = tpu.memref_squeeze %dma_start3A_770 : memref<1x80x64xf32, #tpu.memory_space<vmem>> -> memref<80x64xf32, #tpu.memory_space<vmem>>
        %dma_start3A_772 = arith.constant 0 : i32
        %dma_start3A_773 = tpu.memref_slice %arg5[%add3A_766, %dma_start3A_772] : memref<125x80xi32, #tpu.memory_space<vmem>> -> memref<1x80xi32, #tpu.memory_space<vmem>>
        %dma_start3A_774 = tpu.memref_squeeze %dma_start3A_773 : memref<1x80xi32, #tpu.memory_space<vmem>> -> memref<80xi32, #tpu.memory_space<vmem>>
        %dma_start3A_775 = arith.constant 0 : i32
        %dma_start3A_776 = arith.constant 0 : i32
        %dma_start3A_777 = tpu.memref_slice %arg2[%dma_start3A_775, %dma_start3A_776] : memref<10240x64xf32, #tpu.memory_space<hbm>> -> memref<10240x64xf32, #tpu.memory_space<hbm>>
        tpu.enqueue_indirect_dma source(%dma_start3A_777 : memref<10240x64xf32, #tpu.memory_space<hbm>>) target(%dma_start3A_771 : memref<80x64xf32, #tpu.memory_space<vmem>>) offsets(%dma_start3A_774 : memref<80xi32, #tpu.memory_space<vmem>>) semaphore(%arg8 : memref<!tpu.dma_semaphore, #tpu.memory_space<semaphore_mem>>)
      } else {
      }
      %mul3A_421 = arith.constant 12 : i32
      %mul3A_422 = arith.muli %scan3A_353, %mul3A_421 : i32
      %add3A_423 = arith.constant 2 : i32
      %add3A_424 = arith.addi %mul3A_422, %add3A_423 : i32
      %dma_wait3A_425 = arith.constant 0 : i32
      %dma_wait3A_426 = arith.constant 2 : i32
      %dma_wait3A_427 = arith.constant 0 : i32
      %dma_wait3A_428 = arith.constant 0 : i32
      %dma_wait3A_429 = tpu.memref_slice %arg7[%dma_wait3A_426, %dma_wait3A_427, %dma_wait3A_428] : memref<12x80x64xf32, #tpu.memory_space<vmem>> -> memref<1x80x64xf32, #tpu.memory_space<vmem>>
      %dma_wait3A_430 = tpu.memref_squeeze %dma_wait3A_429 : memref<1x80x64xf32, #tpu.memory_space<vmem>> -> memref<80x64xf32, #tpu.memory_space<vmem>>
      %dma_wait3A_431 = arith.constant 0 : i32
      %dma_wait3A_432 = tpu.memref_slice %arg5[%dma_wait3A_425, %dma_wait3A_431] : memref<125x80xi32, #tpu.memory_space<vmem>> -> memref<1x80xi32, #tpu.memory_space<vmem>>
      %dma_wait3A_433 = tpu.memref_squeeze %dma_wait3A_432 : memref<1x80xi32, #tpu.memory_space<vmem>> -> memref<80xi32, #tpu.memory_space<vmem>>
      %dma_wait3A_434 = arith.constant 0 : i32
      %dma_wait3A_435 = arith.constant 0 : i32
      %dma_wait3A_436 = tpu.memref_slice %arg2[%dma_wait3A_434, %dma_wait3A_435] : memref<10240x64xf32, #tpu.memory_space<hbm>> -> memref<10240x64xf32, #tpu.memory_space<hbm>>
      tpu.wait_indirect_dma semaphore(%arg8 : memref<!tpu.dma_semaphore, #tpu.memory_space<semaphore_mem>>) src(%dma_wait3A_436 : memref<10240x64xf32, #tpu.memory_space<hbm>>) dst(%dma_wait3A_430 : memref<80x64xf32, #tpu.memory_space<vmem>>)
      %dma_start3A_437 = arith.constant 2 : i32
      %dma_start3A_438 = arith.constant 0 : i32
      %dma_start3A_439 = arith.constant 0 : i32
      %dma_start3A_440 = tpu.memref_slice %arg7[%dma_start3A_437, %dma_start3A_438, %dma_start3A_439] : memref<12x80x64xf32, #tpu.memory_space<vmem>> -> memref<1x80x64xf32, #tpu.memory_space<vmem>>
      %dma_start3A_441 = tpu.memref_squeeze %dma_start3A_440 : memref<1x80x64xf32, #tpu.memory_space<vmem>> -> memref<80x64xf32, #tpu.memory_space<vmem>>
      %dma_start3A_442 = arith.constant 0 : i32
      %dma_start3A_443 = tpu.memref_slice %arg6[%add3A_424, %dma_start3A_442] : memref<125x80xi32, #tpu.memory_space<vmem>> -> memref<1x80xi32, #tpu.memory_space<vmem>>
      %dma_start3A_444 = tpu.memref_squeeze %dma_start3A_443 : memref<1x80xi32, #tpu.memory_space<vmem>> -> memref<80xi32, #tpu.memory_space<vmem>>
      %dma_start3A_445 = arith.constant 0 : i32
      %dma_start3A_446 = arith.constant 0 : i32
      %dma_start3A_447 = tpu.memref_slice %arg21[%dma_start3A_445, %dma_start3A_446] : memref<10240x64xf32, #tpu.memory_space<vmem_shared>> -> memref<10240x64xf32, #tpu.memory_space<vmem_shared>>
      tpu.enqueue_indirect_dma source(%dma_start3A_441 : memref<80x64xf32, #tpu.memory_space<vmem>>) target(%dma_start3A_447 : memref<10240x64xf32, #tpu.memory_space<vmem_shared>>) offsets(%dma_start3A_444 : memref<80xi32, #tpu.memory_space<vmem>>) semaphore(%arg11 : memref<!tpu.dma_semaphore, #tpu.memory_space<semaphore_mem>>) {add = true}
      %add3A_448 = arith.constant 6 : i32
      %add3A_449 = arith.addi %add3A_424, %add3A_448 : i32
      %lt3A_450 = arith.constant 125 : i32
      %lt3A_451 = arith.cmpi slt, %add3A_449, %lt3A_450 : i32
      %convert_element_type3A_452 = arith.extui %lt3A_451 : i1 to i32
      %cond3A_453 = arith.constant 0 : i32
      %cond3A_454 = arith.cmpi ne, %convert_element_type3A_452, %cond3A_453 : i32
      scf.if %cond3A_454 {
        %ge3A = arith.constant 6 : i32
        %ge3A_761 = arith.cmpi sge, %add3A_424, %ge3A : i32
        %convert_element_type3A_762 = arith.extui %ge3A_761 : i1 to i32
        %cond3A_763 = arith.constant 0 : i32
        %cond3A_764 = arith.cmpi ne, %convert_element_type3A_762, %cond3A_763 : i32
        scf.if %cond3A_764 {
          %dma_wait3A_778 = arith.constant 8 : i32
          %dma_wait3A_779 = arith.constant 0 : i32
          %dma_wait3A_780 = arith.constant 0 : i32
          %dma_wait3A_781 = arith.constant 0 : i32
          %dma_wait3A_782 = tpu.memref_slice %arg7[%dma_wait3A_778, %dma_wait3A_780, %dma_wait3A_781] : memref<12x80x64xf32, #tpu.memory_space<vmem>> -> memref<1x80x64xf32, #tpu.memory_space<vmem>>
          %dma_wait3A_783 = tpu.memref_squeeze %dma_wait3A_782 : memref<1x80x64xf32, #tpu.memory_space<vmem>> -> memref<80x64xf32, #tpu.memory_space<vmem>>
          %dma_wait3A_784 = arith.constant 0 : i32
          %dma_wait3A_785 = tpu.memref_slice %arg6[%dma_wait3A_779, %dma_wait3A_784] : memref<125x80xi32, #tpu.memory_space<vmem>> -> memref<1x80xi32, #tpu.memory_space<vmem>>
          %dma_wait3A_786 = tpu.memref_squeeze %dma_wait3A_785 : memref<1x80xi32, #tpu.memory_space<vmem>> -> memref<80xi32, #tpu.memory_space<vmem>>
          %dma_wait3A_787 = arith.constant 0 : i32
          %dma_wait3A_788 = arith.constant 0 : i32
          %dma_wait3A_789 = tpu.memref_slice %arg21[%dma_wait3A_787, %dma_wait3A_788] : memref<10240x64xf32, #tpu.memory_space<vmem_shared>> -> memref<10240x64xf32, #tpu.memory_space<vmem_shared>>
          tpu.wait_indirect_dma semaphore(%arg17 : memref<!tpu.dma_semaphore, #tpu.memory_space<semaphore_mem>>) src(%dma_wait3A_783 : memref<80x64xf32, #tpu.memory_space<vmem>>) dst(%dma_wait3A_789 : memref<10240x64xf32, #tpu.memory_space<vmem_shared>>)
        } else {
        }
        %add3A_765 = arith.constant 6 : i32
        %add3A_766 = arith.addi %add3A_424, %add3A_765 : i32
        %dma_start3A_767 = arith.constant 8 : i32
        %dma_start3A_768 = arith.constant 0 : i32
        %dma_start3A_769 = arith.constant 0 : i32
        %dma_start3A_770 = tpu.memref_slice %arg7[%dma_start3A_767, %dma_start3A_768, %dma_start3A_769] : memref<12x80x64xf32, #tpu.memory_space<vmem>> -> memref<1x80x64xf32, #tpu.memory_space<vmem>>
        %dma_start3A_771 = tpu.memref_squeeze %dma_start3A_770 : memref<1x80x64xf32, #tpu.memory_space<vmem>> -> memref<80x64xf32, #tpu.memory_space<vmem>>
        %dma_start3A_772 = arith.constant 0 : i32
        %dma_start3A_773 = tpu.memref_slice %arg5[%add3A_766, %dma_start3A_772] : memref<125x80xi32, #tpu.memory_space<vmem>> -> memref<1x80xi32, #tpu.memory_space<vmem>>
        %dma_start3A_774 = tpu.memref_squeeze %dma_start3A_773 : memref<1x80xi32, #tpu.memory_space<vmem>> -> memref<80xi32, #tpu.memory_space<vmem>>
        %dma_start3A_775 = arith.constant 0 : i32
        %dma_start3A_776 = arith.constant 0 : i32
        %dma_start3A_777 = tpu.memref_slice %arg2[%dma_start3A_775, %dma_start3A_776] : memref<10240x64xf32, #tpu.memory_space<hbm>> -> memref<10240x64xf32, #tpu.memory_space<hbm>>
        tpu.enqueue_indirect_dma source(%dma_start3A_777 : memref<10240x64xf32, #tpu.memory_space<hbm>>) target(%dma_start3A_771 : memref<80x64xf32, #tpu.memory_space<vmem>>) offsets(%dma_start3A_774 : memref<80xi32, #tpu.memory_space<vmem>>) semaphore(%arg8 : memref<!tpu.dma_semaphore, #tpu.memory_space<semaphore_mem>>)
      } else {
      }
      %mul3A_455 = arith.constant 12 : i32
      %mul3A_456 = arith.muli %scan3A_353, %mul3A_455 : i32
      %add3A_457 = arith.constant 3 : i32
      %add3A_458 = arith.addi %mul3A_456, %add3A_457 : i32
      %dma_wait3A_459 = arith.constant 0 : i32
      %dma_wait3A_460 = arith.constant 3 : i32
      %dma_wait3A_461 = arith.constant 0 : i32
      %dma_wait3A_462 = arith.constant 0 : i32
      %dma_wait3A_463 = tpu.memref_slice %arg7[%dma_wait3A_460, %dma_wait3A_461, %dma_wait3A_462] : memref<12x80x64xf32, #tpu.memory_space<vmem>> -> memref<1x80x64xf32, #tpu.memory_space<vmem>>
      %dma_wait3A_464 = tpu.memref_squeeze %dma_wait3A_463 : memref<1x80x64xf32, #tpu.memory_space<vmem>> -> memref<80x64xf32, #tpu.memory_space<vmem>>
      %dma_wait3A_465 = arith.constant 0 : i32
      %dma_wait3A_466 = tpu.memref_slice %arg5[%dma_wait3A_459, %dma_wait3A_465] : memref<125x80xi32, #tpu.memory_space<vmem>> -> memref<1x80xi32, #tpu.memory_space<vmem>>
      %dma_wait3A_467 = tpu.memref_squeeze %dma_wait3A_466 : memref<1x80xi32, #tpu.memory_space<vmem>> -> memref<80xi32, #tpu.memory_space<vmem>>
      %dma_wait3A_468 = arith.constant 0 : i32
      %dma_wait3A_469 = arith.constant 0 : i32
      %dma_wait3A_470 = tpu.memref_slice %arg2[%dma_wait3A_468, %dma_wait3A_469] : memref<10240x64xf32, #tpu.memory_space<hbm>> -> memref<10240x64xf32, #tpu.memory_space<hbm>>
      tpu.wait_indirect_dma semaphore(%arg8 : memref<!tpu.dma_semaphore, #tpu.memory_space<semaphore_mem>>) src(%dma_wait3A_470 : memref<10240x64xf32, #tpu.memory_space<hbm>>) dst(%dma_wait3A_464 : memref<80x64xf32, #tpu.memory_space<vmem>>)
      %dma_start3A_471 = arith.constant 3 : i32
      %dma_start3A_472 = arith.constant 0 : i32
      %dma_start3A_473 = arith.constant 0 : i32
      %dma_start3A_474 = tpu.memref_slice %arg7[%dma_start3A_471, %dma_start3A_472, %dma_start3A_473] : memref<12x80x64xf32, #tpu.memory_space<vmem>> -> memref<1x80x64xf32, #tpu.memory_space<vmem>>
      %dma_start3A_475 = tpu.memref_squeeze %dma_start3A_474 : memref<1x80x64xf32, #tpu.memory_space<vmem>> -> memref<80x64xf32, #tpu.memory_space<vmem>>
      %dma_start3A_476 = arith.constant 0 : i32
      %dma_start3A_477 = tpu.memref_slice %arg6[%add3A_458, %dma_start3A_476] : memref<125x80xi32, #tpu.memory_space<vmem>> -> memref<1x80xi32, #tpu.memory_space<vmem>>
      %dma_start3A_478 = tpu.memref_squeeze %dma_start3A_477 : memref<1x80xi32, #tpu.memory_space<vmem>> -> memref<80xi32, #tpu.memory_space<vmem>>
      %dma_start3A_479 = arith.constant 0 : i32
      %dma_start3A_480 = arith.constant 0 : i32
      %dma_start3A_481 = tpu.memref_slice %arg21[%dma_start3A_479, %dma_start3A_480] : memref<10240x64xf32, #tpu.memory_space<vmem_shared>> -> memref<10240x64xf32, #tpu.memory_space<vmem_shared>>
      tpu.enqueue_indirect_dma source(%dma_start3A_475 : memref<80x64xf32, #tpu.memory_space<vmem>>) target(%dma_start3A_481 : memref<10240x64xf32, #tpu.memory_space<vmem_shared>>) offsets(%dma_start3A_478 : memref<80xi32, #tpu.memory_space<vmem>>) semaphore(%arg12 : memref<!tpu.dma_semaphore, #tpu.memory_space<semaphore_mem>>) {add = true}
      %add3A_482 = arith.constant 6 : i32
      %add3A_483 = arith.addi %add3A_458, %add3A_482 : i32
      %lt3A_484 = arith.constant 125 : i32
      %lt3A_485 = arith.cmpi slt, %add3A_483, %lt3A_484 : i32
      %convert_element_type3A_486 = arith.extui %lt3A_485 : i1 to i32
      %cond3A_487 = arith.constant 0 : i32
      %cond3A_488 = arith.cmpi ne, %convert_element_type3A_486, %cond3A_487 : i32
      scf.if %cond3A_488 {
        %ge3A = arith.constant 6 : i32
        %ge3A_761 = arith.cmpi sge, %add3A_458, %ge3A : i32
        %convert_element_type3A_762 = arith.extui %ge3A_761 : i1 to i32
        %cond3A_763 = arith.constant 0 : i32
        %cond3A_764 = arith.cmpi ne, %convert_element_type3A_762, %cond3A_763 : i32
        scf.if %cond3A_764 {
          %dma_wait3A_778 = arith.constant 9 : i32
          %dma_wait3A_779 = arith.constant 0 : i32
          %dma_wait3A_780 = arith.constant 0 : i32
          %dma_wait3A_781 = arith.constant 0 : i32
          %dma_wait3A_782 = tpu.memref_slice %arg7[%dma_wait3A_778, %dma_wait3A_780, %dma_wait3A_781] : memref<12x80x64xf32, #tpu.memory_space<vmem>> -> memref<1x80x64xf32, #tpu.memory_space<vmem>>
          %dma_wait3A_783 = tpu.memref_squeeze %dma_wait3A_782 : memref<1x80x64xf32, #tpu.memory_space<vmem>> -> memref<80x64xf32, #tpu.memory_space<vmem>>
          %dma_wait3A_784 = arith.constant 0 : i32
          %dma_wait3A_785 = tpu.memref_slice %arg6[%dma_wait3A_779, %dma_wait3A_784] : memref<125x80xi32, #tpu.memory_space<vmem>> -> memref<1x80xi32, #tpu.memory_space<vmem>>
          %dma_wait3A_786 = tpu.memref_squeeze %dma_wait3A_785 : memref<1x80xi32, #tpu.memory_space<vmem>> -> memref<80xi32, #tpu.memory_space<vmem>>
          %dma_wait3A_787 = arith.constant 0 : i32
          %dma_wait3A_788 = arith.constant 0 : i32
          %dma_wait3A_789 = tpu.memref_slice %arg21[%dma_wait3A_787, %dma_wait3A_788] : memref<10240x64xf32, #tpu.memory_space<vmem_shared>> -> memref<10240x64xf32, #tpu.memory_space<vmem_shared>>
          tpu.wait_indirect_dma semaphore(%arg18 : memref<!tpu.dma_semaphore, #tpu.memory_space<semaphore_mem>>) src(%dma_wait3A_783 : memref<80x64xf32, #tpu.memory_space<vmem>>) dst(%dma_wait3A_789 : memref<10240x64xf32, #tpu.memory_space<vmem_shared>>)
        } else {
        }
        %add3A_765 = arith.constant 6 : i32
        %add3A_766 = arith.addi %add3A_458, %add3A_765 : i32
        %dma_start3A_767 = arith.constant 9 : i32
        %dma_start3A_768 = arith.constant 0 : i32
        %dma_start3A_769 = arith.constant 0 : i32
        %dma_start3A_770 = tpu.memref_slice %arg7[%dma_start3A_767, %dma_start3A_768, %dma_start3A_769] : memref<12x80x64xf32, #tpu.memory_space<vmem>> -> memref<1x80x64xf32, #tpu.memory_space<vmem>>
        %dma_start3A_771 = tpu.memref_squeeze %dma_start3A_770 : memref<1x80x64xf32, #tpu.memory_space<vmem>> -> memref<80x64xf32, #tpu.memory_space<vmem>>
        %dma_start3A_772 = arith.constant 0 : i32
        %dma_start3A_773 = tpu.memref_slice %arg5[%add3A_766, %dma_start3A_772] : memref<125x80xi32, #tpu.memory_space<vmem>> -> memref<1x80xi32, #tpu.memory_space<vmem>>
        %dma_start3A_774 = tpu.memref_squeeze %dma_start3A_773 : memref<1x80xi32, #tpu.memory_space<vmem>> -> memref<80xi32, #tpu.memory_space<vmem>>
        %dma_start3A_775 = arith.constant 0 : i32
        %dma_start3A_776 = arith.constant 0 : i32
        %dma_start3A_777 = tpu.memref_slice %arg2[%dma_start3A_775, %dma_start3A_776] : memref<10240x64xf32, #tpu.memory_space<hbm>> -> memref<10240x64xf32, #tpu.memory_space<hbm>>
        tpu.enqueue_indirect_dma source(%dma_start3A_777 : memref<10240x64xf32, #tpu.memory_space<hbm>>) target(%dma_start3A_771 : memref<80x64xf32, #tpu.memory_space<vmem>>) offsets(%dma_start3A_774 : memref<80xi32, #tpu.memory_space<vmem>>) semaphore(%arg8 : memref<!tpu.dma_semaphore, #tpu.memory_space<semaphore_mem>>)
      } else {
      }
      %mul3A_489 = arith.constant 12 : i32
      %mul3A_490 = arith.muli %scan3A_353, %mul3A_489 : i32
      %add3A_491 = arith.constant 4 : i32
      %add3A_492 = arith.addi %mul3A_490, %add3A_491 : i32
      %dma_wait3A_493 = arith.constant 0 : i32
      %dma_wait3A_494 = arith.constant 4 : i32
      %dma_wait3A_495 = arith.constant 0 : i32
      %dma_wait3A_496 = arith.constant 0 : i32
      %dma_wait3A_497 = tpu.memref_slice %arg7[%dma_wait3A_494, %dma_wait3A_495, %dma_wait3A_496] : memref<12x80x64xf32, #tpu.memory_space<vmem>> -> memref<1x80x64xf32, #tpu.memory_space<vmem>>
      %dma_wait3A_498 = tpu.memref_squeeze %dma_wait3A_497 : memref<1x80x64xf32, #tpu.memory_space<vmem>> -> memref<80x64xf32, #tpu.memory_space<vmem>>
      %dma_wait3A_499 = arith.constant 0 : i32
      %dma_wait3A_500 = tpu.memref_slice %arg5[%dma_wait3A_493, %dma_wait3A_499] : memref<125x80xi32, #tpu.memory_space<vmem>> -> memref<1x80xi32, #tpu.memory_space<vmem>>
      %dma_wait3A_501 = tpu.memref_squeeze %dma_wait3A_500 : memref<1x80xi32, #tpu.memory_space<vmem>> -> memref<80xi32, #tpu.memory_space<vmem>>
      %dma_wait3A_502 = arith.constant 0 : i32
      %dma_wait3A_503 = arith.constant 0 : i32
      %dma_wait3A_504 = tpu.memref_slice %arg2[%dma_wait3A_502, %dma_wait3A_503] : memref<10240x64xf32, #tpu.memory_space<hbm>> -> memref<10240x64xf32, #tpu.memory_space<hbm>>
      tpu.wait_indirect_dma semaphore(%arg8 : memref<!tpu.dma_semaphore, #tpu.memory_space<semaphore_mem>>) src(%dma_wait3A_504 : memref<10240x64xf32, #tpu.memory_space<hbm>>) dst(%dma_wait3A_498 : memref<80x64xf32, #tpu.memory_space<vmem>>)
      %dma_start3A_505 = arith.constant 4 : i32
      %dma_start3A_506 = arith.constant 0 : i32
      %dma_start3A_507 = arith.constant 0 : i32
      %dma_start3A_508 = tpu.memref_slice %arg7[%dma_start3A_505, %dma_start3A_506, %dma_start3A_507] : memref<12x80x64xf32, #tpu.memory_space<vmem>> -> memref<1x80x64xf32, #tpu.memory_space<vmem>>
      %dma_start3A_509 = tpu.memref_squeeze %dma_start3A_508 : memref<1x80x64xf32, #tpu.memory_space<vmem>> -> memref<80x64xf32, #tpu.memory_space<vmem>>
      %dma_start3A_510 = arith.constant 0 : i32
      %dma_start3A_511 = tpu.memref_slice %arg6[%add3A_492, %dma_start3A_510] : memref<125x80xi32, #tpu.memory_space<vmem>> -> memref<1x80xi32, #tpu.memory_space<vmem>>
      %dma_start3A_512 = tpu.memref_squeeze %dma_start3A_511 : memref<1x80xi32, #tpu.memory_space<vmem>> -> memref<80xi32, #tpu.memory_space<vmem>>
      %dma_start3A_513 = arith.constant 0 : i32
      %dma_start3A_514 = arith.constant 0 : i32
      %dma_start3A_515 = tpu.memref_slice %arg21[%dma_start3A_513, %dma_start3A_514] : memref<10240x64xf32, #tpu.memory_space<vmem_shared>> -> memref<10240x64xf32, #tpu.memory_space<vmem_shared>>
      tpu.enqueue_indirect_dma source(%dma_start3A_509 : memref<80x64xf32, #tpu.memory_space<vmem>>) target(%dma_start3A_515 : memref<10240x64xf32, #tpu.memory_space<vmem_shared>>) offsets(%dma_start3A_512 : memref<80xi32, #tpu.memory_space<vmem>>) semaphore(%arg13 : memref<!tpu.dma_semaphore, #tpu.memory_space<semaphore_mem>>) {add = true}
      %add3A_516 = arith.constant 6 : i32
      %add3A_517 = arith.addi %add3A_492, %add3A_516 : i32
      %lt3A_518 = arith.constant 125 : i32
      %lt3A_519 = arith.cmpi slt, %add3A_517, %lt3A_518 : i32
      %convert_element_type3A_520 = arith.extui %lt3A_519 : i1 to i32
      %cond3A_521 = arith.constant 0 : i32
      %cond3A_522 = arith.cmpi ne, %convert_element_type3A_520, %cond3A_521 : i32
      scf.if %cond3A_522 {
        %ge3A = arith.constant 6 : i32
        %ge3A_761 = arith.cmpi sge, %add3A_492, %ge3A : i32
        %convert_element_type3A_762 = arith.extui %ge3A_761 : i1 to i32
        %cond3A_763 = arith.constant 0 : i32
        %cond3A_764 = arith.cmpi ne, %convert_element_type3A_762, %cond3A_763 : i32
        scf.if %cond3A_764 {
          %dma_wait3A_778 = arith.constant 10 : i32
          %dma_wait3A_779 = arith.constant 0 : i32
          %dma_wait3A_780 = arith.constant 0 : i32
          %dma_wait3A_781 = arith.constant 0 : i32
          %dma_wait3A_782 = tpu.memref_slice %arg7[%dma_wait3A_778, %dma_wait3A_780, %dma_wait3A_781] : memref<12x80x64xf32, #tpu.memory_space<vmem>> -> memref<1x80x64xf32, #tpu.memory_space<vmem>>
          %dma_wait3A_783 = tpu.memref_squeeze %dma_wait3A_782 : memref<1x80x64xf32, #tpu.memory_space<vmem>> -> memref<80x64xf32, #tpu.memory_space<vmem>>
          %dma_wait3A_784 = arith.constant 0 : i32
          %dma_wait3A_785 = tpu.memref_slice %arg6[%dma_wait3A_779, %dma_wait3A_784] : memref<125x80xi32, #tpu.memory_space<vmem>> -> memref<1x80xi32, #tpu.memory_space<vmem>>
          %dma_wait3A_786 = tpu.memref_squeeze %dma_wait3A_785 : memref<1x80xi32, #tpu.memory_space<vmem>> -> memref<80xi32, #tpu.memory_space<vmem>>
          %dma_wait3A_787 = arith.constant 0 : i32
          %dma_wait3A_788 = arith.constant 0 : i32
          %dma_wait3A_789 = tpu.memref_slice %arg21[%dma_wait3A_787, %dma_wait3A_788] : memref<10240x64xf32, #tpu.memory_space<vmem_shared>> -> memref<10240x64xf32, #tpu.memory_space<vmem_shared>>
          tpu.wait_indirect_dma semaphore(%arg19 : memref<!tpu.dma_semaphore, #tpu.memory_space<semaphore_mem>>) src(%dma_wait3A_783 : memref<80x64xf32, #tpu.memory_space<vmem>>) dst(%dma_wait3A_789 : memref<10240x64xf32, #tpu.memory_space<vmem_shared>>)
        } else {
        }
        %add3A_765 = arith.constant 6 : i32
        %add3A_766 = arith.addi %add3A_492, %add3A_765 : i32
        %dma_start3A_767 = arith.constant 10 : i32
        %dma_start3A_768 = arith.constant 0 : i32
        %dma_start3A_769 = arith.constant 0 : i32
        %dma_start3A_770 = tpu.memref_slice %arg7[%dma_start3A_767, %dma_start3A_768, %dma_start3A_769] : memref<12x80x64xf32, #tpu.memory_space<vmem>> -> memref<1x80x64xf32, #tpu.memory_space<vmem>>
        %dma_start3A_771 = tpu.memref_squeeze %dma_start3A_770 : memref<1x80x64xf32, #tpu.memory_space<vmem>> -> memref<80x64xf32, #tpu.memory_space<vmem>>
        %dma_start3A_772 = arith.constant 0 : i32
        %dma_start3A_773 = tpu.memref_slice %arg5[%add3A_766, %dma_start3A_772] : memref<125x80xi32, #tpu.memory_space<vmem>> -> memref<1x80xi32, #tpu.memory_space<vmem>>
        %dma_start3A_774 = tpu.memref_squeeze %dma_start3A_773 : memref<1x80xi32, #tpu.memory_space<vmem>> -> memref<80xi32, #tpu.memory_space<vmem>>
        %dma_start3A_775 = arith.constant 0 : i32
        %dma_start3A_776 = arith.constant 0 : i32
        %dma_start3A_777 = tpu.memref_slice %arg2[%dma_start3A_775, %dma_start3A_776] : memref<10240x64xf32, #tpu.memory_space<hbm>> -> memref<10240x64xf32, #tpu.memory_space<hbm>>
        tpu.enqueue_indirect_dma source(%dma_start3A_777 : memref<10240x64xf32, #tpu.memory_space<hbm>>) target(%dma_start3A_771 : memref<80x64xf32, #tpu.memory_space<vmem>>) offsets(%dma_start3A_774 : memref<80xi32, #tpu.memory_space<vmem>>) semaphore(%arg8 : memref<!tpu.dma_semaphore, #tpu.memory_space<semaphore_mem>>)
      } else {
      }
      %mul3A_523 = arith.constant 12 : i32
      %mul3A_524 = arith.muli %scan3A_353, %mul3A_523 : i32
      %add3A_525 = arith.constant 5 : i32
      %add3A_526 = arith.addi %mul3A_524, %add3A_525 : i32
      %dma_wait3A_527 = arith.constant 0 : i32
      %dma_wait3A_528 = arith.constant 5 : i32
      %dma_wait3A_529 = arith.constant 0 : i32
      %dma_wait3A_530 = arith.constant 0 : i32
      %dma_wait3A_531 = tpu.memref_slice %arg7[%dma_wait3A_528, %dma_wait3A_529, %dma_wait3A_530] : memref<12x80x64xf32, #tpu.memory_space<vmem>> -> memref<1x80x64xf32, #tpu.memory_space<vmem>>
      %dma_wait3A_532 = tpu.memref_squeeze %dma_wait3A_531 : memref<1x80x64xf32, #tpu.memory_space<vmem>> -> memref<80x64xf32, #tpu.memory_space<vmem>>
      %dma_wait3A_533 = arith.constant 0 : i32
      %dma_wait3A_534 = tpu.memref_slice %arg5[%dma_wait3A_527, %dma_wait3A_533] : memref<125x80xi32, #tpu.memory_space<vmem>> -> memref<1x80xi32, #tpu.memory_space<vmem>>
      %dma_wait3A_535 = tpu.memref_squeeze %dma_wait3A_534 : memref<1x80xi32, #tpu.memory_space<vmem>> -> memref<80xi32, #tpu.memory_space<vmem>>
      %dma_wait3A_536 = arith.constant 0 : i32
      %dma_wait3A_537 = arith.constant 0 : i32
      %dma_wait3A_538 = tpu.memref_slice %arg2[%dma_wait3A_536, %dma_wait3A_537] : memref<10240x64xf32, #tpu.memory_space<hbm>> -> memref<10240x64xf32, #tpu.memory_space<hbm>>
      tpu.wait_indirect_dma semaphore(%arg8 : memref<!tpu.dma_semaphore, #tpu.memory_space<semaphore_mem>>) src(%dma_wait3A_538 : memref<10240x64xf32, #tpu.memory_space<hbm>>) dst(%dma_wait3A_532 : memref<80x64xf32, #tpu.memory_space<vmem>>)
      %dma_start3A_539 = arith.constant 5 : i32
      %dma_start3A_540 = arith.constant 0 : i32
      %dma_start3A_541 = arith.constant 0 : i32
      %dma_start3A_542 = tpu.memref_slice %arg7[%dma_start3A_539, %dma_start3A_540, %dma_start3A_541] : memref<12x80x64xf32, #tpu.memory_space<vmem>> -> memref<1x80x64xf32, #tpu.memory_space<vmem>>
      %dma_start3A_543 = tpu.memref_squeeze %dma_start3A_542 : memref<1x80x64xf32, #tpu.memory_space<vmem>> -> memref<80x64xf32, #tpu.memory_space<vmem>>
      %dma_start3A_544 = arith.constant 0 : i32
      %dma_start3A_545 = tpu.memref_slice %arg6[%add3A_526, %dma_start3A_544] : memref<125x80xi32, #tpu.memory_space<vmem>> -> memref<1x80xi32, #tpu.memory_space<vmem>>
      %dma_start3A_546 = tpu.memref_squeeze %dma_start3A_545 : memref<1x80xi32, #tpu.memory_space<vmem>> -> memref<80xi32, #tpu.memory_space<vmem>>
      %dma_start3A_547 = arith.constant 0 : i32
      %dma_start3A_548 = arith.constant 0 : i32
      %dma_start3A_549 = tpu.memref_slice %arg21[%dma_start3A_547, %dma_start3A_548] : memref<10240x64xf32, #tpu.memory_space<vmem_shared>> -> memref<10240x64xf32, #tpu.memory_space<vmem_shared>>
      tpu.enqueue_indirect_dma source(%dma_start3A_543 : memref<80x64xf32, #tpu.memory_space<vmem>>) target(%dma_start3A_549 : memref<10240x64xf32, #tpu.memory_space<vmem_shared>>) offsets(%dma_start3A_546 : memref<80xi32, #tpu.memory_space<vmem>>) semaphore(%arg14 : memref<!tpu.dma_semaphore, #tpu.memory_space<semaphore_mem>>) {add = true}
      %add3A_550 = arith.constant 6 : i32
      %add3A_551 = arith.addi %add3A_526, %add3A_550 : i32
      %lt3A_552 = arith.constant 125 : i32
      %lt3A_553 = arith.cmpi slt, %add3A_551, %lt3A_552 : i32
      %convert_element_type3A_554 = arith.extui %lt3A_553 : i1 to i32
      %cond3A_555 = arith.constant 0 : i32
      %cond3A_556 = arith.cmpi ne, %convert_element_type3A_554, %cond3A_555 : i32
      scf.if %cond3A_556 {
        %ge3A = arith.constant 6 : i32
        %ge3A_761 = arith.cmpi sge, %add3A_526, %ge3A : i32
        %convert_element_type3A_762 = arith.extui %ge3A_761 : i1 to i32
        %cond3A_763 = arith.constant 0 : i32
        %cond3A_764 = arith.cmpi ne, %convert_element_type3A_762, %cond3A_763 : i32
        scf.if %cond3A_764 {
          %dma_wait3A_778 = arith.constant 11 : i32
          %dma_wait3A_779 = arith.constant 0 : i32
          %dma_wait3A_780 = arith.constant 0 : i32
          %dma_wait3A_781 = arith.constant 0 : i32
          %dma_wait3A_782 = tpu.memref_slice %arg7[%dma_wait3A_778, %dma_wait3A_780, %dma_wait3A_781] : memref<12x80x64xf32, #tpu.memory_space<vmem>> -> memref<1x80x64xf32, #tpu.memory_space<vmem>>
          %dma_wait3A_783 = tpu.memref_squeeze %dma_wait3A_782 : memref<1x80x64xf32, #tpu.memory_space<vmem>> -> memref<80x64xf32, #tpu.memory_space<vmem>>
          %dma_wait3A_784 = arith.constant 0 : i32
          %dma_wait3A_785 = tpu.memref_slice %arg6[%dma_wait3A_779, %dma_wait3A_784] : memref<125x80xi32, #tpu.memory_space<vmem>> -> memref<1x80xi32, #tpu.memory_space<vmem>>
          %dma_wait3A_786 = tpu.memref_squeeze %dma_wait3A_785 : memref<1x80xi32, #tpu.memory_space<vmem>> -> memref<80xi32, #tpu.memory_space<vmem>>
          %dma_wait3A_787 = arith.constant 0 : i32
          %dma_wait3A_788 = arith.constant 0 : i32
          %dma_wait3A_789 = tpu.memref_slice %arg21[%dma_wait3A_787, %dma_wait3A_788] : memref<10240x64xf32, #tpu.memory_space<vmem_shared>> -> memref<10240x64xf32, #tpu.memory_space<vmem_shared>>
          tpu.wait_indirect_dma semaphore(%arg20 : memref<!tpu.dma_semaphore, #tpu.memory_space<semaphore_mem>>) src(%dma_wait3A_783 : memref<80x64xf32, #tpu.memory_space<vmem>>) dst(%dma_wait3A_789 : memref<10240x64xf32, #tpu.memory_space<vmem_shared>>)
        } else {
        }
        %add3A_765 = arith.constant 6 : i32
        %add3A_766 = arith.addi %add3A_526, %add3A_765 : i32
        %dma_start3A_767 = arith.constant 11 : i32
        %dma_start3A_768 = arith.constant 0 : i32
        %dma_start3A_769 = arith.constant 0 : i32
        %dma_start3A_770 = tpu.memref_slice %arg7[%dma_start3A_767, %dma_start3A_768, %dma_start3A_769] : memref<12x80x64xf32, #tpu.memory_space<vmem>> -> memref<1x80x64xf32, #tpu.memory_space<vmem>>
        %dma_start3A_771 = tpu.memref_squeeze %dma_start3A_770 : memref<1x80x64xf32, #tpu.memory_space<vmem>> -> memref<80x64xf32, #tpu.memory_space<vmem>>
        %dma_start3A_772 = arith.constant 0 : i32
        %dma_start3A_773 = tpu.memref_slice %arg5[%add3A_766, %dma_start3A_772] : memref<125x80xi32, #tpu.memory_space<vmem>> -> memref<1x80xi32, #tpu.memory_space<vmem>>
        %dma_start3A_774 = tpu.memref_squeeze %dma_start3A_773 : memref<1x80xi32, #tpu.memory_space<vmem>> -> memref<80xi32, #tpu.memory_space<vmem>>
        %dma_start3A_775 = arith.constant 0 : i32
        %dma_start3A_776 = arith.constant 0 : i32
        %dma_start3A_777 = tpu.memref_slice %arg2[%dma_start3A_775, %dma_start3A_776] : memref<10240x64xf32, #tpu.memory_space<hbm>> -> memref<10240x64xf32, #tpu.memory_space<hbm>>
        tpu.enqueue_indirect_dma source(%dma_start3A_777 : memref<10240x64xf32, #tpu.memory_space<hbm>>) target(%dma_start3A_771 : memref<80x64xf32, #tpu.memory_space<vmem>>) offsets(%dma_start3A_774 : memref<80xi32, #tpu.memory_space<vmem>>) semaphore(%arg8 : memref<!tpu.dma_semaphore, #tpu.memory_space<semaphore_mem>>)
      } else {
      }
      %mul3A_557 = arith.constant 12 : i32
      %mul3A_558 = arith.muli %scan3A_353, %mul3A_557 : i32
      %add3A_559 = arith.constant 6 : i32
      %add3A_560 = arith.addi %mul3A_558, %add3A_559 : i32
      %dma_wait3A_561 = arith.constant 0 : i32
      %dma_wait3A_562 = arith.constant 6 : i32
      %dma_wait3A_563 = arith.constant 0 : i32
      %dma_wait3A_564 = arith.constant 0 : i32
      %dma_wait3A_565 = tpu.memref_slice %arg7[%dma_wait3A_562, %dma_wait3A_563, %dma_wait3A_564] : memref<12x80x64xf32, #tpu.memory_space<vmem>> -> memref<1x80x64xf32, #tpu.memory_space<vmem>>
      %dma_wait3A_566 = tpu.memref_squeeze %dma_wait3A_565 : memref<1x80x64xf32, #tpu.memory_space<vmem>> -> memref<80x64xf32, #tpu.memory_space<vmem>>
      %dma_wait3A_567 = arith.constant 0 : i32
      %dma_wait3A_568 = tpu.memref_slice %arg5[%dma_wait3A_561, %dma_wait3A_567] : memref<125x80xi32, #tpu.memory_space<vmem>> -> memref<1x80xi32, #tpu.memory_space<vmem>>
      %dma_wait3A_569 = tpu.memref_squeeze %dma_wait3A_568 : memref<1x80xi32, #tpu.memory_space<vmem>> -> memref<80xi32, #tpu.memory_space<vmem>>
      %dma_wait3A_570 = arith.constant 0 : i32
      %dma_wait3A_571 = arith.constant 0 : i32
      %dma_wait3A_572 = tpu.memref_slice %arg2[%dma_wait3A_570, %dma_wait3A_571] : memref<10240x64xf32, #tpu.memory_space<hbm>> -> memref<10240x64xf32, #tpu.memory_space<hbm>>
      tpu.wait_indirect_dma semaphore(%arg8 : memref<!tpu.dma_semaphore, #tpu.memory_space<semaphore_mem>>) src(%dma_wait3A_572 : memref<10240x64xf32, #tpu.memory_space<hbm>>) dst(%dma_wait3A_566 : memref<80x64xf32, #tpu.memory_space<vmem>>)
      %dma_start3A_573 = arith.constant 6 : i32
      %dma_start3A_574 = arith.constant 0 : i32
      %dma_start3A_575 = arith.constant 0 : i32
      %dma_start3A_576 = tpu.memref_slice %arg7[%dma_start3A_573, %dma_start3A_574, %dma_start3A_575] : memref<12x80x64xf32, #tpu.memory_space<vmem>> -> memref<1x80x64xf32, #tpu.memory_space<vmem>>
      %dma_start3A_577 = tpu.memref_squeeze %dma_start3A_576 : memref<1x80x64xf32, #tpu.memory_space<vmem>> -> memref<80x64xf32, #tpu.memory_space<vmem>>
      %dma_start3A_578 = arith.constant 0 : i32
      %dma_start3A_579 = tpu.memref_slice %arg6[%add3A_560, %dma_start3A_578] : memref<125x80xi32, #tpu.memory_space<vmem>> -> memref<1x80xi32, #tpu.memory_space<vmem>>
      %dma_start3A_580 = tpu.memref_squeeze %dma_start3A_579 : memref<1x80xi32, #tpu.memory_space<vmem>> -> memref<80xi32, #tpu.memory_space<vmem>>
      %dma_start3A_581 = arith.constant 0 : i32
      %dma_start3A_582 = arith.constant 0 : i32
      %dma_start3A_583 = tpu.memref_slice %arg21[%dma_start3A_581, %dma_start3A_582] : memref<10240x64xf32, #tpu.memory_space<vmem_shared>> -> memref<10240x64xf32, #tpu.memory_space<vmem_shared>>
      tpu.enqueue_indirect_dma source(%dma_start3A_577 : memref<80x64xf32, #tpu.memory_space<vmem>>) target(%dma_start3A_583 : memref<10240x64xf32, #tpu.memory_space<vmem_shared>>) offsets(%dma_start3A_580 : memref<80xi32, #tpu.memory_space<vmem>>) semaphore(%arg15 : memref<!tpu.dma_semaphore, #tpu.memory_space<semaphore_mem>>) {add = true}
      %add3A_584 = arith.constant 6 : i32
      %add3A_585 = arith.addi %add3A_560, %add3A_584 : i32
      %lt3A_586 = arith.constant 125 : i32
      %lt3A_587 = arith.cmpi slt, %add3A_585, %lt3A_586 : i32
      %convert_element_type3A_588 = arith.extui %lt3A_587 : i1 to i32
      %cond3A_589 = arith.constant 0 : i32
      %cond3A_590 = arith.cmpi ne, %convert_element_type3A_588, %cond3A_589 : i32
      scf.if %cond3A_590 {
        %ge3A = arith.constant 6 : i32
        %ge3A_761 = arith.cmpi sge, %add3A_560, %ge3A : i32
        %convert_element_type3A_762 = arith.extui %ge3A_761 : i1 to i32
        %cond3A_763 = arith.constant 0 : i32
        %cond3A_764 = arith.cmpi ne, %convert_element_type3A_762, %cond3A_763 : i32
        scf.if %cond3A_764 {
          %dma_wait3A_778 = arith.constant 0 : i32
          %dma_wait3A_779 = arith.constant 0 : i32
          %dma_wait3A_780 = arith.constant 0 : i32
          %dma_wait3A_781 = arith.constant 0 : i32
          %dma_wait3A_782 = tpu.memref_slice %arg7[%dma_wait3A_778, %dma_wait3A_780, %dma_wait3A_781] : memref<12x80x64xf32, #tpu.memory_space<vmem>> -> memref<1x80x64xf32, #tpu.memory_space<vmem>>
          %dma_wait3A_783 = tpu.memref_squeeze %dma_wait3A_782 : memref<1x80x64xf32, #tpu.memory_space<vmem>> -> memref<80x64xf32, #tpu.memory_space<vmem>>
          %dma_wait3A_784 = arith.constant 0 : i32
          %dma_wait3A_785 = tpu.memref_slice %arg6[%dma_wait3A_779, %dma_wait3A_784] : memref<125x80xi32, #tpu.memory_space<vmem>> -> memref<1x80xi32, #tpu.memory_space<vmem>>
          %dma_wait3A_786 = tpu.memref_squeeze %dma_wait3A_785 : memref<1x80xi32, #tpu.memory_space<vmem>> -> memref<80xi32, #tpu.memory_space<vmem>>
          %dma_wait3A_787 = arith.constant 0 : i32
          %dma_wait3A_788 = arith.constant 0 : i32
          %dma_wait3A_789 = tpu.memref_slice %arg21[%dma_wait3A_787, %dma_wait3A_788] : memref<10240x64xf32, #tpu.memory_space<vmem_shared>> -> memref<10240x64xf32, #tpu.memory_space<vmem_shared>>
          tpu.wait_indirect_dma semaphore(%arg9 : memref<!tpu.dma_semaphore, #tpu.memory_space<semaphore_mem>>) src(%dma_wait3A_783 : memref<80x64xf32, #tpu.memory_space<vmem>>) dst(%dma_wait3A_789 : memref<10240x64xf32, #tpu.memory_space<vmem_shared>>)
        } else {
        }
        %add3A_765 = arith.constant 6 : i32
        %add3A_766 = arith.addi %add3A_560, %add3A_765 : i32
        %dma_start3A_767 = arith.constant 0 : i32
        %dma_start3A_768 = arith.constant 0 : i32
        %dma_start3A_769 = arith.constant 0 : i32
        %dma_start3A_770 = tpu.memref_slice %arg7[%dma_start3A_767, %dma_start3A_768, %dma_start3A_769] : memref<12x80x64xf32, #tpu.memory_space<vmem>> -> memref<1x80x64xf32, #tpu.memory_space<vmem>>
        %dma_start3A_771 = tpu.memref_squeeze %dma_start3A_770 : memref<1x80x64xf32, #tpu.memory_space<vmem>> -> memref<80x64xf32, #tpu.memory_space<vmem>>
        %dma_start3A_772 = arith.constant 0 : i32
        %dma_start3A_773 = tpu.memref_slice %arg5[%add3A_766, %dma_start3A_772] : memref<125x80xi32, #tpu.memory_space<vmem>> -> memref<1x80xi32, #tpu.memory_space<vmem>>
        %dma_start3A_774 = tpu.memref_squeeze %dma_start3A_773 : memref<1x80xi32, #tpu.memory_space<vmem>> -> memref<80xi32, #tpu.memory_space<vmem>>
        %dma_start3A_775 = arith.constant 0 : i32
        %dma_start3A_776 = arith.constant 0 : i32
        %dma_start3A_777 = tpu.memref_slice %arg2[%dma_start3A_775, %dma_start3A_776] : memref<10240x64xf32, #tpu.memory_space<hbm>> -> memref<10240x64xf32, #tpu.memory_space<hbm>>
        tpu.enqueue_indirect_dma source(%dma_start3A_777 : memref<10240x64xf32, #tpu.memory_space<hbm>>) target(%dma_start3A_771 : memref<80x64xf32, #tpu.memory_space<vmem>>) offsets(%dma_start3A_774 : memref<80xi32, #tpu.memory_space<vmem>>) semaphore(%arg8 : memref<!tpu.dma_semaphore, #tpu.memory_space<semaphore_mem>>)
      } else {
      }
      %mul3A_591 = arith.constant 12 : i32
      %mul3A_592 = arith.muli %scan3A_353, %mul3A_591 : i32
      %add3A_593 = arith.constant 7 : i32
      %add3A_594 = arith.addi %mul3A_592, %add3A_593 : i32
      %dma_wait3A_595 = arith.constant 0 : i32
      %dma_wait3A_596 = arith.constant 7 : i32
      %dma_wait3A_597 = arith.constant 0 : i32
      %dma_wait3A_598 = arith.constant 0 : i32
      %dma_wait3A_599 = tpu.memref_slice %arg7[%dma_wait3A_596, %dma_wait3A_597, %dma_wait3A_598] : memref<12x80x64xf32, #tpu.memory_space<vmem>> -> memref<1x80x64xf32, #tpu.memory_space<vmem>>
      %dma_wait3A_600 = tpu.memref_squeeze %dma_wait3A_599 : memref<1x80x64xf32, #tpu.memory_space<vmem>> -> memref<80x64xf32, #tpu.memory_space<vmem>>
      %dma_wait3A_601 = arith.constant 0 : i32
      %dma_wait3A_602 = tpu.memref_slice %arg5[%dma_wait3A_595, %dma_wait3A_601] : memref<125x80xi32, #tpu.memory_space<vmem>> -> memref<1x80xi32, #tpu.memory_space<vmem>>
      %dma_wait3A_603 = tpu.memref_squeeze %dma_wait3A_602 : memref<1x80xi32, #tpu.memory_space<vmem>> -> memref<80xi32, #tpu.memory_space<vmem>>
      %dma_wait3A_604 = arith.constant 0 : i32
      %dma_wait3A_605 = arith.constant 0 : i32
      %dma_wait3A_606 = tpu.memref_slice %arg2[%dma_wait3A_604, %dma_wait3A_605] : memref<10240x64xf32, #tpu.memory_space<hbm>> -> memref<10240x64xf32, #tpu.memory_space<hbm>>
      tpu.wait_indirect_dma semaphore(%arg8 : memref<!tpu.dma_semaphore, #tpu.memory_space<semaphore_mem>>) src(%dma_wait3A_606 : memref<10240x64xf32, #tpu.memory_space<hbm>>) dst(%dma_wait3A_600 : memref<80x64xf32, #tpu.memory_space<vmem>>)
      %dma_start3A_607 = arith.constant 7 : i32
      %dma_start3A_608 = arith.constant 0 : i32
      %dma_start3A_609 = arith.constant 0 : i32
      %dma_start3A_610 = tpu.memref_slice %arg7[%dma_start3A_607, %dma_start3A_608, %dma_start3A_609] : memref<12x80x64xf32, #tpu.memory_space<vmem>> -> memref<1x80x64xf32, #tpu.memory_space<vmem>>
      %dma_start3A_611 = tpu.memref_squeeze %dma_start3A_610 : memref<1x80x64xf32, #tpu.memory_space<vmem>> -> memref<80x64xf32, #tpu.memory_space<vmem>>
      %dma_start3A_612 = arith.constant 0 : i32
      %dma_start3A_613 = tpu.memref_slice %arg6[%add3A_594, %dma_start3A_612] : memref<125x80xi32, #tpu.memory_space<vmem>> -> memref<1x80xi32, #tpu.memory_space<vmem>>
      %dma_start3A_614 = tpu.memref_squeeze %dma_start3A_613 : memref<1x80xi32, #tpu.memory_space<vmem>> -> memref<80xi32, #tpu.memory_space<vmem>>
      %dma_start3A_615 = arith.constant 0 : i32
      %dma_start3A_616 = arith.constant 0 : i32
      %dma_start3A_617 = tpu.memref_slice %arg21[%dma_start3A_615, %dma_start3A_616] : memref<10240x64xf32, #tpu.memory_space<vmem_shared>> -> memref<10240x64xf32, #tpu.memory_space<vmem_shared>>
      tpu.enqueue_indirect_dma source(%dma_start3A_611 : memref<80x64xf32, #tpu.memory_space<vmem>>) target(%dma_start3A_617 : memref<10240x64xf32, #tpu.memory_space<vmem_shared>>) offsets(%dma_start3A_614 : memref<80xi32, #tpu.memory_space<vmem>>) semaphore(%arg16 : memref<!tpu.dma_semaphore, #tpu.memory_space<semaphore_mem>>) {add = true}
      %add3A_618 = arith.constant 6 : i32
      %add3A_619 = arith.addi %add3A_594, %add3A_618 : i32
      %lt3A_620 = arith.constant 125 : i32
      %lt3A_621 = arith.cmpi slt, %add3A_619, %lt3A_620 : i32
      %convert_element_type3A_622 = arith.extui %lt3A_621 : i1 to i32
      %cond3A_623 = arith.constant 0 : i32
      %cond3A_624 = arith.cmpi ne, %convert_element_type3A_622, %cond3A_623 : i32
      scf.if %cond3A_624 {
        %ge3A = arith.constant 6 : i32
        %ge3A_761 = arith.cmpi sge, %add3A_594, %ge3A : i32
        %convert_element_type3A_762 = arith.extui %ge3A_761 : i1 to i32
        %cond3A_763 = arith.constant 0 : i32
        %cond3A_764 = arith.cmpi ne, %convert_element_type3A_762, %cond3A_763 : i32
        scf.if %cond3A_764 {
          %dma_wait3A_778 = arith.constant 1 : i32
          %dma_wait3A_779 = arith.constant 0 : i32
          %dma_wait3A_780 = arith.constant 0 : i32
          %dma_wait3A_781 = arith.constant 0 : i32
          %dma_wait3A_782 = tpu.memref_slice %arg7[%dma_wait3A_778, %dma_wait3A_780, %dma_wait3A_781] : memref<12x80x64xf32, #tpu.memory_space<vmem>> -> memref<1x80x64xf32, #tpu.memory_space<vmem>>
          %dma_wait3A_783 = tpu.memref_squeeze %dma_wait3A_782 : memref<1x80x64xf32, #tpu.memory_space<vmem>> -> memref<80x64xf32, #tpu.memory_space<vmem>>
          %dma_wait3A_784 = arith.constant 0 : i32
          %dma_wait3A_785 = tpu.memref_slice %arg6[%dma_wait3A_779, %dma_wait3A_784] : memref<125x80xi32, #tpu.memory_space<vmem>> -> memref<1x80xi32, #tpu.memory_space<vmem>>
          %dma_wait3A_786 = tpu.memref_squeeze %dma_wait3A_785 : memref<1x80xi32, #tpu.memory_space<vmem>> -> memref<80xi32, #tpu.memory_space<vmem>>
          %dma_wait3A_787 = arith.constant 0 : i32
          %dma_wait3A_788 = arith.constant 0 : i32
          %dma_wait3A_789 = tpu.memref_slice %arg21[%dma_wait3A_787, %dma_wait3A_788] : memref<10240x64xf32, #tpu.memory_space<vmem_shared>> -> memref<10240x64xf32, #tpu.memory_space<vmem_shared>>
          tpu.wait_indirect_dma semaphore(%arg10 : memref<!tpu.dma_semaphore, #tpu.memory_space<semaphore_mem>>) src(%dma_wait3A_783 : memref<80x64xf32, #tpu.memory_space<vmem>>) dst(%dma_wait3A_789 : memref<10240x64xf32, #tpu.memory_space<vmem_shared>>)
        } else {
        }
        %add3A_765 = arith.constant 6 : i32
        %add3A_766 = arith.addi %add3A_594, %add3A_765 : i32
        %dma_start3A_767 = arith.constant 1 : i32
        %dma_start3A_768 = arith.constant 0 : i32
        %dma_start3A_769 = arith.constant 0 : i32
        %dma_start3A_770 = tpu.memref_slice %arg7[%dma_start3A_767, %dma_start3A_768, %dma_start3A_769] : memref<12x80x64xf32, #tpu.memory_space<vmem>> -> memref<1x80x64xf32, #tpu.memory_space<vmem>>
        %dma_start3A_771 = tpu.memref_squeeze %dma_start3A_770 : memref<1x80x64xf32, #tpu.memory_space<vmem>> -> memref<80x64xf32, #tpu.memory_space<vmem>>
        %dma_start3A_772 = arith.constant 0 : i32
        %dma_start3A_773 = tpu.memref_slice %arg5[%add3A_766, %dma_start3A_772] : memref<125x80xi32, #tpu.memory_space<vmem>> -> memref<1x80xi32, #tpu.memory_space<vmem>>
        %dma_start3A_774 = tpu.memref_squeeze %dma_start3A_773 : memref<1x80xi32, #tpu.memory_space<vmem>> -> memref<80xi32, #tpu.memory_space<vmem>>
        %dma_start3A_775 = arith.constant 0 : i32
        %dma_start3A_776 = arith.constant 0 : i32
        %dma_start3A_777 = tpu.memref_slice %arg2[%dma_start3A_775, %dma_start3A_776] : memref<10240x64xf32, #tpu.memory_space<hbm>> -> memref<10240x64xf32, #tpu.memory_space<hbm>>
        tpu.enqueue_indirect_dma source(%dma_start3A_777 : memref<10240x64xf32, #tpu.memory_space<hbm>>) target(%dma_start3A_771 : memref<80x64xf32, #tpu.memory_space<vmem>>) offsets(%dma_start3A_774 : memref<80xi32, #tpu.memory_space<vmem>>) semaphore(%arg8 : memref<!tpu.dma_semaphore, #tpu.memory_space<semaphore_mem>>)
      } else {
      }
      %mul3A_625 = arith.constant 12 : i32
      %mul3A_626 = arith.muli %scan3A_353, %mul3A_625 : i32
      %add3A_627 = arith.constant 8 : i32
      %add3A_628 = arith.addi %mul3A_626, %add3A_627 : i32
      %dma_wait3A_629 = arith.constant 0 : i32
      %dma_wait3A_630 = arith.constant 8 : i32
      %dma_wait3A_631 = arith.constant 0 : i32
      %dma_wait3A_632 = arith.constant 0 : i32
      %dma_wait3A_633 = tpu.memref_slice %arg7[%dma_wait3A_630, %dma_wait3A_631, %dma_wait3A_632] : memref<12x80x64xf32, #tpu.memory_space<vmem>> -> memref<1x80x64xf32, #tpu.memory_space<vmem>>
      %dma_wait3A_634 = tpu.memref_squeeze %dma_wait3A_633 : memref<1x80x64xf32, #tpu.memory_space<vmem>> -> memref<80x64xf32, #tpu.memory_space<vmem>>
      %dma_wait3A_635 = arith.constant 0 : i32
      %dma_wait3A_636 = tpu.memref_slice %arg5[%dma_wait3A_629, %dma_wait3A_635] : memref<125x80xi32, #tpu.memory_space<vmem>> -> memref<1x80xi32, #tpu.memory_space<vmem>>
      %dma_wait3A_637 = tpu.memref_squeeze %dma_wait3A_636 : memref<1x80xi32, #tpu.memory_space<vmem>> -> memref<80xi32, #tpu.memory_space<vmem>>
      %dma_wait3A_638 = arith.constant 0 : i32
      %dma_wait3A_639 = arith.constant 0 : i32
      %dma_wait3A_640 = tpu.memref_slice %arg2[%dma_wait3A_638, %dma_wait3A_639] : memref<10240x64xf32, #tpu.memory_space<hbm>> -> memref<10240x64xf32, #tpu.memory_space<hbm>>
      tpu.wait_indirect_dma semaphore(%arg8 : memref<!tpu.dma_semaphore, #tpu.memory_space<semaphore_mem>>) src(%dma_wait3A_640 : memref<10240x64xf32, #tpu.memory_space<hbm>>) dst(%dma_wait3A_634 : memref<80x64xf32, #tpu.memory_space<vmem>>)
      %dma_start3A_641 = arith.constant 8 : i32
      %dma_start3A_642 = arith.constant 0 : i32
      %dma_start3A_643 = arith.constant 0 : i32
      %dma_start3A_644 = tpu.memref_slice %arg7[%dma_start3A_641, %dma_start3A_642, %dma_start3A_643] : memref<12x80x64xf32, #tpu.memory_space<vmem>> -> memref<1x80x64xf32, #tpu.memory_space<vmem>>
      %dma_start3A_645 = tpu.memref_squeeze %dma_start3A_644 : memref<1x80x64xf32, #tpu.memory_space<vmem>> -> memref<80x64xf32, #tpu.memory_space<vmem>>
      %dma_start3A_646 = arith.constant 0 : i32
      %dma_start3A_647 = tpu.memref_slice %arg6[%add3A_628, %dma_start3A_646] : memref<125x80xi32, #tpu.memory_space<vmem>> -> memref<1x80xi32, #tpu.memory_space<vmem>>
      %dma_start3A_648 = tpu.memref_squeeze %dma_start3A_647 : memref<1x80xi32, #tpu.memory_space<vmem>> -> memref<80xi32, #tpu.memory_space<vmem>>
      %dma_start3A_649 = arith.constant 0 : i32
      %dma_start3A_650 = arith.constant 0 : i32
      %dma_start3A_651 = tpu.memref_slice %arg21[%dma_start3A_649, %dma_start3A_650] : memref<10240x64xf32, #tpu.memory_space<vmem_shared>> -> memref<10240x64xf32, #tpu.memory_space<vmem_shared>>
      tpu.enqueue_indirect_dma source(%dma_start3A_645 : memref<80x64xf32, #tpu.memory_space<vmem>>) target(%dma_start3A_651 : memref<10240x64xf32, #tpu.memory_space<vmem_shared>>) offsets(%dma_start3A_648 : memref<80xi32, #tpu.memory_space<vmem>>) semaphore(%arg17 : memref<!tpu.dma_semaphore, #tpu.memory_space<semaphore_mem>>) {add = true}
      %add3A_652 = arith.constant 6 : i32
      %add3A_653 = arith.addi %add3A_628, %add3A_652 : i32
      %lt3A_654 = arith.constant 125 : i32
      %lt3A_655 = arith.cmpi slt, %add3A_653, %lt3A_654 : i32
      %convert_element_type3A_656 = arith.extui %lt3A_655 : i1 to i32
      %cond3A_657 = arith.constant 0 : i32
      %cond3A_658 = arith.cmpi ne, %convert_element_type3A_656, %cond3A_657 : i32
      scf.if %cond3A_658 {
        %ge3A = arith.constant 6 : i32
        %ge3A_761 = arith.cmpi sge, %add3A_628, %ge3A : i32
        %convert_element_type3A_762 = arith.extui %ge3A_761 : i1 to i32
        %cond3A_763 = arith.constant 0 : i32
        %cond3A_764 = arith.cmpi ne, %convert_element_type3A_762, %cond3A_763 : i32
        scf.if %cond3A_764 {
          %dma_wait3A_778 = arith.constant 2 : i32
          %dma_wait3A_779 = arith.constant 0 : i32
          %dma_wait3A_780 = arith.constant 0 : i32
          %dma_wait3A_781 = arith.constant 0 : i32
          %dma_wait3A_782 = tpu.memref_slice %arg7[%dma_wait3A_778, %dma_wait3A_780, %dma_wait3A_781] : memref<12x80x64xf32, #tpu.memory_space<vmem>> -> memref<1x80x64xf32, #tpu.memory_space<vmem>>
          %dma_wait3A_783 = tpu.memref_squeeze %dma_wait3A_782 : memref<1x80x64xf32, #tpu.memory_space<vmem>> -> memref<80x64xf32, #tpu.memory_space<vmem>>
          %dma_wait3A_784 = arith.constant 0 : i32
          %dma_wait3A_785 = tpu.memref_slice %arg6[%dma_wait3A_779, %dma_wait3A_784] : memref<125x80xi32, #tpu.memory_space<vmem>> -> memref<1x80xi32, #tpu.memory_space<vmem>>
          %dma_wait3A_786 = tpu.memref_squeeze %dma_wait3A_785 : memref<1x80xi32, #tpu.memory_space<vmem>> -> memref<80xi32, #tpu.memory_space<vmem>>
          %dma_wait3A_787 = arith.constant 0 : i32
          %dma_wait3A_788 = arith.constant 0 : i32
          %dma_wait3A_789 = tpu.memref_slice %arg21[%dma_wait3A_787, %dma_wait3A_788] : memref<10240x64xf32, #tpu.memory_space<vmem_shared>> -> memref<10240x64xf32, #tpu.memory_space<vmem_shared>>
          tpu.wait_indirect_dma semaphore(%arg11 : memref<!tpu.dma_semaphore, #tpu.memory_space<semaphore_mem>>) src(%dma_wait3A_783 : memref<80x64xf32, #tpu.memory_space<vmem>>) dst(%dma_wait3A_789 : memref<10240x64xf32, #tpu.memory_space<vmem_shared>>)
        } else {
        }
        %add3A_765 = arith.constant 6 : i32
        %add3A_766 = arith.addi %add3A_628, %add3A_765 : i32
        %dma_start3A_767 = arith.constant 2 : i32
        %dma_start3A_768 = arith.constant 0 : i32
        %dma_start3A_769 = arith.constant 0 : i32
        %dma_start3A_770 = tpu.memref_slice %arg7[%dma_start3A_767, %dma_start3A_768, %dma_start3A_769] : memref<12x80x64xf32, #tpu.memory_space<vmem>> -> memref<1x80x64xf32, #tpu.memory_space<vmem>>
        %dma_start3A_771 = tpu.memref_squeeze %dma_start3A_770 : memref<1x80x64xf32, #tpu.memory_space<vmem>> -> memref<80x64xf32, #tpu.memory_space<vmem>>
        %dma_start3A_772 = arith.constant 0 : i32
        %dma_start3A_773 = tpu.memref_slice %arg5[%add3A_766, %dma_start3A_772] : memref<125x80xi32, #tpu.memory_space<vmem>> -> memref<1x80xi32, #tpu.memory_space<vmem>>
        %dma_start3A_774 = tpu.memref_squeeze %dma_start3A_773 : memref<1x80xi32, #tpu.memory_space<vmem>> -> memref<80xi32, #tpu.memory_space<vmem>>
        %dma_start3A_775 = arith.constant 0 : i32
        %dma_start3A_776 = arith.constant 0 : i32
        %dma_start3A_777 = tpu.memref_slice %arg2[%dma_start3A_775, %dma_start3A_776] : memref<10240x64xf32, #tpu.memory_space<hbm>> -> memref<10240x64xf32, #tpu.memory_space<hbm>>
        tpu.enqueue_indirect_dma source(%dma_start3A_777 : memref<10240x64xf32, #tpu.memory_space<hbm>>) target(%dma_start3A_771 : memref<80x64xf32, #tpu.memory_space<vmem>>) offsets(%dma_start3A_774 : memref<80xi32, #tpu.memory_space<vmem>>) semaphore(%arg8 : memref<!tpu.dma_semaphore, #tpu.memory_space<semaphore_mem>>)
      } else {
      }
      %mul3A_659 = arith.constant 12 : i32
      %mul3A_660 = arith.muli %scan3A_353, %mul3A_659 : i32
      %add3A_661 = arith.constant 9 : i32
      %add3A_662 = arith.addi %mul3A_660, %add3A_661 : i32
      %dma_wait3A_663 = arith.constant 0 : i32
      %dma_wait3A_664 = arith.constant 9 : i32
      %dma_wait3A_665 = arith.constant 0 : i32
      %dma_wait3A_666 = arith.constant 0 : i32
      %dma_wait3A_667 = tpu.memref_slice %arg7[%dma_wait3A_664, %dma_wait3A_665, %dma_wait3A_666] : memref<12x80x64xf32, #tpu.memory_space<vmem>> -> memref<1x80x64xf32, #tpu.memory_space<vmem>>
      %dma_wait3A_668 = tpu.memref_squeeze %dma_wait3A_667 : memref<1x80x64xf32, #tpu.memory_space<vmem>> -> memref<80x64xf32, #tpu.memory_space<vmem>>
      %dma_wait3A_669 = arith.constant 0 : i32
      %dma_wait3A_670 = tpu.memref_slice %arg5[%dma_wait3A_663, %dma_wait3A_669] : memref<125x80xi32, #tpu.memory_space<vmem>> -> memref<1x80xi32, #tpu.memory_space<vmem>>
      %dma_wait3A_671 = tpu.memref_squeeze %dma_wait3A_670 : memref<1x80xi32, #tpu.memory_space<vmem>> -> memref<80xi32, #tpu.memory_space<vmem>>
      %dma_wait3A_672 = arith.constant 0 : i32
      %dma_wait3A_673 = arith.constant 0 : i32
      %dma_wait3A_674 = tpu.memref_slice %arg2[%dma_wait3A_672, %dma_wait3A_673] : memref<10240x64xf32, #tpu.memory_space<hbm>> -> memref<10240x64xf32, #tpu.memory_space<hbm>>
      tpu.wait_indirect_dma semaphore(%arg8 : memref<!tpu.dma_semaphore, #tpu.memory_space<semaphore_mem>>) src(%dma_wait3A_674 : memref<10240x64xf32, #tpu.memory_space<hbm>>) dst(%dma_wait3A_668 : memref<80x64xf32, #tpu.memory_space<vmem>>)
      %dma_start3A_675 = arith.constant 9 : i32
      %dma_start3A_676 = arith.constant 0 : i32
      %dma_start3A_677 = arith.constant 0 : i32
      %dma_start3A_678 = tpu.memref_slice %arg7[%dma_start3A_675, %dma_start3A_676, %dma_start3A_677] : memref<12x80x64xf32, #tpu.memory_space<vmem>> -> memref<1x80x64xf32, #tpu.memory_space<vmem>>
      %dma_start3A_679 = tpu.memref_squeeze %dma_start3A_678 : memref<1x80x64xf32, #tpu.memory_space<vmem>> -> memref<80x64xf32, #tpu.memory_space<vmem>>
      %dma_start3A_680 = arith.constant 0 : i32
      %dma_start3A_681 = tpu.memref_slice %arg6[%add3A_662, %dma_start3A_680] : memref<125x80xi32, #tpu.memory_space<vmem>> -> memref<1x80xi32, #tpu.memory_space<vmem>>
      %dma_start3A_682 = tpu.memref_squeeze %dma_start3A_681 : memref<1x80xi32, #tpu.memory_space<vmem>> -> memref<80xi32, #tpu.memory_space<vmem>>
      %dma_start3A_683 = arith.constant 0 : i32
      %dma_start3A_684 = arith.constant 0 : i32
      %dma_start3A_685 = tpu.memref_slice %arg21[%dma_start3A_683, %dma_start3A_684] : memref<10240x64xf32, #tpu.memory_space<vmem_shared>> -> memref<10240x64xf32, #tpu.memory_space<vmem_shared>>
      tpu.enqueue_indirect_dma source(%dma_start3A_679 : memref<80x64xf32, #tpu.memory_space<vmem>>) target(%dma_start3A_685 : memref<10240x64xf32, #tpu.memory_space<vmem_shared>>) offsets(%dma_start3A_682 : memref<80xi32, #tpu.memory_space<vmem>>) semaphore(%arg18 : memref<!tpu.dma_semaphore, #tpu.memory_space<semaphore_mem>>) {add = true}
      %add3A_686 = arith.constant 6 : i32
      %add3A_687 = arith.addi %add3A_662, %add3A_686 : i32
      %lt3A_688 = arith.constant 125 : i32
      %lt3A_689 = arith.cmpi slt, %add3A_687, %lt3A_688 : i32
      %convert_element_type3A_690 = arith.extui %lt3A_689 : i1 to i32
      %cond3A_691 = arith.constant 0 : i32
      %cond3A_692 = arith.cmpi ne, %convert_element_type3A_690, %cond3A_691 : i32
      scf.if %cond3A_692 {
        %ge3A = arith.constant 6 : i32
        %ge3A_761 = arith.cmpi sge, %add3A_662, %ge3A : i32
        %convert_element_type3A_762 = arith.extui %ge3A_761 : i1 to i32
        %cond3A_763 = arith.constant 0 : i32
        %cond3A_764 = arith.cmpi ne, %convert_element_type3A_762, %cond3A_763 : i32
        scf.if %cond3A_764 {
          %dma_wait3A_778 = arith.constant 3 : i32
          %dma_wait3A_779 = arith.constant 0 : i32
          %dma_wait3A_780 = arith.constant 0 : i32
          %dma_wait3A_781 = arith.constant 0 : i32
          %dma_wait3A_782 = tpu.memref_slice %arg7[%dma_wait3A_778, %dma_wait3A_780, %dma_wait3A_781] : memref<12x80x64xf32, #tpu.memory_space<vmem>> -> memref<1x80x64xf32, #tpu.memory_space<vmem>>
          %dma_wait3A_783 = tpu.memref_squeeze %dma_wait3A_782 : memref<1x80x64xf32, #tpu.memory_space<vmem>> -> memref<80x64xf32, #tpu.memory_space<vmem>>
          %dma_wait3A_784 = arith.constant 0 : i32
          %dma_wait3A_785 = tpu.memref_slice %arg6[%dma_wait3A_779, %dma_wait3A_784] : memref<125x80xi32, #tpu.memory_space<vmem>> -> memref<1x80xi32, #tpu.memory_space<vmem>>
          %dma_wait3A_786 = tpu.memref_squeeze %dma_wait3A_785 : memref<1x80xi32, #tpu.memory_space<vmem>> -> memref<80xi32, #tpu.memory_space<vmem>>
          %dma_wait3A_787 = arith.constant 0 : i32
          %dma_wait3A_788 = arith.constant 0 : i32
          %dma_wait3A_789 = tpu.memref_slice %arg21[%dma_wait3A_787, %dma_wait3A_788] : memref<10240x64xf32, #tpu.memory_space<vmem_shared>> -> memref<10240x64xf32, #tpu.memory_space<vmem_shared>>
          tpu.wait_indirect_dma semaphore(%arg12 : memref<!tpu.dma_semaphore, #tpu.memory_space<semaphore_mem>>) src(%dma_wait3A_783 : memref<80x64xf32, #tpu.memory_space<vmem>>) dst(%dma_wait3A_789 : memref<10240x64xf32, #tpu.memory_space<vmem_shared>>)
        } else {
        }
        %add3A_765 = arith.constant 6 : i32
        %add3A_766 = arith.addi %add3A_662, %add3A_765 : i32
        %dma_start3A_767 = arith.constant 3 : i32
        %dma_start3A_768 = arith.constant 0 : i32
        %dma_start3A_769 = arith.constant 0 : i32
        %dma_start3A_770 = tpu.memref_slice %arg7[%dma_start3A_767, %dma_start3A_768, %dma_start3A_769] : memref<12x80x64xf32, #tpu.memory_space<vmem>> -> memref<1x80x64xf32, #tpu.memory_space<vmem>>
        %dma_start3A_771 = tpu.memref_squeeze %dma_start3A_770 : memref<1x80x64xf32, #tpu.memory_space<vmem>> -> memref<80x64xf32, #tpu.memory_space<vmem>>
        %dma_start3A_772 = arith.constant 0 : i32
        %dma_start3A_773 = tpu.memref_slice %arg5[%add3A_766, %dma_start3A_772] : memref<125x80xi32, #tpu.memory_space<vmem>> -> memref<1x80xi32, #tpu.memory_space<vmem>>
        %dma_start3A_774 = tpu.memref_squeeze %dma_start3A_773 : memref<1x80xi32, #tpu.memory_space<vmem>> -> memref<80xi32, #tpu.memory_space<vmem>>
        %dma_start3A_775 = arith.constant 0 : i32
        %dma_start3A_776 = arith.constant 0 : i32
        %dma_start3A_777 = tpu.memref_slice %arg2[%dma_start3A_775, %dma_start3A_776] : memref<10240x64xf32, #tpu.memory_space<hbm>> -> memref<10240x64xf32, #tpu.memory_space<hbm>>
        tpu.enqueue_indirect_dma source(%dma_start3A_777 : memref<10240x64xf32, #tpu.memory_space<hbm>>) target(%dma_start3A_771 : memref<80x64xf32, #tpu.memory_space<vmem>>) offsets(%dma_start3A_774 : memref<80xi32, #tpu.memory_space<vmem>>) semaphore(%arg8 : memref<!tpu.dma_semaphore, #tpu.memory_space<semaphore_mem>>)
      } else {
      }
      %mul3A_693 = arith.constant 12 : i32
      %mul3A_694 = arith.muli %scan3A_353, %mul3A_693 : i32
      %add3A_695 = arith.constant 10 : i32
      %add3A_696 = arith.addi %mul3A_694, %add3A_695 : i32
      %dma_wait3A_697 = arith.constant 0 : i32
      %dma_wait3A_698 = arith.constant 10 : i32
      %dma_wait3A_699 = arith.constant 0 : i32
      %dma_wait3A_700 = arith.constant 0 : i32
      %dma_wait3A_701 = tpu.memref_slice %arg7[%dma_wait3A_698, %dma_wait3A_699, %dma_wait3A_700] : memref<12x80x64xf32, #tpu.memory_space<vmem>> -> memref<1x80x64xf32, #tpu.memory_space<vmem>>
      %dma_wait3A_702 = tpu.memref_squeeze %dma_wait3A_701 : memref<1x80x64xf32, #tpu.memory_space<vmem>> -> memref<80x64xf32, #tpu.memory_space<vmem>>
      %dma_wait3A_703 = arith.constant 0 : i32
      %dma_wait3A_704 = tpu.memref_slice %arg5[%dma_wait3A_697, %dma_wait3A_703] : memref<125x80xi32, #tpu.memory_space<vmem>> -> memref<1x80xi32, #tpu.memory_space<vmem>>
      %dma_wait3A_705 = tpu.memref_squeeze %dma_wait3A_704 : memref<1x80xi32, #tpu.memory_space<vmem>> -> memref<80xi32, #tpu.memory_space<vmem>>
      %dma_wait3A_706 = arith.constant 0 : i32
      %dma_wait3A_707 = arith.constant 0 : i32
      %dma_wait3A_708 = tpu.memref_slice %arg2[%dma_wait3A_706, %dma_wait3A_707] : memref<10240x64xf32, #tpu.memory_space<hbm>> -> memref<10240x64xf32, #tpu.memory_space<hbm>>
      tpu.wait_indirect_dma semaphore(%arg8 : memref<!tpu.dma_semaphore, #tpu.memory_space<semaphore_mem>>) src(%dma_wait3A_708 : memref<10240x64xf32, #tpu.memory_space<hbm>>) dst(%dma_wait3A_702 : memref<80x64xf32, #tpu.memory_space<vmem>>)
      %dma_start3A_709 = arith.constant 10 : i32
      %dma_start3A_710 = arith.constant 0 : i32
      %dma_start3A_711 = arith.constant 0 : i32
      %dma_start3A_712 = tpu.memref_slice %arg7[%dma_start3A_709, %dma_start3A_710, %dma_start3A_711] : memref<12x80x64xf32, #tpu.memory_space<vmem>> -> memref<1x80x64xf32, #tpu.memory_space<vmem>>
      %dma_start3A_713 = tpu.memref_squeeze %dma_start3A_712 : memref<1x80x64xf32, #tpu.memory_space<vmem>> -> memref<80x64xf32, #tpu.memory_space<vmem>>
      %dma_start3A_714 = arith.constant 0 : i32
      %dma_start3A_715 = tpu.memref_slice %arg6[%add3A_696, %dma_start3A_714] : memref<125x80xi32, #tpu.memory_space<vmem>> -> memref<1x80xi32, #tpu.memory_space<vmem>>
      %dma_start3A_716 = tpu.memref_squeeze %dma_start3A_715 : memref<1x80xi32, #tpu.memory_space<vmem>> -> memref<80xi32, #tpu.memory_space<vmem>>
      %dma_start3A_717 = arith.constant 0 : i32
      %dma_start3A_718 = arith.constant 0 : i32
      %dma_start3A_719 = tpu.memref_slice %arg21[%dma_start3A_717, %dma_start3A_718] : memref<10240x64xf32, #tpu.memory_space<vmem_shared>> -> memref<10240x64xf32, #tpu.memory_space<vmem_shared>>
      tpu.enqueue_indirect_dma source(%dma_start3A_713 : memref<80x64xf32, #tpu.memory_space<vmem>>) target(%dma_start3A_719 : memref<10240x64xf32, #tpu.memory_space<vmem_shared>>) offsets(%dma_start3A_716 : memref<80xi32, #tpu.memory_space<vmem>>) semaphore(%arg19 : memref<!tpu.dma_semaphore, #tpu.memory_space<semaphore_mem>>) {add = true}
      %add3A_720 = arith.constant 6 : i32
      %add3A_721 = arith.addi %add3A_696, %add3A_720 : i32
      %lt3A_722 = arith.constant 125 : i32
      %lt3A_723 = arith.cmpi slt, %add3A_721, %lt3A_722 : i32
      %convert_element_type3A_724 = arith.extui %lt3A_723 : i1 to i32
      %cond3A_725 = arith.constant 0 : i32
      %cond3A_726 = arith.cmpi ne, %convert_element_type3A_724, %cond3A_725 : i32
      scf.if %cond3A_726 {
        %ge3A = arith.constant 6 : i32
        %ge3A_761 = arith.cmpi sge, %add3A_696, %ge3A : i32
        %convert_element_type3A_762 = arith.extui %ge3A_761 : i1 to i32
        %cond3A_763 = arith.constant 0 : i32
        %cond3A_764 = arith.cmpi ne, %convert_element_type3A_762, %cond3A_763 : i32
        scf.if %cond3A_764 {
          %dma_wait3A_778 = arith.constant 4 : i32
          %dma_wait3A_779 = arith.constant 0 : i32
          %dma_wait3A_780 = arith.constant 0 : i32
          %dma_wait3A_781 = arith.constant 0 : i32
          %dma_wait3A_782 = tpu.memref_slice %arg7[%dma_wait3A_778, %dma_wait3A_780, %dma_wait3A_781] : memref<12x80x64xf32, #tpu.memory_space<vmem>> -> memref<1x80x64xf32, #tpu.memory_space<vmem>>
          %dma_wait3A_783 = tpu.memref_squeeze %dma_wait3A_782 : memref<1x80x64xf32, #tpu.memory_space<vmem>> -> memref<80x64xf32, #tpu.memory_space<vmem>>
          %dma_wait3A_784 = arith.constant 0 : i32
          %dma_wait3A_785 = tpu.memref_slice %arg6[%dma_wait3A_779, %dma_wait3A_784] : memref<125x80xi32, #tpu.memory_space<vmem>> -> memref<1x80xi32, #tpu.memory_space<vmem>>
          %dma_wait3A_786 = tpu.memref_squeeze %dma_wait3A_785 : memref<1x80xi32, #tpu.memory_space<vmem>> -> memref<80xi32, #tpu.memory_space<vmem>>
          %dma_wait3A_787 = arith.constant 0 : i32
          %dma_wait3A_788 = arith.constant 0 : i32
          %dma_wait3A_789 = tpu.memref_slice %arg21[%dma_wait3A_787, %dma_wait3A_788] : memref<10240x64xf32, #tpu.memory_space<vmem_shared>> -> memref<10240x64xf32, #tpu.memory_space<vmem_shared>>
          tpu.wait_indirect_dma semaphore(%arg13 : memref<!tpu.dma_semaphore, #tpu.memory_space<semaphore_mem>>) src(%dma_wait3A_783 : memref<80x64xf32, #tpu.memory_space<vmem>>) dst(%dma_wait3A_789 : memref<10240x64xf32, #tpu.memory_space<vmem_shared>>)
        } else {
        }
        %add3A_765 = arith.constant 6 : i32
        %add3A_766 = arith.addi %add3A_696, %add3A_765 : i32
        %dma_start3A_767 = arith.constant 4 : i32
        %dma_start3A_768 = arith.constant 0 : i32
        %dma_start3A_769 = arith.constant 0 : i32
        %dma_start3A_770 = tpu.memref_slice %arg7[%dma_start3A_767, %dma_start3A_768, %dma_start3A_769] : memref<12x80x64xf32, #tpu.memory_space<vmem>> -> memref<1x80x64xf32, #tpu.memory_space<vmem>>
        %dma_start3A_771 = tpu.memref_squeeze %dma_start3A_770 : memref<1x80x64xf32, #tpu.memory_space<vmem>> -> memref<80x64xf32, #tpu.memory_space<vmem>>
        %dma_start3A_772 = arith.constant 0 : i32
        %dma_start3A_773 = tpu.memref_slice %arg5[%add3A_766, %dma_start3A_772] : memref<125x80xi32, #tpu.memory_space<vmem>> -> memref<1x80xi32, #tpu.memory_space<vmem>>
        %dma_start3A_774 = tpu.memref_squeeze %dma_start3A_773 : memref<1x80xi32, #tpu.memory_space<vmem>> -> memref<80xi32, #tpu.memory_space<vmem>>
        %dma_start3A_775 = arith.constant 0 : i32
        %dma_start3A_776 = arith.constant 0 : i32
        %dma_start3A_777 = tpu.memref_slice %arg2[%dma_start3A_775, %dma_start3A_776] : memref<10240x64xf32, #tpu.memory_space<hbm>> -> memref<10240x64xf32, #tpu.memory_space<hbm>>
        tpu.enqueue_indirect_dma source(%dma_start3A_777 : memref<10240x64xf32, #tpu.memory_space<hbm>>) target(%dma_start3A_771 : memref<80x64xf32, #tpu.memory_space<vmem>>) offsets(%dma_start3A_774 : memref<80xi32, #tpu.memory_space<vmem>>) semaphore(%arg8 : memref<!tpu.dma_semaphore, #tpu.memory_space<semaphore_mem>>)
      } else {
      }
      %mul3A_727 = arith.constant 12 : i32
      %mul3A_728 = arith.muli %scan3A_353, %mul3A_727 : i32
      %add3A_729 = arith.constant 11 : i32
      %add3A_730 = arith.addi %mul3A_728, %add3A_729 : i32
      %dma_wait3A_731 = arith.constant 0 : i32
      %dma_wait3A_732 = arith.constant 11 : i32
      %dma_wait3A_733 = arith.constant 0 : i32
      %dma_wait3A_734 = arith.constant 0 : i32
      %dma_wait3A_735 = tpu.memref_slice %arg7[%dma_wait3A_732, %dma_wait3A_733, %dma_wait3A_734] : memref<12x80x64xf32, #tpu.memory_space<vmem>> -> memref<1x80x64xf32, #tpu.memory_space<vmem>>
      %dma_wait3A_736 = tpu.memref_squeeze %dma_wait3A_735 : memref<1x80x64xf32, #tpu.memory_space<vmem>> -> memref<80x64xf32, #tpu.memory_space<vmem>>
      %dma_wait3A_737 = arith.constant 0 : i32
      %dma_wait3A_738 = tpu.memref_slice %arg5[%dma_wait3A_731, %dma_wait3A_737] : memref<125x80xi32, #tpu.memory_space<vmem>> -> memref<1x80xi32, #tpu.memory_space<vmem>>
      %dma_wait3A_739 = tpu.memref_squeeze %dma_wait3A_738 : memref<1x80xi32, #tpu.memory_space<vmem>> -> memref<80xi32, #tpu.memory_space<vmem>>
      %dma_wait3A_740 = arith.constant 0 : i32
      %dma_wait3A_741 = arith.constant 0 : i32
      %dma_wait3A_742 = tpu.memref_slice %arg2[%dma_wait3A_740, %dma_wait3A_741] : memref<10240x64xf32, #tpu.memory_space<hbm>> -> memref<10240x64xf32, #tpu.memory_space<hbm>>
      tpu.wait_indirect_dma semaphore(%arg8 : memref<!tpu.dma_semaphore, #tpu.memory_space<semaphore_mem>>) src(%dma_wait3A_742 : memref<10240x64xf32, #tpu.memory_space<hbm>>) dst(%dma_wait3A_736 : memref<80x64xf32, #tpu.memory_space<vmem>>)
      %dma_start3A_743 = arith.constant 11 : i32
      %dma_start3A_744 = arith.constant 0 : i32
      %dma_start3A_745 = arith.constant 0 : i32
      %dma_start3A_746 = tpu.memref_slice %arg7[%dma_start3A_743, %dma_start3A_744, %dma_start3A_745] : memref<12x80x64xf32, #tpu.memory_space<vmem>> -> memref<1x80x64xf32, #tpu.memory_space<vmem>>
      %dma_start3A_747 = tpu.memref_squeeze %dma_start3A_746 : memref<1x80x64xf32, #tpu.memory_space<vmem>> -> memref<80x64xf32, #tpu.memory_space<vmem>>
      %dma_start3A_748 = arith.constant 0 : i32
      %dma_start3A_749 = tpu.memref_slice %arg6[%add3A_730, %dma_start3A_748] : memref<125x80xi32, #tpu.memory_space<vmem>> -> memref<1x80xi32, #tpu.memory_space<vmem>>
      %dma_start3A_750 = tpu.memref_squeeze %dma_start3A_749 : memref<1x80xi32, #tpu.memory_space<vmem>> -> memref<80xi32, #tpu.memory_space<vmem>>
      %dma_start3A_751 = arith.constant 0 : i32
      %dma_start3A_752 = arith.constant 0 : i32
      %dma_start3A_753 = tpu.memref_slice %arg21[%dma_start3A_751, %dma_start3A_752] : memref<10240x64xf32, #tpu.memory_space<vmem_shared>> -> memref<10240x64xf32, #tpu.memory_space<vmem_shared>>
      tpu.enqueue_indirect_dma source(%dma_start3A_747 : memref<80x64xf32, #tpu.memory_space<vmem>>) target(%dma_start3A_753 : memref<10240x64xf32, #tpu.memory_space<vmem_shared>>) offsets(%dma_start3A_750 : memref<80xi32, #tpu.memory_space<vmem>>) semaphore(%arg20 : memref<!tpu.dma_semaphore, #tpu.memory_space<semaphore_mem>>) {add = true}
      %add3A_754 = arith.constant 6 : i32
      %add3A_755 = arith.addi %add3A_730, %add3A_754 : i32
      %lt3A_756 = arith.constant 125 : i32
      %lt3A_757 = arith.cmpi slt, %add3A_755, %lt3A_756 : i32
      %convert_element_type3A_758 = arith.extui %lt3A_757 : i1 to i32
      %cond3A_759 = arith.constant 0 : i32
      %cond3A_760 = arith.cmpi ne, %convert_element_type3A_758, %cond3A_759 : i32
      scf.if %cond3A_760 {
        %ge3A = arith.constant 6 : i32
        %ge3A_761 = arith.cmpi sge, %add3A_730, %ge3A : i32
        %convert_element_type3A_762 = arith.extui %ge3A_761 : i1 to i32
        %cond3A_763 = arith.constant 0 : i32
        %cond3A_764 = arith.cmpi ne, %convert_element_type3A_762, %cond3A_763 : i32
        scf.if %cond3A_764 {
          %dma_wait3A_778 = arith.constant 5 : i32
          %dma_wait3A_779 = arith.constant 0 : i32
          %dma_wait3A_780 = arith.constant 0 : i32
          %dma_wait3A_781 = arith.constant 0 : i32
          %dma_wait3A_782 = tpu.memref_slice %arg7[%dma_wait3A_778, %dma_wait3A_780, %dma_wait3A_781] : memref<12x80x64xf32, #tpu.memory_space<vmem>> -> memref<1x80x64xf32, #tpu.memory_space<vmem>>
          %dma_wait3A_783 = tpu.memref_squeeze %dma_wait3A_782 : memref<1x80x64xf32, #tpu.memory_space<vmem>> -> memref<80x64xf32, #tpu.memory_space<vmem>>
          %dma_wait3A_784 = arith.constant 0 : i32
          %dma_wait3A_785 = tpu.memref_slice %arg6[%dma_wait3A_779, %dma_wait3A_784] : memref<125x80xi32, #tpu.memory_space<vmem>> -> memref<1x80xi32, #tpu.memory_space<vmem>>
          %dma_wait3A_786 = tpu.memref_squeeze %dma_wait3A_785 : memref<1x80xi32, #tpu.memory_space<vmem>> -> memref<80xi32, #tpu.memory_space<vmem>>
          %dma_wait3A_787 = arith.constant 0 : i32
          %dma_wait3A_788 = arith.constant 0 : i32
          %dma_wait3A_789 = tpu.memref_slice %arg21[%dma_wait3A_787, %dma_wait3A_788] : memref<10240x64xf32, #tpu.memory_space<vmem_shared>> -> memref<10240x64xf32, #tpu.memory_space<vmem_shared>>
          tpu.wait_indirect_dma semaphore(%arg14 : memref<!tpu.dma_semaphore, #tpu.memory_space<semaphore_mem>>) src(%dma_wait3A_783 : memref<80x64xf32, #tpu.memory_space<vmem>>) dst(%dma_wait3A_789 : memref<10240x64xf32, #tpu.memory_space<vmem_shared>>)
        } else {
        }
        %add3A_765 = arith.constant 6 : i32
        %add3A_766 = arith.addi %add3A_730, %add3A_765 : i32
        %dma_start3A_767 = arith.constant 5 : i32
        %dma_start3A_768 = arith.constant 0 : i32
        %dma_start3A_769 = arith.constant 0 : i32
        %dma_start3A_770 = tpu.memref_slice %arg7[%dma_start3A_767, %dma_start3A_768, %dma_start3A_769] : memref<12x80x64xf32, #tpu.memory_space<vmem>> -> memref<1x80x64xf32, #tpu.memory_space<vmem>>
        %dma_start3A_771 = tpu.memref_squeeze %dma_start3A_770 : memref<1x80x64xf32, #tpu.memory_space<vmem>> -> memref<80x64xf32, #tpu.memory_space<vmem>>
        %dma_start3A_772 = arith.constant 0 : i32
        %dma_start3A_773 = tpu.memref_slice %arg5[%add3A_766, %dma_start3A_772] : memref<125x80xi32, #tpu.memory_space<vmem>> -> memref<1x80xi32, #tpu.memory_space<vmem>>
        %dma_start3A_774 = tpu.memref_squeeze %dma_start3A_773 : memref<1x80xi32, #tpu.memory_space<vmem>> -> memref<80xi32, #tpu.memory_space<vmem>>
        %dma_start3A_775 = arith.constant 0 : i32
        %dma_start3A_776 = arith.constant 0 : i32
        %dma_start3A_777 = tpu.memref_slice %arg2[%dma_start3A_775, %dma_start3A_776] : memref<10240x64xf32, #tpu.memory_space<hbm>> -> memref<10240x64xf32, #tpu.memory_space<hbm>>
        tpu.enqueue_indirect_dma source(%dma_start3A_777 : memref<10240x64xf32, #tpu.memory_space<hbm>>) target(%dma_start3A_771 : memref<80x64xf32, #tpu.memory_space<vmem>>) offsets(%dma_start3A_774 : memref<80xi32, #tpu.memory_space<vmem>>) semaphore(%arg8 : memref<!tpu.dma_semaphore, #tpu.memory_space<semaphore_mem>>)
      } else {
      }
    }
    %scan3A_81 = arith.constant 10 : i32
    %dma_wait3A = arith.constant 0 : i32
    %dma_wait3A_82 = arith.constant 0 : i32
    %dma_wait3A_83 = arith.constant 0 : i32
    %dma_wait3A_84 = arith.constant 0 : i32
    %dma_wait3A_85 = tpu.memref_slice %arg7[%dma_wait3A_82, %dma_wait3A_83, %dma_wait3A_84] : memref<12x80x64xf32, #tpu.memory_space<vmem>> -> memref<1x80x64xf32, #tpu.memory_space<vmem>>
    %dma_wait3A_86 = tpu.memref_squeeze %dma_wait3A_85 : memref<1x80x64xf32, #tpu.memory_space<vmem>> -> memref<80x64xf32, #tpu.memory_space<vmem>>
    %dma_wait3A_87 = arith.constant 0 : i32
    %dma_wait3A_88 = tpu.memref_slice %arg5[%dma_wait3A, %dma_wait3A_87] : memref<125x80xi32, #tpu.memory_space<vmem>> -> memref<1x80xi32, #tpu.memory_space<vmem>>
    %dma_wait3A_89 = tpu.memref_squeeze %dma_wait3A_88 : memref<1x80xi32, #tpu.memory_space<vmem>> -> memref<80xi32, #tpu.memory_space<vmem>>
    %dma_wait3A_90 = arith.constant 0 : i32
    %dma_wait3A_91 = arith.constant 0 : i32
    %dma_wait3A_92 = tpu.memref_slice %arg2[%dma_wait3A_90, %dma_wait3A_91] : memref<10240x64xf32, #tpu.memory_space<hbm>> -> memref<10240x64xf32, #tpu.memory_space<hbm>>
    tpu.wait_indirect_dma semaphore(%arg8 : memref<!tpu.dma_semaphore, #tpu.memory_space<semaphore_mem>>) src(%dma_wait3A_92 : memref<10240x64xf32, #tpu.memory_space<hbm>>) dst(%dma_wait3A_86 : memref<80x64xf32, #tpu.memory_space<vmem>>)
    %dma_start3A_93 = arith.constant 0 : i32
    %dma_start3A_94 = arith.constant 120 : i32
    %dma_start3A_95 = arith.constant 0 : i32
    %dma_start3A_96 = arith.constant 0 : i32
    %dma_start3A_97 = tpu.memref_slice %arg7[%dma_start3A_93, %dma_start3A_95, %dma_start3A_96] : memref<12x80x64xf32, #tpu.memory_space<vmem>> -> memref<1x80x64xf32, #tpu.memory_space<vmem>>
    %dma_start3A_98 = tpu.memref_squeeze %dma_start3A_97 : memref<1x80x64xf32, #tpu.memory_space<vmem>> -> memref<80x64xf32, #tpu.memory_space<vmem>>
    %dma_start3A_99 = arith.constant 0 : i32
    %dma_start3A_100 = tpu.memref_slice %arg6[%dma_start3A_94, %dma_start3A_99] : memref<125x80xi32, #tpu.memory_space<vmem>> -> memref<1x80xi32, #tpu.memory_space<vmem>>
    %dma_start3A_101 = tpu.memref_squeeze %dma_start3A_100 : memref<1x80xi32, #tpu.memory_space<vmem>> -> memref<80xi32, #tpu.memory_space<vmem>>
    %dma_start3A_102 = arith.constant 0 : i32
    %dma_start3A_103 = arith.constant 0 : i32
    %dma_start3A_104 = tpu.memref_slice %arg21[%dma_start3A_102, %dma_start3A_103] : memref<10240x64xf32, #tpu.memory_space<vmem_shared>> -> memref<10240x64xf32, #tpu.memory_space<vmem_shared>>
    tpu.enqueue_indirect_dma source(%dma_start3A_98 : memref<80x64xf32, #tpu.memory_space<vmem>>) target(%dma_start3A_104 : memref<10240x64xf32, #tpu.memory_space<vmem_shared>>) offsets(%dma_start3A_101 : memref<80xi32, #tpu.memory_space<vmem>>) semaphore(%arg9 : memref<!tpu.dma_semaphore, #tpu.memory_space<semaphore_mem>>) {add = true}
    %dma_wait3A_105 = arith.constant 0 : i32
    %dma_wait3A_106 = arith.constant 1 : i32
    %dma_wait3A_107 = arith.constant 0 : i32
    %dma_wait3A_108 = arith.constant 0 : i32
    %dma_wait3A_109 = tpu.memref_slice %arg7[%dma_wait3A_106, %dma_wait3A_107, %dma_wait3A_108] : memref<12x80x64xf32, #tpu.memory_space<vmem>> -> memref<1x80x64xf32, #tpu.memory_space<vmem>>
    %dma_wait3A_110 = tpu.memref_squeeze %dma_wait3A_109 : memref<1x80x64xf32, #tpu.memory_space<vmem>> -> memref<80x64xf32, #tpu.memory_space<vmem>>
    %dma_wait3A_111 = arith.constant 0 : i32
    %dma_wait3A_112 = tpu.memref_slice %arg5[%dma_wait3A_105, %dma_wait3A_111] : memref<125x80xi32, #tpu.memory_space<vmem>> -> memref<1x80xi32, #tpu.memory_space<vmem>>
    %dma_wait3A_113 = tpu.memref_squeeze %dma_wait3A_112 : memref<1x80xi32, #tpu.memory_space<vmem>> -> memref<80xi32, #tpu.memory_space<vmem>>
    %dma_wait3A_114 = arith.constant 0 : i32
    %dma_wait3A_115 = arith.constant 0 : i32
    %dma_wait3A_116 = tpu.memref_slice %arg2[%dma_wait3A_114, %dma_wait3A_115] : memref<10240x64xf32, #tpu.memory_space<hbm>> -> memref<10240x64xf32, #tpu.memory_space<hbm>>
    tpu.wait_indirect_dma semaphore(%arg8 : memref<!tpu.dma_semaphore, #tpu.memory_space<semaphore_mem>>) src(%dma_wait3A_116 : memref<10240x64xf32, #tpu.memory_space<hbm>>) dst(%dma_wait3A_110 : memref<80x64xf32, #tpu.memory_space<vmem>>)
    %dma_start3A_117 = arith.constant 1 : i32
    %dma_start3A_118 = arith.constant 121 : i32
    %dma_start3A_119 = arith.constant 0 : i32
    %dma_start3A_120 = arith.constant 0 : i32
    %dma_start3A_121 = tpu.memref_slice %arg7[%dma_start3A_117, %dma_start3A_119, %dma_start3A_120] : memref<12x80x64xf32, #tpu.memory_space<vmem>> -> memref<1x80x64xf32, #tpu.memory_space<vmem>>
    %dma_start3A_122 = tpu.memref_squeeze %dma_start3A_121 : memref<1x80x64xf32, #tpu.memory_space<vmem>> -> memref<80x64xf32, #tpu.memory_space<vmem>>
    %dma_start3A_123 = arith.constant 0 : i32
    %dma_start3A_124 = tpu.memref_slice %arg6[%dma_start3A_118, %dma_start3A_123] : memref<125x80xi32, #tpu.memory_space<vmem>> -> memref<1x80xi32, #tpu.memory_space<vmem>>
    %dma_start3A_125 = tpu.memref_squeeze %dma_start3A_124 : memref<1x80xi32, #tpu.memory_space<vmem>> -> memref<80xi32, #tpu.memory_space<vmem>>
    %dma_start3A_126 = arith.constant 0 : i32
    %dma_start3A_127 = arith.constant 0 : i32
    %dma_start3A_128 = tpu.memref_slice %arg21[%dma_start3A_126, %dma_start3A_127] : memref<10240x64xf32, #tpu.memory_space<vmem_shared>> -> memref<10240x64xf32, #tpu.memory_space<vmem_shared>>
    tpu.enqueue_indirect_dma source(%dma_start3A_122 : memref<80x64xf32, #tpu.memory_space<vmem>>) target(%dma_start3A_128 : memref<10240x64xf32, #tpu.memory_space<vmem_shared>>) offsets(%dma_start3A_125 : memref<80xi32, #tpu.memory_space<vmem>>) semaphore(%arg10 : memref<!tpu.dma_semaphore, #tpu.memory_space<semaphore_mem>>) {add = true}
    %dma_wait3A_129 = arith.constant 0 : i32
    %dma_wait3A_130 = arith.constant 2 : i32
    %dma_wait3A_131 = arith.constant 0 : i32
    %dma_wait3A_132 = arith.constant 0 : i32
    %dma_wait3A_133 = tpu.memref_slice %arg7[%dma_wait3A_130, %dma_wait3A_131, %dma_wait3A_132] : memref<12x80x64xf32, #tpu.memory_space<vmem>> -> memref<1x80x64xf32, #tpu.memory_space<vmem>>
    %dma_wait3A_134 = tpu.memref_squeeze %dma_wait3A_133 : memref<1x80x64xf32, #tpu.memory_space<vmem>> -> memref<80x64xf32, #tpu.memory_space<vmem>>
    %dma_wait3A_135 = arith.constant 0 : i32
    %dma_wait3A_136 = tpu.memref_slice %arg5[%dma_wait3A_129, %dma_wait3A_135] : memref<125x80xi32, #tpu.memory_space<vmem>> -> memref<1x80xi32, #tpu.memory_space<vmem>>
    %dma_wait3A_137 = tpu.memref_squeeze %dma_wait3A_136 : memref<1x80xi32, #tpu.memory_space<vmem>> -> memref<80xi32, #tpu.memory_space<vmem>>
    %dma_wait3A_138 = arith.constant 0 : i32
    %dma_wait3A_139 = arith.constant 0 : i32
    %dma_wait3A_140 = tpu.memref_slice %arg2[%dma_wait3A_138, %dma_wait3A_139] : memref<10240x64xf32, #tpu.memory_space<hbm>> -> memref<10240x64xf32, #tpu.memory_space<hbm>>
    tpu.wait_indirect_dma semaphore(%arg8 : memref<!tpu.dma_semaphore, #tpu.memory_space<semaphore_mem>>) src(%dma_wait3A_140 : memref<10240x64xf32, #tpu.memory_space<hbm>>) dst(%dma_wait3A_134 : memref<80x64xf32, #tpu.memory_space<vmem>>)
    %dma_start3A_141 = arith.constant 2 : i32
    %dma_start3A_142 = arith.constant 122 : i32
    %dma_start3A_143 = arith.constant 0 : i32
    %dma_start3A_144 = arith.constant 0 : i32
    %dma_start3A_145 = tpu.memref_slice %arg7[%dma_start3A_141, %dma_start3A_143, %dma_start3A_144] : memref<12x80x64xf32, #tpu.memory_space<vmem>> -> memref<1x80x64xf32, #tpu.memory_space<vmem>>
    %dma_start3A_146 = tpu.memref_squeeze %dma_start3A_145 : memref<1x80x64xf32, #tpu.memory_space<vmem>> -> memref<80x64xf32, #tpu.memory_space<vmem>>
    %dma_start3A_147 = arith.constant 0 : i32
    %dma_start3A_148 = tpu.memref_slice %arg6[%dma_start3A_142, %dma_start3A_147] : memref<125x80xi32, #tpu.memory_space<vmem>> -> memref<1x80xi32, #tpu.memory_space<vmem>>
    %dma_start3A_149 = tpu.memref_squeeze %dma_start3A_148 : memref<1x80xi32, #tpu.memory_space<vmem>> -> memref<80xi32, #tpu.memory_space<vmem>>
    %dma_start3A_150 = arith.constant 0 : i32
    %dma_start3A_151 = arith.constant 0 : i32
    %dma_start3A_152 = tpu.memref_slice %arg21[%dma_start3A_150, %dma_start3A_151] : memref<10240x64xf32, #tpu.memory_space<vmem_shared>> -> memref<10240x64xf32, #tpu.memory_space<vmem_shared>>
    tpu.enqueue_indirect_dma source(%dma_start3A_146 : memref<80x64xf32, #tpu.memory_space<vmem>>) target(%dma_start3A_152 : memref<10240x64xf32, #tpu.memory_space<vmem_shared>>) offsets(%dma_start3A_149 : memref<80xi32, #tpu.memory_space<vmem>>) semaphore(%arg11 : memref<!tpu.dma_semaphore, #tpu.memory_space<semaphore_mem>>) {add = true}
    %dma_wait3A_153 = arith.constant 0 : i32
    %dma_wait3A_154 = arith.constant 3 : i32
    %dma_wait3A_155 = arith.constant 0 : i32
    %dma_wait3A_156 = arith.constant 0 : i32
    %dma_wait3A_157 = tpu.memref_slice %arg7[%dma_wait3A_154, %dma_wait3A_155, %dma_wait3A_156] : memref<12x80x64xf32, #tpu.memory_space<vmem>> -> memref<1x80x64xf32, #tpu.memory_space<vmem>>
    %dma_wait3A_158 = tpu.memref_squeeze %dma_wait3A_157 : memref<1x80x64xf32, #tpu.memory_space<vmem>> -> memref<80x64xf32, #tpu.memory_space<vmem>>
    %dma_wait3A_159 = arith.constant 0 : i32
    %dma_wait3A_160 = tpu.memref_slice %arg5[%dma_wait3A_153, %dma_wait3A_159] : memref<125x80xi32, #tpu.memory_space<vmem>> -> memref<1x80xi32, #tpu.memory_space<vmem>>
    %dma_wait3A_161 = tpu.memref_squeeze %dma_wait3A_160 : memref<1x80xi32, #tpu.memory_space<vmem>> -> memref<80xi32, #tpu.memory_space<vmem>>
    %dma_wait3A_162 = arith.constant 0 : i32
    %dma_wait3A_163 = arith.constant 0 : i32
    %dma_wait3A_164 = tpu.memref_slice %arg2[%dma_wait3A_162, %dma_wait3A_163] : memref<10240x64xf32, #tpu.memory_space<hbm>> -> memref<10240x64xf32, #tpu.memory_space<hbm>>
    tpu.wait_indirect_dma semaphore(%arg8 : memref<!tpu.dma_semaphore, #tpu.memory_space<semaphore_mem>>) src(%dma_wait3A_164 : memref<10240x64xf32, #tpu.memory_space<hbm>>) dst(%dma_wait3A_158 : memref<80x64xf32, #tpu.memory_space<vmem>>)
    %dma_start3A_165 = arith.constant 3 : i32
    %dma_start3A_166 = arith.constant 123 : i32
    %dma_start3A_167 = arith.constant 0 : i32
    %dma_start3A_168 = arith.constant 0 : i32
    %dma_start3A_169 = tpu.memref_slice %arg7[%dma_start3A_165, %dma_start3A_167, %dma_start3A_168] : memref<12x80x64xf32, #tpu.memory_space<vmem>> -> memref<1x80x64xf32, #tpu.memory_space<vmem>>
    %dma_start3A_170 = tpu.memref_squeeze %dma_start3A_169 : memref<1x80x64xf32, #tpu.memory_space<vmem>> -> memref<80x64xf32, #tpu.memory_space<vmem>>
    %dma_start3A_171 = arith.constant 0 : i32
    %dma_start3A_172 = tpu.memref_slice %arg6[%dma_start3A_166, %dma_start3A_171] : memref<125x80xi32, #tpu.memory_space<vmem>> -> memref<1x80xi32, #tpu.memory_space<vmem>>
    %dma_start3A_173 = tpu.memref_squeeze %dma_start3A_172 : memref<1x80xi32, #tpu.memory_space<vmem>> -> memref<80xi32, #tpu.memory_space<vmem>>
    %dma_start3A_174 = arith.constant 0 : i32
    %dma_start3A_175 = arith.constant 0 : i32
    %dma_start3A_176 = tpu.memref_slice %arg21[%dma_start3A_174, %dma_start3A_175] : memref<10240x64xf32, #tpu.memory_space<vmem_shared>> -> memref<10240x64xf32, #tpu.memory_space<vmem_shared>>
    tpu.enqueue_indirect_dma source(%dma_start3A_170 : memref<80x64xf32, #tpu.memory_space<vmem>>) target(%dma_start3A_176 : memref<10240x64xf32, #tpu.memory_space<vmem_shared>>) offsets(%dma_start3A_173 : memref<80xi32, #tpu.memory_space<vmem>>) semaphore(%arg12 : memref<!tpu.dma_semaphore, #tpu.memory_space<semaphore_mem>>) {add = true}
    %dma_wait3A_177 = arith.constant 0 : i32
    %dma_wait3A_178 = arith.constant 4 : i32
    %dma_wait3A_179 = arith.constant 0 : i32
    %dma_wait3A_180 = arith.constant 0 : i32
    %dma_wait3A_181 = tpu.memref_slice %arg7[%dma_wait3A_178, %dma_wait3A_179, %dma_wait3A_180] : memref<12x80x64xf32, #tpu.memory_space<vmem>> -> memref<1x80x64xf32, #tpu.memory_space<vmem>>
    %dma_wait3A_182 = tpu.memref_squeeze %dma_wait3A_181 : memref<1x80x64xf32, #tpu.memory_space<vmem>> -> memref<80x64xf32, #tpu.memory_space<vmem>>
    %dma_wait3A_183 = arith.constant 0 : i32
    %dma_wait3A_184 = tpu.memref_slice %arg5[%dma_wait3A_177, %dma_wait3A_183] : memref<125x80xi32, #tpu.memory_space<vmem>> -> memref<1x80xi32, #tpu.memory_space<vmem>>
    %dma_wait3A_185 = tpu.memref_squeeze %dma_wait3A_184 : memref<1x80xi32, #tpu.memory_space<vmem>> -> memref<80xi32, #tpu.memory_space<vmem>>
    %dma_wait3A_186 = arith.constant 0 : i32
    %dma_wait3A_187 = arith.constant 0 : i32
    %dma_wait3A_188 = tpu.memref_slice %arg2[%dma_wait3A_186, %dma_wait3A_187] : memref<10240x64xf32, #tpu.memory_space<hbm>> -> memref<10240x64xf32, #tpu.memory_space<hbm>>
    tpu.wait_indirect_dma semaphore(%arg8 : memref<!tpu.dma_semaphore, #tpu.memory_space<semaphore_mem>>) src(%dma_wait3A_188 : memref<10240x64xf32, #tpu.memory_space<hbm>>) dst(%dma_wait3A_182 : memref<80x64xf32, #tpu.memory_space<vmem>>)
    %dma_start3A_189 = arith.constant 4 : i32
    %dma_start3A_190 = arith.constant 124 : i32
    %dma_start3A_191 = arith.constant 0 : i32
    %dma_start3A_192 = arith.constant 0 : i32
    %dma_start3A_193 = tpu.memref_slice %arg7[%dma_start3A_189, %dma_start3A_191, %dma_start3A_192] : memref<12x80x64xf32, #tpu.memory_space<vmem>> -> memref<1x80x64xf32, #tpu.memory_space<vmem>>
    %dma_start3A_194 = tpu.memref_squeeze %dma_start3A_193 : memref<1x80x64xf32, #tpu.memory_space<vmem>> -> memref<80x64xf32, #tpu.memory_space<vmem>>
    %dma_start3A_195 = arith.constant 0 : i32
    %dma_start3A_196 = tpu.memref_slice %arg6[%dma_start3A_190, %dma_start3A_195] : memref<125x80xi32, #tpu.memory_space<vmem>> -> memref<1x80xi32, #tpu.memory_space<vmem>>
    %dma_start3A_197 = tpu.memref_squeeze %dma_start3A_196 : memref<1x80xi32, #tpu.memory_space<vmem>> -> memref<80xi32, #tpu.memory_space<vmem>>
    %dma_start3A_198 = arith.constant 0 : i32
    %dma_start3A_199 = arith.constant 0 : i32
    %dma_start3A_200 = tpu.memref_slice %arg21[%dma_start3A_198, %dma_start3A_199] : memref<10240x64xf32, #tpu.memory_space<vmem_shared>> -> memref<10240x64xf32, #tpu.memory_space<vmem_shared>>
    tpu.enqueue_indirect_dma source(%dma_start3A_194 : memref<80x64xf32, #tpu.memory_space<vmem>>) target(%dma_start3A_200 : memref<10240x64xf32, #tpu.memory_space<vmem_shared>>) offsets(%dma_start3A_197 : memref<80xi32, #tpu.memory_space<vmem>>) semaphore(%arg13 : memref<!tpu.dma_semaphore, #tpu.memory_space<semaphore_mem>>) {add = true}
    %dma_wait3A_201 = arith.constant 0 : i32
    %dma_wait3A_202 = arith.constant 0 : i32
    %dma_wait3A_203 = arith.constant 0 : i32
    %dma_wait3A_204 = arith.constant 0 : i32
    %dma_wait3A_205 = tpu.memref_slice %arg7[%dma_wait3A_201, %dma_wait3A_203, %dma_wait3A_204] : memref<12x80x64xf32, #tpu.memory_space<vmem>> -> memref<1x80x64xf32, #tpu.memory_space<vmem>>
    %dma_wait3A_206 = tpu.memref_squeeze %dma_wait3A_205 : memref<1x80x64xf32, #tpu.memory_space<vmem>> -> memref<80x64xf32, #tpu.memory_space<vmem>>
    %dma_wait3A_207 = arith.constant 0 : i32
    %dma_wait3A_208 = tpu.memref_slice %arg6[%dma_wait3A_202, %dma_wait3A_207] : memref<125x80xi32, #tpu.memory_space<vmem>> -> memref<1x80xi32, #tpu.memory_space<vmem>>
    %dma_wait3A_209 = tpu.memref_squeeze %dma_wait3A_208 : memref<1x80xi32, #tpu.memory_space<vmem>> -> memref<80xi32, #tpu.memory_space<vmem>>
    %dma_wait3A_210 = arith.constant 0 : i32
    %dma_wait3A_211 = arith.constant 0 : i32
    %dma_wait3A_212 = tpu.memref_slice %arg21[%dma_wait3A_210, %dma_wait3A_211] : memref<10240x64xf32, #tpu.memory_space<vmem_shared>> -> memref<10240x64xf32, #tpu.memory_space<vmem_shared>>
    tpu.wait_indirect_dma semaphore(%arg9 : memref<!tpu.dma_semaphore, #tpu.memory_space<semaphore_mem>>) src(%dma_wait3A_206 : memref<80x64xf32, #tpu.memory_space<vmem>>) dst(%dma_wait3A_212 : memref<10240x64xf32, #tpu.memory_space<vmem_shared>>)
    %dma_wait3A_213 = arith.constant 0 : i32
    %dma_wait3A_214 = arith.constant 0 : i32
    %dma_wait3A_215 = arith.constant 0 : i32
    %dma_wait3A_216 = arith.constant 0 : i32
    %dma_wait3A_217 = tpu.memref_slice %arg7[%dma_wait3A_213, %dma_wait3A_215, %dma_wait3A_216] : memref<12x80x64xf32, #tpu.memory_space<vmem>> -> memref<1x80x64xf32, #tpu.memory_space<vmem>>
    %dma_wait3A_218 = tpu.memref_squeeze %dma_wait3A_217 : memref<1x80x64xf32, #tpu.memory_space<vmem>> -> memref<80x64xf32, #tpu.memory_space<vmem>>
    %dma_wait3A_219 = arith.constant 0 : i32
    %dma_wait3A_220 = tpu.memref_slice %arg6[%dma_wait3A_214, %dma_wait3A_219] : memref<125x80xi32, #tpu.memory_space<vmem>> -> memref<1x80xi32, #tpu.memory_space<vmem>>
    %dma_wait3A_221 = tpu.memref_squeeze %dma_wait3A_220 : memref<1x80xi32, #tpu.memory_space<vmem>> -> memref<80xi32, #tpu.memory_space<vmem>>
    %dma_wait3A_222 = arith.constant 0 : i32
    %dma_wait3A_223 = arith.constant 0 : i32
    %dma_wait3A_224 = tpu.memref_slice %arg21[%dma_wait3A_222, %dma_wait3A_223] : memref<10240x64xf32, #tpu.memory_space<vmem_shared>> -> memref<10240x64xf32, #tpu.memory_space<vmem_shared>>
    tpu.wait_indirect_dma semaphore(%arg10 : memref<!tpu.dma_semaphore, #tpu.memory_space<semaphore_mem>>) src(%dma_wait3A_218 : memref<80x64xf32, #tpu.memory_space<vmem>>) dst(%dma_wait3A_224 : memref<10240x64xf32, #tpu.memory_space<vmem_shared>>)
    %dma_wait3A_225 = arith.constant 0 : i32
    %dma_wait3A_226 = arith.constant 0 : i32
    %dma_wait3A_227 = arith.constant 0 : i32
    %dma_wait3A_228 = arith.constant 0 : i32
    %dma_wait3A_229 = tpu.memref_slice %arg7[%dma_wait3A_225, %dma_wait3A_227, %dma_wait3A_228] : memref<12x80x64xf32, #tpu.memory_space<vmem>> -> memref<1x80x64xf32, #tpu.memory_space<vmem>>
    %dma_wait3A_230 = tpu.memref_squeeze %dma_wait3A_229 : memref<1x80x64xf32, #tpu.memory_space<vmem>> -> memref<80x64xf32, #tpu.memory_space<vmem>>
    %dma_wait3A_231 = arith.constant 0 : i32
    %dma_wait3A_232 = tpu.memref_slice %arg6[%dma_wait3A_226, %dma_wait3A_231] : memref<125x80xi32, #tpu.memory_space<vmem>> -> memref<1x80xi32, #tpu.memory_space<vmem>>
    %dma_wait3A_233 = tpu.memref_squeeze %dma_wait3A_232 : memref<1x80xi32, #tpu.memory_space<vmem>> -> memref<80xi32, #tpu.memory_space<vmem>>
    %dma_wait3A_234 = arith.constant 0 : i32
    %dma_wait3A_235 = arith.constant 0 : i32
    %dma_wait3A_236 = tpu.memref_slice %arg21[%dma_wait3A_234, %dma_wait3A_235] : memref<10240x64xf32, #tpu.memory_space<vmem_shared>> -> memref<10240x64xf32, #tpu.memory_space<vmem_shared>>
    tpu.wait_indirect_dma semaphore(%arg11 : memref<!tpu.dma_semaphore, #tpu.memory_space<semaphore_mem>>) src(%dma_wait3A_230 : memref<80x64xf32, #tpu.memory_space<vmem>>) dst(%dma_wait3A_236 : memref<10240x64xf32, #tpu.memory_space<vmem_shared>>)
    %dma_wait3A_237 = arith.constant 0 : i32
    %dma_wait3A_238 = arith.constant 0 : i32
    %dma_wait3A_239 = arith.constant 0 : i32
    %dma_wait3A_240 = arith.constant 0 : i32
    %dma_wait3A_241 = tpu.memref_slice %arg7[%dma_wait3A_237, %dma_wait3A_239, %dma_wait3A_240] : memref<12x80x64xf32, #tpu.memory_space<vmem>> -> memref<1x80x64xf32, #tpu.memory_space<vmem>>
    %dma_wait3A_242 = tpu.memref_squeeze %dma_wait3A_241 : memref<1x80x64xf32, #tpu.memory_space<vmem>> -> memref<80x64xf32, #tpu.memory_space<vmem>>
    %dma_wait3A_243 = arith.constant 0 : i32
    %dma_wait3A_244 = tpu.memref_slice %arg6[%dma_wait3A_238, %dma_wait3A_243] : memref<125x80xi32, #tpu.memory_space<vmem>> -> memref<1x80xi32, #tpu.memory_space<vmem>>
    %dma_wait3A_245 = tpu.memref_squeeze %dma_wait3A_244 : memref<1x80xi32, #tpu.memory_space<vmem>> -> memref<80xi32, #tpu.memory_space<vmem>>
    %dma_wait3A_246 = arith.constant 0 : i32
    %dma_wait3A_247 = arith.constant 0 : i32
    %dma_wait3A_248 = tpu.memref_slice %arg21[%dma_wait3A_246, %dma_wait3A_247] : memref<10240x64xf32, #tpu.memory_space<vmem_shared>> -> memref<10240x64xf32, #tpu.memory_space<vmem_shared>>
    tpu.wait_indirect_dma semaphore(%arg12 : memref<!tpu.dma_semaphore, #tpu.memory_space<semaphore_mem>>) src(%dma_wait3A_242 : memref<80x64xf32, #tpu.memory_space<vmem>>) dst(%dma_wait3A_248 : memref<10240x64xf32, #tpu.memory_space<vmem_shared>>)
    %dma_wait3A_249 = arith.constant 0 : i32
    %dma_wait3A_250 = arith.constant 0 : i32
    %dma_wait3A_251 = arith.constant 0 : i32
    %dma_wait3A_252 = arith.constant 0 : i32
    %dma_wait3A_253 = tpu.memref_slice %arg7[%dma_wait3A_249, %dma_wait3A_251, %dma_wait3A_252] : memref<12x80x64xf32, #tpu.memory_space<vmem>> -> memref<1x80x64xf32, #tpu.memory_space<vmem>>
    %dma_wait3A_254 = tpu.memref_squeeze %dma_wait3A_253 : memref<1x80x64xf32, #tpu.memory_space<vmem>> -> memref<80x64xf32, #tpu.memory_space<vmem>>
    %dma_wait3A_255 = arith.constant 0 : i32
    %dma_wait3A_256 = tpu.memref_slice %arg6[%dma_wait3A_250, %dma_wait3A_255] : memref<125x80xi32, #tpu.memory_space<vmem>> -> memref<1x80xi32, #tpu.memory_space<vmem>>
    %dma_wait3A_257 = tpu.memref_squeeze %dma_wait3A_256 : memref<1x80xi32, #tpu.memory_space<vmem>> -> memref<80xi32, #tpu.memory_space<vmem>>
    %dma_wait3A_258 = arith.constant 0 : i32
    %dma_wait3A_259 = arith.constant 0 : i32
    %dma_wait3A_260 = tpu.memref_slice %arg21[%dma_wait3A_258, %dma_wait3A_259] : memref<10240x64xf32, #tpu.memory_space<vmem_shared>> -> memref<10240x64xf32, #tpu.memory_space<vmem_shared>>
    tpu.wait_indirect_dma semaphore(%arg13 : memref<!tpu.dma_semaphore, #tpu.memory_space<semaphore_mem>>) src(%dma_wait3A_254 : memref<80x64xf32, #tpu.memory_space<vmem>>) dst(%dma_wait3A_260 : memref<10240x64xf32, #tpu.memory_space<vmem_shared>>)
    %dma_wait3A_261 = arith.constant 0 : i32
    %dma_wait3A_262 = arith.constant 0 : i32
    %dma_wait3A_263 = arith.constant 0 : i32
    %dma_wait3A_264 = arith.constant 0 : i32
    %dma_wait3A_265 = tpu.memref_slice %arg7[%dma_wait3A_261, %dma_wait3A_263, %dma_wait3A_264] : memref<12x80x64xf32, #tpu.memory_space<vmem>> -> memref<1x80x64xf32, #tpu.memory_space<vmem>>
    %dma_wait3A_266 = tpu.memref_squeeze %dma_wait3A_265 : memref<1x80x64xf32, #tpu.memory_space<vmem>> -> memref<80x64xf32, #tpu.memory_space<vmem>>
    %dma_wait3A_267 = arith.constant 0 : i32
    %dma_wait3A_268 = tpu.memref_slice %arg6[%dma_wait3A_262, %dma_wait3A_267] : memref<125x80xi32, #tpu.memory_space<vmem>> -> memref<1x80xi32, #tpu.memory_space<vmem>>
    %dma_wait3A_269 = tpu.memref_squeeze %dma_wait3A_268 : memref<1x80xi32, #tpu.memory_space<vmem>> -> memref<80xi32, #tpu.memory_space<vmem>>
    %dma_wait3A_270 = arith.constant 0 : i32
    %dma_wait3A_271 = arith.constant 0 : i32
    %dma_wait3A_272 = tpu.memref_slice %arg21[%dma_wait3A_270, %dma_wait3A_271] : memref<10240x64xf32, #tpu.memory_space<vmem_shared>> -> memref<10240x64xf32, #tpu.memory_space<vmem_shared>>
    tpu.wait_indirect_dma semaphore(%arg14 : memref<!tpu.dma_semaphore, #tpu.memory_space<semaphore_mem>>) src(%dma_wait3A_266 : memref<80x64xf32, #tpu.memory_space<vmem>>) dst(%dma_wait3A_272 : memref<10240x64xf32, #tpu.memory_space<vmem_shared>>)
    %dma_wait3A_273 = arith.constant 0 : i32
    %dma_wait3A_274 = arith.constant 0 : i32
    %dma_wait3A_275 = arith.constant 0 : i32
    %dma_wait3A_276 = arith.constant 0 : i32
    %dma_wait3A_277 = tpu.memref_slice %arg7[%dma_wait3A_273, %dma_wait3A_275, %dma_wait3A_276] : memref<12x80x64xf32, #tpu.memory_space<vmem>> -> memref<1x80x64xf32, #tpu.memory_space<vmem>>
    %dma_wait3A_278 = tpu.memref_squeeze %dma_wait3A_277 : memref<1x80x64xf32, #tpu.memory_space<vmem>> -> memref<80x64xf32, #tpu.memory_space<vmem>>
    %dma_wait3A_279 = arith.constant 0 : i32
    %dma_wait3A_280 = tpu.memref_slice %arg6[%dma_wait3A_274, %dma_wait3A_279] : memref<125x80xi32, #tpu.memory_space<vmem>> -> memref<1x80xi32, #tpu.memory_space<vmem>>
    %dma_wait3A_281 = tpu.memref_squeeze %dma_wait3A_280 : memref<1x80xi32, #tpu.memory_space<vmem>> -> memref<80xi32, #tpu.memory_space<vmem>>
    %dma_wait3A_282 = arith.constant 0 : i32
    %dma_wait3A_283 = arith.constant 0 : i32
    %dma_wait3A_284 = tpu.memref_slice %arg21[%dma_wait3A_282, %dma_wait3A_283] : memref<10240x64xf32, #tpu.memory_space<vmem_shared>> -> memref<10240x64xf32, #tpu.memory_space<vmem_shared>>
    tpu.wait_indirect_dma semaphore(%arg15 : memref<!tpu.dma_semaphore, #tpu.memory_space<semaphore_mem>>) src(%dma_wait3A_278 : memref<80x64xf32, #tpu.memory_space<vmem>>) dst(%dma_wait3A_284 : memref<10240x64xf32, #tpu.memory_space<vmem_shared>>)
    %dma_wait3A_285 = arith.constant 0 : i32
    %dma_wait3A_286 = arith.constant 0 : i32
    %dma_wait3A_287 = arith.constant 0 : i32
    %dma_wait3A_288 = arith.constant 0 : i32
    %dma_wait3A_289 = tpu.memref_slice %arg7[%dma_wait3A_285, %dma_wait3A_287, %dma_wait3A_288] : memref<12x80x64xf32, #tpu.memory_space<vmem>> -> memref<1x80x64xf32, #tpu.memory_space<vmem>>
    %dma_wait3A_290 = tpu.memref_squeeze %dma_wait3A_289 : memref<1x80x64xf32, #tpu.memory_space<vmem>> -> memref<80x64xf32, #tpu.memory_space<vmem>>
    %dma_wait3A_291 = arith.constant 0 : i32
    %dma_wait3A_292 = tpu.memref_slice %arg6[%dma_wait3A_286, %dma_wait3A_291] : memref<125x80xi32, #tpu.memory_space<vmem>> -> memref<1x80xi32, #tpu.memory_space<vmem>>
    %dma_wait3A_293 = tpu.memref_squeeze %dma_wait3A_292 : memref<1x80xi32, #tpu.memory_space<vmem>> -> memref<80xi32, #tpu.memory_space<vmem>>
    %dma_wait3A_294 = arith.constant 0 : i32
    %dma_wait3A_295 = arith.constant 0 : i32
    %dma_wait3A_296 = tpu.memref_slice %arg21[%dma_wait3A_294, %dma_wait3A_295] : memref<10240x64xf32, #tpu.memory_space<vmem_shared>> -> memref<10240x64xf32, #tpu.memory_space<vmem_shared>>
    tpu.wait_indirect_dma semaphore(%arg16 : memref<!tpu.dma_semaphore, #tpu.memory_space<semaphore_mem>>) src(%dma_wait3A_290 : memref<80x64xf32, #tpu.memory_space<vmem>>) dst(%dma_wait3A_296 : memref<10240x64xf32, #tpu.memory_space<vmem_shared>>)
    %dma_wait3A_297 = arith.constant 0 : i32
    %dma_wait3A_298 = arith.constant 0 : i32
    %dma_wait3A_299 = arith.constant 0 : i32
    %dma_wait3A_300 = arith.constant 0 : i32
    %dma_wait3A_301 = tpu.memref_slice %arg7[%dma_wait3A_297, %dma_wait3A_299, %dma_wait3A_300] : memref<12x80x64xf32, #tpu.memory_space<vmem>> -> memref<1x80x64xf32, #tpu.memory_space<vmem>>
    %dma_wait3A_302 = tpu.memref_squeeze %dma_wait3A_301 : memref<1x80x64xf32, #tpu.memory_space<vmem>> -> memref<80x64xf32, #tpu.memory_space<vmem>>
    %dma_wait3A_303 = arith.constant 0 : i32
    %dma_wait3A_304 = tpu.memref_slice %arg6[%dma_wait3A_298, %dma_wait3A_303] : memref<125x80xi32, #tpu.memory_space<vmem>> -> memref<1x80xi32, #tpu.memory_space<vmem>>
    %dma_wait3A_305 = tpu.memref_squeeze %dma_wait3A_304 : memref<1x80xi32, #tpu.memory_space<vmem>> -> memref<80xi32, #tpu.memory_space<vmem>>
    %dma_wait3A_306 = arith.constant 0 : i32
    %dma_wait3A_307 = arith.constant 0 : i32
    %dma_wait3A_308 = tpu.memref_slice %arg21[%dma_wait3A_306, %dma_wait3A_307] : memref<10240x64xf32, #tpu.memory_space<vmem_shared>> -> memref<10240x64xf32, #tpu.memory_space<vmem_shared>>
    tpu.wait_indirect_dma semaphore(%arg17 : memref<!tpu.dma_semaphore, #tpu.memory_space<semaphore_mem>>) src(%dma_wait3A_302 : memref<80x64xf32, #tpu.memory_space<vmem>>) dst(%dma_wait3A_308 : memref<10240x64xf32, #tpu.memory_space<vmem_shared>>)
    %dma_wait3A_309 = arith.constant 0 : i32
    %dma_wait3A_310 = arith.constant 0 : i32
    %dma_wait3A_311 = arith.constant 0 : i32
    %dma_wait3A_312 = arith.constant 0 : i32
    %dma_wait3A_313 = tpu.memref_slice %arg7[%dma_wait3A_309, %dma_wait3A_311, %dma_wait3A_312] : memref<12x80x64xf32, #tpu.memory_space<vmem>> -> memref<1x80x64xf32, #tpu.memory_space<vmem>>
    %dma_wait3A_314 = tpu.memref_squeeze %dma_wait3A_313 : memref<1x80x64xf32, #tpu.memory_space<vmem>> -> memref<80x64xf32, #tpu.memory_space<vmem>>
    %dma_wait3A_315 = arith.constant 0 : i32
    %dma_wait3A_316 = tpu.memref_slice %arg6[%dma_wait3A_310, %dma_wait3A_315] : memref<125x80xi32, #tpu.memory_space<vmem>> -> memref<1x80xi32, #tpu.memory_space<vmem>>
    %dma_wait3A_317 = tpu.memref_squeeze %dma_wait3A_316 : memref<1x80xi32, #tpu.memory_space<vmem>> -> memref<80xi32, #tpu.memory_space<vmem>>
    %dma_wait3A_318 = arith.constant 0 : i32
    %dma_wait3A_319 = arith.constant 0 : i32
    %dma_wait3A_320 = tpu.memref_slice %arg21[%dma_wait3A_318, %dma_wait3A_319] : memref<10240x64xf32, #tpu.memory_space<vmem_shared>> -> memref<10240x64xf32, #tpu.memory_space<vmem_shared>>
    tpu.wait_indirect_dma semaphore(%arg18 : memref<!tpu.dma_semaphore, #tpu.memory_space<semaphore_mem>>) src(%dma_wait3A_314 : memref<80x64xf32, #tpu.memory_space<vmem>>) dst(%dma_wait3A_320 : memref<10240x64xf32, #tpu.memory_space<vmem_shared>>)
    %dma_wait3A_321 = arith.constant 0 : i32
    %dma_wait3A_322 = arith.constant 0 : i32
    %dma_wait3A_323 = arith.constant 0 : i32
    %dma_wait3A_324 = arith.constant 0 : i32
    %dma_wait3A_325 = tpu.memref_slice %arg7[%dma_wait3A_321, %dma_wait3A_323, %dma_wait3A_324] : memref<12x80x64xf32, #tpu.memory_space<vmem>> -> memref<1x80x64xf32, #tpu.memory_space<vmem>>
    %dma_wait3A_326 = tpu.memref_squeeze %dma_wait3A_325 : memref<1x80x64xf32, #tpu.memory_space<vmem>> -> memref<80x64xf32, #tpu.memory_space<vmem>>
    %dma_wait3A_327 = arith.constant 0 : i32
    %dma_wait3A_328 = tpu.memref_slice %arg6[%dma_wait3A_322, %dma_wait3A_327] : memref<125x80xi32, #tpu.memory_space<vmem>> -> memref<1x80xi32, #tpu.memory_space<vmem>>
    %dma_wait3A_329 = tpu.memref_squeeze %dma_wait3A_328 : memref<1x80xi32, #tpu.memory_space<vmem>> -> memref<80xi32, #tpu.memory_space<vmem>>
    %dma_wait3A_330 = arith.constant 0 : i32
    %dma_wait3A_331 = arith.constant 0 : i32
    %dma_wait3A_332 = tpu.memref_slice %arg21[%dma_wait3A_330, %dma_wait3A_331] : memref<10240x64xf32, #tpu.memory_space<vmem_shared>> -> memref<10240x64xf32, #tpu.memory_space<vmem_shared>>
    tpu.wait_indirect_dma semaphore(%arg19 : memref<!tpu.dma_semaphore, #tpu.memory_space<semaphore_mem>>) src(%dma_wait3A_326 : memref<80x64xf32, #tpu.memory_space<vmem>>) dst(%dma_wait3A_332 : memref<10240x64xf32, #tpu.memory_space<vmem_shared>>)
    %dma_wait3A_333 = arith.constant 0 : i32
    %dma_wait3A_334 = arith.constant 0 : i32
    %dma_wait3A_335 = arith.constant 0 : i32
    %dma_wait3A_336 = arith.constant 0 : i32
    %dma_wait3A_337 = tpu.memref_slice %arg7[%dma_wait3A_333, %dma_wait3A_335, %dma_wait3A_336] : memref<12x80x64xf32, #tpu.memory_space<vmem>> -> memref<1x80x64xf32, #tpu.memory_space<vmem>>
    %dma_wait3A_338 = tpu.memref_squeeze %dma_wait3A_337 : memref<1x80x64xf32, #tpu.memory_space<vmem>> -> memref<80x64xf32, #tpu.memory_space<vmem>>
    %dma_wait3A_339 = arith.constant 0 : i32
    %dma_wait3A_340 = tpu.memref_slice %arg6[%dma_wait3A_334, %dma_wait3A_339] : memref<125x80xi32, #tpu.memory_space<vmem>> -> memref<1x80xi32, #tpu.memory_space<vmem>>
    %dma_wait3A_341 = tpu.memref_squeeze %dma_wait3A_340 : memref<1x80xi32, #tpu.memory_space<vmem>> -> memref<80xi32, #tpu.memory_space<vmem>>
    %dma_wait3A_342 = arith.constant 0 : i32
    %dma_wait3A_343 = arith.constant 0 : i32
    %dma_wait3A_344 = tpu.memref_slice %arg21[%dma_wait3A_342, %dma_wait3A_343] : memref<10240x64xf32, #tpu.memory_space<vmem_shared>> -> memref<10240x64xf32, #tpu.memory_space<vmem_shared>>
    tpu.wait_indirect_dma semaphore(%arg20 : memref<!tpu.dma_semaphore, #tpu.memory_space<semaphore_mem>>) src(%dma_wait3A_338 : memref<80x64xf32, #tpu.memory_space<vmem>>) dst(%dma_wait3A_344 : memref<10240x64xf32, #tpu.memory_space<vmem_shared>>)
    %barrier3A_345 = arith.constant 0 : index
    tpu.barrier barrier_id(%barrier3A_345)
    %eq3A = arith.constant 0 : i32
    %eq3A_346 = arith.cmpi eq, %arg0, %eq3A : i32
    %convert_element_type3A = arith.extui %eq3A_346 : i1 to i32
    %cond3A = arith.constant 0 : i32
    %cond3A_347 = arith.cmpi ne, %convert_element_type3A, %cond3A : i32
    scf.if %cond3A_347 {
      %mul3A_353 = arith.constant 640 : i32
      %mul3A_354 = arith.muli %arg1, %mul3A_353 : i32
      %mul3A_355 = arith.constant 640 : i32
      %mul3A_356 = arith.muli %arg1, %mul3A_355 : i32
      "tpu.region"() ({
        %run_scoped3A_357 = tpu.sem_alloc : memref<!tpu.dma_semaphore, #tpu.memory_space<semaphore_mem>>
        %dma_start3A_358 = arith.constant 0 : i32
        %dma_start3A_359 = tpu.memref_slice %arg4[%mul3A_356, %dma_start3A_358] : memref<10240x128xf32, #tpu.memory_space<hbm>> -> memref<640x64xf32, #tpu.memory_space<hbm>>
        %dma_start3A_360 = arith.constant 0 : i32
        %dma_start3A_361 = tpu.memref_slice %arg21[%mul3A_354, %dma_start3A_360] : memref<10240x64xf32, #tpu.memory_space<vmem_shared>> -> memref<640x64xf32, #tpu.memory_space<vmem_shared>>
        tpu.enqueue_dma source(%dma_start3A_361 : memref<640x64xf32, #tpu.memory_space<vmem_shared>>) target(%dma_start3A_359 : memref<640x64xf32, #tpu.memory_space<hbm>>) target_semaphore(%run_scoped3A_357 : memref<!tpu.dma_semaphore, #tpu.memory_space<semaphore_mem>>)
        %dma_wait3A_362 = arith.constant 0 : i32
        %dma_wait3A_363 = tpu.memref_slice %arg4[%mul3A_356, %dma_wait3A_362] : memref<10240x128xf32, #tpu.memory_space<hbm>> -> memref<640x64xf32, #tpu.memory_space<hbm>>
        %dma_wait3A_364 = arith.constant 0 : i32
        %dma_wait3A_365 = tpu.memref_slice %arg21[%mul3A_354, %dma_wait3A_364] : memref<10240x64xf32, #tpu.memory_space<vmem_shared>> -> memref<640x64xf32, #tpu.memory_space<vmem_shared>>
        tpu.wait_dma2 semaphore(%run_scoped3A_357 : memref<!tpu.dma_semaphore, #tpu.memory_space<semaphore_mem>>) src(%dma_wait3A_365 : memref<640x64xf32, #tpu.memory_space<vmem_shared>>) dst(%dma_wait3A_363 : memref<640x64xf32, #tpu.memory_space<hbm>>)
        tpu.yield
      }) : () -> ()
    } else {
    }
    %eq3A_348 = arith.constant 1 : i32
    %eq3A_349 = arith.cmpi eq, %arg0, %eq3A_348 : i32
    %convert_element_type3A_350 = arith.extui %eq3A_349 : i1 to i32
    %cond3A_351 = arith.constant 0 : i32
    %cond3A_352 = arith.cmpi ne, %convert_element_type3A_350, %cond3A_351 : i32
    scf.if %cond3A_352 {
      %mul3A_353 = arith.constant 640 : i32
      %mul3A_354 = arith.muli %arg1, %mul3A_353 : i32
      %mul3A_355 = arith.constant 640 : i32
      %mul3A_356 = arith.muli %arg1, %mul3A_355 : i32
      "tpu.region"() ({
        %run_scoped3A_357 = tpu.sem_alloc : memref<!tpu.dma_semaphore, #tpu.memory_space<semaphore_mem>>
        %dma_start3A_358 = arith.constant 64 : i32
        %dma_start3A_359 = tpu.memref_slice %arg4[%mul3A_356, %dma_start3A_358] : memref<10240x128xf32, #tpu.memory_space<hbm>> -> memref<640x64xf32, #tpu.memory_space<hbm>>
        %dma_start3A_360 = arith.constant 0 : i32
        %dma_start3A_361 = tpu.memref_slice %arg21[%mul3A_354, %dma_start3A_360] : memref<10240x64xf32, #tpu.memory_space<vmem_shared>> -> memref<640x64xf32, #tpu.memory_space<vmem_shared>>
        tpu.enqueue_dma source(%dma_start3A_361 : memref<640x64xf32, #tpu.memory_space<vmem_shared>>) target(%dma_start3A_359 : memref<640x64xf32, #tpu.memory_space<hbm>>) target_semaphore(%run_scoped3A_357 : memref<!tpu.dma_semaphore, #tpu.memory_space<semaphore_mem>>)
        %dma_wait3A_362 = arith.constant 64 : i32
        %dma_wait3A_363 = tpu.memref_slice %arg4[%mul3A_356, %dma_wait3A_362] : memref<10240x128xf32, #tpu.memory_space<hbm>> -> memref<640x64xf32, #tpu.memory_space<hbm>>
        %dma_wait3A_364 = arith.constant 0 : i32
        %dma_wait3A_365 = tpu.memref_slice %arg21[%mul3A_354, %dma_wait3A_364] : memref<10240x64xf32, #tpu.memory_space<vmem_shared>> -> memref<640x64xf32, #tpu.memory_space<vmem_shared>>
        tpu.wait_dma2 semaphore(%run_scoped3A_357 : memref<!tpu.dma_semaphore, #tpu.memory_space<semaphore_mem>>) src(%dma_wait3A_365 : memref<640x64xf32, #tpu.memory_space<vmem_shared>>) dst(%dma_wait3A_363 : memref<640x64xf32, #tpu.memory_space<hbm>>)
        tpu.yield
      }) : () -> ()
    } else {
    }
    return
  }
}

#map = affine_map<(d0, d1) -> (0, 0, 0, 0)>
#map1 = affine_map<(d0, d1) -> (0, 0)>
#map2 = affine_map<(d0, d1) -> (0, 0, 0)>
module attributes {stable_mosaic.version = 14 : i64} {
  func.func @_deg_kernel(%arg0: i32, %arg1: i32, %arg2: memref<2x32x125x80xi32, #tpu.memory_space<hbm>>, %arg3: memref<10240x16xf32, #tpu.memory_space<hbm>>, %arg4: memref<2x10240x16xf32, #tpu.memory_space<hbm>>, %arg5: memref<125x80xi32, #tpu.memory_space<vmem>>, %arg6: memref<80x16xf32, #tpu.memory_space<vmem>>, %arg7: memref<!tpu.dma_semaphore, #tpu.memory_space<semaphore_mem>>, %arg8: memref<10240x16xf32, #tpu.memory_space<vmem_shared>>) attributes {dimension_semantics = [#tpu.dimension_semantics<core_parallel>, #tpu.dimension_semantics<subcore_parallel>], iteration_bounds = array<i64: 2, 16>, scalar_prefetch = 0 : i64, scratch_operands = 4 : i64, tpu.core_type = #tpu.core_type<sc_vector_subcore>, window_params = [{transform_indices = #map}, {transform_indices = #map1}, {transform_indices = #map2}]} {
    %mul3A = arith.constant 16 : i32
    %mul3A_0 = arith.muli %arg0, %mul3A : i32
    %add3A = arith.addi %mul3A_0, %arg1 : i32
    %run_scoped3A = arith.constant 1 : i32
    "tpu.region"() ({
      %run_scoped3A_243 = tpu.sem_alloc : memref<!tpu.dma_semaphore, #tpu.memory_space<semaphore_mem>>
      %dma_start3A_244 = arith.constant 0 : i32
      %dma_start3A_245 = arith.constant 0 : i32
      %dma_start3A_246 = tpu.memref_slice %arg2[%run_scoped3A, %add3A, %dma_start3A_244, %dma_start3A_245] : memref<2x32x125x80xi32, #tpu.memory_space<hbm>> -> memref<1x1x125x80xi32, #tpu.memory_space<hbm>>
      %dma_start3A_247 = tpu.memref_squeeze %dma_start3A_246 : memref<1x1x125x80xi32, #tpu.memory_space<hbm>> -> memref<125x80xi32, #tpu.memory_space<hbm>>
      %dma_start3A_248 = arith.constant 0 : i32
      %dma_start3A_249 = arith.constant 0 : i32
      %dma_start3A_250 = tpu.memref_slice %arg2[%run_scoped3A, %add3A, %dma_start3A_248, %dma_start3A_249] : memref<2x32x125x80xi32, #tpu.memory_space<hbm>> -> memref<1x1x125x80xi32, #tpu.memory_space<hbm>>
      %dma_start3A_251 = tpu.memref_squeeze %dma_start3A_250 : memref<1x1x125x80xi32, #tpu.memory_space<hbm>> -> memref<125x80xi32, #tpu.memory_space<hbm>>
      tpu.enqueue_dma source(%dma_start3A_251 : memref<125x80xi32, #tpu.memory_space<hbm>>) target(%arg5 : memref<125x80xi32, #tpu.memory_space<vmem>>) target_semaphore(%run_scoped3A_243 : memref<!tpu.dma_semaphore, #tpu.memory_space<semaphore_mem>>)
      %dma_wait3A_252 = arith.constant 0 : i32
      %dma_wait3A_253 = arith.constant 0 : i32
      %dma_wait3A_254 = tpu.memref_slice %arg2[%run_scoped3A, %add3A, %dma_wait3A_252, %dma_wait3A_253] : memref<2x32x125x80xi32, #tpu.memory_space<hbm>> -> memref<1x1x125x80xi32, #tpu.memory_space<hbm>>
      %dma_wait3A_255 = tpu.memref_squeeze %dma_wait3A_254 : memref<1x1x125x80xi32, #tpu.memory_space<hbm>> -> memref<125x80xi32, #tpu.memory_space<hbm>>
      %dma_wait3A_256 = arith.constant 0 : i32
      %dma_wait3A_257 = arith.constant 0 : i32
      %dma_wait3A_258 = tpu.memref_slice %arg2[%run_scoped3A, %add3A, %dma_wait3A_256, %dma_wait3A_257] : memref<2x32x125x80xi32, #tpu.memory_space<hbm>> -> memref<1x1x125x80xi32, #tpu.memory_space<hbm>>
      %dma_wait3A_259 = tpu.memref_squeeze %dma_wait3A_258 : memref<1x1x125x80xi32, #tpu.memory_space<hbm>> -> memref<125x80xi32, #tpu.memory_space<hbm>>
      tpu.wait_dma2 semaphore(%run_scoped3A_243 : memref<!tpu.dma_semaphore, #tpu.memory_space<semaphore_mem>>) src(%dma_wait3A_259 : memref<125x80xi32, #tpu.memory_space<hbm>>) dst(%arg5 : memref<125x80xi32, #tpu.memory_space<vmem>>)
      tpu.yield
    }) : () -> ()
    %scan3A = arith.constant 0 : i32
    %scan3A_1 = arith.constant 0 : i32
    %scan3A_2 = arith.constant 80 : i32
    %scan3A_3 = arith.addi %scan3A_1, %scan3A_2 : i32
    %scan3A_4 = arith.constant 1 : i32
    scf.for %scan3A_243 = %scan3A_1 to %scan3A_3 step %scan3A_4  : i32 {
      %broadcast_in_dim3A = arith.constant 1.000000e+00 : f32
      %broadcast_in_dim3A_244 = vector.broadcast %broadcast_in_dim3A : f32 to vector<16xf32>
      %swap3A = arith.index_cast %scan3A_243 : i32 to index
      %swap3A_245 = arith.constant 0 : index
      %swap3A_246 = tpu.vector_load %arg6[%swap3A, %swap3A_245] {strides = array<i32>} : memref<80x16xf32, #tpu.memory_space<vmem>>, vector<1x16xf32>,
      %swap3A_247 = vector.shape_cast %swap3A_246 : vector<1x16xf32> to vector<16xf32>
      %swap3A_248 = vector.shape_cast %broadcast_in_dim3A_244 : vector<16xf32> to vector<1x16xf32>
      tpu.vector_store %arg6[%swap3A, %swap3A_245], %swap3A_248 {strides = array<i32>} : memref<80x16xf32, #tpu.memory_space<vmem>>, vector<1x16xf32>,
    }
    %scan3A_5 = arith.constant 80 : i32
    %mul3A_6 = arith.constant 640 : i32
    %mul3A_7 = arith.muli %arg1, %mul3A_6 : i32
    %mul3A_8 = arith.constant 640 : i32
    %mul3A_9 = arith.muli %arg1, %mul3A_8 : i32
    "tpu.region"() ({
      %run_scoped3A_243 = tpu.sem_alloc : memref<!tpu.dma_semaphore, #tpu.memory_space<semaphore_mem>>
      %dma_start3A_244 = arith.constant 0 : i32
      %dma_start3A_245 = tpu.memref_slice %arg8[%mul3A_9, %dma_start3A_244] : memref<10240x16xf32, #tpu.memory_space<vmem_shared>> -> memref<640x16xf32, #tpu.memory_space<vmem_shared>>
      %dma_start3A_246 = arith.constant 0 : i32
      %dma_start3A_247 = tpu.memref_slice %arg3[%mul3A_7, %dma_start3A_246] : memref<10240x16xf32, #tpu.memory_space<hbm>> -> memref<640x16xf32, #tpu.memory_space<hbm>>
      tpu.enqueue_dma source(%dma_start3A_247 : memref<640x16xf32, #tpu.memory_space<hbm>>) target(%dma_start3A_245 : memref<640x16xf32, #tpu.memory_space<vmem_shared>>) target_semaphore(%run_scoped3A_243 : memref<!tpu.dma_semaphore, #tpu.memory_space<semaphore_mem>>)
      %dma_wait3A_248 = arith.constant 0 : i32
      %dma_wait3A_249 = tpu.memref_slice %arg8[%mul3A_9, %dma_wait3A_248] : memref<10240x16xf32, #tpu.memory_space<vmem_shared>> -> memref<640x16xf32, #tpu.memory_space<vmem_shared>>
      %dma_wait3A_250 = arith.constant 0 : i32
      %dma_wait3A_251 = tpu.memref_slice %arg3[%mul3A_7, %dma_wait3A_250] : memref<10240x16xf32, #tpu.memory_space<hbm>> -> memref<640x16xf32, #tpu.memory_space<hbm>>
      tpu.wait_dma2 semaphore(%run_scoped3A_243 : memref<!tpu.dma_semaphore, #tpu.memory_space<semaphore_mem>>) src(%dma_wait3A_251 : memref<640x16xf32, #tpu.memory_space<hbm>>) dst(%dma_wait3A_249 : memref<640x16xf32, #tpu.memory_space<vmem_shared>>)
      tpu.yield
    }) : () -> ()
    %barrier3A = arith.constant 0 : index
    tpu.barrier barrier_id(%barrier3A)
    %dma_start3A = arith.constant 0 : i32
    %dma_start3A_10 = arith.constant 0 : i32
    %dma_start3A_11 = tpu.memref_slice %arg5[%dma_start3A, %dma_start3A_10] : memref<125x80xi32, #tpu.memory_space<vmem>> -> memref<1x80xi32, #tpu.memory_space<vmem>>
    %dma_start3A_12 = tpu.memref_squeeze %dma_start3A_11 : memref<1x80xi32, #tpu.memory_space<vmem>> -> memref<80xi32, #tpu.memory_space<vmem>>
    %dma_start3A_13 = arith.constant 0 : i32
    %dma_start3A_14 = arith.constant 0 : i32
    %dma_start3A_15 = tpu.memref_slice %arg8[%dma_start3A_13, %dma_start3A_14] : memref<10240x16xf32, #tpu.memory_space<vmem_shared>> -> memref<10240x16xf32, #tpu.memory_space<vmem_shared>>
    tpu.enqueue_indirect_dma source(%arg6 : memref<80x16xf32, #tpu.memory_space<vmem>>) target(%dma_start3A_15 : memref<10240x16xf32, #tpu.memory_space<vmem_shared>>) offsets(%dma_start3A_12 : memref<80xi32, #tpu.memory_space<vmem>>) semaphore(%arg7 : memref<!tpu.dma_semaphore, #tpu.memory_space<semaphore_mem>>) {add = true}
    %dma_start3A_16 = arith.constant 1 : i32
    %dma_start3A_17 = arith.constant 0 : i32
    %dma_start3A_18 = tpu.memref_slice %arg5[%dma_start3A_16, %dma_start3A_17] : memref<125x80xi32, #tpu.memory_space<vmem>> -> memref<1x80xi32, #tpu.memory_space<vmem>>
    %dma_start3A_19 = tpu.memref_squeeze %dma_start3A_18 : memref<1x80xi32, #tpu.memory_space<vmem>> -> memref<80xi32, #tpu.memory_space<vmem>>
    %dma_start3A_20 = arith.constant 0 : i32
    %dma_start3A_21 = arith.constant 0 : i32
    %dma_start3A_22 = tpu.memref_slice %arg8[%dma_start3A_20, %dma_start3A_21] : memref<10240x16xf32, #tpu.memory_space<vmem_shared>> -> memref<10240x16xf32, #tpu.memory_space<vmem_shared>>
    tpu.enqueue_indirect_dma source(%arg6 : memref<80x16xf32, #tpu.memory_space<vmem>>) target(%dma_start3A_22 : memref<10240x16xf32, #tpu.memory_space<vmem_shared>>) offsets(%dma_start3A_19 : memref<80xi32, #tpu.memory_space<vmem>>) semaphore(%arg7 : memref<!tpu.dma_semaphore, #tpu.memory_space<semaphore_mem>>) {add = true}
    %dma_start3A_23 = arith.constant 2 : i32
    %dma_start3A_24 = arith.constant 0 : i32
    %dma_start3A_25 = tpu.memref_slice %arg5[%dma_start3A_23, %dma_start3A_24] : memref<125x80xi32, #tpu.memory_space<vmem>> -> memref<1x80xi32, #tpu.memory_space<vmem>>
    %dma_start3A_26 = tpu.memref_squeeze %dma_start3A_25 : memref<1x80xi32, #tpu.memory_space<vmem>> -> memref<80xi32, #tpu.memory_space<vmem>>
    %dma_start3A_27 = arith.constant 0 : i32
    %dma_start3A_28 = arith.constant 0 : i32
    %dma_start3A_29 = tpu.memref_slice %arg8[%dma_start3A_27, %dma_start3A_28] : memref<10240x16xf32, #tpu.memory_space<vmem_shared>> -> memref<10240x16xf32, #tpu.memory_space<vmem_shared>>
    tpu.enqueue_indirect_dma source(%arg6 : memref<80x16xf32, #tpu.memory_space<vmem>>) target(%dma_start3A_29 : memref<10240x16xf32, #tpu.memory_space<vmem_shared>>) offsets(%dma_start3A_26 : memref<80xi32, #tpu.memory_space<vmem>>) semaphore(%arg7 : memref<!tpu.dma_semaphore, #tpu.memory_space<semaphore_mem>>) {add = true}
    %dma_start3A_30 = arith.constant 3 : i32
    %dma_start3A_31 = arith.constant 0 : i32
    %dma_start3A_32 = tpu.memref_slice %arg5[%dma_start3A_30, %dma_start3A_31] : memref<125x80xi32, #tpu.memory_space<vmem>> -> memref<1x80xi32, #tpu.memory_space<vmem>>
    %dma_start3A_33 = tpu.memref_squeeze %dma_start3A_32 : memref<1x80xi32, #tpu.memory_space<vmem>> -> memref<80xi32, #tpu.memory_space<vmem>>
    %dma_start3A_34 = arith.constant 0 : i32
    %dma_start3A_35 = arith.constant 0 : i32
    %dma_start3A_36 = tpu.memref_slice %arg8[%dma_start3A_34, %dma_start3A_35] : memref<10240x16xf32, #tpu.memory_space<vmem_shared>> -> memref<10240x16xf32, #tpu.memory_space<vmem_shared>>
    tpu.enqueue_indirect_dma source(%arg6 : memref<80x16xf32, #tpu.memory_space<vmem>>) target(%dma_start3A_36 : memref<10240x16xf32, #tpu.memory_space<vmem_shared>>) offsets(%dma_start3A_33 : memref<80xi32, #tpu.memory_space<vmem>>) semaphore(%arg7 : memref<!tpu.dma_semaphore, #tpu.memory_space<semaphore_mem>>) {add = true}
    %dma_start3A_37 = arith.constant 4 : i32
    %dma_start3A_38 = arith.constant 0 : i32
    %dma_start3A_39 = tpu.memref_slice %arg5[%dma_start3A_37, %dma_start3A_38] : memref<125x80xi32, #tpu.memory_space<vmem>> -> memref<1x80xi32, #tpu.memory_space<vmem>>
    %dma_start3A_40 = tpu.memref_squeeze %dma_start3A_39 : memref<1x80xi32, #tpu.memory_space<vmem>> -> memref<80xi32, #tpu.memory_space<vmem>>
    %dma_start3A_41 = arith.constant 0 : i32
    %dma_start3A_42 = arith.constant 0 : i32
    %dma_start3A_43 = tpu.memref_slice %arg8[%dma_start3A_41, %dma_start3A_42] : memref<10240x16xf32, #tpu.memory_space<vmem_shared>> -> memref<10240x16xf32, #tpu.memory_space<vmem_shared>>
    tpu.enqueue_indirect_dma source(%arg6 : memref<80x16xf32, #tpu.memory_space<vmem>>) target(%dma_start3A_43 : memref<10240x16xf32, #tpu.memory_space<vmem_shared>>) offsets(%dma_start3A_40 : memref<80xi32, #tpu.memory_space<vmem>>) semaphore(%arg7 : memref<!tpu.dma_semaphore, #tpu.memory_space<semaphore_mem>>) {add = true}
    %dma_start3A_44 = arith.constant 5 : i32
    %dma_start3A_45 = arith.constant 0 : i32
    %dma_start3A_46 = tpu.memref_slice %arg5[%dma_start3A_44, %dma_start3A_45] : memref<125x80xi32, #tpu.memory_space<vmem>> -> memref<1x80xi32, #tpu.memory_space<vmem>>
    %dma_start3A_47 = tpu.memref_squeeze %dma_start3A_46 : memref<1x80xi32, #tpu.memory_space<vmem>> -> memref<80xi32, #tpu.memory_space<vmem>>
    %dma_start3A_48 = arith.constant 0 : i32
    %dma_start3A_49 = arith.constant 0 : i32
    %dma_start3A_50 = tpu.memref_slice %arg8[%dma_start3A_48, %dma_start3A_49] : memref<10240x16xf32, #tpu.memory_space<vmem_shared>> -> memref<10240x16xf32, #tpu.memory_space<vmem_shared>>
    tpu.enqueue_indirect_dma source(%arg6 : memref<80x16xf32, #tpu.memory_space<vmem>>) target(%dma_start3A_50 : memref<10240x16xf32, #tpu.memory_space<vmem_shared>>) offsets(%dma_start3A_47 : memref<80xi32, #tpu.memory_space<vmem>>) semaphore(%arg7 : memref<!tpu.dma_semaphore, #tpu.memory_space<semaphore_mem>>) {add = true}
    %dma_start3A_51 = arith.constant 6 : i32
    %dma_start3A_52 = arith.constant 0 : i32
    %dma_start3A_53 = tpu.memref_slice %arg5[%dma_start3A_51, %dma_start3A_52] : memref<125x80xi32, #tpu.memory_space<vmem>> -> memref<1x80xi32, #tpu.memory_space<vmem>>
    %dma_start3A_54 = tpu.memref_squeeze %dma_start3A_53 : memref<1x80xi32, #tpu.memory_space<vmem>> -> memref<80xi32, #tpu.memory_space<vmem>>
    %dma_start3A_55 = arith.constant 0 : i32
    %dma_start3A_56 = arith.constant 0 : i32
    %dma_start3A_57 = tpu.memref_slice %arg8[%dma_start3A_55, %dma_start3A_56] : memref<10240x16xf32, #tpu.memory_space<vmem_shared>> -> memref<10240x16xf32, #tpu.memory_space<vmem_shared>>
    tpu.enqueue_indirect_dma source(%arg6 : memref<80x16xf32, #tpu.memory_space<vmem>>) target(%dma_start3A_57 : memref<10240x16xf32, #tpu.memory_space<vmem_shared>>) offsets(%dma_start3A_54 : memref<80xi32, #tpu.memory_space<vmem>>) semaphore(%arg7 : memref<!tpu.dma_semaphore, #tpu.memory_space<semaphore_mem>>) {add = true}
    %dma_start3A_58 = arith.constant 7 : i32
    %dma_start3A_59 = arith.constant 0 : i32
    %dma_start3A_60 = tpu.memref_slice %arg5[%dma_start3A_58, %dma_start3A_59] : memref<125x80xi32, #tpu.memory_space<vmem>> -> memref<1x80xi32, #tpu.memory_space<vmem>>
    %dma_start3A_61 = tpu.memref_squeeze %dma_start3A_60 : memref<1x80xi32, #tpu.memory_space<vmem>> -> memref<80xi32, #tpu.memory_space<vmem>>
    %dma_start3A_62 = arith.constant 0 : i32
    %dma_start3A_63 = arith.constant 0 : i32
    %dma_start3A_64 = tpu.memref_slice %arg8[%dma_start3A_62, %dma_start3A_63] : memref<10240x16xf32, #tpu.memory_space<vmem_shared>> -> memref<10240x16xf32, #tpu.memory_space<vmem_shared>>
    tpu.enqueue_indirect_dma source(%arg6 : memref<80x16xf32, #tpu.memory_space<vmem>>) target(%dma_start3A_64 : memref<10240x16xf32, #tpu.memory_space<vmem_shared>>) offsets(%dma_start3A_61 : memref<80xi32, #tpu.memory_space<vmem>>) semaphore(%arg7 : memref<!tpu.dma_semaphore, #tpu.memory_space<semaphore_mem>>) {add = true}
    %dma_start3A_65 = arith.constant 8 : i32
    %dma_start3A_66 = arith.constant 0 : i32
    %dma_start3A_67 = tpu.memref_slice %arg5[%dma_start3A_65, %dma_start3A_66] : memref<125x80xi32, #tpu.memory_space<vmem>> -> memref<1x80xi32, #tpu.memory_space<vmem>>
    %dma_start3A_68 = tpu.memref_squeeze %dma_start3A_67 : memref<1x80xi32, #tpu.memory_space<vmem>> -> memref<80xi32, #tpu.memory_space<vmem>>
    %dma_start3A_69 = arith.constant 0 : i32
    %dma_start3A_70 = arith.constant 0 : i32
    %dma_start3A_71 = tpu.memref_slice %arg8[%dma_start3A_69, %dma_start3A_70] : memref<10240x16xf32, #tpu.memory_space<vmem_shared>> -> memref<10240x16xf32, #tpu.memory_space<vmem_shared>>
    tpu.enqueue_indirect_dma source(%arg6 : memref<80x16xf32, #tpu.memory_space<vmem>>) target(%dma_start3A_71 : memref<10240x16xf32, #tpu.memory_space<vmem_shared>>) offsets(%dma_start3A_68 : memref<80xi32, #tpu.memory_space<vmem>>) semaphore(%arg7 : memref<!tpu.dma_semaphore, #tpu.memory_space<semaphore_mem>>) {add = true}
    %dma_start3A_72 = arith.constant 9 : i32
    %dma_start3A_73 = arith.constant 0 : i32
    %dma_start3A_74 = tpu.memref_slice %arg5[%dma_start3A_72, %dma_start3A_73] : memref<125x80xi32, #tpu.memory_space<vmem>> -> memref<1x80xi32, #tpu.memory_space<vmem>>
    %dma_start3A_75 = tpu.memref_squeeze %dma_start3A_74 : memref<1x80xi32, #tpu.memory_space<vmem>> -> memref<80xi32, #tpu.memory_space<vmem>>
    %dma_start3A_76 = arith.constant 0 : i32
    %dma_start3A_77 = arith.constant 0 : i32
    %dma_start3A_78 = tpu.memref_slice %arg8[%dma_start3A_76, %dma_start3A_77] : memref<10240x16xf32, #tpu.memory_space<vmem_shared>> -> memref<10240x16xf32, #tpu.memory_space<vmem_shared>>
    tpu.enqueue_indirect_dma source(%arg6 : memref<80x16xf32, #tpu.memory_space<vmem>>) target(%dma_start3A_78 : memref<10240x16xf32, #tpu.memory_space<vmem_shared>>) offsets(%dma_start3A_75 : memref<80xi32, #tpu.memory_space<vmem>>) semaphore(%arg7 : memref<!tpu.dma_semaphore, #tpu.memory_space<semaphore_mem>>) {add = true}
    %dma_start3A_79 = arith.constant 10 : i32
    %dma_start3A_80 = arith.constant 0 : i32
    %dma_start3A_81 = tpu.memref_slice %arg5[%dma_start3A_79, %dma_start3A_80] : memref<125x80xi32, #tpu.memory_space<vmem>> -> memref<1x80xi32, #tpu.memory_space<vmem>>
    %dma_start3A_82 = tpu.memref_squeeze %dma_start3A_81 : memref<1x80xi32, #tpu.memory_space<vmem>> -> memref<80xi32, #tpu.memory_space<vmem>>
    %dma_start3A_83 = arith.constant 0 : i32
    %dma_start3A_84 = arith.constant 0 : i32
    %dma_start3A_85 = tpu.memref_slice %arg8[%dma_start3A_83, %dma_start3A_84] : memref<10240x16xf32, #tpu.memory_space<vmem_shared>> -> memref<10240x16xf32, #tpu.memory_space<vmem_shared>>
    tpu.enqueue_indirect_dma source(%arg6 : memref<80x16xf32, #tpu.memory_space<vmem>>) target(%dma_start3A_85 : memref<10240x16xf32, #tpu.memory_space<vmem_shared>>) offsets(%dma_start3A_82 : memref<80xi32, #tpu.memory_space<vmem>>) semaphore(%arg7 : memref<!tpu.dma_semaphore, #tpu.memory_space<semaphore_mem>>) {add = true}
    %dma_start3A_86 = arith.constant 11 : i32
    %dma_start3A_87 = arith.constant 0 : i32
    %dma_start3A_88 = tpu.memref_slice %arg5[%dma_start3A_86, %dma_start3A_87] : memref<125x80xi32, #tpu.memory_space<vmem>> -> memref<1x80xi32, #tpu.memory_space<vmem>>
    %dma_start3A_89 = tpu.memref_squeeze %dma_start3A_88 : memref<1x80xi32, #tpu.memory_space<vmem>> -> memref<80xi32, #tpu.memory_space<vmem>>
    %dma_start3A_90 = arith.constant 0 : i32
    %dma_start3A_91 = arith.constant 0 : i32
    %dma_start3A_92 = tpu.memref_slice %arg8[%dma_start3A_90, %dma_start3A_91] : memref<10240x16xf32, #tpu.memory_space<vmem_shared>> -> memref<10240x16xf32, #tpu.memory_space<vmem_shared>>
    tpu.enqueue_indirect_dma source(%arg6 : memref<80x16xf32, #tpu.memory_space<vmem>>) target(%dma_start3A_92 : memref<10240x16xf32, #tpu.memory_space<vmem_shared>>) offsets(%dma_start3A_89 : memref<80xi32, #tpu.memory_space<vmem>>) semaphore(%arg7 : memref<!tpu.dma_semaphore, #tpu.memory_space<semaphore_mem>>) {add = true}
    %dma_start3A_93 = arith.constant 12 : i32
    %dma_start3A_94 = arith.constant 0 : i32
    %dma_start3A_95 = tpu.memref_slice %arg5[%dma_start3A_93, %dma_start3A_94] : memref<125x80xi32, #tpu.memory_space<vmem>> -> memref<1x80xi32, #tpu.memory_space<vmem>>
    %dma_start3A_96 = tpu.memref_squeeze %dma_start3A_95 : memref<1x80xi32, #tpu.memory_space<vmem>> -> memref<80xi32, #tpu.memory_space<vmem>>
    %dma_start3A_97 = arith.constant 0 : i32
    %dma_start3A_98 = arith.constant 0 : i32
    %dma_start3A_99 = tpu.memref_slice %arg8[%dma_start3A_97, %dma_start3A_98] : memref<10240x16xf32, #tpu.memory_space<vmem_shared>> -> memref<10240x16xf32, #tpu.memory_space<vmem_shared>>
    tpu.enqueue_indirect_dma source(%arg6 : memref<80x16xf32, #tpu.memory_space<vmem>>) target(%dma_start3A_99 : memref<10240x16xf32, #tpu.memory_space<vmem_shared>>) offsets(%dma_start3A_96 : memref<80xi32, #tpu.memory_space<vmem>>) semaphore(%arg7 : memref<!tpu.dma_semaphore, #tpu.memory_space<semaphore_mem>>) {add = true}
    %dma_start3A_100 = arith.constant 13 : i32
    %dma_start3A_101 = arith.constant 0 : i32
    %dma_start3A_102 = tpu.memref_slice %arg5[%dma_start3A_100, %dma_start3A_101] : memref<125x80xi32, #tpu.memory_space<vmem>> -> memref<1x80xi32, #tpu.memory_space<vmem>>
    %dma_start3A_103 = tpu.memref_squeeze %dma_start3A_102 : memref<1x80xi32, #tpu.memory_space<vmem>> -> memref<80xi32, #tpu.memory_space<vmem>>
    %dma_start3A_104 = arith.constant 0 : i32
    %dma_start3A_105 = arith.constant 0 : i32
    %dma_start3A_106 = tpu.memref_slice %arg8[%dma_start3A_104, %dma_start3A_105] : memref<10240x16xf32, #tpu.memory_space<vmem_shared>> -> memref<10240x16xf32, #tpu.memory_space<vmem_shared>>
    tpu.enqueue_indirect_dma source(%arg6 : memref<80x16xf32, #tpu.memory_space<vmem>>) target(%dma_start3A_106 : memref<10240x16xf32, #tpu.memory_space<vmem_shared>>) offsets(%dma_start3A_103 : memref<80xi32, #tpu.memory_space<vmem>>) semaphore(%arg7 : memref<!tpu.dma_semaphore, #tpu.memory_space<semaphore_mem>>) {add = true}
    %dma_start3A_107 = arith.constant 14 : i32
    %dma_start3A_108 = arith.constant 0 : i32
    %dma_start3A_109 = tpu.memref_slice %arg5[%dma_start3A_107, %dma_start3A_108] : memref<125x80xi32, #tpu.memory_space<vmem>> -> memref<1x80xi32, #tpu.memory_space<vmem>>
    %dma_start3A_110 = tpu.memref_squeeze %dma_start3A_109 : memref<1x80xi32, #tpu.memory_space<vmem>> -> memref<80xi32, #tpu.memory_space<vmem>>
    %dma_start3A_111 = arith.constant 0 : i32
    %dma_start3A_112 = arith.constant 0 : i32
    %dma_start3A_113 = tpu.memref_slice %arg8[%dma_start3A_111, %dma_start3A_112] : memref<10240x16xf32, #tpu.memory_space<vmem_shared>> -> memref<10240x16xf32, #tpu.memory_space<vmem_shared>>
    tpu.enqueue_indirect_dma source(%arg6 : memref<80x16xf32, #tpu.memory_space<vmem>>) target(%dma_start3A_113 : memref<10240x16xf32, #tpu.memory_space<vmem_shared>>) offsets(%dma_start3A_110 : memref<80xi32, #tpu.memory_space<vmem>>) semaphore(%arg7 : memref<!tpu.dma_semaphore, #tpu.memory_space<semaphore_mem>>) {add = true}
    %dma_start3A_114 = arith.constant 15 : i32
    %dma_start3A_115 = arith.constant 0 : i32
    %dma_start3A_116 = tpu.memref_slice %arg5[%dma_start3A_114, %dma_start3A_115] : memref<125x80xi32, #tpu.memory_space<vmem>> -> memref<1x80xi32, #tpu.memory_space<vmem>>
    %dma_start3A_117 = tpu.memref_squeeze %dma_start3A_116 : memref<1x80xi32, #tpu.memory_space<vmem>> -> memref<80xi32, #tpu.memory_space<vmem>>
    %dma_start3A_118 = arith.constant 0 : i32
    %dma_start3A_119 = arith.constant 0 : i32
    %dma_start3A_120 = tpu.memref_slice %arg8[%dma_start3A_118, %dma_start3A_119] : memref<10240x16xf32, #tpu.memory_space<vmem_shared>> -> memref<10240x16xf32, #tpu.memory_space<vmem_shared>>
    tpu.enqueue_indirect_dma source(%arg6 : memref<80x16xf32, #tpu.memory_space<vmem>>) target(%dma_start3A_120 : memref<10240x16xf32, #tpu.memory_space<vmem_shared>>) offsets(%dma_start3A_117 : memref<80xi32, #tpu.memory_space<vmem>>) semaphore(%arg7 : memref<!tpu.dma_semaphore, #tpu.memory_space<semaphore_mem>>) {add = true}
    %scan3A_121 = arith.constant 0 : i32
    %scan3A_122 = arith.constant 0 : i32
    %scan3A_123 = arith.constant 109 : i32
    %scan3A_124 = arith.addi %scan3A_122, %scan3A_123 : i32
    %scan3A_125 = arith.constant 1 : i32
    scf.for %scan3A_243 = %scan3A_122 to %scan3A_124 step %scan3A_125  : i32 {
      %dma_wait3A_244 = arith.constant 0 : i32
      %dma_wait3A_245 = arith.constant 0 : i32
      %dma_wait3A_246 = tpu.memref_slice %arg5[%dma_wait3A_244, %dma_wait3A_245] : memref<125x80xi32, #tpu.memory_space<vmem>> -> memref<1x80xi32, #tpu.memory_space<vmem>>
      %dma_wait3A_247 = tpu.memref_squeeze %dma_wait3A_246 : memref<1x80xi32, #tpu.memory_space<vmem>> -> memref<80xi32, #tpu.memory_space<vmem>>
      %dma_wait3A_248 = arith.constant 0 : i32
      %dma_wait3A_249 = arith.constant 0 : i32
      %dma_wait3A_250 = tpu.memref_slice %arg8[%dma_wait3A_248, %dma_wait3A_249] : memref<10240x16xf32, #tpu.memory_space<vmem_shared>> -> memref<10240x16xf32, #tpu.memory_space<vmem_shared>>
      tpu.wait_indirect_dma semaphore(%arg7 : memref<!tpu.dma_semaphore, #tpu.memory_space<semaphore_mem>>) src(%arg6 : memref<80x16xf32, #tpu.memory_space<vmem>>) dst(%dma_wait3A_250 : memref<10240x16xf32, #tpu.memory_space<vmem_shared>>)
      %add3A_251 = arith.constant 16 : i32
      %add3A_252 = arith.addi %scan3A_243, %add3A_251 : i32
      %dma_start3A_253 = arith.constant 0 : i32
      %dma_start3A_254 = tpu.memref_slice %arg5[%add3A_252, %dma_start3A_253] : memref<125x80xi32, #tpu.memory_space<vmem>> -> memref<1x80xi32, #tpu.memory_space<vmem>>
      %dma_start3A_255 = tpu.memref_squeeze %dma_start3A_254 : memref<1x80xi32, #tpu.memory_space<vmem>> -> memref<80xi32, #tpu.memory_space<vmem>>
      %dma_start3A_256 = arith.constant 0 : i32
      %dma_start3A_257 = arith.constant 0 : i32
      %dma_start3A_258 = tpu.memref_slice %arg8[%dma_start3A_256, %dma_start3A_257] : memref<10240x16xf32, #tpu.memory_space<vmem_shared>> -> memref<10240x16xf32, #tpu.memory_space<vmem_shared>>
      tpu.enqueue_indirect_dma source(%arg6 : memref<80x16xf32, #tpu.memory_space<vmem>>) target(%dma_start3A_258 : memref<10240x16xf32, #tpu.memory_space<vmem_shared>>) offsets(%dma_start3A_255 : memref<80xi32, #tpu.memory_space<vmem>>) semaphore(%arg7 : memref<!tpu.dma_semaphore, #tpu.memory_space<semaphore_mem>>) {add = true}
    }
    %scan3A_126 = arith.constant 109 : i32
    %dma_wait3A = arith.constant 0 : i32
    %dma_wait3A_127 = arith.constant 0 : i32
    %dma_wait3A_128 = tpu.memref_slice %arg5[%dma_wait3A, %dma_wait3A_127] : memref<125x80xi32, #tpu.memory_space<vmem>> -> memref<1x80xi32, #tpu.memory_space<vmem>>
    %dma_wait3A_129 = tpu.memref_squeeze %dma_wait3A_128 : memref<1x80xi32, #tpu.memory_space<vmem>> -> memref<80xi32, #tpu.memory_space<vmem>>
    %dma_wait3A_130 = arith.constant 0 : i32
    %dma_wait3A_131 = arith.constant 0 : i32
    %dma_wait3A_132 = tpu.memref_slice %arg8[%dma_wait3A_130, %dma_wait3A_131] : memref<10240x16xf32, #tpu.memory_space<vmem_shared>> -> memref<10240x16xf32, #tpu.memory_space<vmem_shared>>
    tpu.wait_indirect_dma semaphore(%arg7 : memref<!tpu.dma_semaphore, #tpu.memory_space<semaphore_mem>>) src(%arg6 : memref<80x16xf32, #tpu.memory_space<vmem>>) dst(%dma_wait3A_132 : memref<10240x16xf32, #tpu.memory_space<vmem_shared>>)
    %dma_wait3A_133 = arith.constant 0 : i32
    %dma_wait3A_134 = arith.constant 0 : i32
    %dma_wait3A_135 = tpu.memref_slice %arg5[%dma_wait3A_133, %dma_wait3A_134] : memref<125x80xi32, #tpu.memory_space<vmem>> -> memref<1x80xi32, #tpu.memory_space<vmem>>
    %dma_wait3A_136 = tpu.memref_squeeze %dma_wait3A_135 : memref<1x80xi32, #tpu.memory_space<vmem>> -> memref<80xi32, #tpu.memory_space<vmem>>
    %dma_wait3A_137 = arith.constant 0 : i32
    %dma_wait3A_138 = arith.constant 0 : i32
    %dma_wait3A_139 = tpu.memref_slice %arg8[%dma_wait3A_137, %dma_wait3A_138] : memref<10240x16xf32, #tpu.memory_space<vmem_shared>> -> memref<10240x16xf32, #tpu.memory_space<vmem_shared>>
    tpu.wait_indirect_dma semaphore(%arg7 : memref<!tpu.dma_semaphore, #tpu.memory_space<semaphore_mem>>) src(%arg6 : memref<80x16xf32, #tpu.memory_space<vmem>>) dst(%dma_wait3A_139 : memref<10240x16xf32, #tpu.memory_space<vmem_shared>>)
    %dma_wait3A_140 = arith.constant 0 : i32
    %dma_wait3A_141 = arith.constant 0 : i32
    %dma_wait3A_142 = tpu.memref_slice %arg5[%dma_wait3A_140, %dma_wait3A_141] : memref<125x80xi32, #tpu.memory_space<vmem>> -> memref<1x80xi32, #tpu.memory_space<vmem>>
    %dma_wait3A_143 = tpu.memref_squeeze %dma_wait3A_142 : memref<1x80xi32, #tpu.memory_space<vmem>> -> memref<80xi32, #tpu.memory_space<vmem>>
    %dma_wait3A_144 = arith.constant 0 : i32
    %dma_wait3A_145 = arith.constant 0 : i32
    %dma_wait3A_146 = tpu.memref_slice %arg8[%dma_wait3A_144, %dma_wait3A_145] : memref<10240x16xf32, #tpu.memory_space<vmem_shared>> -> memref<10240x16xf32, #tpu.memory_space<vmem_shared>>
    tpu.wait_indirect_dma semaphore(%arg7 : memref<!tpu.dma_semaphore, #tpu.memory_space<semaphore_mem>>) src(%arg6 : memref<80x16xf32, #tpu.memory_space<vmem>>) dst(%dma_wait3A_146 : memref<10240x16xf32, #tpu.memory_space<vmem_shared>>)
    %dma_wait3A_147 = arith.constant 0 : i32
    %dma_wait3A_148 = arith.constant 0 : i32
    %dma_wait3A_149 = tpu.memref_slice %arg5[%dma_wait3A_147, %dma_wait3A_148] : memref<125x80xi32, #tpu.memory_space<vmem>> -> memref<1x80xi32, #tpu.memory_space<vmem>>
    %dma_wait3A_150 = tpu.memref_squeeze %dma_wait3A_149 : memref<1x80xi32, #tpu.memory_space<vmem>> -> memref<80xi32, #tpu.memory_space<vmem>>
    %dma_wait3A_151 = arith.constant 0 : i32
    %dma_wait3A_152 = arith.constant 0 : i32
    %dma_wait3A_153 = tpu.memref_slice %arg8[%dma_wait3A_151, %dma_wait3A_152] : memref<10240x16xf32, #tpu.memory_space<vmem_shared>> -> memref<10240x16xf32, #tpu.memory_space<vmem_shared>>
    tpu.wait_indirect_dma semaphore(%arg7 : memref<!tpu.dma_semaphore, #tpu.memory_space<semaphore_mem>>) src(%arg6 : memref<80x16xf32, #tpu.memory_space<vmem>>) dst(%dma_wait3A_153 : memref<10240x16xf32, #tpu.memory_space<vmem_shared>>)
    %dma_wait3A_154 = arith.constant 0 : i32
    %dma_wait3A_155 = arith.constant 0 : i32
    %dma_wait3A_156 = tpu.memref_slice %arg5[%dma_wait3A_154, %dma_wait3A_155] : memref<125x80xi32, #tpu.memory_space<vmem>> -> memref<1x80xi32, #tpu.memory_space<vmem>>
    %dma_wait3A_157 = tpu.memref_squeeze %dma_wait3A_156 : memref<1x80xi32, #tpu.memory_space<vmem>> -> memref<80xi32, #tpu.memory_space<vmem>>
    %dma_wait3A_158 = arith.constant 0 : i32
    %dma_wait3A_159 = arith.constant 0 : i32
    %dma_wait3A_160 = tpu.memref_slice %arg8[%dma_wait3A_158, %dma_wait3A_159] : memref<10240x16xf32, #tpu.memory_space<vmem_shared>> -> memref<10240x16xf32, #tpu.memory_space<vmem_shared>>
    tpu.wait_indirect_dma semaphore(%arg7 : memref<!tpu.dma_semaphore, #tpu.memory_space<semaphore_mem>>) src(%arg6 : memref<80x16xf32, #tpu.memory_space<vmem>>) dst(%dma_wait3A_160 : memref<10240x16xf32, #tpu.memory_space<vmem_shared>>)
    %dma_wait3A_161 = arith.constant 0 : i32
    %dma_wait3A_162 = arith.constant 0 : i32
    %dma_wait3A_163 = tpu.memref_slice %arg5[%dma_wait3A_161, %dma_wait3A_162] : memref<125x80xi32, #tpu.memory_space<vmem>> -> memref<1x80xi32, #tpu.memory_space<vmem>>
    %dma_wait3A_164 = tpu.memref_squeeze %dma_wait3A_163 : memref<1x80xi32, #tpu.memory_space<vmem>> -> memref<80xi32, #tpu.memory_space<vmem>>
    %dma_wait3A_165 = arith.constant 0 : i32
    %dma_wait3A_166 = arith.constant 0 : i32
    %dma_wait3A_167 = tpu.memref_slice %arg8[%dma_wait3A_165, %dma_wait3A_166] : memref<10240x16xf32, #tpu.memory_space<vmem_shared>> -> memref<10240x16xf32, #tpu.memory_space<vmem_shared>>
    tpu.wait_indirect_dma semaphore(%arg7 : memref<!tpu.dma_semaphore, #tpu.memory_space<semaphore_mem>>) src(%arg6 : memref<80x16xf32, #tpu.memory_space<vmem>>) dst(%dma_wait3A_167 : memref<10240x16xf32, #tpu.memory_space<vmem_shared>>)
    %dma_wait3A_168 = arith.constant 0 : i32
    %dma_wait3A_169 = arith.constant 0 : i32
    %dma_wait3A_170 = tpu.memref_slice %arg5[%dma_wait3A_168, %dma_wait3A_169] : memref<125x80xi32, #tpu.memory_space<vmem>> -> memref<1x80xi32, #tpu.memory_space<vmem>>
    %dma_wait3A_171 = tpu.memref_squeeze %dma_wait3A_170 : memref<1x80xi32, #tpu.memory_space<vmem>> -> memref<80xi32, #tpu.memory_space<vmem>>
    %dma_wait3A_172 = arith.constant 0 : i32
    %dma_wait3A_173 = arith.constant 0 : i32
    %dma_wait3A_174 = tpu.memref_slice %arg8[%dma_wait3A_172, %dma_wait3A_173] : memref<10240x16xf32, #tpu.memory_space<vmem_shared>> -> memref<10240x16xf32, #tpu.memory_space<vmem_shared>>
    tpu.wait_indirect_dma semaphore(%arg7 : memref<!tpu.dma_semaphore, #tpu.memory_space<semaphore_mem>>) src(%arg6 : memref<80x16xf32, #tpu.memory_space<vmem>>) dst(%dma_wait3A_174 : memref<10240x16xf32, #tpu.memory_space<vmem_shared>>)
    %dma_wait3A_175 = arith.constant 0 : i32
    %dma_wait3A_176 = arith.constant 0 : i32
    %dma_wait3A_177 = tpu.memref_slice %arg5[%dma_wait3A_175, %dma_wait3A_176] : memref<125x80xi32, #tpu.memory_space<vmem>> -> memref<1x80xi32, #tpu.memory_space<vmem>>
    %dma_wait3A_178 = tpu.memref_squeeze %dma_wait3A_177 : memref<1x80xi32, #tpu.memory_space<vmem>> -> memref<80xi32, #tpu.memory_space<vmem>>
    %dma_wait3A_179 = arith.constant 0 : i32
    %dma_wait3A_180 = arith.constant 0 : i32
    %dma_wait3A_181 = tpu.memref_slice %arg8[%dma_wait3A_179, %dma_wait3A_180] : memref<10240x16xf32, #tpu.memory_space<vmem_shared>> -> memref<10240x16xf32, #tpu.memory_space<vmem_shared>>
    tpu.wait_indirect_dma semaphore(%arg7 : memref<!tpu.dma_semaphore, #tpu.memory_space<semaphore_mem>>) src(%arg6 : memref<80x16xf32, #tpu.memory_space<vmem>>) dst(%dma_wait3A_181 : memref<10240x16xf32, #tpu.memory_space<vmem_shared>>)
    %dma_wait3A_182 = arith.constant 0 : i32
    %dma_wait3A_183 = arith.constant 0 : i32
    %dma_wait3A_184 = tpu.memref_slice %arg5[%dma_wait3A_182, %dma_wait3A_183] : memref<125x80xi32, #tpu.memory_space<vmem>> -> memref<1x80xi32, #tpu.memory_space<vmem>>
    %dma_wait3A_185 = tpu.memref_squeeze %dma_wait3A_184 : memref<1x80xi32, #tpu.memory_space<vmem>> -> memref<80xi32, #tpu.memory_space<vmem>>
    %dma_wait3A_186 = arith.constant 0 : i32
    %dma_wait3A_187 = arith.constant 0 : i32
    %dma_wait3A_188 = tpu.memref_slice %arg8[%dma_wait3A_186, %dma_wait3A_187] : memref<10240x16xf32, #tpu.memory_space<vmem_shared>> -> memref<10240x16xf32, #tpu.memory_space<vmem_shared>>
    tpu.wait_indirect_dma semaphore(%arg7 : memref<!tpu.dma_semaphore, #tpu.memory_space<semaphore_mem>>) src(%arg6 : memref<80x16xf32, #tpu.memory_space<vmem>>) dst(%dma_wait3A_188 : memref<10240x16xf32, #tpu.memory_space<vmem_shared>>)
    %dma_wait3A_189 = arith.constant 0 : i32
    %dma_wait3A_190 = arith.constant 0 : i32
    %dma_wait3A_191 = tpu.memref_slice %arg5[%dma_wait3A_189, %dma_wait3A_190] : memref<125x80xi32, #tpu.memory_space<vmem>> -> memref<1x80xi32, #tpu.memory_space<vmem>>
    %dma_wait3A_192 = tpu.memref_squeeze %dma_wait3A_191 : memref<1x80xi32, #tpu.memory_space<vmem>> -> memref<80xi32, #tpu.memory_space<vmem>>
    %dma_wait3A_193 = arith.constant 0 : i32
    %dma_wait3A_194 = arith.constant 0 : i32
    %dma_wait3A_195 = tpu.memref_slice %arg8[%dma_wait3A_193, %dma_wait3A_194] : memref<10240x16xf32, #tpu.memory_space<vmem_shared>> -> memref<10240x16xf32, #tpu.memory_space<vmem_shared>>
    tpu.wait_indirect_dma semaphore(%arg7 : memref<!tpu.dma_semaphore, #tpu.memory_space<semaphore_mem>>) src(%arg6 : memref<80x16xf32, #tpu.memory_space<vmem>>) dst(%dma_wait3A_195 : memref<10240x16xf32, #tpu.memory_space<vmem_shared>>)
    %dma_wait3A_196 = arith.constant 0 : i32
    %dma_wait3A_197 = arith.constant 0 : i32
    %dma_wait3A_198 = tpu.memref_slice %arg5[%dma_wait3A_196, %dma_wait3A_197] : memref<125x80xi32, #tpu.memory_space<vmem>> -> memref<1x80xi32, #tpu.memory_space<vmem>>
    %dma_wait3A_199 = tpu.memref_squeeze %dma_wait3A_198 : memref<1x80xi32, #tpu.memory_space<vmem>> -> memref<80xi32, #tpu.memory_space<vmem>>
    %dma_wait3A_200 = arith.constant 0 : i32
    %dma_wait3A_201 = arith.constant 0 : i32
    %dma_wait3A_202 = tpu.memref_slice %arg8[%dma_wait3A_200, %dma_wait3A_201] : memref<10240x16xf32, #tpu.memory_space<vmem_shared>> -> memref<10240x16xf32, #tpu.memory_space<vmem_shared>>
    tpu.wait_indirect_dma semaphore(%arg7 : memref<!tpu.dma_semaphore, #tpu.memory_space<semaphore_mem>>) src(%arg6 : memref<80x16xf32, #tpu.memory_space<vmem>>) dst(%dma_wait3A_202 : memref<10240x16xf32, #tpu.memory_space<vmem_shared>>)
    %dma_wait3A_203 = arith.constant 0 : i32
    %dma_wait3A_204 = arith.constant 0 : i32
    %dma_wait3A_205 = tpu.memref_slice %arg5[%dma_wait3A_203, %dma_wait3A_204] : memref<125x80xi32, #tpu.memory_space<vmem>> -> memref<1x80xi32, #tpu.memory_space<vmem>>
    %dma_wait3A_206 = tpu.memref_squeeze %dma_wait3A_205 : memref<1x80xi32, #tpu.memory_space<vmem>> -> memref<80xi32, #tpu.memory_space<vmem>>
    %dma_wait3A_207 = arith.constant 0 : i32
    %dma_wait3A_208 = arith.constant 0 : i32
    %dma_wait3A_209 = tpu.memref_slice %arg8[%dma_wait3A_207, %dma_wait3A_208] : memref<10240x16xf32, #tpu.memory_space<vmem_shared>> -> memref<10240x16xf32, #tpu.memory_space<vmem_shared>>
    tpu.wait_indirect_dma semaphore(%arg7 : memref<!tpu.dma_semaphore, #tpu.memory_space<semaphore_mem>>) src(%arg6 : memref<80x16xf32, #tpu.memory_space<vmem>>) dst(%dma_wait3A_209 : memref<10240x16xf32, #tpu.memory_space<vmem_shared>>)
    %dma_wait3A_210 = arith.constant 0 : i32
    %dma_wait3A_211 = arith.constant 0 : i32
    %dma_wait3A_212 = tpu.memref_slice %arg5[%dma_wait3A_210, %dma_wait3A_211] : memref<125x80xi32, #tpu.memory_space<vmem>> -> memref<1x80xi32, #tpu.memory_space<vmem>>
    %dma_wait3A_213 = tpu.memref_squeeze %dma_wait3A_212 : memref<1x80xi32, #tpu.memory_space<vmem>> -> memref<80xi32, #tpu.memory_space<vmem>>
    %dma_wait3A_214 = arith.constant 0 : i32
    %dma_wait3A_215 = arith.constant 0 : i32
    %dma_wait3A_216 = tpu.memref_slice %arg8[%dma_wait3A_214, %dma_wait3A_215] : memref<10240x16xf32, #tpu.memory_space<vmem_shared>> -> memref<10240x16xf32, #tpu.memory_space<vmem_shared>>
    tpu.wait_indirect_dma semaphore(%arg7 : memref<!tpu.dma_semaphore, #tpu.memory_space<semaphore_mem>>) src(%arg6 : memref<80x16xf32, #tpu.memory_space<vmem>>) dst(%dma_wait3A_216 : memref<10240x16xf32, #tpu.memory_space<vmem_shared>>)
    %dma_wait3A_217 = arith.constant 0 : i32
    %dma_wait3A_218 = arith.constant 0 : i32
    %dma_wait3A_219 = tpu.memref_slice %arg5[%dma_wait3A_217, %dma_wait3A_218] : memref<125x80xi32, #tpu.memory_space<vmem>> -> memref<1x80xi32, #tpu.memory_space<vmem>>
    %dma_wait3A_220 = tpu.memref_squeeze %dma_wait3A_219 : memref<1x80xi32, #tpu.memory_space<vmem>> -> memref<80xi32, #tpu.memory_space<vmem>>
    %dma_wait3A_221 = arith.constant 0 : i32
    %dma_wait3A_222 = arith.constant 0 : i32
    %dma_wait3A_223 = tpu.memref_slice %arg8[%dma_wait3A_221, %dma_wait3A_222] : memref<10240x16xf32, #tpu.memory_space<vmem_shared>> -> memref<10240x16xf32, #tpu.memory_space<vmem_shared>>
    tpu.wait_indirect_dma semaphore(%arg7 : memref<!tpu.dma_semaphore, #tpu.memory_space<semaphore_mem>>) src(%arg6 : memref<80x16xf32, #tpu.memory_space<vmem>>) dst(%dma_wait3A_223 : memref<10240x16xf32, #tpu.memory_space<vmem_shared>>)
    %dma_wait3A_224 = arith.constant 0 : i32
    %dma_wait3A_225 = arith.constant 0 : i32
    %dma_wait3A_226 = tpu.memref_slice %arg5[%dma_wait3A_224, %dma_wait3A_225] : memref<125x80xi32, #tpu.memory_space<vmem>> -> memref<1x80xi32, #tpu.memory_space<vmem>>
    %dma_wait3A_227 = tpu.memref_squeeze %dma_wait3A_226 : memref<1x80xi32, #tpu.memory_space<vmem>> -> memref<80xi32, #tpu.memory_space<vmem>>
    %dma_wait3A_228 = arith.constant 0 : i32
    %dma_wait3A_229 = arith.constant 0 : i32
    %dma_wait3A_230 = tpu.memref_slice %arg8[%dma_wait3A_228, %dma_wait3A_229] : memref<10240x16xf32, #tpu.memory_space<vmem_shared>> -> memref<10240x16xf32, #tpu.memory_space<vmem_shared>>
    tpu.wait_indirect_dma semaphore(%arg7 : memref<!tpu.dma_semaphore, #tpu.memory_space<semaphore_mem>>) src(%arg6 : memref<80x16xf32, #tpu.memory_space<vmem>>) dst(%dma_wait3A_230 : memref<10240x16xf32, #tpu.memory_space<vmem_shared>>)
    %dma_wait3A_231 = arith.constant 0 : i32
    %dma_wait3A_232 = arith.constant 0 : i32
    %dma_wait3A_233 = tpu.memref_slice %arg5[%dma_wait3A_231, %dma_wait3A_232] : memref<125x80xi32, #tpu.memory_space<vmem>> -> memref<1x80xi32, #tpu.memory_space<vmem>>
    %dma_wait3A_234 = tpu.memref_squeeze %dma_wait3A_233 : memref<1x80xi32, #tpu.memory_space<vmem>> -> memref<80xi32, #tpu.memory_space<vmem>>
    %dma_wait3A_235 = arith.constant 0 : i32
    %dma_wait3A_236 = arith.constant 0 : i32
    %dma_wait3A_237 = tpu.memref_slice %arg8[%dma_wait3A_235, %dma_wait3A_236] : memref<10240x16xf32, #tpu.memory_space<vmem_shared>> -> memref<10240x16xf32, #tpu.memory_space<vmem_shared>>
    tpu.wait_indirect_dma semaphore(%arg7 : memref<!tpu.dma_semaphore, #tpu.memory_space<semaphore_mem>>) src(%arg6 : memref<80x16xf32, #tpu.memory_space<vmem>>) dst(%dma_wait3A_237 : memref<10240x16xf32, #tpu.memory_space<vmem_shared>>)
    %barrier3A_238 = arith.constant 0 : index
    tpu.barrier barrier_id(%barrier3A_238)
    %mul3A_239 = arith.constant 640 : i32
    %mul3A_240 = arith.muli %arg1, %mul3A_239 : i32
    %mul3A_241 = arith.constant 640 : i32
    %mul3A_242 = arith.muli %arg1, %mul3A_241 : i32
    "tpu.region"() ({
      %run_scoped3A_243 = tpu.sem_alloc : memref<!tpu.dma_semaphore, #tpu.memory_space<semaphore_mem>>
      %dma_start3A_244 = arith.constant 0 : i32
      %dma_start3A_245 = tpu.memref_slice %arg4[%arg0, %mul3A_242, %dma_start3A_244] : memref<2x10240x16xf32, #tpu.memory_space<hbm>> -> memref<1x640x16xf32, #tpu.memory_space<hbm>>
      %dma_start3A_246 = tpu.memref_squeeze %dma_start3A_245 : memref<1x640x16xf32, #tpu.memory_space<hbm>> -> memref<640x16xf32, #tpu.memory_space<hbm>>
      %dma_start3A_247 = arith.constant 0 : i32
      %dma_start3A_248 = tpu.memref_slice %arg8[%mul3A_240, %dma_start3A_247] : memref<10240x16xf32, #tpu.memory_space<vmem_shared>> -> memref<640x16xf32, #tpu.memory_space<vmem_shared>>
      tpu.enqueue_dma source(%dma_start3A_248 : memref<640x16xf32, #tpu.memory_space<vmem_shared>>) target(%dma_start3A_246 : memref<640x16xf32, #tpu.memory_space<hbm>>) target_semaphore(%run_scoped3A_243 : memref<!tpu.dma_semaphore, #tpu.memory_space<semaphore_mem>>)
      %dma_wait3A_249 = arith.constant 0 : i32
      %dma_wait3A_250 = tpu.memref_slice %arg4[%arg0, %mul3A_242, %dma_wait3A_249] : memref<2x10240x16xf32, #tpu.memory_space<hbm>> -> memref<1x640x16xf32, #tpu.memory_space<hbm>>
      %dma_wait3A_251 = tpu.memref_squeeze %dma_wait3A_250 : memref<1x640x16xf32, #tpu.memory_space<hbm>> -> memref<640x16xf32, #tpu.memory_space<hbm>>
      %dma_wait3A_252 = arith.constant 0 : i32
      %dma_wait3A_253 = tpu.memref_slice %arg8[%mul3A_240, %dma_wait3A_252] : memref<10240x16xf32, #tpu.memory_space<vmem_shared>> -> memref<640x16xf32, #tpu.memory_space<vmem_shared>>
      tpu.wait_dma2 semaphore(%run_scoped3A_243 : memref<!tpu.dma_semaphore, #tpu.memory_space<semaphore_mem>>) src(%dma_wait3A_253 : memref<640x16xf32, #tpu.memory_space<vmem_shared>>) dst(%dma_wait3A_251 : memref<640x16xf32, #tpu.memory_space<hbm>>)
      tpu.yield
    }) : () -> ()
    return
  }
}

#map = affine_map<(d0, d1) -> (0, 0)>
#map1 = affine_map<(d0, d1) -> (0, 0, 0, 0)>
module attributes {stable_mosaic.version = 14 : i64} {
  func.func @_msg_kernel(%arg0: i32, %arg1: i32, %arg2: memref<10240x64xf32, #tpu.memory_space<hbm>>, %arg3: memref<2x32x125x80xi32, #tpu.memory_space<hbm>>, %arg4: memref<10240x128xf32, #tpu.memory_space<hbm>>, %arg5: memref<125x80xi32, #tpu.memory_space<vmem>>, %arg6: memref<125x80xi32, #tpu.memory_space<vmem>>, %arg7: memref<12x80x64xf32, #tpu.memory_space<vmem>>, %arg8: memref<!tpu.dma_semaphore, #tpu.memory_space<semaphore_mem>>, %arg9: memref<!tpu.dma_semaphore, #tpu.memory_space<semaphore_mem>>, %arg10: memref<!tpu.dma_semaphore, #tpu.memory_space<semaphore_mem>>, %arg11: memref<!tpu.dma_semaphore, #tpu.memory_space<semaphore_mem>>, %arg12: memref<!tpu.dma_semaphore, #tpu.memory_space<semaphore_mem>>, %arg13: memref<!tpu.dma_semaphore, #tpu.memory_space<semaphore_mem>>, %arg14: memref<!tpu.dma_semaphore, #tpu.memory_space<semaphore_mem>>, %arg15: memref<!tpu.dma_semaphore, #tpu.memory_space<semaphore_mem>>, %arg16: memref<!tpu.dma_semaphore, #tpu.memory_space<semaphore_mem>>, %arg17: memref<!tpu.dma_semaphore, #tpu.memory_space<semaphore_mem>>, %arg18: memref<!tpu.dma_semaphore, #tpu.memory_space<semaphore_mem>>, %arg19: memref<!tpu.dma_semaphore, #tpu.memory_space<semaphore_mem>>, %arg20: memref<!tpu.dma_semaphore, #tpu.memory_space<semaphore_mem>>, %arg21: memref<10240x64xf32, #tpu.memory_space<vmem_shared>>) attributes {dimension_semantics = [#tpu.dimension_semantics<core_parallel>, #tpu.dimension_semantics<subcore_parallel>], iteration_bounds = array<i64: 2, 16>, scalar_prefetch = 0 : i64, scratch_operands = 17 : i64, tpu.core_type = #tpu.core_type<sc_vector_subcore>, window_params = [{transform_indices = #map}, {transform_indices = #map1}, {transform_indices = #map}]} {
    %mul3A = arith.constant 16 : i32
    %mul3A_0 = arith.muli %arg0, %mul3A : i32
    %add3A = arith.addi %mul3A_0, %arg1 : i32
    %run_scoped3A = arith.constant 0 : i32
    "tpu.region"() ({
      %run_scoped3A_353 = tpu.sem_alloc : memref<!tpu.dma_semaphore, #tpu.memory_space<semaphore_mem>>
      %dma_start3A_354 = arith.constant 0 : i32
      %dma_start3A_355 = arith.constant 0 : i32
      %dma_start3A_356 = tpu.memref_slice %arg3[%run_scoped3A, %add3A, %dma_start3A_354, %dma_start3A_355] : memref<2x32x125x80xi32, #tpu.memory_space<hbm>> -> memref<1x1x125x80xi32, #tpu.memory_space<hbm>>
      %dma_start3A_357 = tpu.memref_squeeze %dma_start3A_356 : memref<1x1x125x80xi32, #tpu.memory_space<hbm>> -> memref<125x80xi32, #tpu.memory_space<hbm>>
      %dma_start3A_358 = arith.constant 0 : i32
      %dma_start3A_359 = arith.constant 0 : i32
      %dma_start3A_360 = tpu.memref_slice %arg3[%run_scoped3A, %add3A, %dma_start3A_358, %dma_start3A_359] : memref<2x32x125x80xi32, #tpu.memory_space<hbm>> -> memref<1x1x125x80xi32, #tpu.memory_space<hbm>>
      %dma_start3A_361 = tpu.memref_squeeze %dma_start3A_360 : memref<1x1x125x80xi32, #tpu.memory_space<hbm>> -> memref<125x80xi32, #tpu.memory_space<hbm>>
      tpu.enqueue_dma source(%dma_start3A_361 : memref<125x80xi32, #tpu.memory_space<hbm>>) target(%arg5 : memref<125x80xi32, #tpu.memory_space<vmem>>) target_semaphore(%run_scoped3A_353 : memref<!tpu.dma_semaphore, #tpu.memory_space<semaphore_mem>>)
      %dma_wait3A_362 = arith.constant 0 : i32
      %dma_wait3A_363 = arith.constant 0 : i32
      %dma_wait3A_364 = tpu.memref_slice %arg3[%run_scoped3A, %add3A, %dma_wait3A_362, %dma_wait3A_363] : memref<2x32x125x80xi32, #tpu.memory_space<hbm>> -> memref<1x1x125x80xi32, #tpu.memory_space<hbm>>
      %dma_wait3A_365 = tpu.memref_squeeze %dma_wait3A_364 : memref<1x1x125x80xi32, #tpu.memory_space<hbm>> -> memref<125x80xi32, #tpu.memory_space<hbm>>
      %dma_wait3A_366 = arith.constant 0 : i32
      %dma_wait3A_367 = arith.constant 0 : i32
      %dma_wait3A_368 = tpu.memref_slice %arg3[%run_scoped3A, %add3A, %dma_wait3A_366, %dma_wait3A_367] : memref<2x32x125x80xi32, #tpu.memory_space<hbm>> -> memref<1x1x125x80xi32, #tpu.memory_space<hbm>>
      %dma_wait3A_369 = tpu.memref_squeeze %dma_wait3A_368 : memref<1x1x125x80xi32, #tpu.memory_space<hbm>> -> memref<125x80xi32, #tpu.memory_space<hbm>>
      tpu.wait_dma2 semaphore(%run_scoped3A_353 : memref<!tpu.dma_semaphore, #tpu.memory_space<semaphore_mem>>) src(%dma_wait3A_369 : memref<125x80xi32, #tpu.memory_space<hbm>>) dst(%arg5 : memref<125x80xi32, #tpu.memory_space<vmem>>)
      tpu.yield
    }) : () -> ()
    %run_scoped3A_1 = arith.constant 1 : i32
    "tpu.region"() ({
      %run_scoped3A_353 = tpu.sem_alloc : memref<!tpu.dma_semaphore, #tpu.memory_space<semaphore_mem>>
      %dma_start3A_354 = arith.constant 0 : i32
      %dma_start3A_355 = arith.constant 0 : i32
      %dma_start3A_356 = tpu.memref_slice %arg3[%run_scoped3A_1, %add3A, %dma_start3A_354, %dma_start3A_355] : memref<2x32x125x80xi32, #tpu.memory_space<hbm>> -> memref<1x1x125x80xi32, #tpu.memory_space<hbm>>
      %dma_start3A_357 = tpu.memref_squeeze %dma_start3A_356 : memref<1x1x125x80xi32, #tpu.memory_space<hbm>> -> memref<125x80xi32, #tpu.memory_space<hbm>>
      %dma_start3A_358 = arith.constant 0 : i32
      %dma_start3A_359 = arith.constant 0 : i32
      %dma_start3A_360 = tpu.memref_slice %arg3[%run_scoped3A_1, %add3A, %dma_start3A_358, %dma_start3A_359] : memref<2x32x125x80xi32, #tpu.memory_space<hbm>> -> memref<1x1x125x80xi32, #tpu.memory_space<hbm>>
      %dma_start3A_361 = tpu.memref_squeeze %dma_start3A_360 : memref<1x1x125x80xi32, #tpu.memory_space<hbm>> -> memref<125x80xi32, #tpu.memory_space<hbm>>
      tpu.enqueue_dma source(%dma_start3A_361 : memref<125x80xi32, #tpu.memory_space<hbm>>) target(%arg6 : memref<125x80xi32, #tpu.memory_space<vmem>>) target_semaphore(%run_scoped3A_353 : memref<!tpu.dma_semaphore, #tpu.memory_space<semaphore_mem>>)
      %dma_wait3A_362 = arith.constant 0 : i32
      %dma_wait3A_363 = arith.constant 0 : i32
      %dma_wait3A_364 = tpu.memref_slice %arg3[%run_scoped3A_1, %add3A, %dma_wait3A_362, %dma_wait3A_363] : memref<2x32x125x80xi32, #tpu.memory_space<hbm>> -> memref<1x1x125x80xi32, #tpu.memory_space<hbm>>
      %dma_wait3A_365 = tpu.memref_squeeze %dma_wait3A_364 : memref<1x1x125x80xi32, #tpu.memory_space<hbm>> -> memref<125x80xi32, #tpu.memory_space<hbm>>
      %dma_wait3A_366 = arith.constant 0 : i32
      %dma_wait3A_367 = arith.constant 0 : i32
      %dma_wait3A_368 = tpu.memref_slice %arg3[%run_scoped3A_1, %add3A, %dma_wait3A_366, %dma_wait3A_367] : memref<2x32x125x80xi32, #tpu.memory_space<hbm>> -> memref<1x1x125x80xi32, #tpu.memory_space<hbm>>
      %dma_wait3A_369 = tpu.memref_squeeze %dma_wait3A_368 : memref<1x1x125x80xi32, #tpu.memory_space<hbm>> -> memref<125x80xi32, #tpu.memory_space<hbm>>
      tpu.wait_dma2 semaphore(%run_scoped3A_353 : memref<!tpu.dma_semaphore, #tpu.memory_space<semaphore_mem>>) src(%dma_wait3A_369 : memref<125x80xi32, #tpu.memory_space<hbm>>) dst(%arg6 : memref<125x80xi32, #tpu.memory_space<vmem>>)
      tpu.yield
    }) : () -> ()
    %dma_start3A = arith.constant 0 : i32
    %dma_start3A_2 = arith.constant 0 : i32
    %dma_start3A_3 = arith.constant 0 : i32
    %dma_start3A_4 = arith.constant 0 : i32
    %dma_start3A_5 = tpu.memref_slice %arg7[%dma_start3A_2, %dma_start3A_3, %dma_start3A_4] : memref<12x80x64xf32, #tpu.memory_space<vmem>> -> memref<1x80x64xf32, #tpu.memory_space<vmem>>
    %dma_start3A_6 = tpu.memref_squeeze %dma_start3A_5 : memref<1x80x64xf32, #tpu.memory_space<vmem>> -> memref<80x64xf32, #tpu.memory_space<vmem>>
    %dma_start3A_7 = arith.constant 0 : i32
    %dma_start3A_8 = tpu.memref_slice %arg5[%dma_start3A, %dma_start3A_7] : memref<125x80xi32, #tpu.memory_space<vmem>> -> memref<1x80xi32, #tpu.memory_space<vmem>>
    %dma_start3A_9 = tpu.memref_squeeze %dma_start3A_8 : memref<1x80xi32, #tpu.memory_space<vmem>> -> memref<80xi32, #tpu.memory_space<vmem>>
    %dma_start3A_10 = arith.constant 0 : i32
    %dma_start3A_11 = arith.constant 0 : i32
    %dma_start3A_12 = tpu.memref_slice %arg2[%dma_start3A_10, %dma_start3A_11] : memref<10240x64xf32, #tpu.memory_space<hbm>> -> memref<10240x64xf32, #tpu.memory_space<hbm>>
    tpu.enqueue_indirect_dma source(%dma_start3A_12 : memref<10240x64xf32, #tpu.memory_space<hbm>>) target(%dma_start3A_6 : memref<80x64xf32, #tpu.memory_space<vmem>>) offsets(%dma_start3A_9 : memref<80xi32, #tpu.memory_space<vmem>>) semaphore(%arg8 : memref<!tpu.dma_semaphore, #tpu.memory_space<semaphore_mem>>)
    %dma_start3A_13 = arith.constant 1 : i32
    %dma_start3A_14 = arith.constant 1 : i32
    %dma_start3A_15 = arith.constant 0 : i32
    %dma_start3A_16 = arith.constant 0 : i32
    %dma_start3A_17 = tpu.memref_slice %arg7[%dma_start3A_14, %dma_start3A_15, %dma_start3A_16] : memref<12x80x64xf32, #tpu.memory_space<vmem>> -> memref<1x80x64xf32, #tpu.memory_space<vmem>>
    %dma_start3A_18 = tpu.memref_squeeze %dma_start3A_17 : memref<1x80x64xf32, #tpu.memory_space<vmem>> -> memref<80x64xf32, #tpu.memory_space<vmem>>
    %dma_start3A_19 = arith.constant 0 : i32
    %dma_start3A_20 = tpu.memref_slice %arg5[%dma_start3A_13, %dma_start3A_19] : memref<125x80xi32, #tpu.memory_space<vmem>> -> memref<1x80xi32, #tpu.memory_space<vmem>>
    %dma_start3A_21 = tpu.memref_squeeze %dma_start3A_20 : memref<1x80xi32, #tpu.memory_space<vmem>> -> memref<80xi32, #tpu.memory_space<vmem>>
    %dma_start3A_22 = arith.constant 0 : i32
    %dma_start3A_23 = arith.constant 0 : i32
    %dma_start3A_24 = tpu.memref_slice %arg2[%dma_start3A_22, %dma_start3A_23] : memref<10240x64xf32, #tpu.memory_space<hbm>> -> memref<10240x64xf32, #tpu.memory_space<hbm>>
    tpu.enqueue_indirect_dma source(%dma_start3A_24 : memref<10240x64xf32, #tpu.memory_space<hbm>>) target(%dma_start3A_18 : memref<80x64xf32, #tpu.memory_space<vmem>>) offsets(%dma_start3A_21 : memref<80xi32, #tpu.memory_space<vmem>>) semaphore(%arg8 : memref<!tpu.dma_semaphore, #tpu.memory_space<semaphore_mem>>)
    %dma_start3A_25 = arith.constant 2 : i32
    %dma_start3A_26 = arith.constant 2 : i32
    %dma_start3A_27 = arith.constant 0 : i32
    %dma_start3A_28 = arith.constant 0 : i32
    %dma_start3A_29 = tpu.memref_slice %arg7[%dma_start3A_26, %dma_start3A_27, %dma_start3A_28] : memref<12x80x64xf32, #tpu.memory_space<vmem>> -> memref<1x80x64xf32, #tpu.memory_space<vmem>>
    %dma_start3A_30 = tpu.memref_squeeze %dma_start3A_29 : memref<1x80x64xf32, #tpu.memory_space<vmem>> -> memref<80x64xf32, #tpu.memory_space<vmem>>
    %dma_start3A_31 = arith.constant 0 : i32
    %dma_start3A_32 = tpu.memref_slice %arg5[%dma_start3A_25, %dma_start3A_31] : memref<125x80xi32, #tpu.memory_space<vmem>> -> memref<1x80xi32, #tpu.memory_space<vmem>>
    %dma_start3A_33 = tpu.memref_squeeze %dma_start3A_32 : memref<1x80xi32, #tpu.memory_space<vmem>> -> memref<80xi32, #tpu.memory_space<vmem>>
    %dma_start3A_34 = arith.constant 0 : i32
    %dma_start3A_35 = arith.constant 0 : i32
    %dma_start3A_36 = tpu.memref_slice %arg2[%dma_start3A_34, %dma_start3A_35] : memref<10240x64xf32, #tpu.memory_space<hbm>> -> memref<10240x64xf32, #tpu.memory_space<hbm>>
    tpu.enqueue_indirect_dma source(%dma_start3A_36 : memref<10240x64xf32, #tpu.memory_space<hbm>>) target(%dma_start3A_30 : memref<80x64xf32, #tpu.memory_space<vmem>>) offsets(%dma_start3A_33 : memref<80xi32, #tpu.memory_space<vmem>>) semaphore(%arg8 : memref<!tpu.dma_semaphore, #tpu.memory_space<semaphore_mem>>)
    %dma_start3A_37 = arith.constant 3 : i32
    %dma_start3A_38 = arith.constant 3 : i32
    %dma_start3A_39 = arith.constant 0 : i32
    %dma_start3A_40 = arith.constant 0 : i32
    %dma_start3A_41 = tpu.memref_slice %arg7[%dma_start3A_38, %dma_start3A_39, %dma_start3A_40] : memref<12x80x64xf32, #tpu.memory_space<vmem>> -> memref<1x80x64xf32, #tpu.memory_space<vmem>>
    %dma_start3A_42 = tpu.memref_squeeze %dma_start3A_41 : memref<1x80x64xf32, #tpu.memory_space<vmem>> -> memref<80x64xf32, #tpu.memory_space<vmem>>
    %dma_start3A_43 = arith.constant 0 : i32
    %dma_start3A_44 = tpu.memref_slice %arg5[%dma_start3A_37, %dma_start3A_43] : memref<125x80xi32, #tpu.memory_space<vmem>> -> memref<1x80xi32, #tpu.memory_space<vmem>>
    %dma_start3A_45 = tpu.memref_squeeze %dma_start3A_44 : memref<1x80xi32, #tpu.memory_space<vmem>> -> memref<80xi32, #tpu.memory_space<vmem>>
    %dma_start3A_46 = arith.constant 0 : i32
    %dma_start3A_47 = arith.constant 0 : i32
    %dma_start3A_48 = tpu.memref_slice %arg2[%dma_start3A_46, %dma_start3A_47] : memref<10240x64xf32, #tpu.memory_space<hbm>> -> memref<10240x64xf32, #tpu.memory_space<hbm>>
    tpu.enqueue_indirect_dma source(%dma_start3A_48 : memref<10240x64xf32, #tpu.memory_space<hbm>>) target(%dma_start3A_42 : memref<80x64xf32, #tpu.memory_space<vmem>>) offsets(%dma_start3A_45 : memref<80xi32, #tpu.memory_space<vmem>>) semaphore(%arg8 : memref<!tpu.dma_semaphore, #tpu.memory_space<semaphore_mem>>)
    %dma_start3A_49 = arith.constant 4 : i32
    %dma_start3A_50 = arith.constant 4 : i32
    %dma_start3A_51 = arith.constant 0 : i32
    %dma_start3A_52 = arith.constant 0 : i32
    %dma_start3A_53 = tpu.memref_slice %arg7[%dma_start3A_50, %dma_start3A_51, %dma_start3A_52] : memref<12x80x64xf32, #tpu.memory_space<vmem>> -> memref<1x80x64xf32, #tpu.memory_space<vmem>>
    %dma_start3A_54 = tpu.memref_squeeze %dma_start3A_53 : memref<1x80x64xf32, #tpu.memory_space<vmem>> -> memref<80x64xf32, #tpu.memory_space<vmem>>
    %dma_start3A_55 = arith.constant 0 : i32
    %dma_start3A_56 = tpu.memref_slice %arg5[%dma_start3A_49, %dma_start3A_55] : memref<125x80xi32, #tpu.memory_space<vmem>> -> memref<1x80xi32, #tpu.memory_space<vmem>>
    %dma_start3A_57 = tpu.memref_squeeze %dma_start3A_56 : memref<1x80xi32, #tpu.memory_space<vmem>> -> memref<80xi32, #tpu.memory_space<vmem>>
    %dma_start3A_58 = arith.constant 0 : i32
    %dma_start3A_59 = arith.constant 0 : i32
    %dma_start3A_60 = tpu.memref_slice %arg2[%dma_start3A_58, %dma_start3A_59] : memref<10240x64xf32, #tpu.memory_space<hbm>> -> memref<10240x64xf32, #tpu.memory_space<hbm>>
    tpu.enqueue_indirect_dma source(%dma_start3A_60 : memref<10240x64xf32, #tpu.memory_space<hbm>>) target(%dma_start3A_54 : memref<80x64xf32, #tpu.memory_space<vmem>>) offsets(%dma_start3A_57 : memref<80xi32, #tpu.memory_space<vmem>>) semaphore(%arg8 : memref<!tpu.dma_semaphore, #tpu.memory_space<semaphore_mem>>)
    %dma_start3A_61 = arith.constant 5 : i32
    %dma_start3A_62 = arith.constant 5 : i32
    %dma_start3A_63 = arith.constant 0 : i32
    %dma_start3A_64 = arith.constant 0 : i32
    %dma_start3A_65 = tpu.memref_slice %arg7[%dma_start3A_62, %dma_start3A_63, %dma_start3A_64] : memref<12x80x64xf32, #tpu.memory_space<vmem>> -> memref<1x80x64xf32, #tpu.memory_space<vmem>>
    %dma_start3A_66 = tpu.memref_squeeze %dma_start3A_65 : memref<1x80x64xf32, #tpu.memory_space<vmem>> -> memref<80x64xf32, #tpu.memory_space<vmem>>
    %dma_start3A_67 = arith.constant 0 : i32
    %dma_start3A_68 = tpu.memref_slice %arg5[%dma_start3A_61, %dma_start3A_67] : memref<125x80xi32, #tpu.memory_space<vmem>> -> memref<1x80xi32, #tpu.memory_space<vmem>>
    %dma_start3A_69 = tpu.memref_squeeze %dma_start3A_68 : memref<1x80xi32, #tpu.memory_space<vmem>> -> memref<80xi32, #tpu.memory_space<vmem>>
    %dma_start3A_70 = arith.constant 0 : i32
    %dma_start3A_71 = arith.constant 0 : i32
    %dma_start3A_72 = tpu.memref_slice %arg2[%dma_start3A_70, %dma_start3A_71] : memref<10240x64xf32, #tpu.memory_space<hbm>> -> memref<10240x64xf32, #tpu.memory_space<hbm>>
    tpu.enqueue_indirect_dma source(%dma_start3A_72 : memref<10240x64xf32, #tpu.memory_space<hbm>>) target(%dma_start3A_66 : memref<80x64xf32, #tpu.memory_space<vmem>>) offsets(%dma_start3A_69 : memref<80xi32, #tpu.memory_space<vmem>>) semaphore(%arg8 : memref<!tpu.dma_semaphore, #tpu.memory_space<semaphore_mem>>)
    %mul3A_73 = arith.constant 640 : i32
    %mul3A_74 = arith.muli %arg1, %mul3A_73 : i32
    %mul3A_75 = arith.constant 640 : i32
    %mul3A_76 = arith.muli %arg1, %mul3A_75 : i32
    "tpu.region"() ({
      %run_scoped3A_353 = tpu.sem_alloc : memref<!tpu.dma_semaphore, #tpu.memory_space<semaphore_mem>>
      %dma_start3A_354 = arith.constant 0 : i32
      %dma_start3A_355 = tpu.memref_slice %arg21[%mul3A_76, %dma_start3A_354] : memref<10240x64xf32, #tpu.memory_space<vmem_shared>> -> memref<640x64xf32, #tpu.memory_space<vmem_shared>>
      %dma_start3A_356 = arith.constant 0 : i32
      %dma_start3A_357 = tpu.memref_slice %arg2[%mul3A_74, %dma_start3A_356] : memref<10240x64xf32, #tpu.memory_space<hbm>> -> memref<640x64xf32, #tpu.memory_space<hbm>>
      tpu.enqueue_dma source(%dma_start3A_357 : memref<640x64xf32, #tpu.memory_space<hbm>>) target(%dma_start3A_355 : memref<640x64xf32, #tpu.memory_space<vmem_shared>>) target_semaphore(%run_scoped3A_353 : memref<!tpu.dma_semaphore, #tpu.memory_space<semaphore_mem>>)
      %dma_wait3A_358 = arith.constant 0 : i32
      %dma_wait3A_359 = tpu.memref_slice %arg21[%mul3A_76, %dma_wait3A_358] : memref<10240x64xf32, #tpu.memory_space<vmem_shared>> -> memref<640x64xf32, #tpu.memory_space<vmem_shared>>
      %dma_wait3A_360 = arith.constant 0 : i32
      %dma_wait3A_361 = tpu.memref_slice %arg2[%mul3A_74, %dma_wait3A_360] : memref<10240x64xf32, #tpu.memory_space<hbm>> -> memref<640x64xf32, #tpu.memory_space<hbm>>
      tpu.wait_dma2 semaphore(%run_scoped3A_353 : memref<!tpu.dma_semaphore, #tpu.memory_space<semaphore_mem>>) src(%dma_wait3A_361 : memref<640x64xf32, #tpu.memory_space<hbm>>) dst(%dma_wait3A_359 : memref<640x64xf32, #tpu.memory_space<vmem_shared>>)
      tpu.yield
    }) : () -> ()
    %barrier3A = arith.constant 0 : index
    tpu.barrier barrier_id(%barrier3A)
    %scan3A = arith.constant 0 : i32
    %scan3A_77 = arith.constant 0 : i32
    %scan3A_78 = arith.constant 10 : i32
    %scan3A_79 = arith.addi %scan3A_77, %scan3A_78 : i32
    %scan3A_80 = arith.constant 1 : i32
    scf.for %scan3A_353 = %scan3A_77 to %scan3A_79 step %scan3A_80  : i32 {
      %mul3A_354 = arith.constant 12 : i32
      %mul3A_355 = arith.muli %scan3A_353, %mul3A_354 : i32
      %add3A_356 = arith.constant 0 : i32
      %add3A_357 = arith.addi %mul3A_355, %add3A_356 : i32
      %dma_wait3A_358 = arith.constant 0 : i32
      %dma_wait3A_359 = arith.constant 0 : i32
      %dma_wait3A_360 = arith.constant 0 : i32
      %dma_wait3A_361 = arith.constant 0 : i32
      %dma_wait3A_362 = tpu.memref_slice %arg7[%dma_wait3A_359, %dma_wait3A_360, %dma_wait3A_361] : memref<12x80x64xf32, #tpu.memory_space<vmem>> -> memref<1x80x64xf32, #tpu.memory_space<vmem>>
      %dma_wait3A_363 = tpu.memref_squeeze %dma_wait3A_362 : memref<1x80x64xf32, #tpu.memory_space<vmem>> -> memref<80x64xf32, #tpu.memory_space<vmem>>
      %dma_wait3A_364 = arith.constant 0 : i32
      %dma_wait3A_365 = tpu.memref_slice %arg5[%dma_wait3A_358, %dma_wait3A_364] : memref<125x80xi32, #tpu.memory_space<vmem>> -> memref<1x80xi32, #tpu.memory_space<vmem>>
      %dma_wait3A_366 = tpu.memref_squeeze %dma_wait3A_365 : memref<1x80xi32, #tpu.memory_space<vmem>> -> memref<80xi32, #tpu.memory_space<vmem>>
      %dma_wait3A_367 = arith.constant 0 : i32
      %dma_wait3A_368 = arith.constant 0 : i32
      %dma_wait3A_369 = tpu.memref_slice %arg2[%dma_wait3A_367, %dma_wait3A_368] : memref<10240x64xf32, #tpu.memory_space<hbm>> -> memref<10240x64xf32, #tpu.memory_space<hbm>>
      tpu.wait_indirect_dma semaphore(%arg8 : memref<!tpu.dma_semaphore, #tpu.memory_space<semaphore_mem>>) src(%dma_wait3A_369 : memref<10240x64xf32, #tpu.memory_space<hbm>>) dst(%dma_wait3A_363 : memref<80x64xf32, #tpu.memory_space<vmem>>)
      %dma_start3A_370 = arith.constant 0 : i32
      %dma_start3A_371 = arith.constant 0 : i32
      %dma_start3A_372 = arith.constant 0 : i32
      %dma_start3A_373 = tpu.memref_slice %arg7[%dma_start3A_370, %dma_start3A_371, %dma_start3A_372] : memref<12x80x64xf32, #tpu.memory_space<vmem>> -> memref<1x80x64xf32, #tpu.memory_space<vmem>>
      %dma_start3A_374 = tpu.memref_squeeze %dma_start3A_373 : memref<1x80x64xf32, #tpu.memory_space<vmem>> -> memref<80x64xf32, #tpu.memory_space<vmem>>
      %dma_start3A_375 = arith.constant 0 : i32
      %dma_start3A_376 = tpu.memref_slice %arg6[%add3A_357, %dma_start3A_375] : memref<125x80xi32, #tpu.memory_space<vmem>> -> memref<1x80xi32, #tpu.memory_space<vmem>>
      %dma_start3A_377 = tpu.memref_squeeze %dma_start3A_376 : memref<1x80xi32, #tpu.memory_space<vmem>> -> memref<80xi32, #tpu.memory_space<vmem>>
      %dma_start3A_378 = arith.constant 0 : i32
      %dma_start3A_379 = arith.constant 0 : i32
      %dma_start3A_380 = tpu.memref_slice %arg21[%dma_start3A_378, %dma_start3A_379] : memref<10240x64xf32, #tpu.memory_space<vmem_shared>> -> memref<10240x64xf32, #tpu.memory_space<vmem_shared>>
      tpu.enqueue_indirect_dma source(%dma_start3A_374 : memref<80x64xf32, #tpu.memory_space<vmem>>) target(%dma_start3A_380 : memref<10240x64xf32, #tpu.memory_space<vmem_shared>>) offsets(%dma_start3A_377 : memref<80xi32, #tpu.memory_space<vmem>>) semaphore(%arg9 : memref<!tpu.dma_semaphore, #tpu.memory_space<semaphore_mem>>) {add = true}
      %add3A_381 = arith.constant 6 : i32
      %add3A_382 = arith.addi %add3A_357, %add3A_381 : i32
      %lt3A = arith.constant 125 : i32
      %lt3A_383 = arith.cmpi slt, %add3A_382, %lt3A : i32
      %convert_element_type3A_384 = arith.extui %lt3A_383 : i1 to i32
      %cond3A_385 = arith.constant 0 : i32
      %cond3A_386 = arith.cmpi ne, %convert_element_type3A_384, %cond3A_385 : i32
      scf.if %cond3A_386 {
        %ge3A = arith.constant 6 : i32
        %ge3A_761 = arith.cmpi sge, %add3A_357, %ge3A : i32
        %convert_element_type3A_762 = arith.extui %ge3A_761 : i1 to i32
        %cond3A_763 = arith.constant 0 : i32
        %cond3A_764 = arith.cmpi ne, %convert_element_type3A_762, %cond3A_763 : i32
        scf.if %cond3A_764 {
          %dma_wait3A_778 = arith.constant 6 : i32
          %dma_wait3A_779 = arith.constant 0 : i32
          %dma_wait3A_780 = arith.constant 0 : i32
          %dma_wait3A_781 = arith.constant 0 : i32
          %dma_wait3A_782 = tpu.memref_slice %arg7[%dma_wait3A_778, %dma_wait3A_780, %dma_wait3A_781] : memref<12x80x64xf32, #tpu.memory_space<vmem>> -> memref<1x80x64xf32, #tpu.memory_space<vmem>>
          %dma_wait3A_783 = tpu.memref_squeeze %dma_wait3A_782 : memref<1x80x64xf32, #tpu.memory_space<vmem>> -> memref<80x64xf32, #tpu.memory_space<vmem>>
          %dma_wait3A_784 = arith.constant 0 : i32
          %dma_wait3A_785 = tpu.memref_slice %arg6[%dma_wait3A_779, %dma_wait3A_784] : memref<125x80xi32, #tpu.memory_space<vmem>> -> memref<1x80xi32, #tpu.memory_space<vmem>>
          %dma_wait3A_786 = tpu.memref_squeeze %dma_wait3A_785 : memref<1x80xi32, #tpu.memory_space<vmem>> -> memref<80xi32, #tpu.memory_space<vmem>>
          %dma_wait3A_787 = arith.constant 0 : i32
          %dma_wait3A_788 = arith.constant 0 : i32
          %dma_wait3A_789 = tpu.memref_slice %arg21[%dma_wait3A_787, %dma_wait3A_788] : memref<10240x64xf32, #tpu.memory_space<vmem_shared>> -> memref<10240x64xf32, #tpu.memory_space<vmem_shared>>
          tpu.wait_indirect_dma semaphore(%arg15 : memref<!tpu.dma_semaphore, #tpu.memory_space<semaphore_mem>>) src(%dma_wait3A_783 : memref<80x64xf32, #tpu.memory_space<vmem>>) dst(%dma_wait3A_789 : memref<10240x64xf32, #tpu.memory_space<vmem_shared>>)
        } else {
        }
        %add3A_765 = arith.constant 6 : i32
        %add3A_766 = arith.addi %add3A_357, %add3A_765 : i32
        %dma_start3A_767 = arith.constant 6 : i32
        %dma_start3A_768 = arith.constant 0 : i32
        %dma_start3A_769 = arith.constant 0 : i32
        %dma_start3A_770 = tpu.memref_slice %arg7[%dma_start3A_767, %dma_start3A_768, %dma_start3A_769] : memref<12x80x64xf32, #tpu.memory_space<vmem>> -> memref<1x80x64xf32, #tpu.memory_space<vmem>>
        %dma_start3A_771 = tpu.memref_squeeze %dma_start3A_770 : memref<1x80x64xf32, #tpu.memory_space<vmem>> -> memref<80x64xf32, #tpu.memory_space<vmem>>
        %dma_start3A_772 = arith.constant 0 : i32
        %dma_start3A_773 = tpu.memref_slice %arg5[%add3A_766, %dma_start3A_772] : memref<125x80xi32, #tpu.memory_space<vmem>> -> memref<1x80xi32, #tpu.memory_space<vmem>>
        %dma_start3A_774 = tpu.memref_squeeze %dma_start3A_773 : memref<1x80xi32, #tpu.memory_space<vmem>> -> memref<80xi32, #tpu.memory_space<vmem>>
        %dma_start3A_775 = arith.constant 0 : i32
        %dma_start3A_776 = arith.constant 0 : i32
        %dma_start3A_777 = tpu.memref_slice %arg2[%dma_start3A_775, %dma_start3A_776] : memref<10240x64xf32, #tpu.memory_space<hbm>> -> memref<10240x64xf32, #tpu.memory_space<hbm>>
        tpu.enqueue_indirect_dma source(%dma_start3A_777 : memref<10240x64xf32, #tpu.memory_space<hbm>>) target(%dma_start3A_771 : memref<80x64xf32, #tpu.memory_space<vmem>>) offsets(%dma_start3A_774 : memref<80xi32, #tpu.memory_space<vmem>>) semaphore(%arg8 : memref<!tpu.dma_semaphore, #tpu.memory_space<semaphore_mem>>)
      } else {
      }
      %mul3A_387 = arith.constant 12 : i32
      %mul3A_388 = arith.muli %scan3A_353, %mul3A_387 : i32
      %add3A_389 = arith.constant 1 : i32
      %add3A_390 = arith.addi %mul3A_388, %add3A_389 : i32
      %dma_wait3A_391 = arith.constant 0 : i32
      %dma_wait3A_392 = arith.constant 1 : i32
      %dma_wait3A_393 = arith.constant 0 : i32
      %dma_wait3A_394 = arith.constant 0 : i32
      %dma_wait3A_395 = tpu.memref_slice %arg7[%dma_wait3A_392, %dma_wait3A_393, %dma_wait3A_394] : memref<12x80x64xf32, #tpu.memory_space<vmem>> -> memref<1x80x64xf32, #tpu.memory_space<vmem>>
      %dma_wait3A_396 = tpu.memref_squeeze %dma_wait3A_395 : memref<1x80x64xf32, #tpu.memory_space<vmem>> -> memref<80x64xf32, #tpu.memory_space<vmem>>
      %dma_wait3A_397 = arith.constant 0 : i32
      %dma_wait3A_398 = tpu.memref_slice %arg5[%dma_wait3A_391, %dma_wait3A_397] : memref<125x80xi32, #tpu.memory_space<vmem>> -> memref<1x80xi32, #tpu.memory_space<vmem>>
      %dma_wait3A_399 = tpu.memref_squeeze %dma_wait3A_398 : memref<1x80xi32, #tpu.memory_space<vmem>> -> memref<80xi32, #tpu.memory_space<vmem>>
      %dma_wait3A_400 = arith.constant 0 : i32
      %dma_wait3A_401 = arith.constant 0 : i32
      %dma_wait3A_402 = tpu.memref_slice %arg2[%dma_wait3A_400, %dma_wait3A_401] : memref<10240x64xf32, #tpu.memory_space<hbm>> -> memref<10240x64xf32, #tpu.memory_space<hbm>>
      tpu.wait_indirect_dma semaphore(%arg8 : memref<!tpu.dma_semaphore, #tpu.memory_space<semaphore_mem>>) src(%dma_wait3A_402 : memref<10240x64xf32, #tpu.memory_space<hbm>>) dst(%dma_wait3A_396 : memref<80x64xf32, #tpu.memory_space<vmem>>)
      %dma_start3A_403 = arith.constant 1 : i32
      %dma_start3A_404 = arith.constant 0 : i32
      %dma_start3A_405 = arith.constant 0 : i32
      %dma_start3A_406 = tpu.memref_slice %arg7[%dma_start3A_403, %dma_start3A_404, %dma_start3A_405] : memref<12x80x64xf32, #tpu.memory_space<vmem>> -> memref<1x80x64xf32, #tpu.memory_space<vmem>>
      %dma_start3A_407 = tpu.memref_squeeze %dma_start3A_406 : memref<1x80x64xf32, #tpu.memory_space<vmem>> -> memref<80x64xf32, #tpu.memory_space<vmem>>
      %dma_start3A_408 = arith.constant 0 : i32
      %dma_start3A_409 = tpu.memref_slice %arg6[%add3A_390, %dma_start3A_408] : memref<125x80xi32, #tpu.memory_space<vmem>> -> memref<1x80xi32, #tpu.memory_space<vmem>>
      %dma_start3A_410 = tpu.memref_squeeze %dma_start3A_409 : memref<1x80xi32, #tpu.memory_space<vmem>> -> memref<80xi32, #tpu.memory_space<vmem>>
      %dma_start3A_411 = arith.constant 0 : i32
      %dma_start3A_412 = arith.constant 0 : i32
      %dma_start3A_413 = tpu.memref_slice %arg21[%dma_start3A_411, %dma_start3A_412] : memref<10240x64xf32, #tpu.memory_space<vmem_shared>> -> memref<10240x64xf32, #tpu.memory_space<vmem_shared>>
      tpu.enqueue_indirect_dma source(%dma_start3A_407 : memref<80x64xf32, #tpu.memory_space<vmem>>) target(%dma_start3A_413 : memref<10240x64xf32, #tpu.memory_space<vmem_shared>>) offsets(%dma_start3A_410 : memref<80xi32, #tpu.memory_space<vmem>>) semaphore(%arg10 : memref<!tpu.dma_semaphore, #tpu.memory_space<semaphore_mem>>) {add = true}
      %add3A_414 = arith.constant 6 : i32
      %add3A_415 = arith.addi %add3A_390, %add3A_414 : i32
      %lt3A_416 = arith.constant 125 : i32
      %lt3A_417 = arith.cmpi slt, %add3A_415, %lt3A_416 : i32
      %convert_element_type3A_418 = arith.extui %lt3A_417 : i1 to i32
      %cond3A_419 = arith.constant 0 : i32
      %cond3A_420 = arith.cmpi ne, %convert_element_type3A_418, %cond3A_419 : i32
      scf.if %cond3A_420 {
        %ge3A = arith.constant 6 : i32
        %ge3A_761 = arith.cmpi sge, %add3A_390, %ge3A : i32
        %convert_element_type3A_762 = arith.extui %ge3A_761 : i1 to i32
        %cond3A_763 = arith.constant 0 : i32
        %cond3A_764 = arith.cmpi ne, %convert_element_type3A_762, %cond3A_763 : i32
        scf.if %cond3A_764 {
          %dma_wait3A_778 = arith.constant 7 : i32
          %dma_wait3A_779 = arith.constant 0 : i32
          %dma_wait3A_780 = arith.constant 0 : i32
          %dma_wait3A_781 = arith.constant 0 : i32
          %dma_wait3A_782 = tpu.memref_slice %arg7[%dma_wait3A_778, %dma_wait3A_780, %dma_wait3A_781] : memref<12x80x64xf32, #tpu.memory_space<vmem>> -> memref<1x80x64xf32, #tpu.memory_space<vmem>>
          %dma_wait3A_783 = tpu.memref_squeeze %dma_wait3A_782 : memref<1x80x64xf32, #tpu.memory_space<vmem>> -> memref<80x64xf32, #tpu.memory_space<vmem>>
          %dma_wait3A_784 = arith.constant 0 : i32
          %dma_wait3A_785 = tpu.memref_slice %arg6[%dma_wait3A_779, %dma_wait3A_784] : memref<125x80xi32, #tpu.memory_space<vmem>> -> memref<1x80xi32, #tpu.memory_space<vmem>>
          %dma_wait3A_786 = tpu.memref_squeeze %dma_wait3A_785 : memref<1x80xi32, #tpu.memory_space<vmem>> -> memref<80xi32, #tpu.memory_space<vmem>>
          %dma_wait3A_787 = arith.constant 0 : i32
          %dma_wait3A_788 = arith.constant 0 : i32
          %dma_wait3A_789 = tpu.memref_slice %arg21[%dma_wait3A_787, %dma_wait3A_788] : memref<10240x64xf32, #tpu.memory_space<vmem_shared>> -> memref<10240x64xf32, #tpu.memory_space<vmem_shared>>
          tpu.wait_indirect_dma semaphore(%arg16 : memref<!tpu.dma_semaphore, #tpu.memory_space<semaphore_mem>>) src(%dma_wait3A_783 : memref<80x64xf32, #tpu.memory_space<vmem>>) dst(%dma_wait3A_789 : memref<10240x64xf32, #tpu.memory_space<vmem_shared>>)
        } else {
        }
        %add3A_765 = arith.constant 6 : i32
        %add3A_766 = arith.addi %add3A_390, %add3A_765 : i32
        %dma_start3A_767 = arith.constant 7 : i32
        %dma_start3A_768 = arith.constant 0 : i32
        %dma_start3A_769 = arith.constant 0 : i32
        %dma_start3A_770 = tpu.memref_slice %arg7[%dma_start3A_767, %dma_start3A_768, %dma_start3A_769] : memref<12x80x64xf32, #tpu.memory_space<vmem>> -> memref<1x80x64xf32, #tpu.memory_space<vmem>>
        %dma_start3A_771 = tpu.memref_squeeze %dma_start3A_770 : memref<1x80x64xf32, #tpu.memory_space<vmem>> -> memref<80x64xf32, #tpu.memory_space<vmem>>
        %dma_start3A_772 = arith.constant 0 : i32
        %dma_start3A_773 = tpu.memref_slice %arg5[%add3A_766, %dma_start3A_772] : memref<125x80xi32, #tpu.memory_space<vmem>> -> memref<1x80xi32, #tpu.memory_space<vmem>>
        %dma_start3A_774 = tpu.memref_squeeze %dma_start3A_773 : memref<1x80xi32, #tpu.memory_space<vmem>> -> memref<80xi32, #tpu.memory_space<vmem>>
        %dma_start3A_775 = arith.constant 0 : i32
        %dma_start3A_776 = arith.constant 0 : i32
        %dma_start3A_777 = tpu.memref_slice %arg2[%dma_start3A_775, %dma_start3A_776] : memref<10240x64xf32, #tpu.memory_space<hbm>> -> memref<10240x64xf32, #tpu.memory_space<hbm>>
        tpu.enqueue_indirect_dma source(%dma_start3A_777 : memref<10240x64xf32, #tpu.memory_space<hbm>>) target(%dma_start3A_771 : memref<80x64xf32, #tpu.memory_space<vmem>>) offsets(%dma_start3A_774 : memref<80xi32, #tpu.memory_space<vmem>>) semaphore(%arg8 : memref<!tpu.dma_semaphore, #tpu.memory_space<semaphore_mem>>)
      } else {
      }
      %mul3A_421 = arith.constant 12 : i32
      %mul3A_422 = arith.muli %scan3A_353, %mul3A_421 : i32
      %add3A_423 = arith.constant 2 : i32
      %add3A_424 = arith.addi %mul3A_422, %add3A_423 : i32
      %dma_wait3A_425 = arith.constant 0 : i32
      %dma_wait3A_426 = arith.constant 2 : i32
      %dma_wait3A_427 = arith.constant 0 : i32
      %dma_wait3A_428 = arith.constant 0 : i32
      %dma_wait3A_429 = tpu.memref_slice %arg7[%dma_wait3A_426, %dma_wait3A_427, %dma_wait3A_428] : memref<12x80x64xf32, #tpu.memory_space<vmem>> -> memref<1x80x64xf32, #tpu.memory_space<vmem>>
      %dma_wait3A_430 = tpu.memref_squeeze %dma_wait3A_429 : memref<1x80x64xf32, #tpu.memory_space<vmem>> -> memref<80x64xf32, #tpu.memory_space<vmem>>
      %dma_wait3A_431 = arith.constant 0 : i32
      %dma_wait3A_432 = tpu.memref_slice %arg5[%dma_wait3A_425, %dma_wait3A_431] : memref<125x80xi32, #tpu.memory_space<vmem>> -> memref<1x80xi32, #tpu.memory_space<vmem>>
      %dma_wait3A_433 = tpu.memref_squeeze %dma_wait3A_432 : memref<1x80xi32, #tpu.memory_space<vmem>> -> memref<80xi32, #tpu.memory_space<vmem>>
      %dma_wait3A_434 = arith.constant 0 : i32
      %dma_wait3A_435 = arith.constant 0 : i32
      %dma_wait3A_436 = tpu.memref_slice %arg2[%dma_wait3A_434, %dma_wait3A_435] : memref<10240x64xf32, #tpu.memory_space<hbm>> -> memref<10240x64xf32, #tpu.memory_space<hbm>>
      tpu.wait_indirect_dma semaphore(%arg8 : memref<!tpu.dma_semaphore, #tpu.memory_space<semaphore_mem>>) src(%dma_wait3A_436 : memref<10240x64xf32, #tpu.memory_space<hbm>>) dst(%dma_wait3A_430 : memref<80x64xf32, #tpu.memory_space<vmem>>)
      %dma_start3A_437 = arith.constant 2 : i32
      %dma_start3A_438 = arith.constant 0 : i32
      %dma_start3A_439 = arith.constant 0 : i32
      %dma_start3A_440 = tpu.memref_slice %arg7[%dma_start3A_437, %dma_start3A_438, %dma_start3A_439] : memref<12x80x64xf32, #tpu.memory_space<vmem>> -> memref<1x80x64xf32, #tpu.memory_space<vmem>>
      %dma_start3A_441 = tpu.memref_squeeze %dma_start3A_440 : memref<1x80x64xf32, #tpu.memory_space<vmem>> -> memref<80x64xf32, #tpu.memory_space<vmem>>
      %dma_start3A_442 = arith.constant 0 : i32
      %dma_start3A_443 = tpu.memref_slice %arg6[%add3A_424, %dma_start3A_442] : memref<125x80xi32, #tpu.memory_space<vmem>> -> memref<1x80xi32, #tpu.memory_space<vmem>>
      %dma_start3A_444 = tpu.memref_squeeze %dma_start3A_443 : memref<1x80xi32, #tpu.memory_space<vmem>> -> memref<80xi32, #tpu.memory_space<vmem>>
      %dma_start3A_445 = arith.constant 0 : i32
      %dma_start3A_446 = arith.constant 0 : i32
      %dma_start3A_447 = tpu.memref_slice %arg21[%dma_start3A_445, %dma_start3A_446] : memref<10240x64xf32, #tpu.memory_space<vmem_shared>> -> memref<10240x64xf32, #tpu.memory_space<vmem_shared>>
      tpu.enqueue_indirect_dma source(%dma_start3A_441 : memref<80x64xf32, #tpu.memory_space<vmem>>) target(%dma_start3A_447 : memref<10240x64xf32, #tpu.memory_space<vmem_shared>>) offsets(%dma_start3A_444 : memref<80xi32, #tpu.memory_space<vmem>>) semaphore(%arg11 : memref<!tpu.dma_semaphore, #tpu.memory_space<semaphore_mem>>) {add = true}
      %add3A_448 = arith.constant 6 : i32
      %add3A_449 = arith.addi %add3A_424, %add3A_448 : i32
      %lt3A_450 = arith.constant 125 : i32
      %lt3A_451 = arith.cmpi slt, %add3A_449, %lt3A_450 : i32
      %convert_element_type3A_452 = arith.extui %lt3A_451 : i1 to i32
      %cond3A_453 = arith.constant 0 : i32
      %cond3A_454 = arith.cmpi ne, %convert_element_type3A_452, %cond3A_453 : i32
      scf.if %cond3A_454 {
        %ge3A = arith.constant 6 : i32
        %ge3A_761 = arith.cmpi sge, %add3A_424, %ge3A : i32
        %convert_element_type3A_762 = arith.extui %ge3A_761 : i1 to i32
        %cond3A_763 = arith.constant 0 : i32
        %cond3A_764 = arith.cmpi ne, %convert_element_type3A_762, %cond3A_763 : i32
        scf.if %cond3A_764 {
          %dma_wait3A_778 = arith.constant 8 : i32
          %dma_wait3A_779 = arith.constant 0 : i32
          %dma_wait3A_780 = arith.constant 0 : i32
          %dma_wait3A_781 = arith.constant 0 : i32
          %dma_wait3A_782 = tpu.memref_slice %arg7[%dma_wait3A_778, %dma_wait3A_780, %dma_wait3A_781] : memref<12x80x64xf32, #tpu.memory_space<vmem>> -> memref<1x80x64xf32, #tpu.memory_space<vmem>>
          %dma_wait3A_783 = tpu.memref_squeeze %dma_wait3A_782 : memref<1x80x64xf32, #tpu.memory_space<vmem>> -> memref<80x64xf32, #tpu.memory_space<vmem>>
          %dma_wait3A_784 = arith.constant 0 : i32
          %dma_wait3A_785 = tpu.memref_slice %arg6[%dma_wait3A_779, %dma_wait3A_784] : memref<125x80xi32, #tpu.memory_space<vmem>> -> memref<1x80xi32, #tpu.memory_space<vmem>>
          %dma_wait3A_786 = tpu.memref_squeeze %dma_wait3A_785 : memref<1x80xi32, #tpu.memory_space<vmem>> -> memref<80xi32, #tpu.memory_space<vmem>>
          %dma_wait3A_787 = arith.constant 0 : i32
          %dma_wait3A_788 = arith.constant 0 : i32
          %dma_wait3A_789 = tpu.memref_slice %arg21[%dma_wait3A_787, %dma_wait3A_788] : memref<10240x64xf32, #tpu.memory_space<vmem_shared>> -> memref<10240x64xf32, #tpu.memory_space<vmem_shared>>
          tpu.wait_indirect_dma semaphore(%arg17 : memref<!tpu.dma_semaphore, #tpu.memory_space<semaphore_mem>>) src(%dma_wait3A_783 : memref<80x64xf32, #tpu.memory_space<vmem>>) dst(%dma_wait3A_789 : memref<10240x64xf32, #tpu.memory_space<vmem_shared>>)
        } else {
        }
        %add3A_765 = arith.constant 6 : i32
        %add3A_766 = arith.addi %add3A_424, %add3A_765 : i32
        %dma_start3A_767 = arith.constant 8 : i32
        %dma_start3A_768 = arith.constant 0 : i32
        %dma_start3A_769 = arith.constant 0 : i32
        %dma_start3A_770 = tpu.memref_slice %arg7[%dma_start3A_767, %dma_start3A_768, %dma_start3A_769] : memref<12x80x64xf32, #tpu.memory_space<vmem>> -> memref<1x80x64xf32, #tpu.memory_space<vmem>>
        %dma_start3A_771 = tpu.memref_squeeze %dma_start3A_770 : memref<1x80x64xf32, #tpu.memory_space<vmem>> -> memref<80x64xf32, #tpu.memory_space<vmem>>
        %dma_start3A_772 = arith.constant 0 : i32
        %dma_start3A_773 = tpu.memref_slice %arg5[%add3A_766, %dma_start3A_772] : memref<125x80xi32, #tpu.memory_space<vmem>> -> memref<1x80xi32, #tpu.memory_space<vmem>>
        %dma_start3A_774 = tpu.memref_squeeze %dma_start3A_773 : memref<1x80xi32, #tpu.memory_space<vmem>> -> memref<80xi32, #tpu.memory_space<vmem>>
        %dma_start3A_775 = arith.constant 0 : i32
        %dma_start3A_776 = arith.constant 0 : i32
        %dma_start3A_777 = tpu.memref_slice %arg2[%dma_start3A_775, %dma_start3A_776] : memref<10240x64xf32, #tpu.memory_space<hbm>> -> memref<10240x64xf32, #tpu.memory_space<hbm>>
        tpu.enqueue_indirect_dma source(%dma_start3A_777 : memref<10240x64xf32, #tpu.memory_space<hbm>>) target(%dma_start3A_771 : memref<80x64xf32, #tpu.memory_space<vmem>>) offsets(%dma_start3A_774 : memref<80xi32, #tpu.memory_space<vmem>>) semaphore(%arg8 : memref<!tpu.dma_semaphore, #tpu.memory_space<semaphore_mem>>)
      } else {
      }
      %mul3A_455 = arith.constant 12 : i32
      %mul3A_456 = arith.muli %scan3A_353, %mul3A_455 : i32
      %add3A_457 = arith.constant 3 : i32
      %add3A_458 = arith.addi %mul3A_456, %add3A_457 : i32
      %dma_wait3A_459 = arith.constant 0 : i32
      %dma_wait3A_460 = arith.constant 3 : i32
      %dma_wait3A_461 = arith.constant 0 : i32
      %dma_wait3A_462 = arith.constant 0 : i32
      %dma_wait3A_463 = tpu.memref_slice %arg7[%dma_wait3A_460, %dma_wait3A_461, %dma_wait3A_462] : memref<12x80x64xf32, #tpu.memory_space<vmem>> -> memref<1x80x64xf32, #tpu.memory_space<vmem>>
      %dma_wait3A_464 = tpu.memref_squeeze %dma_wait3A_463 : memref<1x80x64xf32, #tpu.memory_space<vmem>> -> memref<80x64xf32, #tpu.memory_space<vmem>>
      %dma_wait3A_465 = arith.constant 0 : i32
      %dma_wait3A_466 = tpu.memref_slice %arg5[%dma_wait3A_459, %dma_wait3A_465] : memref<125x80xi32, #tpu.memory_space<vmem>> -> memref<1x80xi32, #tpu.memory_space<vmem>>
      %dma_wait3A_467 = tpu.memref_squeeze %dma_wait3A_466 : memref<1x80xi32, #tpu.memory_space<vmem>> -> memref<80xi32, #tpu.memory_space<vmem>>
      %dma_wait3A_468 = arith.constant 0 : i32
      %dma_wait3A_469 = arith.constant 0 : i32
      %dma_wait3A_470 = tpu.memref_slice %arg2[%dma_wait3A_468, %dma_wait3A_469] : memref<10240x64xf32, #tpu.memory_space<hbm>> -> memref<10240x64xf32, #tpu.memory_space<hbm>>
      tpu.wait_indirect_dma semaphore(%arg8 : memref<!tpu.dma_semaphore, #tpu.memory_space<semaphore_mem>>) src(%dma_wait3A_470 : memref<10240x64xf32, #tpu.memory_space<hbm>>) dst(%dma_wait3A_464 : memref<80x64xf32, #tpu.memory_space<vmem>>)
      %dma_start3A_471 = arith.constant 3 : i32
      %dma_start3A_472 = arith.constant 0 : i32
      %dma_start3A_473 = arith.constant 0 : i32
      %dma_start3A_474 = tpu.memref_slice %arg7[%dma_start3A_471, %dma_start3A_472, %dma_start3A_473] : memref<12x80x64xf32, #tpu.memory_space<vmem>> -> memref<1x80x64xf32, #tpu.memory_space<vmem>>
      %dma_start3A_475 = tpu.memref_squeeze %dma_start3A_474 : memref<1x80x64xf32, #tpu.memory_space<vmem>> -> memref<80x64xf32, #tpu.memory_space<vmem>>
      %dma_start3A_476 = arith.constant 0 : i32
      %dma_start3A_477 = tpu.memref_slice %arg6[%add3A_458, %dma_start3A_476] : memref<125x80xi32, #tpu.memory_space<vmem>> -> memref<1x80xi32, #tpu.memory_space<vmem>>
      %dma_start3A_478 = tpu.memref_squeeze %dma_start3A_477 : memref<1x80xi32, #tpu.memory_space<vmem>> -> memref<80xi32, #tpu.memory_space<vmem>>
      %dma_start3A_479 = arith.constant 0 : i32
      %dma_start3A_480 = arith.constant 0 : i32
      %dma_start3A_481 = tpu.memref_slice %arg21[%dma_start3A_479, %dma_start3A_480] : memref<10240x64xf32, #tpu.memory_space<vmem_shared>> -> memref<10240x64xf32, #tpu.memory_space<vmem_shared>>
      tpu.enqueue_indirect_dma source(%dma_start3A_475 : memref<80x64xf32, #tpu.memory_space<vmem>>) target(%dma_start3A_481 : memref<10240x64xf32, #tpu.memory_space<vmem_shared>>) offsets(%dma_start3A_478 : memref<80xi32, #tpu.memory_space<vmem>>) semaphore(%arg12 : memref<!tpu.dma_semaphore, #tpu.memory_space<semaphore_mem>>) {add = true}
      %add3A_482 = arith.constant 6 : i32
      %add3A_483 = arith.addi %add3A_458, %add3A_482 : i32
      %lt3A_484 = arith.constant 125 : i32
      %lt3A_485 = arith.cmpi slt, %add3A_483, %lt3A_484 : i32
      %convert_element_type3A_486 = arith.extui %lt3A_485 : i1 to i32
      %cond3A_487 = arith.constant 0 : i32
      %cond3A_488 = arith.cmpi ne, %convert_element_type3A_486, %cond3A_487 : i32
      scf.if %cond3A_488 {
        %ge3A = arith.constant 6 : i32
        %ge3A_761 = arith.cmpi sge, %add3A_458, %ge3A : i32
        %convert_element_type3A_762 = arith.extui %ge3A_761 : i1 to i32
        %cond3A_763 = arith.constant 0 : i32
        %cond3A_764 = arith.cmpi ne, %convert_element_type3A_762, %cond3A_763 : i32
        scf.if %cond3A_764 {
          %dma_wait3A_778 = arith.constant 9 : i32
          %dma_wait3A_779 = arith.constant 0 : i32
          %dma_wait3A_780 = arith.constant 0 : i32
          %dma_wait3A_781 = arith.constant 0 : i32
          %dma_wait3A_782 = tpu.memref_slice %arg7[%dma_wait3A_778, %dma_wait3A_780, %dma_wait3A_781] : memref<12x80x64xf32, #tpu.memory_space<vmem>> -> memref<1x80x64xf32, #tpu.memory_space<vmem>>
          %dma_wait3A_783 = tpu.memref_squeeze %dma_wait3A_782 : memref<1x80x64xf32, #tpu.memory_space<vmem>> -> memref<80x64xf32, #tpu.memory_space<vmem>>
          %dma_wait3A_784 = arith.constant 0 : i32
          %dma_wait3A_785 = tpu.memref_slice %arg6[%dma_wait3A_779, %dma_wait3A_784] : memref<125x80xi32, #tpu.memory_space<vmem>> -> memref<1x80xi32, #tpu.memory_space<vmem>>
          %dma_wait3A_786 = tpu.memref_squeeze %dma_wait3A_785 : memref<1x80xi32, #tpu.memory_space<vmem>> -> memref<80xi32, #tpu.memory_space<vmem>>
          %dma_wait3A_787 = arith.constant 0 : i32
          %dma_wait3A_788 = arith.constant 0 : i32
          %dma_wait3A_789 = tpu.memref_slice %arg21[%dma_wait3A_787, %dma_wait3A_788] : memref<10240x64xf32, #tpu.memory_space<vmem_shared>> -> memref<10240x64xf32, #tpu.memory_space<vmem_shared>>
          tpu.wait_indirect_dma semaphore(%arg18 : memref<!tpu.dma_semaphore, #tpu.memory_space<semaphore_mem>>) src(%dma_wait3A_783 : memref<80x64xf32, #tpu.memory_space<vmem>>) dst(%dma_wait3A_789 : memref<10240x64xf32, #tpu.memory_space<vmem_shared>>)
        } else {
        }
        %add3A_765 = arith.constant 6 : i32
        %add3A_766 = arith.addi %add3A_458, %add3A_765 : i32
        %dma_start3A_767 = arith.constant 9 : i32
        %dma_start3A_768 = arith.constant 0 : i32
        %dma_start3A_769 = arith.constant 0 : i32
        %dma_start3A_770 = tpu.memref_slice %arg7[%dma_start3A_767, %dma_start3A_768, %dma_start3A_769] : memref<12x80x64xf32, #tpu.memory_space<vmem>> -> memref<1x80x64xf32, #tpu.memory_space<vmem>>
        %dma_start3A_771 = tpu.memref_squeeze %dma_start3A_770 : memref<1x80x64xf32, #tpu.memory_space<vmem>> -> memref<80x64xf32, #tpu.memory_space<vmem>>
        %dma_start3A_772 = arith.constant 0 : i32
        %dma_start3A_773 = tpu.memref_slice %arg5[%add3A_766, %dma_start3A_772] : memref<125x80xi32, #tpu.memory_space<vmem>> -> memref<1x80xi32, #tpu.memory_space<vmem>>
        %dma_start3A_774 = tpu.memref_squeeze %dma_start3A_773 : memref<1x80xi32, #tpu.memory_space<vmem>> -> memref<80xi32, #tpu.memory_space<vmem>>
        %dma_start3A_775 = arith.constant 0 : i32
        %dma_start3A_776 = arith.constant 0 : i32
        %dma_start3A_777 = tpu.memref_slice %arg2[%dma_start3A_775, %dma_start3A_776] : memref<10240x64xf32, #tpu.memory_space<hbm>> -> memref<10240x64xf32, #tpu.memory_space<hbm>>
        tpu.enqueue_indirect_dma source(%dma_start3A_777 : memref<10240x64xf32, #tpu.memory_space<hbm>>) target(%dma_start3A_771 : memref<80x64xf32, #tpu.memory_space<vmem>>) offsets(%dma_start3A_774 : memref<80xi32, #tpu.memory_space<vmem>>) semaphore(%arg8 : memref<!tpu.dma_semaphore, #tpu.memory_space<semaphore_mem>>)
      } else {
      }
      %mul3A_489 = arith.constant 12 : i32
      %mul3A_490 = arith.muli %scan3A_353, %mul3A_489 : i32
      %add3A_491 = arith.constant 4 : i32
      %add3A_492 = arith.addi %mul3A_490, %add3A_491 : i32
      %dma_wait3A_493 = arith.constant 0 : i32
      %dma_wait3A_494 = arith.constant 4 : i32
      %dma_wait3A_495 = arith.constant 0 : i32
      %dma_wait3A_496 = arith.constant 0 : i32
      %dma_wait3A_497 = tpu.memref_slice %arg7[%dma_wait3A_494, %dma_wait3A_495, %dma_wait3A_496] : memref<12x80x64xf32, #tpu.memory_space<vmem>> -> memref<1x80x64xf32, #tpu.memory_space<vmem>>
      %dma_wait3A_498 = tpu.memref_squeeze %dma_wait3A_497 : memref<1x80x64xf32, #tpu.memory_space<vmem>> -> memref<80x64xf32, #tpu.memory_space<vmem>>
      %dma_wait3A_499 = arith.constant 0 : i32
      %dma_wait3A_500 = tpu.memref_slice %arg5[%dma_wait3A_493, %dma_wait3A_499] : memref<125x80xi32, #tpu.memory_space<vmem>> -> memref<1x80xi32, #tpu.memory_space<vmem>>
      %dma_wait3A_501 = tpu.memref_squeeze %dma_wait3A_500 : memref<1x80xi32, #tpu.memory_space<vmem>> -> memref<80xi32, #tpu.memory_space<vmem>>
      %dma_wait3A_502 = arith.constant 0 : i32
      %dma_wait3A_503 = arith.constant 0 : i32
      %dma_wait3A_504 = tpu.memref_slice %arg2[%dma_wait3A_502, %dma_wait3A_503] : memref<10240x64xf32, #tpu.memory_space<hbm>> -> memref<10240x64xf32, #tpu.memory_space<hbm>>
      tpu.wait_indirect_dma semaphore(%arg8 : memref<!tpu.dma_semaphore, #tpu.memory_space<semaphore_mem>>) src(%dma_wait3A_504 : memref<10240x64xf32, #tpu.memory_space<hbm>>) dst(%dma_wait3A_498 : memref<80x64xf32, #tpu.memory_space<vmem>>)
      %dma_start3A_505 = arith.constant 4 : i32
      %dma_start3A_506 = arith.constant 0 : i32
      %dma_start3A_507 = arith.constant 0 : i32
      %dma_start3A_508 = tpu.memref_slice %arg7[%dma_start3A_505, %dma_start3A_506, %dma_start3A_507] : memref<12x80x64xf32, #tpu.memory_space<vmem>> -> memref<1x80x64xf32, #tpu.memory_space<vmem>>
      %dma_start3A_509 = tpu.memref_squeeze %dma_start3A_508 : memref<1x80x64xf32, #tpu.memory_space<vmem>> -> memref<80x64xf32, #tpu.memory_space<vmem>>
      %dma_start3A_510 = arith.constant 0 : i32
      %dma_start3A_511 = tpu.memref_slice %arg6[%add3A_492, %dma_start3A_510] : memref<125x80xi32, #tpu.memory_space<vmem>> -> memref<1x80xi32, #tpu.memory_space<vmem>>
      %dma_start3A_512 = tpu.memref_squeeze %dma_start3A_511 : memref<1x80xi32, #tpu.memory_space<vmem>> -> memref<80xi32, #tpu.memory_space<vmem>>
      %dma_start3A_513 = arith.constant 0 : i32
      %dma_start3A_514 = arith.constant 0 : i32
      %dma_start3A_515 = tpu.memref_slice %arg21[%dma_start3A_513, %dma_start3A_514] : memref<10240x64xf32, #tpu.memory_space<vmem_shared>> -> memref<10240x64xf32, #tpu.memory_space<vmem_shared>>
      tpu.enqueue_indirect_dma source(%dma_start3A_509 : memref<80x64xf32, #tpu.memory_space<vmem>>) target(%dma_start3A_515 : memref<10240x64xf32, #tpu.memory_space<vmem_shared>>) offsets(%dma_start3A_512 : memref<80xi32, #tpu.memory_space<vmem>>) semaphore(%arg13 : memref<!tpu.dma_semaphore, #tpu.memory_space<semaphore_mem>>) {add = true}
      %add3A_516 = arith.constant 6 : i32
      %add3A_517 = arith.addi %add3A_492, %add3A_516 : i32
      %lt3A_518 = arith.constant 125 : i32
      %lt3A_519 = arith.cmpi slt, %add3A_517, %lt3A_518 : i32
      %convert_element_type3A_520 = arith.extui %lt3A_519 : i1 to i32
      %cond3A_521 = arith.constant 0 : i32
      %cond3A_522 = arith.cmpi ne, %convert_element_type3A_520, %cond3A_521 : i32
      scf.if %cond3A_522 {
        %ge3A = arith.constant 6 : i32
        %ge3A_761 = arith.cmpi sge, %add3A_492, %ge3A : i32
        %convert_element_type3A_762 = arith.extui %ge3A_761 : i1 to i32
        %cond3A_763 = arith.constant 0 : i32
        %cond3A_764 = arith.cmpi ne, %convert_element_type3A_762, %cond3A_763 : i32
        scf.if %cond3A_764 {
          %dma_wait3A_778 = arith.constant 10 : i32
          %dma_wait3A_779 = arith.constant 0 : i32
          %dma_wait3A_780 = arith.constant 0 : i32
          %dma_wait3A_781 = arith.constant 0 : i32
          %dma_wait3A_782 = tpu.memref_slice %arg7[%dma_wait3A_778, %dma_wait3A_780, %dma_wait3A_781] : memref<12x80x64xf32, #tpu.memory_space<vmem>> -> memref<1x80x64xf32, #tpu.memory_space<vmem>>
          %dma_wait3A_783 = tpu.memref_squeeze %dma_wait3A_782 : memref<1x80x64xf32, #tpu.memory_space<vmem>> -> memref<80x64xf32, #tpu.memory_space<vmem>>
          %dma_wait3A_784 = arith.constant 0 : i32
          %dma_wait3A_785 = tpu.memref_slice %arg6[%dma_wait3A_779, %dma_wait3A_784] : memref<125x80xi32, #tpu.memory_space<vmem>> -> memref<1x80xi32, #tpu.memory_space<vmem>>
          %dma_wait3A_786 = tpu.memref_squeeze %dma_wait3A_785 : memref<1x80xi32, #tpu.memory_space<vmem>> -> memref<80xi32, #tpu.memory_space<vmem>>
          %dma_wait3A_787 = arith.constant 0 : i32
          %dma_wait3A_788 = arith.constant 0 : i32
          %dma_wait3A_789 = tpu.memref_slice %arg21[%dma_wait3A_787, %dma_wait3A_788] : memref<10240x64xf32, #tpu.memory_space<vmem_shared>> -> memref<10240x64xf32, #tpu.memory_space<vmem_shared>>
          tpu.wait_indirect_dma semaphore(%arg19 : memref<!tpu.dma_semaphore, #tpu.memory_space<semaphore_mem>>) src(%dma_wait3A_783 : memref<80x64xf32, #tpu.memory_space<vmem>>) dst(%dma_wait3A_789 : memref<10240x64xf32, #tpu.memory_space<vmem_shared>>)
        } else {
        }
        %add3A_765 = arith.constant 6 : i32
        %add3A_766 = arith.addi %add3A_492, %add3A_765 : i32
        %dma_start3A_767 = arith.constant 10 : i32
        %dma_start3A_768 = arith.constant 0 : i32
        %dma_start3A_769 = arith.constant 0 : i32
        %dma_start3A_770 = tpu.memref_slice %arg7[%dma_start3A_767, %dma_start3A_768, %dma_start3A_769] : memref<12x80x64xf32, #tpu.memory_space<vmem>> -> memref<1x80x64xf32, #tpu.memory_space<vmem>>
        %dma_start3A_771 = tpu.memref_squeeze %dma_start3A_770 : memref<1x80x64xf32, #tpu.memory_space<vmem>> -> memref<80x64xf32, #tpu.memory_space<vmem>>
        %dma_start3A_772 = arith.constant 0 : i32
        %dma_start3A_773 = tpu.memref_slice %arg5[%add3A_766, %dma_start3A_772] : memref<125x80xi32, #tpu.memory_space<vmem>> -> memref<1x80xi32, #tpu.memory_space<vmem>>
        %dma_start3A_774 = tpu.memref_squeeze %dma_start3A_773 : memref<1x80xi32, #tpu.memory_space<vmem>> -> memref<80xi32, #tpu.memory_space<vmem>>
        %dma_start3A_775 = arith.constant 0 : i32
        %dma_start3A_776 = arith.constant 0 : i32
        %dma_start3A_777 = tpu.memref_slice %arg2[%dma_start3A_775, %dma_start3A_776] : memref<10240x64xf32, #tpu.memory_space<hbm>> -> memref<10240x64xf32, #tpu.memory_space<hbm>>
        tpu.enqueue_indirect_dma source(%dma_start3A_777 : memref<10240x64xf32, #tpu.memory_space<hbm>>) target(%dma_start3A_771 : memref<80x64xf32, #tpu.memory_space<vmem>>) offsets(%dma_start3A_774 : memref<80xi32, #tpu.memory_space<vmem>>) semaphore(%arg8 : memref<!tpu.dma_semaphore, #tpu.memory_space<semaphore_mem>>)
      } else {
      }
      %mul3A_523 = arith.constant 12 : i32
      %mul3A_524 = arith.muli %scan3A_353, %mul3A_523 : i32
      %add3A_525 = arith.constant 5 : i32
      %add3A_526 = arith.addi %mul3A_524, %add3A_525 : i32
      %dma_wait3A_527 = arith.constant 0 : i32
      %dma_wait3A_528 = arith.constant 5 : i32
      %dma_wait3A_529 = arith.constant 0 : i32
      %dma_wait3A_530 = arith.constant 0 : i32
      %dma_wait3A_531 = tpu.memref_slice %arg7[%dma_wait3A_528, %dma_wait3A_529, %dma_wait3A_530] : memref<12x80x64xf32, #tpu.memory_space<vmem>> -> memref<1x80x64xf32, #tpu.memory_space<vmem>>
      %dma_wait3A_532 = tpu.memref_squeeze %dma_wait3A_531 : memref<1x80x64xf32, #tpu.memory_space<vmem>> -> memref<80x64xf32, #tpu.memory_space<vmem>>
      %dma_wait3A_533 = arith.constant 0 : i32
      %dma_wait3A_534 = tpu.memref_slice %arg5[%dma_wait3A_527, %dma_wait3A_533] : memref<125x80xi32, #tpu.memory_space<vmem>> -> memref<1x80xi32, #tpu.memory_space<vmem>>
      %dma_wait3A_535 = tpu.memref_squeeze %dma_wait3A_534 : memref<1x80xi32, #tpu.memory_space<vmem>> -> memref<80xi32, #tpu.memory_space<vmem>>
      %dma_wait3A_536 = arith.constant 0 : i32
      %dma_wait3A_537 = arith.constant 0 : i32
      %dma_wait3A_538 = tpu.memref_slice %arg2[%dma_wait3A_536, %dma_wait3A_537] : memref<10240x64xf32, #tpu.memory_space<hbm>> -> memref<10240x64xf32, #tpu.memory_space<hbm>>
      tpu.wait_indirect_dma semaphore(%arg8 : memref<!tpu.dma_semaphore, #tpu.memory_space<semaphore_mem>>) src(%dma_wait3A_538 : memref<10240x64xf32, #tpu.memory_space<hbm>>) dst(%dma_wait3A_532 : memref<80x64xf32, #tpu.memory_space<vmem>>)
      %dma_start3A_539 = arith.constant 5 : i32
      %dma_start3A_540 = arith.constant 0 : i32
      %dma_start3A_541 = arith.constant 0 : i32
      %dma_start3A_542 = tpu.memref_slice %arg7[%dma_start3A_539, %dma_start3A_540, %dma_start3A_541] : memref<12x80x64xf32, #tpu.memory_space<vmem>> -> memref<1x80x64xf32, #tpu.memory_space<vmem>>
      %dma_start3A_543 = tpu.memref_squeeze %dma_start3A_542 : memref<1x80x64xf32, #tpu.memory_space<vmem>> -> memref<80x64xf32, #tpu.memory_space<vmem>>
      %dma_start3A_544 = arith.constant 0 : i32
      %dma_start3A_545 = tpu.memref_slice %arg6[%add3A_526, %dma_start3A_544] : memref<125x80xi32, #tpu.memory_space<vmem>> -> memref<1x80xi32, #tpu.memory_space<vmem>>
      %dma_start3A_546 = tpu.memref_squeeze %dma_start3A_545 : memref<1x80xi32, #tpu.memory_space<vmem>> -> memref<80xi32, #tpu.memory_space<vmem>>
      %dma_start3A_547 = arith.constant 0 : i32
      %dma_start3A_548 = arith.constant 0 : i32
      %dma_start3A_549 = tpu.memref_slice %arg21[%dma_start3A_547, %dma_start3A_548] : memref<10240x64xf32, #tpu.memory_space<vmem_shared>> -> memref<10240x64xf32, #tpu.memory_space<vmem_shared>>
      tpu.enqueue_indirect_dma source(%dma_start3A_543 : memref<80x64xf32, #tpu.memory_space<vmem>>) target(%dma_start3A_549 : memref<10240x64xf32, #tpu.memory_space<vmem_shared>>) offsets(%dma_start3A_546 : memref<80xi32, #tpu.memory_space<vmem>>) semaphore(%arg14 : memref<!tpu.dma_semaphore, #tpu.memory_space<semaphore_mem>>) {add = true}
      %add3A_550 = arith.constant 6 : i32
      %add3A_551 = arith.addi %add3A_526, %add3A_550 : i32
      %lt3A_552 = arith.constant 125 : i32
      %lt3A_553 = arith.cmpi slt, %add3A_551, %lt3A_552 : i32
      %convert_element_type3A_554 = arith.extui %lt3A_553 : i1 to i32
      %cond3A_555 = arith.constant 0 : i32
      %cond3A_556 = arith.cmpi ne, %convert_element_type3A_554, %cond3A_555 : i32
      scf.if %cond3A_556 {
        %ge3A = arith.constant 6 : i32
        %ge3A_761 = arith.cmpi sge, %add3A_526, %ge3A : i32
        %convert_element_type3A_762 = arith.extui %ge3A_761 : i1 to i32
        %cond3A_763 = arith.constant 0 : i32
        %cond3A_764 = arith.cmpi ne, %convert_element_type3A_762, %cond3A_763 : i32
        scf.if %cond3A_764 {
          %dma_wait3A_778 = arith.constant 11 : i32
          %dma_wait3A_779 = arith.constant 0 : i32
          %dma_wait3A_780 = arith.constant 0 : i32
          %dma_wait3A_781 = arith.constant 0 : i32
          %dma_wait3A_782 = tpu.memref_slice %arg7[%dma_wait3A_778, %dma_wait3A_780, %dma_wait3A_781] : memref<12x80x64xf32, #tpu.memory_space<vmem>> -> memref<1x80x64xf32, #tpu.memory_space<vmem>>
          %dma_wait3A_783 = tpu.memref_squeeze %dma_wait3A_782 : memref<1x80x64xf32, #tpu.memory_space<vmem>> -> memref<80x64xf32, #tpu.memory_space<vmem>>
          %dma_wait3A_784 = arith.constant 0 : i32
          %dma_wait3A_785 = tpu.memref_slice %arg6[%dma_wait3A_779, %dma_wait3A_784] : memref<125x80xi32, #tpu.memory_space<vmem>> -> memref<1x80xi32, #tpu.memory_space<vmem>>
          %dma_wait3A_786 = tpu.memref_squeeze %dma_wait3A_785 : memref<1x80xi32, #tpu.memory_space<vmem>> -> memref<80xi32, #tpu.memory_space<vmem>>
          %dma_wait3A_787 = arith.constant 0 : i32
          %dma_wait3A_788 = arith.constant 0 : i32
          %dma_wait3A_789 = tpu.memref_slice %arg21[%dma_wait3A_787, %dma_wait3A_788] : memref<10240x64xf32, #tpu.memory_space<vmem_shared>> -> memref<10240x64xf32, #tpu.memory_space<vmem_shared>>
          tpu.wait_indirect_dma semaphore(%arg20 : memref<!tpu.dma_semaphore, #tpu.memory_space<semaphore_mem>>) src(%dma_wait3A_783 : memref<80x64xf32, #tpu.memory_space<vmem>>) dst(%dma_wait3A_789 : memref<10240x64xf32, #tpu.memory_space<vmem_shared>>)
        } else {
        }
        %add3A_765 = arith.constant 6 : i32
        %add3A_766 = arith.addi %add3A_526, %add3A_765 : i32
        %dma_start3A_767 = arith.constant 11 : i32
        %dma_start3A_768 = arith.constant 0 : i32
        %dma_start3A_769 = arith.constant 0 : i32
        %dma_start3A_770 = tpu.memref_slice %arg7[%dma_start3A_767, %dma_start3A_768, %dma_start3A_769] : memref<12x80x64xf32, #tpu.memory_space<vmem>> -> memref<1x80x64xf32, #tpu.memory_space<vmem>>
        %dma_start3A_771 = tpu.memref_squeeze %dma_start3A_770 : memref<1x80x64xf32, #tpu.memory_space<vmem>> -> memref<80x64xf32, #tpu.memory_space<vmem>>
        %dma_start3A_772 = arith.constant 0 : i32
        %dma_start3A_773 = tpu.memref_slice %arg5[%add3A_766, %dma_start3A_772] : memref<125x80xi32, #tpu.memory_space<vmem>> -> memref<1x80xi32, #tpu.memory_space<vmem>>
        %dma_start3A_774 = tpu.memref_squeeze %dma_start3A_773 : memref<1x80xi32, #tpu.memory_space<vmem>> -> memref<80xi32, #tpu.memory_space<vmem>>
        %dma_start3A_775 = arith.constant 0 : i32
        %dma_start3A_776 = arith.constant 0 : i32
        %dma_start3A_777 = tpu.memref_slice %arg2[%dma_start3A_775, %dma_start3A_776] : memref<10240x64xf32, #tpu.memory_space<hbm>> -> memref<10240x64xf32, #tpu.memory_space<hbm>>
        tpu.enqueue_indirect_dma source(%dma_start3A_777 : memref<10240x64xf32, #tpu.memory_space<hbm>>) target(%dma_start3A_771 : memref<80x64xf32, #tpu.memory_space<vmem>>) offsets(%dma_start3A_774 : memref<80xi32, #tpu.memory_space<vmem>>) semaphore(%arg8 : memref<!tpu.dma_semaphore, #tpu.memory_space<semaphore_mem>>)
      } else {
      }
      %mul3A_557 = arith.constant 12 : i32
      %mul3A_558 = arith.muli %scan3A_353, %mul3A_557 : i32
      %add3A_559 = arith.constant 6 : i32
      %add3A_560 = arith.addi %mul3A_558, %add3A_559 : i32
      %dma_wait3A_561 = arith.constant 0 : i32
      %dma_wait3A_562 = arith.constant 6 : i32
      %dma_wait3A_563 = arith.constant 0 : i32
      %dma_wait3A_564 = arith.constant 0 : i32
      %dma_wait3A_565 = tpu.memref_slice %arg7[%dma_wait3A_562, %dma_wait3A_563, %dma_wait3A_564] : memref<12x80x64xf32, #tpu.memory_space<vmem>> -> memref<1x80x64xf32, #tpu.memory_space<vmem>>
      %dma_wait3A_566 = tpu.memref_squeeze %dma_wait3A_565 : memref<1x80x64xf32, #tpu.memory_space<vmem>> -> memref<80x64xf32, #tpu.memory_space<vmem>>
      %dma_wait3A_567 = arith.constant 0 : i32
      %dma_wait3A_568 = tpu.memref_slice %arg5[%dma_wait3A_561, %dma_wait3A_567] : memref<125x80xi32, #tpu.memory_space<vmem>> -> memref<1x80xi32, #tpu.memory_space<vmem>>
      %dma_wait3A_569 = tpu.memref_squeeze %dma_wait3A_568 : memref<1x80xi32, #tpu.memory_space<vmem>> -> memref<80xi32, #tpu.memory_space<vmem>>
      %dma_wait3A_570 = arith.constant 0 : i32
      %dma_wait3A_571 = arith.constant 0 : i32
      %dma_wait3A_572 = tpu.memref_slice %arg2[%dma_wait3A_570, %dma_wait3A_571] : memref<10240x64xf32, #tpu.memory_space<hbm>> -> memref<10240x64xf32, #tpu.memory_space<hbm>>
      tpu.wait_indirect_dma semaphore(%arg8 : memref<!tpu.dma_semaphore, #tpu.memory_space<semaphore_mem>>) src(%dma_wait3A_572 : memref<10240x64xf32, #tpu.memory_space<hbm>>) dst(%dma_wait3A_566 : memref<80x64xf32, #tpu.memory_space<vmem>>)
      %dma_start3A_573 = arith.constant 6 : i32
      %dma_start3A_574 = arith.constant 0 : i32
      %dma_start3A_575 = arith.constant 0 : i32
      %dma_start3A_576 = tpu.memref_slice %arg7[%dma_start3A_573, %dma_start3A_574, %dma_start3A_575] : memref<12x80x64xf32, #tpu.memory_space<vmem>> -> memref<1x80x64xf32, #tpu.memory_space<vmem>>
      %dma_start3A_577 = tpu.memref_squeeze %dma_start3A_576 : memref<1x80x64xf32, #tpu.memory_space<vmem>> -> memref<80x64xf32, #tpu.memory_space<vmem>>
      %dma_start3A_578 = arith.constant 0 : i32
      %dma_start3A_579 = tpu.memref_slice %arg6[%add3A_560, %dma_start3A_578] : memref<125x80xi32, #tpu.memory_space<vmem>> -> memref<1x80xi32, #tpu.memory_space<vmem>>
      %dma_start3A_580 = tpu.memref_squeeze %dma_start3A_579 : memref<1x80xi32, #tpu.memory_space<vmem>> -> memref<80xi32, #tpu.memory_space<vmem>>
      %dma_start3A_581 = arith.constant 0 : i32
      %dma_start3A_582 = arith.constant 0 : i32
      %dma_start3A_583 = tpu.memref_slice %arg21[%dma_start3A_581, %dma_start3A_582] : memref<10240x64xf32, #tpu.memory_space<vmem_shared>> -> memref<10240x64xf32, #tpu.memory_space<vmem_shared>>
      tpu.enqueue_indirect_dma source(%dma_start3A_577 : memref<80x64xf32, #tpu.memory_space<vmem>>) target(%dma_start3A_583 : memref<10240x64xf32, #tpu.memory_space<vmem_shared>>) offsets(%dma_start3A_580 : memref<80xi32, #tpu.memory_space<vmem>>) semaphore(%arg15 : memref<!tpu.dma_semaphore, #tpu.memory_space<semaphore_mem>>) {add = true}
      %add3A_584 = arith.constant 6 : i32
      %add3A_585 = arith.addi %add3A_560, %add3A_584 : i32
      %lt3A_586 = arith.constant 125 : i32
      %lt3A_587 = arith.cmpi slt, %add3A_585, %lt3A_586 : i32
      %convert_element_type3A_588 = arith.extui %lt3A_587 : i1 to i32
      %cond3A_589 = arith.constant 0 : i32
      %cond3A_590 = arith.cmpi ne, %convert_element_type3A_588, %cond3A_589 : i32
      scf.if %cond3A_590 {
        %ge3A = arith.constant 6 : i32
        %ge3A_761 = arith.cmpi sge, %add3A_560, %ge3A : i32
        %convert_element_type3A_762 = arith.extui %ge3A_761 : i1 to i32
        %cond3A_763 = arith.constant 0 : i32
        %cond3A_764 = arith.cmpi ne, %convert_element_type3A_762, %cond3A_763 : i32
        scf.if %cond3A_764 {
          %dma_wait3A_778 = arith.constant 0 : i32
          %dma_wait3A_779 = arith.constant 0 : i32
          %dma_wait3A_780 = arith.constant 0 : i32
          %dma_wait3A_781 = arith.constant 0 : i32
          %dma_wait3A_782 = tpu.memref_slice %arg7[%dma_wait3A_778, %dma_wait3A_780, %dma_wait3A_781] : memref<12x80x64xf32, #tpu.memory_space<vmem>> -> memref<1x80x64xf32, #tpu.memory_space<vmem>>
          %dma_wait3A_783 = tpu.memref_squeeze %dma_wait3A_782 : memref<1x80x64xf32, #tpu.memory_space<vmem>> -> memref<80x64xf32, #tpu.memory_space<vmem>>
          %dma_wait3A_784 = arith.constant 0 : i32
          %dma_wait3A_785 = tpu.memref_slice %arg6[%dma_wait3A_779, %dma_wait3A_784] : memref<125x80xi32, #tpu.memory_space<vmem>> -> memref<1x80xi32, #tpu.memory_space<vmem>>
          %dma_wait3A_786 = tpu.memref_squeeze %dma_wait3A_785 : memref<1x80xi32, #tpu.memory_space<vmem>> -> memref<80xi32, #tpu.memory_space<vmem>>
          %dma_wait3A_787 = arith.constant 0 : i32
          %dma_wait3A_788 = arith.constant 0 : i32
          %dma_wait3A_789 = tpu.memref_slice %arg21[%dma_wait3A_787, %dma_wait3A_788] : memref<10240x64xf32, #tpu.memory_space<vmem_shared>> -> memref<10240x64xf32, #tpu.memory_space<vmem_shared>>
          tpu.wait_indirect_dma semaphore(%arg9 : memref<!tpu.dma_semaphore, #tpu.memory_space<semaphore_mem>>) src(%dma_wait3A_783 : memref<80x64xf32, #tpu.memory_space<vmem>>) dst(%dma_wait3A_789 : memref<10240x64xf32, #tpu.memory_space<vmem_shared>>)
        } else {
        }
        %add3A_765 = arith.constant 6 : i32
        %add3A_766 = arith.addi %add3A_560, %add3A_765 : i32
        %dma_start3A_767 = arith.constant 0 : i32
        %dma_start3A_768 = arith.constant 0 : i32
        %dma_start3A_769 = arith.constant 0 : i32
        %dma_start3A_770 = tpu.memref_slice %arg7[%dma_start3A_767, %dma_start3A_768, %dma_start3A_769] : memref<12x80x64xf32, #tpu.memory_space<vmem>> -> memref<1x80x64xf32, #tpu.memory_space<vmem>>
        %dma_start3A_771 = tpu.memref_squeeze %dma_start3A_770 : memref<1x80x64xf32, #tpu.memory_space<vmem>> -> memref<80x64xf32, #tpu.memory_space<vmem>>
        %dma_start3A_772 = arith.constant 0 : i32
        %dma_start3A_773 = tpu.memref_slice %arg5[%add3A_766, %dma_start3A_772] : memref<125x80xi32, #tpu.memory_space<vmem>> -> memref<1x80xi32, #tpu.memory_space<vmem>>
        %dma_start3A_774 = tpu.memref_squeeze %dma_start3A_773 : memref<1x80xi32, #tpu.memory_space<vmem>> -> memref<80xi32, #tpu.memory_space<vmem>>
        %dma_start3A_775 = arith.constant 0 : i32
        %dma_start3A_776 = arith.constant 0 : i32
        %dma_start3A_777 = tpu.memref_slice %arg2[%dma_start3A_775, %dma_start3A_776] : memref<10240x64xf32, #tpu.memory_space<hbm>> -> memref<10240x64xf32, #tpu.memory_space<hbm>>
        tpu.enqueue_indirect_dma source(%dma_start3A_777 : memref<10240x64xf32, #tpu.memory_space<hbm>>) target(%dma_start3A_771 : memref<80x64xf32, #tpu.memory_space<vmem>>) offsets(%dma_start3A_774 : memref<80xi32, #tpu.memory_space<vmem>>) semaphore(%arg8 : memref<!tpu.dma_semaphore, #tpu.memory_space<semaphore_mem>>)
      } else {
      }
      %mul3A_591 = arith.constant 12 : i32
      %mul3A_592 = arith.muli %scan3A_353, %mul3A_591 : i32
      %add3A_593 = arith.constant 7 : i32
      %add3A_594 = arith.addi %mul3A_592, %add3A_593 : i32
      %dma_wait3A_595 = arith.constant 0 : i32
      %dma_wait3A_596 = arith.constant 7 : i32
      %dma_wait3A_597 = arith.constant 0 : i32
      %dma_wait3A_598 = arith.constant 0 : i32
      %dma_wait3A_599 = tpu.memref_slice %arg7[%dma_wait3A_596, %dma_wait3A_597, %dma_wait3A_598] : memref<12x80x64xf32, #tpu.memory_space<vmem>> -> memref<1x80x64xf32, #tpu.memory_space<vmem>>
      %dma_wait3A_600 = tpu.memref_squeeze %dma_wait3A_599 : memref<1x80x64xf32, #tpu.memory_space<vmem>> -> memref<80x64xf32, #tpu.memory_space<vmem>>
      %dma_wait3A_601 = arith.constant 0 : i32
      %dma_wait3A_602 = tpu.memref_slice %arg5[%dma_wait3A_595, %dma_wait3A_601] : memref<125x80xi32, #tpu.memory_space<vmem>> -> memref<1x80xi32, #tpu.memory_space<vmem>>
      %dma_wait3A_603 = tpu.memref_squeeze %dma_wait3A_602 : memref<1x80xi32, #tpu.memory_space<vmem>> -> memref<80xi32, #tpu.memory_space<vmem>>
      %dma_wait3A_604 = arith.constant 0 : i32
      %dma_wait3A_605 = arith.constant 0 : i32
      %dma_wait3A_606 = tpu.memref_slice %arg2[%dma_wait3A_604, %dma_wait3A_605] : memref<10240x64xf32, #tpu.memory_space<hbm>> -> memref<10240x64xf32, #tpu.memory_space<hbm>>
      tpu.wait_indirect_dma semaphore(%arg8 : memref<!tpu.dma_semaphore, #tpu.memory_space<semaphore_mem>>) src(%dma_wait3A_606 : memref<10240x64xf32, #tpu.memory_space<hbm>>) dst(%dma_wait3A_600 : memref<80x64xf32, #tpu.memory_space<vmem>>)
      %dma_start3A_607 = arith.constant 7 : i32
      %dma_start3A_608 = arith.constant 0 : i32
      %dma_start3A_609 = arith.constant 0 : i32
      %dma_start3A_610 = tpu.memref_slice %arg7[%dma_start3A_607, %dma_start3A_608, %dma_start3A_609] : memref<12x80x64xf32, #tpu.memory_space<vmem>> -> memref<1x80x64xf32, #tpu.memory_space<vmem>>
      %dma_start3A_611 = tpu.memref_squeeze %dma_start3A_610 : memref<1x80x64xf32, #tpu.memory_space<vmem>> -> memref<80x64xf32, #tpu.memory_space<vmem>>
      %dma_start3A_612 = arith.constant 0 : i32
      %dma_start3A_613 = tpu.memref_slice %arg6[%add3A_594, %dma_start3A_612] : memref<125x80xi32, #tpu.memory_space<vmem>> -> memref<1x80xi32, #tpu.memory_space<vmem>>
      %dma_start3A_614 = tpu.memref_squeeze %dma_start3A_613 : memref<1x80xi32, #tpu.memory_space<vmem>> -> memref<80xi32, #tpu.memory_space<vmem>>
      %dma_start3A_615 = arith.constant 0 : i32
      %dma_start3A_616 = arith.constant 0 : i32
      %dma_start3A_617 = tpu.memref_slice %arg21[%dma_start3A_615, %dma_start3A_616] : memref<10240x64xf32, #tpu.memory_space<vmem_shared>> -> memref<10240x64xf32, #tpu.memory_space<vmem_shared>>
      tpu.enqueue_indirect_dma source(%dma_start3A_611 : memref<80x64xf32, #tpu.memory_space<vmem>>) target(%dma_start3A_617 : memref<10240x64xf32, #tpu.memory_space<vmem_shared>>) offsets(%dma_start3A_614 : memref<80xi32, #tpu.memory_space<vmem>>) semaphore(%arg16 : memref<!tpu.dma_semaphore, #tpu.memory_space<semaphore_mem>>) {add = true}
      %add3A_618 = arith.constant 6 : i32
      %add3A_619 = arith.addi %add3A_594, %add3A_618 : i32
      %lt3A_620 = arith.constant 125 : i32
      %lt3A_621 = arith.cmpi slt, %add3A_619, %lt3A_620 : i32
      %convert_element_type3A_622 = arith.extui %lt3A_621 : i1 to i32
      %cond3A_623 = arith.constant 0 : i32
      %cond3A_624 = arith.cmpi ne, %convert_element_type3A_622, %cond3A_623 : i32
      scf.if %cond3A_624 {
        %ge3A = arith.constant 6 : i32
        %ge3A_761 = arith.cmpi sge, %add3A_594, %ge3A : i32
        %convert_element_type3A_762 = arith.extui %ge3A_761 : i1 to i32
        %cond3A_763 = arith.constant 0 : i32
        %cond3A_764 = arith.cmpi ne, %convert_element_type3A_762, %cond3A_763 : i32
        scf.if %cond3A_764 {
          %dma_wait3A_778 = arith.constant 1 : i32
          %dma_wait3A_779 = arith.constant 0 : i32
          %dma_wait3A_780 = arith.constant 0 : i32
          %dma_wait3A_781 = arith.constant 0 : i32
          %dma_wait3A_782 = tpu.memref_slice %arg7[%dma_wait3A_778, %dma_wait3A_780, %dma_wait3A_781] : memref<12x80x64xf32, #tpu.memory_space<vmem>> -> memref<1x80x64xf32, #tpu.memory_space<vmem>>
          %dma_wait3A_783 = tpu.memref_squeeze %dma_wait3A_782 : memref<1x80x64xf32, #tpu.memory_space<vmem>> -> memref<80x64xf32, #tpu.memory_space<vmem>>
          %dma_wait3A_784 = arith.constant 0 : i32
          %dma_wait3A_785 = tpu.memref_slice %arg6[%dma_wait3A_779, %dma_wait3A_784] : memref<125x80xi32, #tpu.memory_space<vmem>> -> memref<1x80xi32, #tpu.memory_space<vmem>>
          %dma_wait3A_786 = tpu.memref_squeeze %dma_wait3A_785 : memref<1x80xi32, #tpu.memory_space<vmem>> -> memref<80xi32, #tpu.memory_space<vmem>>
          %dma_wait3A_787 = arith.constant 0 : i32
          %dma_wait3A_788 = arith.constant 0 : i32
          %dma_wait3A_789 = tpu.memref_slice %arg21[%dma_wait3A_787, %dma_wait3A_788] : memref<10240x64xf32, #tpu.memory_space<vmem_shared>> -> memref<10240x64xf32, #tpu.memory_space<vmem_shared>>
          tpu.wait_indirect_dma semaphore(%arg10 : memref<!tpu.dma_semaphore, #tpu.memory_space<semaphore_mem>>) src(%dma_wait3A_783 : memref<80x64xf32, #tpu.memory_space<vmem>>) dst(%dma_wait3A_789 : memref<10240x64xf32, #tpu.memory_space<vmem_shared>>)
        } else {
        }
        %add3A_765 = arith.constant 6 : i32
        %add3A_766 = arith.addi %add3A_594, %add3A_765 : i32
        %dma_start3A_767 = arith.constant 1 : i32
        %dma_start3A_768 = arith.constant 0 : i32
        %dma_start3A_769 = arith.constant 0 : i32
        %dma_start3A_770 = tpu.memref_slice %arg7[%dma_start3A_767, %dma_start3A_768, %dma_start3A_769] : memref<12x80x64xf32, #tpu.memory_space<vmem>> -> memref<1x80x64xf32, #tpu.memory_space<vmem>>
        %dma_start3A_771 = tpu.memref_squeeze %dma_start3A_770 : memref<1x80x64xf32, #tpu.memory_space<vmem>> -> memref<80x64xf32, #tpu.memory_space<vmem>>
        %dma_start3A_772 = arith.constant 0 : i32
        %dma_start3A_773 = tpu.memref_slice %arg5[%add3A_766, %dma_start3A_772] : memref<125x80xi32, #tpu.memory_space<vmem>> -> memref<1x80xi32, #tpu.memory_space<vmem>>
        %dma_start3A_774 = tpu.memref_squeeze %dma_start3A_773 : memref<1x80xi32, #tpu.memory_space<vmem>> -> memref<80xi32, #tpu.memory_space<vmem>>
        %dma_start3A_775 = arith.constant 0 : i32
        %dma_start3A_776 = arith.constant 0 : i32
        %dma_start3A_777 = tpu.memref_slice %arg2[%dma_start3A_775, %dma_start3A_776] : memref<10240x64xf32, #tpu.memory_space<hbm>> -> memref<10240x64xf32, #tpu.memory_space<hbm>>
        tpu.enqueue_indirect_dma source(%dma_start3A_777 : memref<10240x64xf32, #tpu.memory_space<hbm>>) target(%dma_start3A_771 : memref<80x64xf32, #tpu.memory_space<vmem>>) offsets(%dma_start3A_774 : memref<80xi32, #tpu.memory_space<vmem>>) semaphore(%arg8 : memref<!tpu.dma_semaphore, #tpu.memory_space<semaphore_mem>>)
      } else {
      }
      %mul3A_625 = arith.constant 12 : i32
      %mul3A_626 = arith.muli %scan3A_353, %mul3A_625 : i32
      %add3A_627 = arith.constant 8 : i32
      %add3A_628 = arith.addi %mul3A_626, %add3A_627 : i32
      %dma_wait3A_629 = arith.constant 0 : i32
      %dma_wait3A_630 = arith.constant 8 : i32
      %dma_wait3A_631 = arith.constant 0 : i32
      %dma_wait3A_632 = arith.constant 0 : i32
      %dma_wait3A_633 = tpu.memref_slice %arg7[%dma_wait3A_630, %dma_wait3A_631, %dma_wait3A_632] : memref<12x80x64xf32, #tpu.memory_space<vmem>> -> memref<1x80x64xf32, #tpu.memory_space<vmem>>
      %dma_wait3A_634 = tpu.memref_squeeze %dma_wait3A_633 : memref<1x80x64xf32, #tpu.memory_space<vmem>> -> memref<80x64xf32, #tpu.memory_space<vmem>>
      %dma_wait3A_635 = arith.constant 0 : i32
      %dma_wait3A_636 = tpu.memref_slice %arg5[%dma_wait3A_629, %dma_wait3A_635] : memref<125x80xi32, #tpu.memory_space<vmem>> -> memref<1x80xi32, #tpu.memory_space<vmem>>
      %dma_wait3A_637 = tpu.memref_squeeze %dma_wait3A_636 : memref<1x80xi32, #tpu.memory_space<vmem>> -> memref<80xi32, #tpu.memory_space<vmem>>
      %dma_wait3A_638 = arith.constant 0 : i32
      %dma_wait3A_639 = arith.constant 0 : i32
      %dma_wait3A_640 = tpu.memref_slice %arg2[%dma_wait3A_638, %dma_wait3A_639] : memref<10240x64xf32, #tpu.memory_space<hbm>> -> memref<10240x64xf32, #tpu.memory_space<hbm>>
      tpu.wait_indirect_dma semaphore(%arg8 : memref<!tpu.dma_semaphore, #tpu.memory_space<semaphore_mem>>) src(%dma_wait3A_640 : memref<10240x64xf32, #tpu.memory_space<hbm>>) dst(%dma_wait3A_634 : memref<80x64xf32, #tpu.memory_space<vmem>>)
      %dma_start3A_641 = arith.constant 8 : i32
      %dma_start3A_642 = arith.constant 0 : i32
      %dma_start3A_643 = arith.constant 0 : i32
      %dma_start3A_644 = tpu.memref_slice %arg7[%dma_start3A_641, %dma_start3A_642, %dma_start3A_643] : memref<12x80x64xf32, #tpu.memory_space<vmem>> -> memref<1x80x64xf32, #tpu.memory_space<vmem>>
      %dma_start3A_645 = tpu.memref_squeeze %dma_start3A_644 : memref<1x80x64xf32, #tpu.memory_space<vmem>> -> memref<80x64xf32, #tpu.memory_space<vmem>>
      %dma_start3A_646 = arith.constant 0 : i32
      %dma_start3A_647 = tpu.memref_slice %arg6[%add3A_628, %dma_start3A_646] : memref<125x80xi32, #tpu.memory_space<vmem>> -> memref<1x80xi32, #tpu.memory_space<vmem>>
      %dma_start3A_648 = tpu.memref_squeeze %dma_start3A_647 : memref<1x80xi32, #tpu.memory_space<vmem>> -> memref<80xi32, #tpu.memory_space<vmem>>
      %dma_start3A_649 = arith.constant 0 : i32
      %dma_start3A_650 = arith.constant 0 : i32
      %dma_start3A_651 = tpu.memref_slice %arg21[%dma_start3A_649, %dma_start3A_650] : memref<10240x64xf32, #tpu.memory_space<vmem_shared>> -> memref<10240x64xf32, #tpu.memory_space<vmem_shared>>
      tpu.enqueue_indirect_dma source(%dma_start3A_645 : memref<80x64xf32, #tpu.memory_space<vmem>>) target(%dma_start3A_651 : memref<10240x64xf32, #tpu.memory_space<vmem_shared>>) offsets(%dma_start3A_648 : memref<80xi32, #tpu.memory_space<vmem>>) semaphore(%arg17 : memref<!tpu.dma_semaphore, #tpu.memory_space<semaphore_mem>>) {add = true}
      %add3A_652 = arith.constant 6 : i32
      %add3A_653 = arith.addi %add3A_628, %add3A_652 : i32
      %lt3A_654 = arith.constant 125 : i32
      %lt3A_655 = arith.cmpi slt, %add3A_653, %lt3A_654 : i32
      %convert_element_type3A_656 = arith.extui %lt3A_655 : i1 to i32
      %cond3A_657 = arith.constant 0 : i32
      %cond3A_658 = arith.cmpi ne, %convert_element_type3A_656, %cond3A_657 : i32
      scf.if %cond3A_658 {
        %ge3A = arith.constant 6 : i32
        %ge3A_761 = arith.cmpi sge, %add3A_628, %ge3A : i32
        %convert_element_type3A_762 = arith.extui %ge3A_761 : i1 to i32
        %cond3A_763 = arith.constant 0 : i32
        %cond3A_764 = arith.cmpi ne, %convert_element_type3A_762, %cond3A_763 : i32
        scf.if %cond3A_764 {
          %dma_wait3A_778 = arith.constant 2 : i32
          %dma_wait3A_779 = arith.constant 0 : i32
          %dma_wait3A_780 = arith.constant 0 : i32
          %dma_wait3A_781 = arith.constant 0 : i32
          %dma_wait3A_782 = tpu.memref_slice %arg7[%dma_wait3A_778, %dma_wait3A_780, %dma_wait3A_781] : memref<12x80x64xf32, #tpu.memory_space<vmem>> -> memref<1x80x64xf32, #tpu.memory_space<vmem>>
          %dma_wait3A_783 = tpu.memref_squeeze %dma_wait3A_782 : memref<1x80x64xf32, #tpu.memory_space<vmem>> -> memref<80x64xf32, #tpu.memory_space<vmem>>
          %dma_wait3A_784 = arith.constant 0 : i32
          %dma_wait3A_785 = tpu.memref_slice %arg6[%dma_wait3A_779, %dma_wait3A_784] : memref<125x80xi32, #tpu.memory_space<vmem>> -> memref<1x80xi32, #tpu.memory_space<vmem>>
          %dma_wait3A_786 = tpu.memref_squeeze %dma_wait3A_785 : memref<1x80xi32, #tpu.memory_space<vmem>> -> memref<80xi32, #tpu.memory_space<vmem>>
          %dma_wait3A_787 = arith.constant 0 : i32
          %dma_wait3A_788 = arith.constant 0 : i32
          %dma_wait3A_789 = tpu.memref_slice %arg21[%dma_wait3A_787, %dma_wait3A_788] : memref<10240x64xf32, #tpu.memory_space<vmem_shared>> -> memref<10240x64xf32, #tpu.memory_space<vmem_shared>>
          tpu.wait_indirect_dma semaphore(%arg11 : memref<!tpu.dma_semaphore, #tpu.memory_space<semaphore_mem>>) src(%dma_wait3A_783 : memref<80x64xf32, #tpu.memory_space<vmem>>) dst(%dma_wait3A_789 : memref<10240x64xf32, #tpu.memory_space<vmem_shared>>)
        } else {
        }
        %add3A_765 = arith.constant 6 : i32
        %add3A_766 = arith.addi %add3A_628, %add3A_765 : i32
        %dma_start3A_767 = arith.constant 2 : i32
        %dma_start3A_768 = arith.constant 0 : i32
        %dma_start3A_769 = arith.constant 0 : i32
        %dma_start3A_770 = tpu.memref_slice %arg7[%dma_start3A_767, %dma_start3A_768, %dma_start3A_769] : memref<12x80x64xf32, #tpu.memory_space<vmem>> -> memref<1x80x64xf32, #tpu.memory_space<vmem>>
        %dma_start3A_771 = tpu.memref_squeeze %dma_start3A_770 : memref<1x80x64xf32, #tpu.memory_space<vmem>> -> memref<80x64xf32, #tpu.memory_space<vmem>>
        %dma_start3A_772 = arith.constant 0 : i32
        %dma_start3A_773 = tpu.memref_slice %arg5[%add3A_766, %dma_start3A_772] : memref<125x80xi32, #tpu.memory_space<vmem>> -> memref<1x80xi32, #tpu.memory_space<vmem>>
        %dma_start3A_774 = tpu.memref_squeeze %dma_start3A_773 : memref<1x80xi32, #tpu.memory_space<vmem>> -> memref<80xi32, #tpu.memory_space<vmem>>
        %dma_start3A_775 = arith.constant 0 : i32
        %dma_start3A_776 = arith.constant 0 : i32
        %dma_start3A_777 = tpu.memref_slice %arg2[%dma_start3A_775, %dma_start3A_776] : memref<10240x64xf32, #tpu.memory_space<hbm>> -> memref<10240x64xf32, #tpu.memory_space<hbm>>
        tpu.enqueue_indirect_dma source(%dma_start3A_777 : memref<10240x64xf32, #tpu.memory_space<hbm>>) target(%dma_start3A_771 : memref<80x64xf32, #tpu.memory_space<vmem>>) offsets(%dma_start3A_774 : memref<80xi32, #tpu.memory_space<vmem>>) semaphore(%arg8 : memref<!tpu.dma_semaphore, #tpu.memory_space<semaphore_mem>>)
      } else {
      }
      %mul3A_659 = arith.constant 12 : i32
      %mul3A_660 = arith.muli %scan3A_353, %mul3A_659 : i32
      %add3A_661 = arith.constant 9 : i32
      %add3A_662 = arith.addi %mul3A_660, %add3A_661 : i32
      %dma_wait3A_663 = arith.constant 0 : i32
      %dma_wait3A_664 = arith.constant 9 : i32
      %dma_wait3A_665 = arith.constant 0 : i32
      %dma_wait3A_666 = arith.constant 0 : i32
      %dma_wait3A_667 = tpu.memref_slice %arg7[%dma_wait3A_664, %dma_wait3A_665, %dma_wait3A_666] : memref<12x80x64xf32, #tpu.memory_space<vmem>> -> memref<1x80x64xf32, #tpu.memory_space<vmem>>
      %dma_wait3A_668 = tpu.memref_squeeze %dma_wait3A_667 : memref<1x80x64xf32, #tpu.memory_space<vmem>> -> memref<80x64xf32, #tpu.memory_space<vmem>>
      %dma_wait3A_669 = arith.constant 0 : i32
      %dma_wait3A_670 = tpu.memref_slice %arg5[%dma_wait3A_663, %dma_wait3A_669] : memref<125x80xi32, #tpu.memory_space<vmem>> -> memref<1x80xi32, #tpu.memory_space<vmem>>
      %dma_wait3A_671 = tpu.memref_squeeze %dma_wait3A_670 : memref<1x80xi32, #tpu.memory_space<vmem>> -> memref<80xi32, #tpu.memory_space<vmem>>
      %dma_wait3A_672 = arith.constant 0 : i32
      %dma_wait3A_673 = arith.constant 0 : i32
      %dma_wait3A_674 = tpu.memref_slice %arg2[%dma_wait3A_672, %dma_wait3A_673] : memref<10240x64xf32, #tpu.memory_space<hbm>> -> memref<10240x64xf32, #tpu.memory_space<hbm>>
      tpu.wait_indirect_dma semaphore(%arg8 : memref<!tpu.dma_semaphore, #tpu.memory_space<semaphore_mem>>) src(%dma_wait3A_674 : memref<10240x64xf32, #tpu.memory_space<hbm>>) dst(%dma_wait3A_668 : memref<80x64xf32, #tpu.memory_space<vmem>>)
      %dma_start3A_675 = arith.constant 9 : i32
      %dma_start3A_676 = arith.constant 0 : i32
      %dma_start3A_677 = arith.constant 0 : i32
      %dma_start3A_678 = tpu.memref_slice %arg7[%dma_start3A_675, %dma_start3A_676, %dma_start3A_677] : memref<12x80x64xf32, #tpu.memory_space<vmem>> -> memref<1x80x64xf32, #tpu.memory_space<vmem>>
      %dma_start3A_679 = tpu.memref_squeeze %dma_start3A_678 : memref<1x80x64xf32, #tpu.memory_space<vmem>> -> memref<80x64xf32, #tpu.memory_space<vmem>>
      %dma_start3A_680 = arith.constant 0 : i32
      %dma_start3A_681 = tpu.memref_slice %arg6[%add3A_662, %dma_start3A_680] : memref<125x80xi32, #tpu.memory_space<vmem>> -> memref<1x80xi32, #tpu.memory_space<vmem>>
      %dma_start3A_682 = tpu.memref_squeeze %dma_start3A_681 : memref<1x80xi32, #tpu.memory_space<vmem>> -> memref<80xi32, #tpu.memory_space<vmem>>
      %dma_start3A_683 = arith.constant 0 : i32
      %dma_start3A_684 = arith.constant 0 : i32
      %dma_start3A_685 = tpu.memref_slice %arg21[%dma_start3A_683, %dma_start3A_684] : memref<10240x64xf32, #tpu.memory_space<vmem_shared>> -> memref<10240x64xf32, #tpu.memory_space<vmem_shared>>
      tpu.enqueue_indirect_dma source(%dma_start3A_679 : memref<80x64xf32, #tpu.memory_space<vmem>>) target(%dma_start3A_685 : memref<10240x64xf32, #tpu.memory_space<vmem_shared>>) offsets(%dma_start3A_682 : memref<80xi32, #tpu.memory_space<vmem>>) semaphore(%arg18 : memref<!tpu.dma_semaphore, #tpu.memory_space<semaphore_mem>>) {add = true}
      %add3A_686 = arith.constant 6 : i32
      %add3A_687 = arith.addi %add3A_662, %add3A_686 : i32
      %lt3A_688 = arith.constant 125 : i32
      %lt3A_689 = arith.cmpi slt, %add3A_687, %lt3A_688 : i32
      %convert_element_type3A_690 = arith.extui %lt3A_689 : i1 to i32
      %cond3A_691 = arith.constant 0 : i32
      %cond3A_692 = arith.cmpi ne, %convert_element_type3A_690, %cond3A_691 : i32
      scf.if %cond3A_692 {
        %ge3A = arith.constant 6 : i32
        %ge3A_761 = arith.cmpi sge, %add3A_662, %ge3A : i32
        %convert_element_type3A_762 = arith.extui %ge3A_761 : i1 to i32
        %cond3A_763 = arith.constant 0 : i32
        %cond3A_764 = arith.cmpi ne, %convert_element_type3A_762, %cond3A_763 : i32
        scf.if %cond3A_764 {
          %dma_wait3A_778 = arith.constant 3 : i32
          %dma_wait3A_779 = arith.constant 0 : i32
          %dma_wait3A_780 = arith.constant 0 : i32
          %dma_wait3A_781 = arith.constant 0 : i32
          %dma_wait3A_782 = tpu.memref_slice %arg7[%dma_wait3A_778, %dma_wait3A_780, %dma_wait3A_781] : memref<12x80x64xf32, #tpu.memory_space<vmem>> -> memref<1x80x64xf32, #tpu.memory_space<vmem>>
          %dma_wait3A_783 = tpu.memref_squeeze %dma_wait3A_782 : memref<1x80x64xf32, #tpu.memory_space<vmem>> -> memref<80x64xf32, #tpu.memory_space<vmem>>
          %dma_wait3A_784 = arith.constant 0 : i32
          %dma_wait3A_785 = tpu.memref_slice %arg6[%dma_wait3A_779, %dma_wait3A_784] : memref<125x80xi32, #tpu.memory_space<vmem>> -> memref<1x80xi32, #tpu.memory_space<vmem>>
          %dma_wait3A_786 = tpu.memref_squeeze %dma_wait3A_785 : memref<1x80xi32, #tpu.memory_space<vmem>> -> memref<80xi32, #tpu.memory_space<vmem>>
          %dma_wait3A_787 = arith.constant 0 : i32
          %dma_wait3A_788 = arith.constant 0 : i32
          %dma_wait3A_789 = tpu.memref_slice %arg21[%dma_wait3A_787, %dma_wait3A_788] : memref<10240x64xf32, #tpu.memory_space<vmem_shared>> -> memref<10240x64xf32, #tpu.memory_space<vmem_shared>>
          tpu.wait_indirect_dma semaphore(%arg12 : memref<!tpu.dma_semaphore, #tpu.memory_space<semaphore_mem>>) src(%dma_wait3A_783 : memref<80x64xf32, #tpu.memory_space<vmem>>) dst(%dma_wait3A_789 : memref<10240x64xf32, #tpu.memory_space<vmem_shared>>)
        } else {
        }
        %add3A_765 = arith.constant 6 : i32
        %add3A_766 = arith.addi %add3A_662, %add3A_765 : i32
        %dma_start3A_767 = arith.constant 3 : i32
        %dma_start3A_768 = arith.constant 0 : i32
        %dma_start3A_769 = arith.constant 0 : i32
        %dma_start3A_770 = tpu.memref_slice %arg7[%dma_start3A_767, %dma_start3A_768, %dma_start3A_769] : memref<12x80x64xf32, #tpu.memory_space<vmem>> -> memref<1x80x64xf32, #tpu.memory_space<vmem>>
        %dma_start3A_771 = tpu.memref_squeeze %dma_start3A_770 : memref<1x80x64xf32, #tpu.memory_space<vmem>> -> memref<80x64xf32, #tpu.memory_space<vmem>>
        %dma_start3A_772 = arith.constant 0 : i32
        %dma_start3A_773 = tpu.memref_slice %arg5[%add3A_766, %dma_start3A_772] : memref<125x80xi32, #tpu.memory_space<vmem>> -> memref<1x80xi32, #tpu.memory_space<vmem>>
        %dma_start3A_774 = tpu.memref_squeeze %dma_start3A_773 : memref<1x80xi32, #tpu.memory_space<vmem>> -> memref<80xi32, #tpu.memory_space<vmem>>
        %dma_start3A_775 = arith.constant 0 : i32
        %dma_start3A_776 = arith.constant 0 : i32
        %dma_start3A_777 = tpu.memref_slice %arg2[%dma_start3A_775, %dma_start3A_776] : memref<10240x64xf32, #tpu.memory_space<hbm>> -> memref<10240x64xf32, #tpu.memory_space<hbm>>
        tpu.enqueue_indirect_dma source(%dma_start3A_777 : memref<10240x64xf32, #tpu.memory_space<hbm>>) target(%dma_start3A_771 : memref<80x64xf32, #tpu.memory_space<vmem>>) offsets(%dma_start3A_774 : memref<80xi32, #tpu.memory_space<vmem>>) semaphore(%arg8 : memref<!tpu.dma_semaphore, #tpu.memory_space<semaphore_mem>>)
      } else {
      }
      %mul3A_693 = arith.constant 12 : i32
      %mul3A_694 = arith.muli %scan3A_353, %mul3A_693 : i32
      %add3A_695 = arith.constant 10 : i32
      %add3A_696 = arith.addi %mul3A_694, %add3A_695 : i32
      %dma_wait3A_697 = arith.constant 0 : i32
      %dma_wait3A_698 = arith.constant 10 : i32
      %dma_wait3A_699 = arith.constant 0 : i32
      %dma_wait3A_700 = arith.constant 0 : i32
      %dma_wait3A_701 = tpu.memref_slice %arg7[%dma_wait3A_698, %dma_wait3A_699, %dma_wait3A_700] : memref<12x80x64xf32, #tpu.memory_space<vmem>> -> memref<1x80x64xf32, #tpu.memory_space<vmem>>
      %dma_wait3A_702 = tpu.memref_squeeze %dma_wait3A_701 : memref<1x80x64xf32, #tpu.memory_space<vmem>> -> memref<80x64xf32, #tpu.memory_space<vmem>>
      %dma_wait3A_703 = arith.constant 0 : i32
      %dma_wait3A_704 = tpu.memref_slice %arg5[%dma_wait3A_697, %dma_wait3A_703] : memref<125x80xi32, #tpu.memory_space<vmem>> -> memref<1x80xi32, #tpu.memory_space<vmem>>
      %dma_wait3A_705 = tpu.memref_squeeze %dma_wait3A_704 : memref<1x80xi32, #tpu.memory_space<vmem>> -> memref<80xi32, #tpu.memory_space<vmem>>
      %dma_wait3A_706 = arith.constant 0 : i32
      %dma_wait3A_707 = arith.constant 0 : i32
      %dma_wait3A_708 = tpu.memref_slice %arg2[%dma_wait3A_706, %dma_wait3A_707] : memref<10240x64xf32, #tpu.memory_space<hbm>> -> memref<10240x64xf32, #tpu.memory_space<hbm>>
      tpu.wait_indirect_dma semaphore(%arg8 : memref<!tpu.dma_semaphore, #tpu.memory_space<semaphore_mem>>) src(%dma_wait3A_708 : memref<10240x64xf32, #tpu.memory_space<hbm>>) dst(%dma_wait3A_702 : memref<80x64xf32, #tpu.memory_space<vmem>>)
      %dma_start3A_709 = arith.constant 10 : i32
      %dma_start3A_710 = arith.constant 0 : i32
      %dma_start3A_711 = arith.constant 0 : i32
      %dma_start3A_712 = tpu.memref_slice %arg7[%dma_start3A_709, %dma_start3A_710, %dma_start3A_711] : memref<12x80x64xf32, #tpu.memory_space<vmem>> -> memref<1x80x64xf32, #tpu.memory_space<vmem>>
      %dma_start3A_713 = tpu.memref_squeeze %dma_start3A_712 : memref<1x80x64xf32, #tpu.memory_space<vmem>> -> memref<80x64xf32, #tpu.memory_space<vmem>>
      %dma_start3A_714 = arith.constant 0 : i32
      %dma_start3A_715 = tpu.memref_slice %arg6[%add3A_696, %dma_start3A_714] : memref<125x80xi32, #tpu.memory_space<vmem>> -> memref<1x80xi32, #tpu.memory_space<vmem>>
      %dma_start3A_716 = tpu.memref_squeeze %dma_start3A_715 : memref<1x80xi32, #tpu.memory_space<vmem>> -> memref<80xi32, #tpu.memory_space<vmem>>
      %dma_start3A_717 = arith.constant 0 : i32
      %dma_start3A_718 = arith.constant 0 : i32
      %dma_start3A_719 = tpu.memref_slice %arg21[%dma_start3A_717, %dma_start3A_718] : memref<10240x64xf32, #tpu.memory_space<vmem_shared>> -> memref<10240x64xf32, #tpu.memory_space<vmem_shared>>
      tpu.enqueue_indirect_dma source(%dma_start3A_713 : memref<80x64xf32, #tpu.memory_space<vmem>>) target(%dma_start3A_719 : memref<10240x64xf32, #tpu.memory_space<vmem_shared>>) offsets(%dma_start3A_716 : memref<80xi32, #tpu.memory_space<vmem>>) semaphore(%arg19 : memref<!tpu.dma_semaphore, #tpu.memory_space<semaphore_mem>>) {add = true}
      %add3A_720 = arith.constant 6 : i32
      %add3A_721 = arith.addi %add3A_696, %add3A_720 : i32
      %lt3A_722 = arith.constant 125 : i32
      %lt3A_723 = arith.cmpi slt, %add3A_721, %lt3A_722 : i32
      %convert_element_type3A_724 = arith.extui %lt3A_723 : i1 to i32
      %cond3A_725 = arith.constant 0 : i32
      %cond3A_726 = arith.cmpi ne, %convert_element_type3A_724, %cond3A_725 : i32
      scf.if %cond3A_726 {
        %ge3A = arith.constant 6 : i32
        %ge3A_761 = arith.cmpi sge, %add3A_696, %ge3A : i32
        %convert_element_type3A_762 = arith.extui %ge3A_761 : i1 to i32
        %cond3A_763 = arith.constant 0 : i32
        %cond3A_764 = arith.cmpi ne, %convert_element_type3A_762, %cond3A_763 : i32
        scf.if %cond3A_764 {
          %dma_wait3A_778 = arith.constant 4 : i32
          %dma_wait3A_779 = arith.constant 0 : i32
          %dma_wait3A_780 = arith.constant 0 : i32
          %dma_wait3A_781 = arith.constant 0 : i32
          %dma_wait3A_782 = tpu.memref_slice %arg7[%dma_wait3A_778, %dma_wait3A_780, %dma_wait3A_781] : memref<12x80x64xf32, #tpu.memory_space<vmem>> -> memref<1x80x64xf32, #tpu.memory_space<vmem>>
          %dma_wait3A_783 = tpu.memref_squeeze %dma_wait3A_782 : memref<1x80x64xf32, #tpu.memory_space<vmem>> -> memref<80x64xf32, #tpu.memory_space<vmem>>
          %dma_wait3A_784 = arith.constant 0 : i32
          %dma_wait3A_785 = tpu.memref_slice %arg6[%dma_wait3A_779, %dma_wait3A_784] : memref<125x80xi32, #tpu.memory_space<vmem>> -> memref<1x80xi32, #tpu.memory_space<vmem>>
          %dma_wait3A_786 = tpu.memref_squeeze %dma_wait3A_785 : memref<1x80xi32, #tpu.memory_space<vmem>> -> memref<80xi32, #tpu.memory_space<vmem>>
          %dma_wait3A_787 = arith.constant 0 : i32
          %dma_wait3A_788 = arith.constant 0 : i32
          %dma_wait3A_789 = tpu.memref_slice %arg21[%dma_wait3A_787, %dma_wait3A_788] : memref<10240x64xf32, #tpu.memory_space<vmem_shared>> -> memref<10240x64xf32, #tpu.memory_space<vmem_shared>>
          tpu.wait_indirect_dma semaphore(%arg13 : memref<!tpu.dma_semaphore, #tpu.memory_space<semaphore_mem>>) src(%dma_wait3A_783 : memref<80x64xf32, #tpu.memory_space<vmem>>) dst(%dma_wait3A_789 : memref<10240x64xf32, #tpu.memory_space<vmem_shared>>)
        } else {
        }
        %add3A_765 = arith.constant 6 : i32
        %add3A_766 = arith.addi %add3A_696, %add3A_765 : i32
        %dma_start3A_767 = arith.constant 4 : i32
        %dma_start3A_768 = arith.constant 0 : i32
        %dma_start3A_769 = arith.constant 0 : i32
        %dma_start3A_770 = tpu.memref_slice %arg7[%dma_start3A_767, %dma_start3A_768, %dma_start3A_769] : memref<12x80x64xf32, #tpu.memory_space<vmem>> -> memref<1x80x64xf32, #tpu.memory_space<vmem>>
        %dma_start3A_771 = tpu.memref_squeeze %dma_start3A_770 : memref<1x80x64xf32, #tpu.memory_space<vmem>> -> memref<80x64xf32, #tpu.memory_space<vmem>>
        %dma_start3A_772 = arith.constant 0 : i32
        %dma_start3A_773 = tpu.memref_slice %arg5[%add3A_766, %dma_start3A_772] : memref<125x80xi32, #tpu.memory_space<vmem>> -> memref<1x80xi32, #tpu.memory_space<vmem>>
        %dma_start3A_774 = tpu.memref_squeeze %dma_start3A_773 : memref<1x80xi32, #tpu.memory_space<vmem>> -> memref<80xi32, #tpu.memory_space<vmem>>
        %dma_start3A_775 = arith.constant 0 : i32
        %dma_start3A_776 = arith.constant 0 : i32
        %dma_start3A_777 = tpu.memref_slice %arg2[%dma_start3A_775, %dma_start3A_776] : memref<10240x64xf32, #tpu.memory_space<hbm>> -> memref<10240x64xf32, #tpu.memory_space<hbm>>
        tpu.enqueue_indirect_dma source(%dma_start3A_777 : memref<10240x64xf32, #tpu.memory_space<hbm>>) target(%dma_start3A_771 : memref<80x64xf32, #tpu.memory_space<vmem>>) offsets(%dma_start3A_774 : memref<80xi32, #tpu.memory_space<vmem>>) semaphore(%arg8 : memref<!tpu.dma_semaphore, #tpu.memory_space<semaphore_mem>>)
      } else {
      }
      %mul3A_727 = arith.constant 12 : i32
      %mul3A_728 = arith.muli %scan3A_353, %mul3A_727 : i32
      %add3A_729 = arith.constant 11 : i32
      %add3A_730 = arith.addi %mul3A_728, %add3A_729 : i32
      %dma_wait3A_731 = arith.constant 0 : i32
      %dma_wait3A_732 = arith.constant 11 : i32
      %dma_wait3A_733 = arith.constant 0 : i32
      %dma_wait3A_734 = arith.constant 0 : i32
      %dma_wait3A_735 = tpu.memref_slice %arg7[%dma_wait3A_732, %dma_wait3A_733, %dma_wait3A_734] : memref<12x80x64xf32, #tpu.memory_space<vmem>> -> memref<1x80x64xf32, #tpu.memory_space<vmem>>
      %dma_wait3A_736 = tpu.memref_squeeze %dma_wait3A_735 : memref<1x80x64xf32, #tpu.memory_space<vmem>> -> memref<80x64xf32, #tpu.memory_space<vmem>>
      %dma_wait3A_737 = arith.constant 0 : i32
      %dma_wait3A_738 = tpu.memref_slice %arg5[%dma_wait3A_731, %dma_wait3A_737] : memref<125x80xi32, #tpu.memory_space<vmem>> -> memref<1x80xi32, #tpu.memory_space<vmem>>
      %dma_wait3A_739 = tpu.memref_squeeze %dma_wait3A_738 : memref<1x80xi32, #tpu.memory_space<vmem>> -> memref<80xi32, #tpu.memory_space<vmem>>
      %dma_wait3A_740 = arith.constant 0 : i32
      %dma_wait3A_741 = arith.constant 0 : i32
      %dma_wait3A_742 = tpu.memref_slice %arg2[%dma_wait3A_740, %dma_wait3A_741] : memref<10240x64xf32, #tpu.memory_space<hbm>> -> memref<10240x64xf32, #tpu.memory_space<hbm>>
      tpu.wait_indirect_dma semaphore(%arg8 : memref<!tpu.dma_semaphore, #tpu.memory_space<semaphore_mem>>) src(%dma_wait3A_742 : memref<10240x64xf32, #tpu.memory_space<hbm>>) dst(%dma_wait3A_736 : memref<80x64xf32, #tpu.memory_space<vmem>>)
      %dma_start3A_743 = arith.constant 11 : i32
      %dma_start3A_744 = arith.constant 0 : i32
      %dma_start3A_745 = arith.constant 0 : i32
      %dma_start3A_746 = tpu.memref_slice %arg7[%dma_start3A_743, %dma_start3A_744, %dma_start3A_745] : memref<12x80x64xf32, #tpu.memory_space<vmem>> -> memref<1x80x64xf32, #tpu.memory_space<vmem>>
      %dma_start3A_747 = tpu.memref_squeeze %dma_start3A_746 : memref<1x80x64xf32, #tpu.memory_space<vmem>> -> memref<80x64xf32, #tpu.memory_space<vmem>>
      %dma_start3A_748 = arith.constant 0 : i32
      %dma_start3A_749 = tpu.memref_slice %arg6[%add3A_730, %dma_start3A_748] : memref<125x80xi32, #tpu.memory_space<vmem>> -> memref<1x80xi32, #tpu.memory_space<vmem>>
      %dma_start3A_750 = tpu.memref_squeeze %dma_start3A_749 : memref<1x80xi32, #tpu.memory_space<vmem>> -> memref<80xi32, #tpu.memory_space<vmem>>
      %dma_start3A_751 = arith.constant 0 : i32
      %dma_start3A_752 = arith.constant 0 : i32
      %dma_start3A_753 = tpu.memref_slice %arg21[%dma_start3A_751, %dma_start3A_752] : memref<10240x64xf32, #tpu.memory_space<vmem_shared>> -> memref<10240x64xf32, #tpu.memory_space<vmem_shared>>
      tpu.enqueue_indirect_dma source(%dma_start3A_747 : memref<80x64xf32, #tpu.memory_space<vmem>>) target(%dma_start3A_753 : memref<10240x64xf32, #tpu.memory_space<vmem_shared>>) offsets(%dma_start3A_750 : memref<80xi32, #tpu.memory_space<vmem>>) semaphore(%arg20 : memref<!tpu.dma_semaphore, #tpu.memory_space<semaphore_mem>>) {add = true}
      %add3A_754 = arith.constant 6 : i32
      %add3A_755 = arith.addi %add3A_730, %add3A_754 : i32
      %lt3A_756 = arith.constant 125 : i32
      %lt3A_757 = arith.cmpi slt, %add3A_755, %lt3A_756 : i32
      %convert_element_type3A_758 = arith.extui %lt3A_757 : i1 to i32
      %cond3A_759 = arith.constant 0 : i32
      %cond3A_760 = arith.cmpi ne, %convert_element_type3A_758, %cond3A_759 : i32
      scf.if %cond3A_760 {
        %ge3A = arith.constant 6 : i32
        %ge3A_761 = arith.cmpi sge, %add3A_730, %ge3A : i32
        %convert_element_type3A_762 = arith.extui %ge3A_761 : i1 to i32
        %cond3A_763 = arith.constant 0 : i32
        %cond3A_764 = arith.cmpi ne, %convert_element_type3A_762, %cond3A_763 : i32
        scf.if %cond3A_764 {
          %dma_wait3A_778 = arith.constant 5 : i32
          %dma_wait3A_779 = arith.constant 0 : i32
          %dma_wait3A_780 = arith.constant 0 : i32
          %dma_wait3A_781 = arith.constant 0 : i32
          %dma_wait3A_782 = tpu.memref_slice %arg7[%dma_wait3A_778, %dma_wait3A_780, %dma_wait3A_781] : memref<12x80x64xf32, #tpu.memory_space<vmem>> -> memref<1x80x64xf32, #tpu.memory_space<vmem>>
          %dma_wait3A_783 = tpu.memref_squeeze %dma_wait3A_782 : memref<1x80x64xf32, #tpu.memory_space<vmem>> -> memref<80x64xf32, #tpu.memory_space<vmem>>
          %dma_wait3A_784 = arith.constant 0 : i32
          %dma_wait3A_785 = tpu.memref_slice %arg6[%dma_wait3A_779, %dma_wait3A_784] : memref<125x80xi32, #tpu.memory_space<vmem>> -> memref<1x80xi32, #tpu.memory_space<vmem>>
          %dma_wait3A_786 = tpu.memref_squeeze %dma_wait3A_785 : memref<1x80xi32, #tpu.memory_space<vmem>> -> memref<80xi32, #tpu.memory_space<vmem>>
          %dma_wait3A_787 = arith.constant 0 : i32
          %dma_wait3A_788 = arith.constant 0 : i32
          %dma_wait3A_789 = tpu.memref_slice %arg21[%dma_wait3A_787, %dma_wait3A_788] : memref<10240x64xf32, #tpu.memory_space<vmem_shared>> -> memref<10240x64xf32, #tpu.memory_space<vmem_shared>>
          tpu.wait_indirect_dma semaphore(%arg14 : memref<!tpu.dma_semaphore, #tpu.memory_space<semaphore_mem>>) src(%dma_wait3A_783 : memref<80x64xf32, #tpu.memory_space<vmem>>) dst(%dma_wait3A_789 : memref<10240x64xf32, #tpu.memory_space<vmem_shared>>)
        } else {
        }
        %add3A_765 = arith.constant 6 : i32
        %add3A_766 = arith.addi %add3A_730, %add3A_765 : i32
        %dma_start3A_767 = arith.constant 5 : i32
        %dma_start3A_768 = arith.constant 0 : i32
        %dma_start3A_769 = arith.constant 0 : i32
        %dma_start3A_770 = tpu.memref_slice %arg7[%dma_start3A_767, %dma_start3A_768, %dma_start3A_769] : memref<12x80x64xf32, #tpu.memory_space<vmem>> -> memref<1x80x64xf32, #tpu.memory_space<vmem>>
        %dma_start3A_771 = tpu.memref_squeeze %dma_start3A_770 : memref<1x80x64xf32, #tpu.memory_space<vmem>> -> memref<80x64xf32, #tpu.memory_space<vmem>>
        %dma_start3A_772 = arith.constant 0 : i32
        %dma_start3A_773 = tpu.memref_slice %arg5[%add3A_766, %dma_start3A_772] : memref<125x80xi32, #tpu.memory_space<vmem>> -> memref<1x80xi32, #tpu.memory_space<vmem>>
        %dma_start3A_774 = tpu.memref_squeeze %dma_start3A_773 : memref<1x80xi32, #tpu.memory_space<vmem>> -> memref<80xi32, #tpu.memory_space<vmem>>
        %dma_start3A_775 = arith.constant 0 : i32
        %dma_start3A_776 = arith.constant 0 : i32
        %dma_start3A_777 = tpu.memref_slice %arg2[%dma_start3A_775, %dma_start3A_776] : memref<10240x64xf32, #tpu.memory_space<hbm>> -> memref<10240x64xf32, #tpu.memory_space<hbm>>
        tpu.enqueue_indirect_dma source(%dma_start3A_777 : memref<10240x64xf32, #tpu.memory_space<hbm>>) target(%dma_start3A_771 : memref<80x64xf32, #tpu.memory_space<vmem>>) offsets(%dma_start3A_774 : memref<80xi32, #tpu.memory_space<vmem>>) semaphore(%arg8 : memref<!tpu.dma_semaphore, #tpu.memory_space<semaphore_mem>>)
      } else {
      }
    }
    %scan3A_81 = arith.constant 10 : i32
    %dma_wait3A = arith.constant 0 : i32
    %dma_wait3A_82 = arith.constant 0 : i32
    %dma_wait3A_83 = arith.constant 0 : i32
    %dma_wait3A_84 = arith.constant 0 : i32
    %dma_wait3A_85 = tpu.memref_slice %arg7[%dma_wait3A_82, %dma_wait3A_83, %dma_wait3A_84] : memref<12x80x64xf32, #tpu.memory_space<vmem>> -> memref<1x80x64xf32, #tpu.memory_space<vmem>>
    %dma_wait3A_86 = tpu.memref_squeeze %dma_wait3A_85 : memref<1x80x64xf32, #tpu.memory_space<vmem>> -> memref<80x64xf32, #tpu.memory_space<vmem>>
    %dma_wait3A_87 = arith.constant 0 : i32
    %dma_wait3A_88 = tpu.memref_slice %arg5[%dma_wait3A, %dma_wait3A_87] : memref<125x80xi32, #tpu.memory_space<vmem>> -> memref<1x80xi32, #tpu.memory_space<vmem>>
    %dma_wait3A_89 = tpu.memref_squeeze %dma_wait3A_88 : memref<1x80xi32, #tpu.memory_space<vmem>> -> memref<80xi32, #tpu.memory_space<vmem>>
    %dma_wait3A_90 = arith.constant 0 : i32
    %dma_wait3A_91 = arith.constant 0 : i32
    %dma_wait3A_92 = tpu.memref_slice %arg2[%dma_wait3A_90, %dma_wait3A_91] : memref<10240x64xf32, #tpu.memory_space<hbm>> -> memref<10240x64xf32, #tpu.memory_space<hbm>>
    tpu.wait_indirect_dma semaphore(%arg8 : memref<!tpu.dma_semaphore, #tpu.memory_space<semaphore_mem>>) src(%dma_wait3A_92 : memref<10240x64xf32, #tpu.memory_space<hbm>>) dst(%dma_wait3A_86 : memref<80x64xf32, #tpu.memory_space<vmem>>)
    %dma_start3A_93 = arith.constant 0 : i32
    %dma_start3A_94 = arith.constant 120 : i32
    %dma_start3A_95 = arith.constant 0 : i32
    %dma_start3A_96 = arith.constant 0 : i32
    %dma_start3A_97 = tpu.memref_slice %arg7[%dma_start3A_93, %dma_start3A_95, %dma_start3A_96] : memref<12x80x64xf32, #tpu.memory_space<vmem>> -> memref<1x80x64xf32, #tpu.memory_space<vmem>>
    %dma_start3A_98 = tpu.memref_squeeze %dma_start3A_97 : memref<1x80x64xf32, #tpu.memory_space<vmem>> -> memref<80x64xf32, #tpu.memory_space<vmem>>
    %dma_start3A_99 = arith.constant 0 : i32
    %dma_start3A_100 = tpu.memref_slice %arg6[%dma_start3A_94, %dma_start3A_99] : memref<125x80xi32, #tpu.memory_space<vmem>> -> memref<1x80xi32, #tpu.memory_space<vmem>>
    %dma_start3A_101 = tpu.memref_squeeze %dma_start3A_100 : memref<1x80xi32, #tpu.memory_space<vmem>> -> memref<80xi32, #tpu.memory_space<vmem>>
    %dma_start3A_102 = arith.constant 0 : i32
    %dma_start3A_103 = arith.constant 0 : i32
    %dma_start3A_104 = tpu.memref_slice %arg21[%dma_start3A_102, %dma_start3A_103] : memref<10240x64xf32, #tpu.memory_space<vmem_shared>> -> memref<10240x64xf32, #tpu.memory_space<vmem_shared>>
    tpu.enqueue_indirect_dma source(%dma_start3A_98 : memref<80x64xf32, #tpu.memory_space<vmem>>) target(%dma_start3A_104 : memref<10240x64xf32, #tpu.memory_space<vmem_shared>>) offsets(%dma_start3A_101 : memref<80xi32, #tpu.memory_space<vmem>>) semaphore(%arg9 : memref<!tpu.dma_semaphore, #tpu.memory_space<semaphore_mem>>) {add = true}
    %dma_wait3A_105 = arith.constant 0 : i32
    %dma_wait3A_106 = arith.constant 1 : i32
    %dma_wait3A_107 = arith.constant 0 : i32
    %dma_wait3A_108 = arith.constant 0 : i32
    %dma_wait3A_109 = tpu.memref_slice %arg7[%dma_wait3A_106, %dma_wait3A_107, %dma_wait3A_108] : memref<12x80x64xf32, #tpu.memory_space<vmem>> -> memref<1x80x64xf32, #tpu.memory_space<vmem>>
    %dma_wait3A_110 = tpu.memref_squeeze %dma_wait3A_109 : memref<1x80x64xf32, #tpu.memory_space<vmem>> -> memref<80x64xf32, #tpu.memory_space<vmem>>
    %dma_wait3A_111 = arith.constant 0 : i32
    %dma_wait3A_112 = tpu.memref_slice %arg5[%dma_wait3A_105, %dma_wait3A_111] : memref<125x80xi32, #tpu.memory_space<vmem>> -> memref<1x80xi32, #tpu.memory_space<vmem>>
    %dma_wait3A_113 = tpu.memref_squeeze %dma_wait3A_112 : memref<1x80xi32, #tpu.memory_space<vmem>> -> memref<80xi32, #tpu.memory_space<vmem>>
    %dma_wait3A_114 = arith.constant 0 : i32
    %dma_wait3A_115 = arith.constant 0 : i32
    %dma_wait3A_116 = tpu.memref_slice %arg2[%dma_wait3A_114, %dma_wait3A_115] : memref<10240x64xf32, #tpu.memory_space<hbm>> -> memref<10240x64xf32, #tpu.memory_space<hbm>>
    tpu.wait_indirect_dma semaphore(%arg8 : memref<!tpu.dma_semaphore, #tpu.memory_space<semaphore_mem>>) src(%dma_wait3A_116 : memref<10240x64xf32, #tpu.memory_space<hbm>>) dst(%dma_wait3A_110 : memref<80x64xf32, #tpu.memory_space<vmem>>)
    %dma_start3A_117 = arith.constant 1 : i32
    %dma_start3A_118 = arith.constant 121 : i32
    %dma_start3A_119 = arith.constant 0 : i32
    %dma_start3A_120 = arith.constant 0 : i32
    %dma_start3A_121 = tpu.memref_slice %arg7[%dma_start3A_117, %dma_start3A_119, %dma_start3A_120] : memref<12x80x64xf32, #tpu.memory_space<vmem>> -> memref<1x80x64xf32, #tpu.memory_space<vmem>>
    %dma_start3A_122 = tpu.memref_squeeze %dma_start3A_121 : memref<1x80x64xf32, #tpu.memory_space<vmem>> -> memref<80x64xf32, #tpu.memory_space<vmem>>
    %dma_start3A_123 = arith.constant 0 : i32
    %dma_start3A_124 = tpu.memref_slice %arg6[%dma_start3A_118, %dma_start3A_123] : memref<125x80xi32, #tpu.memory_space<vmem>> -> memref<1x80xi32, #tpu.memory_space<vmem>>
    %dma_start3A_125 = tpu.memref_squeeze %dma_start3A_124 : memref<1x80xi32, #tpu.memory_space<vmem>> -> memref<80xi32, #tpu.memory_space<vmem>>
    %dma_start3A_126 = arith.constant 0 : i32
    %dma_start3A_127 = arith.constant 0 : i32
    %dma_start3A_128 = tpu.memref_slice %arg21[%dma_start3A_126, %dma_start3A_127] : memref<10240x64xf32, #tpu.memory_space<vmem_shared>> -> memref<10240x64xf32, #tpu.memory_space<vmem_shared>>
    tpu.enqueue_indirect_dma source(%dma_start3A_122 : memref<80x64xf32, #tpu.memory_space<vmem>>) target(%dma_start3A_128 : memref<10240x64xf32, #tpu.memory_space<vmem_shared>>) offsets(%dma_start3A_125 : memref<80xi32, #tpu.memory_space<vmem>>) semaphore(%arg10 : memref<!tpu.dma_semaphore, #tpu.memory_space<semaphore_mem>>) {add = true}
    %dma_wait3A_129 = arith.constant 0 : i32
    %dma_wait3A_130 = arith.constant 2 : i32
    %dma_wait3A_131 = arith.constant 0 : i32
    %dma_wait3A_132 = arith.constant 0 : i32
    %dma_wait3A_133 = tpu.memref_slice %arg7[%dma_wait3A_130, %dma_wait3A_131, %dma_wait3A_132] : memref<12x80x64xf32, #tpu.memory_space<vmem>> -> memref<1x80x64xf32, #tpu.memory_space<vmem>>
    %dma_wait3A_134 = tpu.memref_squeeze %dma_wait3A_133 : memref<1x80x64xf32, #tpu.memory_space<vmem>> -> memref<80x64xf32, #tpu.memory_space<vmem>>
    %dma_wait3A_135 = arith.constant 0 : i32
    %dma_wait3A_136 = tpu.memref_slice %arg5[%dma_wait3A_129, %dma_wait3A_135] : memref<125x80xi32, #tpu.memory_space<vmem>> -> memref<1x80xi32, #tpu.memory_space<vmem>>
    %dma_wait3A_137 = tpu.memref_squeeze %dma_wait3A_136 : memref<1x80xi32, #tpu.memory_space<vmem>> -> memref<80xi32, #tpu.memory_space<vmem>>
    %dma_wait3A_138 = arith.constant 0 : i32
    %dma_wait3A_139 = arith.constant 0 : i32
    %dma_wait3A_140 = tpu.memref_slice %arg2[%dma_wait3A_138, %dma_wait3A_139] : memref<10240x64xf32, #tpu.memory_space<hbm>> -> memref<10240x64xf32, #tpu.memory_space<hbm>>
    tpu.wait_indirect_dma semaphore(%arg8 : memref<!tpu.dma_semaphore, #tpu.memory_space<semaphore_mem>>) src(%dma_wait3A_140 : memref<10240x64xf32, #tpu.memory_space<hbm>>) dst(%dma_wait3A_134 : memref<80x64xf32, #tpu.memory_space<vmem>>)
    %dma_start3A_141 = arith.constant 2 : i32
    %dma_start3A_142 = arith.constant 122 : i32
    %dma_start3A_143 = arith.constant 0 : i32
    %dma_start3A_144 = arith.constant 0 : i32
    %dma_start3A_145 = tpu.memref_slice %arg7[%dma_start3A_141, %dma_start3A_143, %dma_start3A_144] : memref<12x80x64xf32, #tpu.memory_space<vmem>> -> memref<1x80x64xf32, #tpu.memory_space<vmem>>
    %dma_start3A_146 = tpu.memref_squeeze %dma_start3A_145 : memref<1x80x64xf32, #tpu.memory_space<vmem>> -> memref<80x64xf32, #tpu.memory_space<vmem>>
    %dma_start3A_147 = arith.constant 0 : i32
    %dma_start3A_148 = tpu.memref_slice %arg6[%dma_start3A_142, %dma_start3A_147] : memref<125x80xi32, #tpu.memory_space<vmem>> -> memref<1x80xi32, #tpu.memory_space<vmem>>
    %dma_start3A_149 = tpu.memref_squeeze %dma_start3A_148 : memref<1x80xi32, #tpu.memory_space<vmem>> -> memref<80xi32, #tpu.memory_space<vmem>>
    %dma_start3A_150 = arith.constant 0 : i32
    %dma_start3A_151 = arith.constant 0 : i32
    %dma_start3A_152 = tpu.memref_slice %arg21[%dma_start3A_150, %dma_start3A_151] : memref<10240x64xf32, #tpu.memory_space<vmem_shared>> -> memref<10240x64xf32, #tpu.memory_space<vmem_shared>>
    tpu.enqueue_indirect_dma source(%dma_start3A_146 : memref<80x64xf32, #tpu.memory_space<vmem>>) target(%dma_start3A_152 : memref<10240x64xf32, #tpu.memory_space<vmem_shared>>) offsets(%dma_start3A_149 : memref<80xi32, #tpu.memory_space<vmem>>) semaphore(%arg11 : memref<!tpu.dma_semaphore, #tpu.memory_space<semaphore_mem>>) {add = true}
    %dma_wait3A_153 = arith.constant 0 : i32
    %dma_wait3A_154 = arith.constant 3 : i32
    %dma_wait3A_155 = arith.constant 0 : i32
    %dma_wait3A_156 = arith.constant 0 : i32
    %dma_wait3A_157 = tpu.memref_slice %arg7[%dma_wait3A_154, %dma_wait3A_155, %dma_wait3A_156] : memref<12x80x64xf32, #tpu.memory_space<vmem>> -> memref<1x80x64xf32, #tpu.memory_space<vmem>>
    %dma_wait3A_158 = tpu.memref_squeeze %dma_wait3A_157 : memref<1x80x64xf32, #tpu.memory_space<vmem>> -> memref<80x64xf32, #tpu.memory_space<vmem>>
    %dma_wait3A_159 = arith.constant 0 : i32
    %dma_wait3A_160 = tpu.memref_slice %arg5[%dma_wait3A_153, %dma_wait3A_159] : memref<125x80xi32, #tpu.memory_space<vmem>> -> memref<1x80xi32, #tpu.memory_space<vmem>>
    %dma_wait3A_161 = tpu.memref_squeeze %dma_wait3A_160 : memref<1x80xi32, #tpu.memory_space<vmem>> -> memref<80xi32, #tpu.memory_space<vmem>>
    %dma_wait3A_162 = arith.constant 0 : i32
    %dma_wait3A_163 = arith.constant 0 : i32
    %dma_wait3A_164 = tpu.memref_slice %arg2[%dma_wait3A_162, %dma_wait3A_163] : memref<10240x64xf32, #tpu.memory_space<hbm>> -> memref<10240x64xf32, #tpu.memory_space<hbm>>
    tpu.wait_indirect_dma semaphore(%arg8 : memref<!tpu.dma_semaphore, #tpu.memory_space<semaphore_mem>>) src(%dma_wait3A_164 : memref<10240x64xf32, #tpu.memory_space<hbm>>) dst(%dma_wait3A_158 : memref<80x64xf32, #tpu.memory_space<vmem>>)
    %dma_start3A_165 = arith.constant 3 : i32
    %dma_start3A_166 = arith.constant 123 : i32
    %dma_start3A_167 = arith.constant 0 : i32
    %dma_start3A_168 = arith.constant 0 : i32
    %dma_start3A_169 = tpu.memref_slice %arg7[%dma_start3A_165, %dma_start3A_167, %dma_start3A_168] : memref<12x80x64xf32, #tpu.memory_space<vmem>> -> memref<1x80x64xf32, #tpu.memory_space<vmem>>
    %dma_start3A_170 = tpu.memref_squeeze %dma_start3A_169 : memref<1x80x64xf32, #tpu.memory_space<vmem>> -> memref<80x64xf32, #tpu.memory_space<vmem>>
    %dma_start3A_171 = arith.constant 0 : i32
    %dma_start3A_172 = tpu.memref_slice %arg6[%dma_start3A_166, %dma_start3A_171] : memref<125x80xi32, #tpu.memory_space<vmem>> -> memref<1x80xi32, #tpu.memory_space<vmem>>
    %dma_start3A_173 = tpu.memref_squeeze %dma_start3A_172 : memref<1x80xi32, #tpu.memory_space<vmem>> -> memref<80xi32, #tpu.memory_space<vmem>>
    %dma_start3A_174 = arith.constant 0 : i32
    %dma_start3A_175 = arith.constant 0 : i32
    %dma_start3A_176 = tpu.memref_slice %arg21[%dma_start3A_174, %dma_start3A_175] : memref<10240x64xf32, #tpu.memory_space<vmem_shared>> -> memref<10240x64xf32, #tpu.memory_space<vmem_shared>>
    tpu.enqueue_indirect_dma source(%dma_start3A_170 : memref<80x64xf32, #tpu.memory_space<vmem>>) target(%dma_start3A_176 : memref<10240x64xf32, #tpu.memory_space<vmem_shared>>) offsets(%dma_start3A_173 : memref<80xi32, #tpu.memory_space<vmem>>) semaphore(%arg12 : memref<!tpu.dma_semaphore, #tpu.memory_space<semaphore_mem>>) {add = true}
    %dma_wait3A_177 = arith.constant 0 : i32
    %dma_wait3A_178 = arith.constant 4 : i32
    %dma_wait3A_179 = arith.constant 0 : i32
    %dma_wait3A_180 = arith.constant 0 : i32
    %dma_wait3A_181 = tpu.memref_slice %arg7[%dma_wait3A_178, %dma_wait3A_179, %dma_wait3A_180] : memref<12x80x64xf32, #tpu.memory_space<vmem>> -> memref<1x80x64xf32, #tpu.memory_space<vmem>>
    %dma_wait3A_182 = tpu.memref_squeeze %dma_wait3A_181 : memref<1x80x64xf32, #tpu.memory_space<vmem>> -> memref<80x64xf32, #tpu.memory_space<vmem>>
    %dma_wait3A_183 = arith.constant 0 : i32
    %dma_wait3A_184 = tpu.memref_slice %arg5[%dma_wait3A_177, %dma_wait3A_183] : memref<125x80xi32, #tpu.memory_space<vmem>> -> memref<1x80xi32, #tpu.memory_space<vmem>>
    %dma_wait3A_185 = tpu.memref_squeeze %dma_wait3A_184 : memref<1x80xi32, #tpu.memory_space<vmem>> -> memref<80xi32, #tpu.memory_space<vmem>>
    %dma_wait3A_186 = arith.constant 0 : i32
    %dma_wait3A_187 = arith.constant 0 : i32
    %dma_wait3A_188 = tpu.memref_slice %arg2[%dma_wait3A_186, %dma_wait3A_187] : memref<10240x64xf32, #tpu.memory_space<hbm>> -> memref<10240x64xf32, #tpu.memory_space<hbm>>
    tpu.wait_indirect_dma semaphore(%arg8 : memref<!tpu.dma_semaphore, #tpu.memory_space<semaphore_mem>>) src(%dma_wait3A_188 : memref<10240x64xf32, #tpu.memory_space<hbm>>) dst(%dma_wait3A_182 : memref<80x64xf32, #tpu.memory_space<vmem>>)
    %dma_start3A_189 = arith.constant 4 : i32
    %dma_start3A_190 = arith.constant 124 : i32
    %dma_start3A_191 = arith.constant 0 : i32
    %dma_start3A_192 = arith.constant 0 : i32
    %dma_start3A_193 = tpu.memref_slice %arg7[%dma_start3A_189, %dma_start3A_191, %dma_start3A_192] : memref<12x80x64xf32, #tpu.memory_space<vmem>> -> memref<1x80x64xf32, #tpu.memory_space<vmem>>
    %dma_start3A_194 = tpu.memref_squeeze %dma_start3A_193 : memref<1x80x64xf32, #tpu.memory_space<vmem>> -> memref<80x64xf32, #tpu.memory_space<vmem>>
    %dma_start3A_195 = arith.constant 0 : i32
    %dma_start3A_196 = tpu.memref_slice %arg6[%dma_start3A_190, %dma_start3A_195] : memref<125x80xi32, #tpu.memory_space<vmem>> -> memref<1x80xi32, #tpu.memory_space<vmem>>
    %dma_start3A_197 = tpu.memref_squeeze %dma_start3A_196 : memref<1x80xi32, #tpu.memory_space<vmem>> -> memref<80xi32, #tpu.memory_space<vmem>>
    %dma_start3A_198 = arith.constant 0 : i32
    %dma_start3A_199 = arith.constant 0 : i32
    %dma_start3A_200 = tpu.memref_slice %arg21[%dma_start3A_198, %dma_start3A_199] : memref<10240x64xf32, #tpu.memory_space<vmem_shared>> -> memref<10240x64xf32, #tpu.memory_space<vmem_shared>>
    tpu.enqueue_indirect_dma source(%dma_start3A_194 : memref<80x64xf32, #tpu.memory_space<vmem>>) target(%dma_start3A_200 : memref<10240x64xf32, #tpu.memory_space<vmem_shared>>) offsets(%dma_start3A_197 : memref<80xi32, #tpu.memory_space<vmem>>) semaphore(%arg13 : memref<!tpu.dma_semaphore, #tpu.memory_space<semaphore_mem>>) {add = true}
    %dma_wait3A_201 = arith.constant 0 : i32
    %dma_wait3A_202 = arith.constant 0 : i32
    %dma_wait3A_203 = arith.constant 0 : i32
    %dma_wait3A_204 = arith.constant 0 : i32
    %dma_wait3A_205 = tpu.memref_slice %arg7[%dma_wait3A_201, %dma_wait3A_203, %dma_wait3A_204] : memref<12x80x64xf32, #tpu.memory_space<vmem>> -> memref<1x80x64xf32, #tpu.memory_space<vmem>>
    %dma_wait3A_206 = tpu.memref_squeeze %dma_wait3A_205 : memref<1x80x64xf32, #tpu.memory_space<vmem>> -> memref<80x64xf32, #tpu.memory_space<vmem>>
    %dma_wait3A_207 = arith.constant 0 : i32
    %dma_wait3A_208 = tpu.memref_slice %arg6[%dma_wait3A_202, %dma_wait3A_207] : memref<125x80xi32, #tpu.memory_space<vmem>> -> memref<1x80xi32, #tpu.memory_space<vmem>>
    %dma_wait3A_209 = tpu.memref_squeeze %dma_wait3A_208 : memref<1x80xi32, #tpu.memory_space<vmem>> -> memref<80xi32, #tpu.memory_space<vmem>>
    %dma_wait3A_210 = arith.constant 0 : i32
    %dma_wait3A_211 = arith.constant 0 : i32
    %dma_wait3A_212 = tpu.memref_slice %arg21[%dma_wait3A_210, %dma_wait3A_211] : memref<10240x64xf32, #tpu.memory_space<vmem_shared>> -> memref<10240x64xf32, #tpu.memory_space<vmem_shared>>
    tpu.wait_indirect_dma semaphore(%arg9 : memref<!tpu.dma_semaphore, #tpu.memory_space<semaphore_mem>>) src(%dma_wait3A_206 : memref<80x64xf32, #tpu.memory_space<vmem>>) dst(%dma_wait3A_212 : memref<10240x64xf32, #tpu.memory_space<vmem_shared>>)
    %dma_wait3A_213 = arith.constant 0 : i32
    %dma_wait3A_214 = arith.constant 0 : i32
    %dma_wait3A_215 = arith.constant 0 : i32
    %dma_wait3A_216 = arith.constant 0 : i32
    %dma_wait3A_217 = tpu.memref_slice %arg7[%dma_wait3A_213, %dma_wait3A_215, %dma_wait3A_216] : memref<12x80x64xf32, #tpu.memory_space<vmem>> -> memref<1x80x64xf32, #tpu.memory_space<vmem>>
    %dma_wait3A_218 = tpu.memref_squeeze %dma_wait3A_217 : memref<1x80x64xf32, #tpu.memory_space<vmem>> -> memref<80x64xf32, #tpu.memory_space<vmem>>
    %dma_wait3A_219 = arith.constant 0 : i32
    %dma_wait3A_220 = tpu.memref_slice %arg6[%dma_wait3A_214, %dma_wait3A_219] : memref<125x80xi32, #tpu.memory_space<vmem>> -> memref<1x80xi32, #tpu.memory_space<vmem>>
    %dma_wait3A_221 = tpu.memref_squeeze %dma_wait3A_220 : memref<1x80xi32, #tpu.memory_space<vmem>> -> memref<80xi32, #tpu.memory_space<vmem>>
    %dma_wait3A_222 = arith.constant 0 : i32
    %dma_wait3A_223 = arith.constant 0 : i32
    %dma_wait3A_224 = tpu.memref_slice %arg21[%dma_wait3A_222, %dma_wait3A_223] : memref<10240x64xf32, #tpu.memory_space<vmem_shared>> -> memref<10240x64xf32, #tpu.memory_space<vmem_shared>>
    tpu.wait_indirect_dma semaphore(%arg10 : memref<!tpu.dma_semaphore, #tpu.memory_space<semaphore_mem>>) src(%dma_wait3A_218 : memref<80x64xf32, #tpu.memory_space<vmem>>) dst(%dma_wait3A_224 : memref<10240x64xf32, #tpu.memory_space<vmem_shared>>)
    %dma_wait3A_225 = arith.constant 0 : i32
    %dma_wait3A_226 = arith.constant 0 : i32
    %dma_wait3A_227 = arith.constant 0 : i32
    %dma_wait3A_228 = arith.constant 0 : i32
    %dma_wait3A_229 = tpu.memref_slice %arg7[%dma_wait3A_225, %dma_wait3A_227, %dma_wait3A_228] : memref<12x80x64xf32, #tpu.memory_space<vmem>> -> memref<1x80x64xf32, #tpu.memory_space<vmem>>
    %dma_wait3A_230 = tpu.memref_squeeze %dma_wait3A_229 : memref<1x80x64xf32, #tpu.memory_space<vmem>> -> memref<80x64xf32, #tpu.memory_space<vmem>>
    %dma_wait3A_231 = arith.constant 0 : i32
    %dma_wait3A_232 = tpu.memref_slice %arg6[%dma_wait3A_226, %dma_wait3A_231] : memref<125x80xi32, #tpu.memory_space<vmem>> -> memref<1x80xi32, #tpu.memory_space<vmem>>
    %dma_wait3A_233 = tpu.memref_squeeze %dma_wait3A_232 : memref<1x80xi32, #tpu.memory_space<vmem>> -> memref<80xi32, #tpu.memory_space<vmem>>
    %dma_wait3A_234 = arith.constant 0 : i32
    %dma_wait3A_235 = arith.constant 0 : i32
    %dma_wait3A_236 = tpu.memref_slice %arg21[%dma_wait3A_234, %dma_wait3A_235] : memref<10240x64xf32, #tpu.memory_space<vmem_shared>> -> memref<10240x64xf32, #tpu.memory_space<vmem_shared>>
    tpu.wait_indirect_dma semaphore(%arg11 : memref<!tpu.dma_semaphore, #tpu.memory_space<semaphore_mem>>) src(%dma_wait3A_230 : memref<80x64xf32, #tpu.memory_space<vmem>>) dst(%dma_wait3A_236 : memref<10240x64xf32, #tpu.memory_space<vmem_shared>>)
    %dma_wait3A_237 = arith.constant 0 : i32
    %dma_wait3A_238 = arith.constant 0 : i32
    %dma_wait3A_239 = arith.constant 0 : i32
    %dma_wait3A_240 = arith.constant 0 : i32
    %dma_wait3A_241 = tpu.memref_slice %arg7[%dma_wait3A_237, %dma_wait3A_239, %dma_wait3A_240] : memref<12x80x64xf32, #tpu.memory_space<vmem>> -> memref<1x80x64xf32, #tpu.memory_space<vmem>>
    %dma_wait3A_242 = tpu.memref_squeeze %dma_wait3A_241 : memref<1x80x64xf32, #tpu.memory_space<vmem>> -> memref<80x64xf32, #tpu.memory_space<vmem>>
    %dma_wait3A_243 = arith.constant 0 : i32
    %dma_wait3A_244 = tpu.memref_slice %arg6[%dma_wait3A_238, %dma_wait3A_243] : memref<125x80xi32, #tpu.memory_space<vmem>> -> memref<1x80xi32, #tpu.memory_space<vmem>>
    %dma_wait3A_245 = tpu.memref_squeeze %dma_wait3A_244 : memref<1x80xi32, #tpu.memory_space<vmem>> -> memref<80xi32, #tpu.memory_space<vmem>>
    %dma_wait3A_246 = arith.constant 0 : i32
    %dma_wait3A_247 = arith.constant 0 : i32
    %dma_wait3A_248 = tpu.memref_slice %arg21[%dma_wait3A_246, %dma_wait3A_247] : memref<10240x64xf32, #tpu.memory_space<vmem_shared>> -> memref<10240x64xf32, #tpu.memory_space<vmem_shared>>
    tpu.wait_indirect_dma semaphore(%arg12 : memref<!tpu.dma_semaphore, #tpu.memory_space<semaphore_mem>>) src(%dma_wait3A_242 : memref<80x64xf32, #tpu.memory_space<vmem>>) dst(%dma_wait3A_248 : memref<10240x64xf32, #tpu.memory_space<vmem_shared>>)
    %dma_wait3A_249 = arith.constant 0 : i32
    %dma_wait3A_250 = arith.constant 0 : i32
    %dma_wait3A_251 = arith.constant 0 : i32
    %dma_wait3A_252 = arith.constant 0 : i32
    %dma_wait3A_253 = tpu.memref_slice %arg7[%dma_wait3A_249, %dma_wait3A_251, %dma_wait3A_252] : memref<12x80x64xf32, #tpu.memory_space<vmem>> -> memref<1x80x64xf32, #tpu.memory_space<vmem>>
    %dma_wait3A_254 = tpu.memref_squeeze %dma_wait3A_253 : memref<1x80x64xf32, #tpu.memory_space<vmem>> -> memref<80x64xf32, #tpu.memory_space<vmem>>
    %dma_wait3A_255 = arith.constant 0 : i32
    %dma_wait3A_256 = tpu.memref_slice %arg6[%dma_wait3A_250, %dma_wait3A_255] : memref<125x80xi32, #tpu.memory_space<vmem>> -> memref<1x80xi32, #tpu.memory_space<vmem>>
    %dma_wait3A_257 = tpu.memref_squeeze %dma_wait3A_256 : memref<1x80xi32, #tpu.memory_space<vmem>> -> memref<80xi32, #tpu.memory_space<vmem>>
    %dma_wait3A_258 = arith.constant 0 : i32
    %dma_wait3A_259 = arith.constant 0 : i32
    %dma_wait3A_260 = tpu.memref_slice %arg21[%dma_wait3A_258, %dma_wait3A_259] : memref<10240x64xf32, #tpu.memory_space<vmem_shared>> -> memref<10240x64xf32, #tpu.memory_space<vmem_shared>>
    tpu.wait_indirect_dma semaphore(%arg13 : memref<!tpu.dma_semaphore, #tpu.memory_space<semaphore_mem>>) src(%dma_wait3A_254 : memref<80x64xf32, #tpu.memory_space<vmem>>) dst(%dma_wait3A_260 : memref<10240x64xf32, #tpu.memory_space<vmem_shared>>)
    %dma_wait3A_261 = arith.constant 0 : i32
    %dma_wait3A_262 = arith.constant 0 : i32
    %dma_wait3A_263 = arith.constant 0 : i32
    %dma_wait3A_264 = arith.constant 0 : i32
    %dma_wait3A_265 = tpu.memref_slice %arg7[%dma_wait3A_261, %dma_wait3A_263, %dma_wait3A_264] : memref<12x80x64xf32, #tpu.memory_space<vmem>> -> memref<1x80x64xf32, #tpu.memory_space<vmem>>
    %dma_wait3A_266 = tpu.memref_squeeze %dma_wait3A_265 : memref<1x80x64xf32, #tpu.memory_space<vmem>> -> memref<80x64xf32, #tpu.memory_space<vmem>>
    %dma_wait3A_267 = arith.constant 0 : i32
    %dma_wait3A_268 = tpu.memref_slice %arg6[%dma_wait3A_262, %dma_wait3A_267] : memref<125x80xi32, #tpu.memory_space<vmem>> -> memref<1x80xi32, #tpu.memory_space<vmem>>
    %dma_wait3A_269 = tpu.memref_squeeze %dma_wait3A_268 : memref<1x80xi32, #tpu.memory_space<vmem>> -> memref<80xi32, #tpu.memory_space<vmem>>
    %dma_wait3A_270 = arith.constant 0 : i32
    %dma_wait3A_271 = arith.constant 0 : i32
    %dma_wait3A_272 = tpu.memref_slice %arg21[%dma_wait3A_270, %dma_wait3A_271] : memref<10240x64xf32, #tpu.memory_space<vmem_shared>> -> memref<10240x64xf32, #tpu.memory_space<vmem_shared>>
    tpu.wait_indirect_dma semaphore(%arg14 : memref<!tpu.dma_semaphore, #tpu.memory_space<semaphore_mem>>) src(%dma_wait3A_266 : memref<80x64xf32, #tpu.memory_space<vmem>>) dst(%dma_wait3A_272 : memref<10240x64xf32, #tpu.memory_space<vmem_shared>>)
    %dma_wait3A_273 = arith.constant 0 : i32
    %dma_wait3A_274 = arith.constant 0 : i32
    %dma_wait3A_275 = arith.constant 0 : i32
    %dma_wait3A_276 = arith.constant 0 : i32
    %dma_wait3A_277 = tpu.memref_slice %arg7[%dma_wait3A_273, %dma_wait3A_275, %dma_wait3A_276] : memref<12x80x64xf32, #tpu.memory_space<vmem>> -> memref<1x80x64xf32, #tpu.memory_space<vmem>>
    %dma_wait3A_278 = tpu.memref_squeeze %dma_wait3A_277 : memref<1x80x64xf32, #tpu.memory_space<vmem>> -> memref<80x64xf32, #tpu.memory_space<vmem>>
    %dma_wait3A_279 = arith.constant 0 : i32
    %dma_wait3A_280 = tpu.memref_slice %arg6[%dma_wait3A_274, %dma_wait3A_279] : memref<125x80xi32, #tpu.memory_space<vmem>> -> memref<1x80xi32, #tpu.memory_space<vmem>>
    %dma_wait3A_281 = tpu.memref_squeeze %dma_wait3A_280 : memref<1x80xi32, #tpu.memory_space<vmem>> -> memref<80xi32, #tpu.memory_space<vmem>>
    %dma_wait3A_282 = arith.constant 0 : i32
    %dma_wait3A_283 = arith.constant 0 : i32
    %dma_wait3A_284 = tpu.memref_slice %arg21[%dma_wait3A_282, %dma_wait3A_283] : memref<10240x64xf32, #tpu.memory_space<vmem_shared>> -> memref<10240x64xf32, #tpu.memory_space<vmem_shared>>
    tpu.wait_indirect_dma semaphore(%arg15 : memref<!tpu.dma_semaphore, #tpu.memory_space<semaphore_mem>>) src(%dma_wait3A_278 : memref<80x64xf32, #tpu.memory_space<vmem>>) dst(%dma_wait3A_284 : memref<10240x64xf32, #tpu.memory_space<vmem_shared>>)
    %dma_wait3A_285 = arith.constant 0 : i32
    %dma_wait3A_286 = arith.constant 0 : i32
    %dma_wait3A_287 = arith.constant 0 : i32
    %dma_wait3A_288 = arith.constant 0 : i32
    %dma_wait3A_289 = tpu.memref_slice %arg7[%dma_wait3A_285, %dma_wait3A_287, %dma_wait3A_288] : memref<12x80x64xf32, #tpu.memory_space<vmem>> -> memref<1x80x64xf32, #tpu.memory_space<vmem>>
    %dma_wait3A_290 = tpu.memref_squeeze %dma_wait3A_289 : memref<1x80x64xf32, #tpu.memory_space<vmem>> -> memref<80x64xf32, #tpu.memory_space<vmem>>
    %dma_wait3A_291 = arith.constant 0 : i32
    %dma_wait3A_292 = tpu.memref_slice %arg6[%dma_wait3A_286, %dma_wait3A_291] : memref<125x80xi32, #tpu.memory_space<vmem>> -> memref<1x80xi32, #tpu.memory_space<vmem>>
    %dma_wait3A_293 = tpu.memref_squeeze %dma_wait3A_292 : memref<1x80xi32, #tpu.memory_space<vmem>> -> memref<80xi32, #tpu.memory_space<vmem>>
    %dma_wait3A_294 = arith.constant 0 : i32
    %dma_wait3A_295 = arith.constant 0 : i32
    %dma_wait3A_296 = tpu.memref_slice %arg21[%dma_wait3A_294, %dma_wait3A_295] : memref<10240x64xf32, #tpu.memory_space<vmem_shared>> -> memref<10240x64xf32, #tpu.memory_space<vmem_shared>>
    tpu.wait_indirect_dma semaphore(%arg16 : memref<!tpu.dma_semaphore, #tpu.memory_space<semaphore_mem>>) src(%dma_wait3A_290 : memref<80x64xf32, #tpu.memory_space<vmem>>) dst(%dma_wait3A_296 : memref<10240x64xf32, #tpu.memory_space<vmem_shared>>)
    %dma_wait3A_297 = arith.constant 0 : i32
    %dma_wait3A_298 = arith.constant 0 : i32
    %dma_wait3A_299 = arith.constant 0 : i32
    %dma_wait3A_300 = arith.constant 0 : i32
    %dma_wait3A_301 = tpu.memref_slice %arg7[%dma_wait3A_297, %dma_wait3A_299, %dma_wait3A_300] : memref<12x80x64xf32, #tpu.memory_space<vmem>> -> memref<1x80x64xf32, #tpu.memory_space<vmem>>
    %dma_wait3A_302 = tpu.memref_squeeze %dma_wait3A_301 : memref<1x80x64xf32, #tpu.memory_space<vmem>> -> memref<80x64xf32, #tpu.memory_space<vmem>>
    %dma_wait3A_303 = arith.constant 0 : i32
    %dma_wait3A_304 = tpu.memref_slice %arg6[%dma_wait3A_298, %dma_wait3A_303] : memref<125x80xi32, #tpu.memory_space<vmem>> -> memref<1x80xi32, #tpu.memory_space<vmem>>
    %dma_wait3A_305 = tpu.memref_squeeze %dma_wait3A_304 : memref<1x80xi32, #tpu.memory_space<vmem>> -> memref<80xi32, #tpu.memory_space<vmem>>
    %dma_wait3A_306 = arith.constant 0 : i32
    %dma_wait3A_307 = arith.constant 0 : i32
    %dma_wait3A_308 = tpu.memref_slice %arg21[%dma_wait3A_306, %dma_wait3A_307] : memref<10240x64xf32, #tpu.memory_space<vmem_shared>> -> memref<10240x64xf32, #tpu.memory_space<vmem_shared>>
    tpu.wait_indirect_dma semaphore(%arg17 : memref<!tpu.dma_semaphore, #tpu.memory_space<semaphore_mem>>) src(%dma_wait3A_302 : memref<80x64xf32, #tpu.memory_space<vmem>>) dst(%dma_wait3A_308 : memref<10240x64xf32, #tpu.memory_space<vmem_shared>>)
    %dma_wait3A_309 = arith.constant 0 : i32
    %dma_wait3A_310 = arith.constant 0 : i32
    %dma_wait3A_311 = arith.constant 0 : i32
    %dma_wait3A_312 = arith.constant 0 : i32
    %dma_wait3A_313 = tpu.memref_slice %arg7[%dma_wait3A_309, %dma_wait3A_311, %dma_wait3A_312] : memref<12x80x64xf32, #tpu.memory_space<vmem>> -> memref<1x80x64xf32, #tpu.memory_space<vmem>>
    %dma_wait3A_314 = tpu.memref_squeeze %dma_wait3A_313 : memref<1x80x64xf32, #tpu.memory_space<vmem>> -> memref<80x64xf32, #tpu.memory_space<vmem>>
    %dma_wait3A_315 = arith.constant 0 : i32
    %dma_wait3A_316 = tpu.memref_slice %arg6[%dma_wait3A_310, %dma_wait3A_315] : memref<125x80xi32, #tpu.memory_space<vmem>> -> memref<1x80xi32, #tpu.memory_space<vmem>>
    %dma_wait3A_317 = tpu.memref_squeeze %dma_wait3A_316 : memref<1x80xi32, #tpu.memory_space<vmem>> -> memref<80xi32, #tpu.memory_space<vmem>>
    %dma_wait3A_318 = arith.constant 0 : i32
    %dma_wait3A_319 = arith.constant 0 : i32
    %dma_wait3A_320 = tpu.memref_slice %arg21[%dma_wait3A_318, %dma_wait3A_319] : memref<10240x64xf32, #tpu.memory_space<vmem_shared>> -> memref<10240x64xf32, #tpu.memory_space<vmem_shared>>
    tpu.wait_indirect_dma semaphore(%arg18 : memref<!tpu.dma_semaphore, #tpu.memory_space<semaphore_mem>>) src(%dma_wait3A_314 : memref<80x64xf32, #tpu.memory_space<vmem>>) dst(%dma_wait3A_320 : memref<10240x64xf32, #tpu.memory_space<vmem_shared>>)
    %dma_wait3A_321 = arith.constant 0 : i32
    %dma_wait3A_322 = arith.constant 0 : i32
    %dma_wait3A_323 = arith.constant 0 : i32
    %dma_wait3A_324 = arith.constant 0 : i32
    %dma_wait3A_325 = tpu.memref_slice %arg7[%dma_wait3A_321, %dma_wait3A_323, %dma_wait3A_324] : memref<12x80x64xf32, #tpu.memory_space<vmem>> -> memref<1x80x64xf32, #tpu.memory_space<vmem>>
    %dma_wait3A_326 = tpu.memref_squeeze %dma_wait3A_325 : memref<1x80x64xf32, #tpu.memory_space<vmem>> -> memref<80x64xf32, #tpu.memory_space<vmem>>
    %dma_wait3A_327 = arith.constant 0 : i32
    %dma_wait3A_328 = tpu.memref_slice %arg6[%dma_wait3A_322, %dma_wait3A_327] : memref<125x80xi32, #tpu.memory_space<vmem>> -> memref<1x80xi32, #tpu.memory_space<vmem>>
    %dma_wait3A_329 = tpu.memref_squeeze %dma_wait3A_328 : memref<1x80xi32, #tpu.memory_space<vmem>> -> memref<80xi32, #tpu.memory_space<vmem>>
    %dma_wait3A_330 = arith.constant 0 : i32
    %dma_wait3A_331 = arith.constant 0 : i32
    %dma_wait3A_332 = tpu.memref_slice %arg21[%dma_wait3A_330, %dma_wait3A_331] : memref<10240x64xf32, #tpu.memory_space<vmem_shared>> -> memref<10240x64xf32, #tpu.memory_space<vmem_shared>>
    tpu.wait_indirect_dma semaphore(%arg19 : memref<!tpu.dma_semaphore, #tpu.memory_space<semaphore_mem>>) src(%dma_wait3A_326 : memref<80x64xf32, #tpu.memory_space<vmem>>) dst(%dma_wait3A_332 : memref<10240x64xf32, #tpu.memory_space<vmem_shared>>)
    %dma_wait3A_333 = arith.constant 0 : i32
    %dma_wait3A_334 = arith.constant 0 : i32
    %dma_wait3A_335 = arith.constant 0 : i32
    %dma_wait3A_336 = arith.constant 0 : i32
    %dma_wait3A_337 = tpu.memref_slice %arg7[%dma_wait3A_333, %dma_wait3A_335, %dma_wait3A_336] : memref<12x80x64xf32, #tpu.memory_space<vmem>> -> memref<1x80x64xf32, #tpu.memory_space<vmem>>
    %dma_wait3A_338 = tpu.memref_squeeze %dma_wait3A_337 : memref<1x80x64xf32, #tpu.memory_space<vmem>> -> memref<80x64xf32, #tpu.memory_space<vmem>>
    %dma_wait3A_339 = arith.constant 0 : i32
    %dma_wait3A_340 = tpu.memref_slice %arg6[%dma_wait3A_334, %dma_wait3A_339] : memref<125x80xi32, #tpu.memory_space<vmem>> -> memref<1x80xi32, #tpu.memory_space<vmem>>
    %dma_wait3A_341 = tpu.memref_squeeze %dma_wait3A_340 : memref<1x80xi32, #tpu.memory_space<vmem>> -> memref<80xi32, #tpu.memory_space<vmem>>
    %dma_wait3A_342 = arith.constant 0 : i32
    %dma_wait3A_343 = arith.constant 0 : i32
    %dma_wait3A_344 = tpu.memref_slice %arg21[%dma_wait3A_342, %dma_wait3A_343] : memref<10240x64xf32, #tpu.memory_space<vmem_shared>> -> memref<10240x64xf32, #tpu.memory_space<vmem_shared>>
    tpu.wait_indirect_dma semaphore(%arg20 : memref<!tpu.dma_semaphore, #tpu.memory_space<semaphore_mem>>) src(%dma_wait3A_338 : memref<80x64xf32, #tpu.memory_space<vmem>>) dst(%dma_wait3A_344 : memref<10240x64xf32, #tpu.memory_space<vmem_shared>>)
    %barrier3A_345 = arith.constant 0 : index
    tpu.barrier barrier_id(%barrier3A_345)
    %eq3A = arith.constant 0 : i32
    %eq3A_346 = arith.cmpi eq, %arg0, %eq3A : i32
    %convert_element_type3A = arith.extui %eq3A_346 : i1 to i32
    %cond3A = arith.constant 0 : i32
    %cond3A_347 = arith.cmpi ne, %convert_element_type3A, %cond3A : i32
    scf.if %cond3A_347 {
      %mul3A_353 = arith.constant 640 : i32
      %mul3A_354 = arith.muli %arg1, %mul3A_353 : i32
      %mul3A_355 = arith.constant 640 : i32
      %mul3A_356 = arith.muli %arg1, %mul3A_355 : i32
      "tpu.region"() ({
        %run_scoped3A_357 = tpu.sem_alloc : memref<!tpu.dma_semaphore, #tpu.memory_space<semaphore_mem>>
        %dma_start3A_358 = arith.constant 0 : i32
        %dma_start3A_359 = tpu.memref_slice %arg4[%mul3A_356, %dma_start3A_358] : memref<10240x128xf32, #tpu.memory_space<hbm>> -> memref<640x64xf32, #tpu.memory_space<hbm>>
        %dma_start3A_360 = arith.constant 0 : i32
        %dma_start3A_361 = tpu.memref_slice %arg21[%mul3A_354, %dma_start3A_360] : memref<10240x64xf32, #tpu.memory_space<vmem_shared>> -> memref<640x64xf32, #tpu.memory_space<vmem_shared>>
        tpu.enqueue_dma source(%dma_start3A_361 : memref<640x64xf32, #tpu.memory_space<vmem_shared>>) target(%dma_start3A_359 : memref<640x64xf32, #tpu.memory_space<hbm>>) target_semaphore(%run_scoped3A_357 : memref<!tpu.dma_semaphore, #tpu.memory_space<semaphore_mem>>)
        %dma_wait3A_362 = arith.constant 0 : i32
        %dma_wait3A_363 = tpu.memref_slice %arg4[%mul3A_356, %dma_wait3A_362] : memref<10240x128xf32, #tpu.memory_space<hbm>> -> memref<640x64xf32, #tpu.memory_space<hbm>>
        %dma_wait3A_364 = arith.constant 0 : i32
        %dma_wait3A_365 = tpu.memref_slice %arg21[%mul3A_354, %dma_wait3A_364] : memref<10240x64xf32, #tpu.memory_space<vmem_shared>> -> memref<640x64xf32, #tpu.memory_space<vmem_shared>>
        tpu.wait_dma2 semaphore(%run_scoped3A_357 : memref<!tpu.dma_semaphore, #tpu.memory_space<semaphore_mem>>) src(%dma_wait3A_365 : memref<640x64xf32, #tpu.memory_space<vmem_shared>>) dst(%dma_wait3A_363 : memref<640x64xf32, #tpu.memory_space<hbm>>)
        tpu.yield
      }) : () -> ()
    } else {
    }
    %eq3A_348 = arith.constant 1 : i32
    %eq3A_349 = arith.cmpi eq, %arg0, %eq3A_348 : i32
    %convert_element_type3A_350 = arith.extui %eq3A_349 : i1 to i32
    %cond3A_351 = arith.constant 0 : i32
    %cond3A_352 = arith.cmpi ne, %convert_element_type3A_350, %cond3A_351 : i32
    scf.if %cond3A_352 {
      %mul3A_353 = arith.constant 640 : i32
      %mul3A_354 = arith.muli %arg1, %mul3A_353 : i32
      %mul3A_355 = arith.constant 640 : i32
      %mul3A_356 = arith.muli %arg1, %mul3A_355 : i32
      "tpu.region"() ({
        %run_scoped3A_357 = tpu.sem_alloc : memref<!tpu.dma_semaphore, #tpu.memory_space<semaphore_mem>>
        %dma_start3A_358 = arith.constant 64 : i32
        %dma_start3A_359 = tpu.memref_slice %arg4[%mul3A_356, %dma_start3A_358] : memref<10240x128xf32, #tpu.memory_space<hbm>> -> memref<640x64xf32, #tpu.memory_space<hbm>>
        %dma_start3A_360 = arith.constant 0 : i32
        %dma_start3A_361 = tpu.memref_slice %arg21[%mul3A_354, %dma_start3A_360] : memref<10240x64xf32, #tpu.memory_space<vmem_shared>> -> memref<640x64xf32, #tpu.memory_space<vmem_shared>>
        tpu.enqueue_dma source(%dma_start3A_361 : memref<640x64xf32, #tpu.memory_space<vmem_shared>>) target(%dma_start3A_359 : memref<640x64xf32, #tpu.memory_space<hbm>>) target_semaphore(%run_scoped3A_357 : memref<!tpu.dma_semaphore, #tpu.memory_space<semaphore_mem>>)
        %dma_wait3A_362 = arith.constant 64 : i32
        %dma_wait3A_363 = tpu.memref_slice %arg4[%mul3A_356, %dma_wait3A_362] : memref<10240x128xf32, #tpu.memory_space<hbm>> -> memref<640x64xf32, #tpu.memory_space<hbm>>
        %dma_wait3A_364 = arith.constant 0 : i32
        %dma_wait3A_365 = tpu.memref_slice %arg21[%mul3A_354, %dma_wait3A_364] : memref<10240x64xf32, #tpu.memory_space<vmem_shared>> -> memref<640x64xf32, #tpu.memory_space<vmem_shared>>
        tpu.wait_dma2 semaphore(%run_scoped3A_357 : memref<!tpu.dma_semaphore, #tpu.memory_space<semaphore_mem>>) src(%dma_wait3A_365 : memref<640x64xf32, #tpu.memory_space<vmem_shared>>) dst(%dma_wait3A_363 : memref<640x64xf32, #tpu.memory_space<hbm>>)
        tpu.yield
      }) : () -> ()
    } else {
    }
    return
  }
}

module attributes {stable_mosaic.version = 14 : i64} {
  func.func @_tc_m1_body(%arg0: i32, %arg1: memref<2x2048x16xf32, #tpu.memory_space<vmem>>, %arg2: memref<2048x128xf32, #tpu.memory_space<vmem>>, %arg3: memref<128x64xf32, #tpu.memory_space<vmem>>, %arg4: memref<2048x64xf32, #tpu.memory_space<vmem>>) attributes {dimension_semantics = [#tpu.dimension_semantics<arbitrary>], iteration_bounds = array<i64: 5>, scalar_prefetch = 0 : i64, scratch_operands = 0 : i64, tpu.core_type = #tpu.core_type<tc>, window_params = [{transform_indices = @transform_0, window_bounds = array<i64: 2, 2048, 16>}, {transform_indices = @transform_1, window_bounds = array<i64: 2048, 128>}, {pipeline_mode = #tpu.pipeline_mode<synchronous>, transform_indices = @transform_2, window_bounds = array<i64: 128, 64>}, {transform_indices = @transform_3, window_bounds = array<i64: 2048, 64>}]} {
    %get3A = arith.constant 0 : index
    %get3A_0 = arith.constant 0 : index
    %get3A_1 = vector.load %arg2[%get3A, %get3A_0] : memref<2048x128xf32, #tpu.memory_space<vmem>>, vector<2048x128xf32>
    %get3A_2 = arith.constant 0 : index
    %get3A_3 = arith.constant 0 : index
    %get3A_4 = vector.load %arg3[%get3A_2, %get3A_3] : memref<128x64xf32, #tpu.memory_space<vmem>>, vector<128x64xf32>
    %dot_general3A = arith.constant dense<0.000000e+00> : vector<2048x64xf32>
    %dot_general3A_5 = tpu.matmul %get3A_1, %get3A_4, %dot_general3A {dimension_numbers = #tpu.dot_dimension_numbers<[1], [0], [0], [1], [0, 0, 1, 1], [], []>, transpose_lhs_hint = false} : vector<2048x128xf32>, vector<128x64xf32>, vector<2048x64xf32> -> vector<2048x64xf32>
    %get3A_6 = arith.constant 0 : index
    %get3A_7 = arith.constant 0 : index
    %get3A_8 = arith.constant 0 : index
    %get3A_9 = vector.load %arg1[%get3A_6, %get3A_7, %get3A_8] : memref<2x2048x16xf32, #tpu.memory_space<vmem>>, vector<1x2048x1xf32>
    %get3A_10 = vector.shape_cast %get3A_9 : vector<1x2048x1xf32> to vector<2048x1xf32>
    %add3A = arith.constant 1.000000e+00 : f32
    %add3A_11 = vector.broadcast %add3A : f32 to vector<2048x1xf32>
    %add3A_12 = arith.addf %add3A_11, %get3A_10 : vector<2048x1xf32>
    %get3A_13 = arith.constant 1 : index
    %get3A_14 = arith.constant 0 : index
    %get3A_15 = arith.constant 0 : index
    %get3A_16 = vector.load %arg1[%get3A_13, %get3A_14, %get3A_15] : memref<2x2048x16xf32, #tpu.memory_space<vmem>>, vector<1x2048x1xf32>
    %get3A_17 = vector.shape_cast %get3A_16 : vector<1x2048x1xf32> to vector<2048x1xf32>
    %add3A_18 = arith.addf %add3A_12, %get3A_17 : vector<2048x1xf32>
    %sqrt3A = math.sqrt %add3A_18 : vector<2048x1xf32>
    %div3A = arith.constant 1.000000e+00 : f32
    %div3A_19 = vector.broadcast %div3A : f32 to vector<2048x1xf32>
    %div3A_20 = arith.divf %div3A_19, %sqrt3A : vector<2048x1xf32>
    %mul3A = vector.broadcast %div3A_20 : vector<2048x1xf32> to vector<2048x64xf32>
    %mul3A_21 = arith.mulf %dot_general3A_5, %mul3A : vector<2048x64xf32>
    %swap3A = arith.constant 0 : index
    %swap3A_22 = arith.constant 0 : index
    %swap3A_23 = vector.load %arg4[%swap3A, %swap3A_22] : memref<2048x64xf32, #tpu.memory_space<vmem>>, vector<2048x64xf32>
    tpu.vector_store %arg4[%swap3A, %swap3A_22], %mul3A_21 {strides = array<i32>} : memref<2048x64xf32, #tpu.memory_space<vmem>>, vector<2048x64xf32>,
    return
  }
  func.func @transform_0(%arg0: i32) -> (i32, i32, i32) {
    %c0_i32 = arith.constant 0 : i32
    %c0_i32_0 = arith.constant 0 : i32
    %c0_i32_1 = arith.constant 0 : i32
    return %c0_i32, %arg0, %c0_i32_0 : i32, i32, i32
  }
  func.func @transform_1(%arg0: i32) -> (i32, i32) {
    %c0_i32 = arith.constant 0 : i32
    %c0_i32_0 = arith.constant 0 : i32
    return %arg0, %c0_i32 : i32, i32
  }
  func.func @transform_2(%arg0: i32) -> (i32, i32) {
    %c0_i32 = arith.constant 0 : i32
    %c0_i32_0 = arith.constant 0 : i32
    %c0_i32_1 = arith.constant 0 : i32
    return %c0_i32, %c0_i32_0 : i32, i32
  }
  func.func @transform_3(%arg0: i32) -> (i32, i32) {
    %c0_i32 = arith.constant 0 : i32
    %c0_i32_0 = arith.constant 0 : i32
    return %arg0, %c0_i32 : i32, i32
  }
}

module attributes {stable_mosaic.version = 14 : i64} {
  func.func @_tc_mid_body(%arg0: i32, %arg1: memref<2048x128xf32, #tpu.memory_space<vmem>>, %arg2: memref<2048x64xf32, #tpu.memory_space<vmem>>, %arg3: memref<2x2048x16xf32, #tpu.memory_space<vmem>>, %arg4: memref<1x64xf32, #tpu.memory_space<vmem>>, %arg5: memref<64x64xf32, #tpu.memory_space<vmem>>, %arg6: memref<2048x64xf32, #tpu.memory_space<vmem>>) attributes {dimension_semantics = [#tpu.dimension_semantics<arbitrary>], iteration_bounds = array<i64: 5>, scalar_prefetch = 0 : i64, scratch_operands = 0 : i64, tpu.core_type = #tpu.core_type<tc>, window_params = [{transform_indices = @transform_0, window_bounds = array<i64: 2048, 128>}, {transform_indices = @transform_1, window_bounds = array<i64: 2048, 64>}, {transform_indices = @transform_2, window_bounds = array<i64: 2, 2048, 16>}, {pipeline_mode = #tpu.pipeline_mode<synchronous>, transform_indices = @transform_3, window_bounds = array<i64: 1, 64>}, {pipeline_mode = #tpu.pipeline_mode<synchronous>, transform_indices = @transform_4, window_bounds = array<i64: 64, 64>}, {transform_indices = @transform_5, window_bounds = array<i64: 2048, 64>}]} {
    %get3A = arith.constant 0 : index
    %get3A_0 = arith.constant 0 : index
    %get3A_1 = arith.constant 0 : index
    %get3A_2 = vector.load %arg3[%get3A, %get3A_0, %get3A_1] : memref<2x2048x16xf32, #tpu.memory_space<vmem>>, vector<1x2048x1xf32>
    %get3A_3 = vector.shape_cast %get3A_2 : vector<1x2048x1xf32> to vector<2048x1xf32>
    %add3A = arith.constant 1.000000e+00 : f32
    %add3A_4 = vector.broadcast %add3A : f32 to vector<2048x1xf32>
    %add3A_5 = arith.addf %add3A_4, %get3A_3 : vector<2048x1xf32>
    %get3A_6 = arith.constant 1 : index
    %get3A_7 = arith.constant 0 : index
    %get3A_8 = arith.constant 0 : index
    %get3A_9 = vector.load %arg3[%get3A_6, %get3A_7, %get3A_8] : memref<2x2048x16xf32, #tpu.memory_space<vmem>>, vector<1x2048x1xf32>
    %get3A_10 = vector.shape_cast %get3A_9 : vector<1x2048x1xf32> to vector<2048x1xf32>
    %add3A_11 = arith.addf %add3A_5, %get3A_10 : vector<2048x1xf32>
    %sqrt3A = math.sqrt %add3A_11 : vector<2048x1xf32>
    %div3A = arith.constant 1.000000e+00 : f32
    %div3A_12 = vector.broadcast %div3A : f32 to vector<2048x1xf32>
    %div3A_13 = arith.divf %div3A_12, %sqrt3A : vector<2048x1xf32>
    %get3A_14 = arith.constant 0 : index
    %get3A_15 = arith.constant 0 : index
    %get3A_16 = vector.load %arg1[%get3A_14, %get3A_15] : memref<2048x128xf32, #tpu.memory_space<vmem>>, vector<2048x64xf32>
    %get3A_17 = arith.constant 0 : index
    %get3A_18 = arith.constant 64 : index
    %get3A_19 = vector.load %arg1[%get3A_17, %get3A_18] : memref<2048x128xf32, #tpu.memory_space<vmem>>, vector<2048x64xf32>
    %add3A_20 = arith.addf %get3A_16, %get3A_19 : vector<2048x64xf32>
    %get3A_21 = arith.constant 0 : index
    %get3A_22 = arith.constant 0 : index
    %get3A_23 = vector.load %arg2[%get3A_21, %get3A_22] : memref<2048x64xf32, #tpu.memory_space<vmem>>, vector<2048x64xf32>
    %sub3A = arith.subf %add3A_20, %get3A_23 : vector<2048x64xf32>
    %mul3A = vector.broadcast %div3A_13 : vector<2048x1xf32> to vector<2048x64xf32>
    %mul3A_24 = arith.mulf %sub3A, %mul3A : vector<2048x64xf32>
    %get3A_25 = arith.constant 0 : index
    %get3A_26 = arith.constant 0 : index
    %get3A_27 = vector.load %arg4[%get3A_25, %get3A_26] : memref<1x64xf32, #tpu.memory_space<vmem>>, vector<1x64xf32>
    %add3A_28 = vector.broadcast %get3A_27 : vector<1x64xf32> to vector<2048x64xf32>
    %add3A_29 = arith.addf %mul3A_24, %add3A_28 : vector<2048x64xf32>
    %max3A = arith.constant 0.000000e+00 : f32
    %max3A_30 = vector.broadcast %max3A : f32 to vector<2048x64xf32>
    %max3A_31 = arith.maximumf %add3A_29, %max3A_30 : vector<2048x64xf32>
    %get3A_32 = arith.constant 0 : index
    %get3A_33 = arith.constant 0 : index
    %get3A_34 = vector.load %arg5[%get3A_32, %get3A_33] : memref<64x64xf32, #tpu.memory_space<vmem>>, vector<64x64xf32>
    %dot_general3A = arith.constant dense<0.000000e+00> : vector<2048x64xf32>
    %dot_general3A_35 = tpu.matmul %max3A_31, %get3A_34, %dot_general3A {dimension_numbers = #tpu.dot_dimension_numbers<[1], [0], [0], [1], [0, 0, 1, 1], [], []>, transpose_lhs_hint = false} : vector<2048x64xf32>, vector<64x64xf32>, vector<2048x64xf32> -> vector<2048x64xf32>
    %mul3A_36 = vector.broadcast %div3A_13 : vector<2048x1xf32> to vector<2048x64xf32>
    %mul3A_37 = arith.mulf %dot_general3A_35, %mul3A_36 : vector<2048x64xf32>
    %swap3A = arith.constant 0 : index
    %swap3A_38 = arith.constant 0 : index
    %swap3A_39 = vector.load %arg6[%swap3A, %swap3A_38] : memref<2048x64xf32, #tpu.memory_space<vmem>>, vector<2048x64xf32>
    tpu.vector_store %arg6[%swap3A, %swap3A_38], %mul3A_37 {strides = array<i32>} : memref<2048x64xf32, #tpu.memory_space<vmem>>, vector<2048x64xf32>,
    return
  }
  func.func @transform_0(%arg0: i32) -> (i32, i32) {
    %c0_i32 = arith.constant 0 : i32
    %c0_i32_0 = arith.constant 0 : i32
    return %arg0, %c0_i32 : i32, i32
  }
  func.func @transform_1(%arg0: i32) -> (i32, i32) {
    %c0_i32 = arith.constant 0 : i32
    %c0_i32_0 = arith.constant 0 : i32
    return %arg0, %c0_i32 : i32, i32
  }
  func.func @transform_2(%arg0: i32) -> (i32, i32, i32) {
    %c0_i32 = arith.constant 0 : i32
    %c0_i32_0 = arith.constant 0 : i32
    %c0_i32_1 = arith.constant 0 : i32
    return %c0_i32, %arg0, %c0_i32_0 : i32, i32, i32
  }
  func.func @transform_3(%arg0: i32) -> (i32, i32) {
    %c0_i32 = arith.constant 0 : i32
    %c0_i32_0 = arith.constant 0 : i32
    %c0_i32_1 = arith.constant 0 : i32
    return %c0_i32, %c0_i32_0 : i32, i32
  }
  func.func @transform_4(%arg0: i32) -> (i32, i32) {
    %c0_i32 = arith.constant 0 : i32
    %c0_i32_0 = arith.constant 0 : i32
    %c0_i32_1 = arith.constant 0 : i32
    return %c0_i32, %c0_i32_0 : i32, i32
  }
  func.func @transform_5(%arg0: i32) -> (i32, i32) {
    %c0_i32 = arith.constant 0 : i32
    %c0_i32_0 = arith.constant 0 : i32
    return %arg0, %c0_i32 : i32, i32
  }
}

module attributes {stable_mosaic.version = 14 : i64} {
  func.func @_tc_final_body(%arg0: i32, %arg1: memref<2048x128xf32, #tpu.memory_space<vmem>>, %arg2: memref<2048x64xf32, #tpu.memory_space<vmem>>, %arg3: memref<2x2048x16xf32, #tpu.memory_space<vmem>>, %arg4: memref<1x64xf32, #tpu.memory_space<vmem>>, %arg5: memref<1x1x2048xi32, #tpu.memory_space<vmem>>, %arg6: memref<64x64xf32, #tpu.memory_space<vmem>>, %arg7: memref<1x64xf32, #tpu.memory_space<vmem>>, %arg8: memref<64x8xf32, #tpu.memory_space<vmem>>, %arg9: memref<1x1xf32, #tpu.memory_space<vmem>>, %arg10: memref<128x64xf32, #tpu.memory_space<vmem>>, %arg11: memref<128x64xf32, #tpu.memory_space<vmem>>, %arg12: memref<128x8xf32, #tpu.memory_space<vmem>>) attributes {dimension_semantics = [#tpu.dimension_semantics<arbitrary>], iteration_bounds = array<i64: 5>, scalar_prefetch = 0 : i64, scratch_operands = 0 : i64, tpu.core_type = #tpu.core_type<tc>, window_params = [{transform_indices = @transform_0, window_bounds = array<i64: 2048, 128>}, {transform_indices = @transform_1, window_bounds = array<i64: 2048, 64>}, {transform_indices = @transform_2, window_bounds = array<i64: 2, 2048, 16>}, {pipeline_mode = #tpu.pipeline_mode<synchronous>, transform_indices = @transform_3, window_bounds = array<i64: 1, 64>}, {transform_indices = @transform_4, window_bounds = array<i64: 1, 1, 2048>}, {pipeline_mode = #tpu.pipeline_mode<synchronous>, transform_indices = @transform_5, window_bounds = array<i64: 64, 64>}, {pipeline_mode = #tpu.pipeline_mode<synchronous>, transform_indices = @transform_6, window_bounds = array<i64: 1, 64>}, {pipeline_mode = #tpu.pipeline_mode<synchronous>, transform_indices = @transform_7, window_bounds = array<i64: 64, 8>}, {pipeline_mode = #tpu.pipeline_mode<synchronous>, transform_indices = @transform_8, window_bounds = array<i64: 1, 1>}, {pipeline_mode = #tpu.pipeline_mode<synchronous>, transform_indices = @transform_9, window_bounds = array<i64: 128, 64>}, {pipeline_mode = #tpu.pipeline_mode<synchronous>, transform_indices = @transform_10, window_bounds = array<i64: 128, 64>}, {pipeline_mode = #tpu.pipeline_mode<synchronous>, transform_indices = @transform_11, window_bounds = array<i64: 128, 8>}]} {
    %get3A = arith.constant 0 : index
    %get3A_0 = arith.constant 0 : index
    %get3A_1 = arith.constant 0 : index
    %get3A_2 = vector.load %arg3[%get3A, %get3A_0, %get3A_1] : memref<2x2048x16xf32, #tpu.memory_space<vmem>>, vector<1x2048x1xf32>
    %get3A_3 = vector.shape_cast %get3A_2 : vector<1x2048x1xf32> to vector<2048x1xf32>
    %add3A = arith.constant 1.000000e+00 : f32
    %add3A_4 = vector.broadcast %add3A : f32 to vector<2048x1xf32>
    %add3A_5 = arith.addf %add3A_4, %get3A_3 : vector<2048x1xf32>
    %get3A_6 = arith.constant 1 : index
    %get3A_7 = arith.constant 0 : index
    %get3A_8 = arith.constant 0 : index
    %get3A_9 = vector.load %arg3[%get3A_6, %get3A_7, %get3A_8] : memref<2x2048x16xf32, #tpu.memory_space<vmem>>, vector<1x2048x1xf32>
    %get3A_10 = vector.shape_cast %get3A_9 : vector<1x2048x1xf32> to vector<2048x1xf32>
    %add3A_11 = arith.addf %add3A_5, %get3A_10 : vector<2048x1xf32>
    %sqrt3A = math.sqrt %add3A_11 : vector<2048x1xf32>
    %div3A = arith.constant 1.000000e+00 : f32
    %div3A_12 = vector.broadcast %div3A : f32 to vector<2048x1xf32>
    %div3A_13 = arith.divf %div3A_12, %sqrt3A : vector<2048x1xf32>
    %get3A_14 = arith.constant 0 : index
    %get3A_15 = arith.constant 0 : index
    %get3A_16 = vector.load %arg1[%get3A_14, %get3A_15] : memref<2048x128xf32, #tpu.memory_space<vmem>>, vector<2048x64xf32>
    %get3A_17 = arith.constant 0 : index
    %get3A_18 = arith.constant 64 : index
    %get3A_19 = vector.load %arg1[%get3A_17, %get3A_18] : memref<2048x128xf32, #tpu.memory_space<vmem>>, vector<2048x64xf32>
    %add3A_20 = arith.addf %get3A_16, %get3A_19 : vector<2048x64xf32>
    %get3A_21 = arith.constant 0 : index
    %get3A_22 = arith.constant 0 : index
    %get3A_23 = vector.load %arg2[%get3A_21, %get3A_22] : memref<2048x64xf32, #tpu.memory_space<vmem>>, vector<2048x64xf32>
    %sub3A = arith.subf %add3A_20, %get3A_23 : vector<2048x64xf32>
    %mul3A = vector.broadcast %div3A_13 : vector<2048x1xf32> to vector<2048x64xf32>
    %mul3A_24 = arith.mulf %sub3A, %mul3A : vector<2048x64xf32>
    %get3A_25 = arith.constant 0 : index
    %get3A_26 = arith.constant 0 : index
    %get3A_27 = vector.load %arg4[%get3A_25, %get3A_26] : memref<1x64xf32, #tpu.memory_space<vmem>>, vector<1x64xf32>
    %add3A_28 = vector.broadcast %get3A_27 : vector<1x64xf32> to vector<2048x64xf32>
    %add3A_29 = arith.addf %mul3A_24, %add3A_28 : vector<2048x64xf32>
    %max3A = arith.constant 0.000000e+00 : f32
    %max3A_30 = vector.broadcast %max3A : f32 to vector<2048x64xf32>
    %max3A_31 = arith.maximumf %add3A_29, %max3A_30 : vector<2048x64xf32>
    %get3A_32 = arith.constant 0 : index
    %get3A_33 = arith.constant 0 : index
    %get3A_34 = arith.constant 0 : index
    %get3A_35 = vector.load %arg5[%get3A_32, %get3A_33, %get3A_34] : memref<1x1x2048xi32, #tpu.memory_space<vmem>>, vector<1x1x2048xi32>
    %get3A_36 = vector.shape_cast %get3A_35 : vector<1x1x2048xi32> to vector<2048xi32>
    %broadcast_in_dim3A = vector.shape_cast %get3A_36 : vector<2048xi32> to vector<2048x1xi32>
    %iota3A = tpu.iota {dimensions = array<i32: 1>} : vector<2048x128xi32>
    %eq3A = vector.broadcast %broadcast_in_dim3A : vector<2048x1xi32> to vector<2048x128xi32>
    %eq3A_37 = arith.cmpi eq, %eq3A, %iota3A : vector<2048x128xi32>
    %convert_element_type3A = arith.extui %eq3A_37 : vector<2048x128xi1> to vector<2048x128xi32>
    %convert_element_type3A_38 = arith.sitofp %convert_element_type3A : vector<2048x128xi32> to vector<2048x128xf32>
    %dot_general3A = arith.constant dense<0.000000e+00> : vector<128x64xf32>
    %dot_general3A_39 = tpu.matmul %convert_element_type3A_38, %max3A_31, %dot_general3A {dimension_numbers = #tpu.dot_dimension_numbers<[0], [0], [1], [1], [0, 1, 1, 1], [], []>, transpose_lhs_hint = false} : vector<2048x128xf32>, vector<2048x64xf32>, vector<128x64xf32> -> vector<128x64xf32>
    %broadcast_in_dim3A_40 = arith.constant 1.000000e+00 : f32
    %broadcast_in_dim3A_41 = vector.broadcast %broadcast_in_dim3A_40 : f32 to vector<2048x64xf32>
    %dot_general3A_42 = arith.constant dense<0.000000e+00> : vector<128x64xf32>
    %dot_general3A_43 = tpu.matmul %convert_element_type3A_38, %broadcast_in_dim3A_41, %dot_general3A_42 {dimension_numbers = #tpu.dot_dimension_numbers<[0], [0], [1], [1], [0, 1, 1, 1], [], []>, transpose_lhs_hint = false} : vector<2048x128xf32>, vector<2048x64xf32>, vector<128x64xf32> -> vector<128x64xf32>
    %eq3A_44 = arith.constant 0 : i32
    %eq3A_45 = arith.cmpi eq, %arg0, %eq3A_44 : i32
    %convert_element_type3A_46 = arith.extui %eq3A_45 : i1 to i32
    %cond3A = arith.constant 0 : i32
    %cond3A_47 = arith.cmpi ne, %convert_element_type3A_46, %cond3A : i32
    scf.if %cond3A_47 {
      %broadcast_in_dim3A_66 = arith.constant 0.000000e+00 : f32
      %broadcast_in_dim3A_67 = vector.broadcast %broadcast_in_dim3A_66 : f32 to vector<128x64xf32>
      %swap3A_68 = arith.constant 0 : index
      %swap3A_69 = arith.constant 0 : index
      %swap3A_70 = vector.load %arg10[%swap3A_68, %swap3A_69] : memref<128x64xf32, #tpu.memory_space<vmem>>, vector<128x64xf32>
      tpu.vector_store %arg10[%swap3A_68, %swap3A_69], %broadcast_in_dim3A_67 {strides = array<i32>} : memref<128x64xf32, #tpu.memory_space<vmem>>, vector<128x64xf32>,
      %broadcast_in_dim3A_71 = arith.constant 0.000000e+00 : f32
      %broadcast_in_dim3A_72 = vector.broadcast %broadcast_in_dim3A_71 : f32 to vector<128x64xf32>
      %swap3A_73 = arith.constant 0 : index
      %swap3A_74 = arith.constant 0 : index
      %swap3A_75 = vector.load %arg11[%swap3A_73, %swap3A_74] : memref<128x64xf32, #tpu.memory_space<vmem>>, vector<128x64xf32>
      tpu.vector_store %arg11[%swap3A_73, %swap3A_74], %broadcast_in_dim3A_72 {strides = array<i32>} : memref<128x64xf32, #tpu.memory_space<vmem>>, vector<128x64xf32>,
    } else {
    }
    %get3A_48 = arith.constant 0 : index
    %get3A_49 = arith.constant 0 : index
    %get3A_50 = vector.load %arg10[%get3A_48, %get3A_49] : memref<128x64xf32, #tpu.memory_space<vmem>>, vector<128x64xf32>
    %add3A_51 = arith.addf %get3A_50, %dot_general3A_39 : vector<128x64xf32>
    %swap3A = arith.constant 0 : index
    %swap3A_52 = arith.constant 0 : index
    %swap3A_53 = vector.load %arg10[%swap3A, %swap3A_52] : memref<128x64xf32, #tpu.memory_space<vmem>>, vector<128x64xf32>
    tpu.vector_store %arg10[%swap3A, %swap3A_52], %add3A_51 {strides = array<i32>} : memref<128x64xf32, #tpu.memory_space<vmem>>, vector<128x64xf32>,
    %get3A_54 = arith.constant 0 : index
    %get3A_55 = arith.constant 0 : index
    %get3A_56 = vector.load %arg11[%get3A_54, %get3A_55] : memref<128x64xf32, #tpu.memory_space<vmem>>, vector<128x64xf32>
    %add3A_57 = arith.addf %get3A_56, %dot_general3A_43 : vector<128x64xf32>
    %swap3A_58 = arith.constant 0 : index
    %swap3A_59 = arith.constant 0 : index
    %swap3A_60 = vector.load %arg11[%swap3A_58, %swap3A_59] : memref<128x64xf32, #tpu.memory_space<vmem>>, vector<128x64xf32>
    tpu.vector_store %arg11[%swap3A_58, %swap3A_59], %add3A_57 {strides = array<i32>} : memref<128x64xf32, #tpu.memory_space<vmem>>, vector<128x64xf32>,
    %eq3A_61 = arith.constant 4 : i32
    %eq3A_62 = arith.cmpi eq, %arg0, %eq3A_61 : i32
    %convert_element_type3A_63 = arith.extui %eq3A_62 : i1 to i32
    %cond3A_64 = arith.constant 0 : i32
    %cond3A_65 = arith.cmpi ne, %convert_element_type3A_63, %cond3A_64 : i32
    scf.if %cond3A_65 {
      %get3A_66 = arith.constant 0 : index
      %get3A_67 = arith.constant 0 : index
      %get3A_68 = vector.load %arg10[%get3A_66, %get3A_67] : memref<128x64xf32, #tpu.memory_space<vmem>>, vector<128x64xf32>
      %get3A_69 = arith.constant 0 : index
      %get3A_70 = arith.constant 0 : index
      %get3A_71 = vector.load %arg11[%get3A_69, %get3A_70] : memref<128x64xf32, #tpu.memory_space<vmem>>, vector<128x64xf32>
      %max3A_72 = arith.constant 1.000000e+00 : f32
      %max3A_73 = vector.broadcast %max3A_72 : f32 to vector<128x64xf32>
      %max3A_74 = arith.maximumf %get3A_71, %max3A_73 : vector<128x64xf32>
      %div3A_75 = arith.divf %get3A_68, %max3A_74 : vector<128x64xf32>
      %get3A_76 = arith.constant 0 : index
      %get3A_77 = arith.constant 0 : index
      %get3A_78 = vector.load %arg6[%get3A_76, %get3A_77] : memref<64x64xf32, #tpu.memory_space<vmem>>, vector<64x64xf32>
      %dot_general3A_79 = arith.constant dense<0.000000e+00> : vector<128x64xf32>
      %dot_general3A_80 = tpu.matmul %div3A_75, %get3A_78, %dot_general3A_79 {dimension_numbers = #tpu.dot_dimension_numbers<[1], [0], [0], [1], [0, 0, 1, 1], [], []>, transpose_lhs_hint = false} : vector<128x64xf32>, vector<64x64xf32>, vector<128x64xf32> -> vector<128x64xf32>
      %get3A_81 = arith.constant 0 : index
      %get3A_82 = arith.constant 0 : index
      %get3A_83 = vector.load %arg7[%get3A_81, %get3A_82] : memref<1x64xf32, #tpu.memory_space<vmem>>, vector<1x64xf32>
      %add3A_84 = vector.broadcast %get3A_83 : vector<1x64xf32> to vector<128x64xf32>
      %add3A_85 = arith.addf %dot_general3A_80, %add3A_84 : vector<128x64xf32>
      %max3A_86 = arith.constant 0.000000e+00 : f32
      %max3A_87 = vector.broadcast %max3A_86 : f32 to vector<128x64xf32>
      %max3A_88 = arith.maximumf %add3A_85, %max3A_87 : vector<128x64xf32>
      %get3A_89 = arith.constant 0 : index
      %get3A_90 = arith.constant 0 : index
      %get3A_91 = vector.load %arg8[%get3A_89, %get3A_90] : memref<64x8xf32, #tpu.memory_space<vmem>>, vector<64x8xf32>
      %dot_general3A_92 = arith.constant dense<0.000000e+00> : vector<128x8xf32>
      %dot_general3A_93 = tpu.matmul %max3A_88, %get3A_91, %dot_general3A_92 {dimension_numbers = #tpu.dot_dimension_numbers<[1], [0], [0], [1], [0, 0, 1, 1], [], []>, transpose_lhs_hint = false} : vector<128x64xf32>, vector<64x8xf32>, vector<128x8xf32> -> vector<128x8xf32>
      %get3A_94 = arith.constant 0 : index
      %get3A_95 = arith.constant 0 : index
      %get3A_96 = vector.load %arg9[%get3A_94, %get3A_95] : memref<1x1xf32, #tpu.memory_space<vmem>>, vector<1x1xf32>
      %add3A_97 = vector.broadcast %get3A_96 : vector<1x1xf32> to vector<128x8xf32>
      %add3A_98 = arith.addf %dot_general3A_93, %add3A_97 : vector<128x8xf32>
      %swap3A_99 = arith.constant 0 : index
      %swap3A_100 = arith.constant 0 : index
      %swap3A_101 = vector.load %arg12[%swap3A_99, %swap3A_100] : memref<128x8xf32, #tpu.memory_space<vmem>>, vector<128x8xf32>
      tpu.vector_store %arg12[%swap3A_99, %swap3A_100], %add3A_98 {strides = array<i32>} : memref<128x8xf32, #tpu.memory_space<vmem>>, vector<128x8xf32>,
    } else {
    }
    return
  }
  func.func @transform_0(%arg0: i32) -> (i32, i32) {
    %c0_i32 = arith.constant 0 : i32
    %c0_i32_0 = arith.constant 0 : i32
    return %arg0, %c0_i32 : i32, i32
  }
  func.func @transform_1(%arg0: i32) -> (i32, i32) {
    %c0_i32 = arith.constant 0 : i32
    %c0_i32_0 = arith.constant 0 : i32
    return %arg0, %c0_i32 : i32, i32
  }
  func.func @transform_2(%arg0: i32) -> (i32, i32, i32) {
    %c0_i32 = arith.constant 0 : i32
    %c0_i32_0 = arith.constant 0 : i32
    %c0_i32_1 = arith.constant 0 : i32
    return %c0_i32, %arg0, %c0_i32_0 : i32, i32, i32
  }
  func.func @transform_3(%arg0: i32) -> (i32, i32) {
    %c0_i32 = arith.constant 0 : i32
    %c0_i32_0 = arith.constant 0 : i32
    %c0_i32_1 = arith.constant 0 : i32
    return %c0_i32, %c0_i32_0 : i32, i32
  }
  func.func @transform_4(%arg0: i32) -> (i32, i32, i32) {
    %c0_i32 = arith.constant 0 : i32
    %c0_i32_0 = arith.constant 0 : i32
    %c0_i32_1 = arith.constant 0 : i32
    return %arg0, %c0_i32, %c0_i32_0 : i32, i32, i32
  }
  func.func @transform_5(%arg0: i32) -> (i32, i32) {
    %c0_i32 = arith.constant 0 : i32
    %c0_i32_0 = arith.constant 0 : i32
    %c0_i32_1 = arith.constant 0 : i32
    return %c0_i32, %c0_i32_0 : i32, i32
  }
  func.func @transform_6(%arg0: i32) -> (i32, i32) {
    %c0_i32 = arith.constant 0 : i32
    %c0_i32_0 = arith.constant 0 : i32
    %c0_i32_1 = arith.constant 0 : i32
    return %c0_i32, %c0_i32_0 : i32, i32
  }
  func.func @transform_7(%arg0: i32) -> (i32, i32) {
    %c0_i32 = arith.constant 0 : i32
    %c0_i32_0 = arith.constant 0 : i32
    %c0_i32_1 = arith.constant 0 : i32
    return %c0_i32, %c0_i32_0 : i32, i32
  }
  func.func @transform_8(%arg0: i32) -> (i32, i32) {
    %c0_i32 = arith.constant 0 : i32
    %c0_i32_0 = arith.constant 0 : i32
    %c0_i32_1 = arith.constant 0 : i32
    return %c0_i32, %c0_i32_0 : i32, i32
  }
  func.func @transform_9(%arg0: i32) -> (i32, i32) {
    %c0_i32 = arith.constant 0 : i32
    %c0_i32_0 = arith.constant 0 : i32
    %c0_i32_1 = arith.constant 0 : i32
    return %c0_i32, %c0_i32_0 : i32, i32
  }
  func.func @transform_10(%arg0: i32) -> (i32, i32) {
    %c0_i32 = arith.constant 0 : i32
    %c0_i32_0 = arith.constant 0 : i32
    %c0_i32_1 = arith.constant 0 : i32
    return %c0_i32, %c0_i32_0 : i32, i32
  }
  func.func @transform_11(%arg0: i32) -> (i32, i32) {
    %c0_i32 = arith.constant 0 : i32
    %c0_i32_0 = arith.constant 0 : i32
    %c0_i32_1 = arith.constant 0 : i32
    return %c0_i32, %c0_i32_0 : i32, i32
  }
}

</mosaic_0001>

<sc_bundles>
// kernel: kernel.11.cloned.1.call-start
scs
__scs_entry_jumppad:
0x0: {  	(pc) =	sbr.rel $0x88, $3  }
0x1: {  	(tag) =	ssettag $0x0;
	lr =	simm.s32 $0x1  }
0x2: {  	[smem:$0x3F96] =	sst lr;
	_ =	strace $0xD0000000  }
0x3: {  	_ = 	snop  }
0x4: {  	_ = 	snop  }
0x5: {  	_ = 	snop  }
0x6: {  	_ = 	snop  }
0x7: {  	_ = 	snop  }
__scs_overlays_trampoline_lowered:
0x8: {  	[smem:$0x3FA5] =	sst s0  }
0x9: {  	[smem:$0x3FA6] =	sst s1  }
0xa: {  	[smem:$0x3FA7] =	sst s2  }
0xb: {  	[smem:$0x3FA8] =	sst s3  }
0xc: {  	[smem:$0x3FA9] =	sst s4  }
0xd: {  	[smem:$0x3FAA] =	sst s5  }
0xe: {  	[smem:$0x3FAB] =	sst s6  }
0xf: {  	[smem:$0x3FAC] =	sst s7  }
0x10: {  	[smem:$0x3FAD] =	sst s8  }
0x11: {  	[smem:$0x3FAE] =	sst s9;
	s0 =	simm.s32 @!p0 $0x0  }
0x12: {  	s1 =	sld [smem:$0x3F94];
	s0 =	simm.s32 @p0 $0x1  }
0x13: {  	[smem:$0x3FAF] =	sst s0;
	s0 =	simm.s32 @!p1 $0x0  }
0x14: {  	s2 =	sld [smem:$0x3F93];
	s0 =	simm.s32 @p1 $0x1  }
0x15: {  	[smem:$0x3FB0] =	sst s0;
	s0 =	simm.s32 @!p2 $0x0  }
0x16: {  	s3 =	sld [smem:$0x3FDB];
	s0 =	simm.s32 @p2 $0x1  }
0x17: {  	s4 =	simm.s32 $0x1BF5;
	[smem:$0x3FB2] =	sst s0  }
0x18: {  	s0 =	sld [smem:$0x3F95];
	_ =	swait.ge [sflag:s4], $0x0  }
0x19: {  	s7 =	sld [smem:$0x3F96]  }
0x1a: {  	s8 =	sadd.s32 $0xFFFFE003, lr  }
0x1b: {  	s9 =	sadd.s32 $0xFFFFFEF7, lr;
	s5 =	simm.s32 $0xFFFFFFFF;
	p2 =	slt.u32 s8, $0xFFFFF086  }
0x1c: {  	p1 =	slt.u32 s9, $0xF7A;
	s5 =	simm.s32 @!p2 $0x0  }
0x1d: {  	s5 =	simm.s32 @p1 $0x1;
	p0 =	seq.s32 s7, s2  }
0x1e: {  	s7 =	smul.u32 @!p0 $0xF7A, s2;
	p2 =	seq.s32 @!p0 s5, $0x0  }
0x1f: {  	s9 =	smul.u32 $0xF7A, s1;
	s8 =	simm.s32 @!p0 $0x1BF5;
	p2 =	por !p2, p0  }
0x20: {  	[sflag:s8] =	ssyncset.s32 @!p0 $0xFFFFF086;
	s6 =	sadd.s32 @!p0 s3, s7;
	s7 =	simm.s32 @!p0 $0x108  }
0x21: {  	s3 =	sadd.s32 s3, s9;
	s6 =	sadd.s32 @!p0 $0x88, s6;
	s7 =	simm.s32 @p2 $0x1082  }
0x22: {  	[simem:s7], [sflag:s8] =	dma.local @!p0 [hbm:s6], $0xF7A  }
0x23: {  	s9 =	sor.u32 $0xD0000000, s2;
	s6 =	simm.s32 $0x108;
	_ =	swait.ge @!p0 [sflag:s8], $0x0  }
0x24: {  	s3 =	sadd.s32 $0x88, s3;
	s6 =	simm.s32 @!p1 $0x1082;
	[sflag:s4] =	ssyncset.s32 $0xFFFFF086  }
0x25: {  	[simem:s6], [sflag:s4] =	dma.local [hbm:s3], $0xF7A  }
0x26: {  	[smem:$0x3F96] =	sst s1;
	(tag) =	ssettag s2;
	_ =	strace s9  }
0x27: {  	s1 =	sld [smem:$0x3FA6]  }
0x28: {  	s2 =	sld [smem:$0x3FA7]  }
0x29: {  	s4 =	sld [smem:$0x3FA9]  }
0x2a: {  	p0 =	seq.s32 s5, $0x0;
	s5 =	sld [smem:$0x3FAA]  }
0x2b: {  	s6 =	sld [smem:$0x3FAB]  }
0x2c: {  	s7 =	sld [smem:$0x3FAC]  }
0x2d: {  	s3 =	simm.s32 $0x108;
	s8 =	sld [smem:$0x3FAD]  }
0x2e: {  	s3 =	simm.s32 @!p0 $0x1082;
	s9 =	sld [smem:$0x3FAE]  }
0x2f: {  	lr =	sadd.s32 s0, s3;
	s0 =	sld [smem:$0x3FA5]  }
0x30: {  	s3 =	sld [smem:$0x3FA8]  }
0x31: {  	[smem:$0x3FB1] =	sst s10  }
0x32: {  	s10 =	sld [smem:$0x3FAF];
	_ =	sdelay $0x3  }
0x33: {  	p0 =	seq.s32 s10, $0x1;
	s10 =	sld [smem:$0x3FB1];
	_ =	sdelay $0x3  }
0x34: {  	[smem:$0x3FB1] =	sst s10  }
0x35: {  	s10 =	sld [smem:$0x3FB0];
	_ =	sdelay $0x3  }
0x36: {  	p1 =	seq.s32 s10, $0x1;
	s10 =	sld [smem:$0x3FB1];
	_ =	sdelay $0x3  }
0x37: {  	[smem:$0x3FB1] =	sst s10  }
0x38: {  	s10 =	sld [smem:$0x3FB2]  }
0x39: {  	_ = 	snop;
	(pc) =	sbr.ind lr, $3  }
0x3a: {  	_ = 	snop  }
0x3b: {  	_ = 	snop  }
0x3c: {  	p2 =	seq.s32 s10, $0x1;
	s10 =	sld [smem:$0x3FB1]  }
0x3d: {  	_ =	shalt  }
0x3e: {  	_ =	shalt  }
0x3f: {  	_ =	shalt  }
0x40: {  	_ =	shalt  }
0x41: {  	_ =	shalt  }
0x42: {  	_ =	shalt  }
0x43: {  	_ =	shalt  }
0x44: {  	_ =	shalt  }
0x45: {  	_ =	shalt  }
0x46: {  	_ =	shalt  }
0x47: {  	_ =	shalt  }
0x48: {  	_ =	shalt  }
0x49: {  	_ =	shalt  }
0x4a: {  	_ =	shalt  }
0x4b: {  	_ =	shalt  }
0x4c: {  	_ =	shalt  }
0x4d: {  	_ =	shalt  }
0x4e: {  	_ =	shalt  }
0x4f: {  	_ =	shalt  }
0x50: {  	_ =	shalt  }
0x51: {  	_ =	shalt  }
0x52: {  	_ =	shalt  }
0x53: {  	_ =	shalt  }
0x54: {  	_ =	shalt  }
0x55: {  	_ =	shalt  }
0x56: {  	_ =	shalt  }
0x57: {  	_ =	shalt  }
0x58: {  	_ =	shalt  }
0x59: {  	_ =	shalt  }
0x5a: {  	_ =	shalt  }
0x5b: {  	_ =	shalt  }
0x5c: {  	_ =	shalt  }
0x5d: {  	_ =	shalt  }
0x5e: {  	_ =	shalt  }
0x5f: {  	_ =	shalt  }
0x60: {  	_ =	shalt  }
0x61: {  	_ =	shalt  }
0x62: {  	_ =	shalt  }
0x63: {  	_ =	shalt  }
0x64: {  	_ =	shalt  }
0x65: {  	_ =	shalt  }
0x66: {  	_ =	shalt  }
0x67: {  	_ =	shalt  }
0x68: {  	_ =	shalt  }
0x69: {  	_ =	shalt  }
0x6a: {  	_ =	shalt  }
0x6b: {  	_ =	shalt  }
0x6c: {  	_ =	shalt  }
0x6d: {  	_ =	shalt  }
0x6e: {  	_ =	shalt  }
0x6f: {  	_ =	shalt  }
0x70: {  	_ =	shalt  }
0x71: {  	_ =	shalt  }
0x72: {  	_ =	shalt  }
0x73: {  	_ =	shalt  }
0x74: {  	_ =	shalt  }
0x75: {  	_ =	shalt  }
0x76: {  	_ =	shalt  }
0x77: {  	_ =	shalt  }
0x78: {  	_ =	shalt  }
0x79: {  	_ =	shalt  }
0x7a: {  	_ =	shalt  }
0x7b: {  	_ =	shalt  }
0x7c: {  	_ =	shalt  }
0x7d: {  	_ =	shalt  }
0x7e: {  	_ =	shalt  }
0x7f: {  	_ =	shalt  }
0x80: {  	_ =	shalt  }
0x81: {  	_ =	shalt  }
0x82: {  	_ =	shalt  }
0x83: {  	_ =	shalt  }
0x84: {  	_ =	shalt  }
0x85: {  	_ =	shalt  }
0x86: {  	_ =	shalt  }
0x87: {  	_ =	shalt  }
.Lfunc_end0:
.L_simem_size_0:
called_computation.1_lowered:
.L_overlay_start_0:
0x88: {  	s2 =	sld [smem:$0x3FD9]  }
0x89: {  	s3 =	sld [smem:$0x3FFE];
	_ =	sdelay $0x1  }
0x8a: {  	s1 =	srdreg.scid  }
0x8b: {  	s0 =	sand.u32 $0x1, s1  }
0x8c: {  	s16 =	sshll.u32 s0, $0xA;
	s2 =	sadd.s32 s3, s2  }
0x8d: {  	s2 =	sadd.s32 s2, s16  }
0x8e: {  	[smem:$0x3FBD] =	sst s2  }
0x8f: {  	_ = 	snop  }
0x90: {  	(tm) =	ssettm $0x1  }
0x91: {  	s17 =	sld [smem:$0x3FFB];
	_ =	sdelay $0x3  }
0x92: {  	_ =	strace s17  }
0x93: {  	s2 =	sld [smem:$0x3FFC];
	_ =	sdelay $0x3  }
0x94: {  	_ =	strace s2  }
0x95: {  	s2 =	sld [smem:$0x3FFD];
	_ =	sdelay $0x3  }
0x96: {  	_ =	strace s2  }
0x97: {  	_ =	strace $0x8FFFFFFF  }
0x98: {  	s18 =	sld [smem:$0x3FDB];
	_ =	sdelay $0x1  }
0x99: {  	s19 =	simm.s32 $_scs_section_size  }
0x9a: {  	s4 =	simm.s32 $_size__tile_overlayer_lowered;
	s5 =	simm.s32 $_tile_overlayer_lowered  }
0x9b: {  	s22 =	simm.s32 $0x1BFF;
	s21 =	sshll.u32 s5, $0x1;
	s2 =	sadd.s32 s19, s18  }
0x9c: {  	s6 =	simm.s32 $0x0;
	s20 =	sshll.u32 s4, $0x1;
	s4 =	sadd.s32 s21, s2  }
0x9d: {  	[timem:s6], [sflag:s22] =	dma.local [hbm:s4], s20  }
0x9e: {  	_ =	swait.ge [sflag:s22], s20  }
0x9f: {  	s3 =	ssub.s32 $0x0, s20;
	[sflag:s22] =	ssyncset.done $0x0  }
0xa0: {  	[sflag:s22] =	ssyncadd.s32 s3;
	_ =	sdelay $0x1  }
0xa1: {  	s23 =	simm.s32 $0x1B8B  }
0xa2: {  	_ =	swait.ge [sflag:s23], $0x1  }
0xa3: {  	[sflag:s23] =	ssyncset.done $0x0  }
0xa4: {  	s25 =	simm.s32 $0x1B8E;
	s24 =	sld [smem:$0x3FFE];
	[sflag:s23] =	ssyncadd.s32 $0xFFFFFFFF  }
0xa5: {  	s26 =	simm.s32 $execute0_lowered;
	[smem:$0x3FD2] =	sst s25  }
0xa6: {  	s4 =	sshll.u32 s26, $0x1;
	_ =	strace $0x80000049;
	[dreg:$0x1] =	wrdreg $0xFFFFFFFF  }
0xa7: {  	s28 =	simm.s32 $_size_execute0_lowered;
	s2 =	sadd.s32 s2, s4;
	[dreg:$0x0] =	wrdreg $0x0  }
0xa8: {  	s4 =	sshll.u32 s28, $0x1;
	[dreg:$0x2] =	wrdreg s2  }
0xa9: {  	[dreg:$0x3] =	wrdreg s4  }
0xaa: {  	[dreg:$0x4] =	wrdreg $0xC0  }
0xab: {  	_ =	task [dreg:s6], $0x5FFFF  }
0xac: {  	[dreg:$0x1] =	wrdreg $0xFFFFFFFF  }
0xad: {  	[dreg:$0x0] =	wrdreg $0x60  }
0xae: {  	[dreg:$0x2] =	wrdreg s24  }
0xaf: {  	[dreg:$0x3] =	wrdreg $0x13E200  }
0xb0: {  	[dreg:$0x4] =	wrdreg $0x9  }
0xb1: {  	_ =	task.clear_ibuf [dreg:s6], $0x5FFFF;
	_ =	strace $0x90000049  }
0xb2: {  	s29 =	simm.s32 $0x9;
	_ =	strace $0x8000004B  }
0xb3: {  	_ =	swait.ge [sflag:s29], $0x1  }
0xb4: {  	[sflag:s29] =	ssyncadd.s32 $0xFFFFFFFF  }
0xb5: {  	_ =	strace $0x9000004B  }
0xb6: {  	_ =	sfence  }
0xb7: {  	s30 =	sld [smem:$0x0];
	_ =	sdelay $0x2  }
0xb8: {  	s31 =	sshll.u32 s1, $0xD;
	s1 =	sshrl.u32 s1, $0x2  }
0xb9: {  	s3 =	sand.u32 $0x4000, s31;
	s1 =	sadd.s32 s1, s30  }
0xba: {  	s0 =	sor.u32 s3, s0;
	s1 =	sshll.u32 s1, $0x11  }
0xbb: {  	s0 =	sor.u32 s1, s0  }
0xbc: {  	s0 =	sadd.s32 $0x8F2B, s0  }
0xbd: {  	[sflag:s0] =	ssyncadd.remote.s32 $0x1  }
0xbe: {  	_ =	sfence.sel $0xFFFF  }
0xbf: {  	[dreg:$0x0] =	wrdreg $0xFFFFFFFF;
	(pc) =	sbr.abs _section_cstart, $3  }
0xc0: {  	[dreg:$0x1] =	wrdreg $0xFFFFFFFF  }
0xc1: {  	_ =	task.clear_ibuf [dreg:s6], $0x2FFFF;
	_ =	strace $0x9FFFFFFF  }
0xc2: {  	(tm) =	ssettm $0x7FFFFFFF  }
0xc3: {  	_ =	shalt  }
tec
execute0_lowered:
.L_overlay_start_1:
0x0: {  	(tag) =	ssettag $0x1  }
0x1: {  	s0 =	srdreg.scid;
	s1 =	rddreg [dreg:$0x0]  }
0x2: {  	s2 =	rddreg [dreg:$0x1];
	s7 =	stileid.u32  }
0x3: {  	s5 =	simm.s32 $0x0;
	s11 =	simm.s32 $0xE;
	s13 =	simm.s32 $0x50  }
0x4: {  	s14 =	simm.s32 $0x4E20;
	s15 =	simm.s32 $0x6220;
	s17 =	simm.s32 $0x7620  }
0x5: {  	s19 =	simm.s32 $0x8A20;
	s28 =	simm.s32 $0xDA20;
	s29 =	simm.s32 $0xEE20  }
0x6: {  	s30 =	simm.s32 $0x10220;
	s31 =	simm.s32 $0x11620;
	s12 =	simm.s32 $0x3  }
0x7: {  	s16 =	simm.s32 $0x4;
	s18 =	simm.s32 $0x5;
	s3 =	sand.u32 $0x1, s0  }
0x8: {  	[smem:$0x7FF] =	sst s5;
	s0 =	sshll.u32 s0, $0x3;
	s6 =	smul.u32 $0xA000, s7  }
0x9: {  	s23 =	smul.u32 $0x2800, s7;
	s26 =	sshll.u32 s7, $0x6;
	s4 =	sshll.u32 s3, $0x4  }
0xa: {  	_ =	strace $0x8000004A;
	s0 =	sand.u32 $0x8, s0;
	s3 =	ssub.s32 $0x2, s3  }
0xb: {  	s9 =	sor.u32 $0x1C0E, s26;
	s26 =	simm.s32 $0xC620;
	s4 =	sor.u32 s7, s4  }
0xc: {  	s0 =	sadd.s32 s0, s1;
	s21 =	sshrl.u32 s3, $0x1;
	s24 =	sadd.s32 s6, s2  }
0xd: {  	s25 =	sshrl.u32 s6, $0x3;
	s20 =	smul.u32 $0x2710, s4;
	s0 =	sadd.s32 s23, s0  }
0xe: {  	s4 =	sadd.s32 $0x66E00, s1;
	[dreg:$0x5] =	wrdreg s24;
	s0 =	sadd.s32 $0x7AE00, s0  }
0xf: {  	s23 =	simm.s32 $0xB220;
	s5 =	sshrl.u32 s20, $0x3;
	[dreg:$0x8] =	wrdreg s0  }
0x10: {  	s0 =	simm.s32 $0x12A20;
	s20 =	simm.s32 $0x6;
	s5 =	sadd.s32 s5, s1  }
.Ltmp0:
0x11: {  	s1 =	ssub.s32 s3, s21;
	s22 =	sadd.s32 $0x3400, s5;
	(pc) =	sbr.rel .LBB2_1-.Ltmp0, $4  }
0x12: {  	s21 =	simm.s32 $0x9E20;
	s5 =	sadd.s32 $0xD040, s5;
	[dreg:$0x3] =	wrdreg s22  }
0x13: {  	s3 =	simm.s32 $0x0;
	s1 =	smax.u32 s1, $0x1;
	[dreg:$0x4] =	wrdreg s5  }
0x14: {  	s5 =	sadd.s32 s4, s25;
	[dreg:$0x7] =	wrdreg s1;
	s25 =	simm.s32 $0x1  }
0x15: {  	s1 =	simm.s32 $0x2;
	s22 =	simm.s32 $0x7;
	[dreg:$0x6] =	wrdreg s5  }
.LBB2_4:
0x16: {  	_ =	swait.ge [sflag:s25], $0x1400  }
0x17: {  	[sflag:s25] =	ssyncset.done $0x0  }
0x18: {  	s7 =	simm.s32 $0x4C90;
	[sflag:s25] =	ssyncadd.s32 $0xFFFFEC00  }
0x19: {  	[spmem:s2] =	stream.indirect.scatter.add.f32 [tilespmem:s14], [sflag:$0x2], $0x40, s7, s13, $0xb8;
	[tilespmem:$0x1DE20] =	vst v63  }
0x1a: {  	_ =	swait.ge [sflag:s25], $0x1400  }
0x1b: {  	[sflag:s25] =	ssyncset.done $0x0  }
0x1c: {  	s9 =	simm.s32 $0x4CE0;
	[sflag:s25] =	ssyncadd.s32 $0xFFFFEC00  }
0x1d: {  	[spmem:s2] =	stream.indirect.scatter.add.f32 [tilespmem:s15], [sflag:$0x3], $0x40, s9, s13, $0xb8;
	[tilespmem:$0x1DE20] =	vst v63  }
0x1e: {  	_ =	swait.ge [sflag:s25], $0x1400  }
0x1f: {  	[sflag:s25] =	ssyncset.done $0x0  }
0x20: {  	s10 =	simm.s32 $0x4D30;
	[sflag:s25] =	ssyncadd.s32 $0xFFFFEC00  }
0x21: {  	[spmem:s2] =	stream.indirect.scatter.add.f32 [tilespmem:s17], [sflag:$0x4], $0x40, s10, s13, $0xb8;
	[tilespmem:$0x1DE20] =	vst v63  }
0x22: {  	_ =	swait.ge [sflag:s25], $0x1400  }
0x23: {  	[sflag:s25] =	ssyncset.done $0x0  }
0x24: {  	s24 =	simm.s32 $0x4D80;
	[sflag:s25] =	ssyncadd.s32 $0xFFFFEC00  }
0x25: {  	[spmem:s2] =	stream.indirect.scatter.add.f32 [tilespmem:s19], [sflag:$0x5], $0x40, s24, s13, $0xb8;
	[tilespmem:$0x1DE20] =	vst v63  }
0x26: {  	_ =	swait.ge [sflag:s25], $0x1400  }
0x27: {  	[sflag:s25] =	ssyncset.done $0x0  }
0x28: {  	s8 =	simm.s32 $0x4DD0;
	[sflag:s25] =	ssyncadd.s32 $0xFFFFEC00  }
0x29: {  	[spmem:s2] =	stream.indirect.scatter.add.f32 [tilespmem:s21], [sflag:$0x6], $0x40, s8, s13, $0xb8;
	[tilespmem:$0x1DE20] =	vst v63  }
0x2a: {  	_ =	swait.ge [sflag:s1], $0x1400  }
0x2b: {  	[sflag:s1] =	ssyncset.done $0x0  }
0x2c: {  	[sflag:s1] =	ssyncadd.s32 $0xFFFFEC00  }
0x2d: {  	_ =	swait.ge [sflag:s12], $0x1400  }
0x2e: {  	[sflag:s12] =	ssyncset.done $0x0  }
0x2f: {  	[sflag:s12] =	ssyncadd.s32 $0xFFFFEC00  }
0x30: {  	_ =	swait.ge [sflag:s16], $0x1400  }
0x31: {  	[sflag:s16] =	ssyncset.done $0x0  }
0x32: {  	[sflag:s16] =	ssyncadd.s32 $0xFFFFEC00  }
0x33: {  	_ =	swait.ge [sflag:s18], $0x1400  }
0x34: {  	[sflag:s18] =	ssyncset.done $0x0  }
0x35: {  	[sflag:s18] =	ssyncadd.s32 $0xFFFFEC00  }
0x36: {  	_ =	swait.ge [sflag:s20], $0x1400  }
0x37: {  	[sflag:s20] =	ssyncset.done $0x0  }
0x38: {  	[sflag:s20] =	ssyncadd.s32 $0xFFFFEC00  }
0x39: {  	_ =	swait.ge [sflag:s22], $0x1400  }
0x3a: {  	[sflag:s22] =	ssyncset.done $0x0  }
0x3b: {  	s8 =	simm.s32 $0x8;
	[sflag:s22] =	ssyncadd.s32 $0xFFFFEC00  }
0x3c: {  	_ =	swait.ge [sflag:s8], $0x1400  }
0x3d: {  	[sflag:s8] =	ssyncset.done $0x0  }
0x3e: {  	s9 =	simm.s32 $0x9;
	[sflag:s8] =	ssyncadd.s32 $0xFFFFEC00  }
0x3f: {  	_ =	swait.ge [sflag:s9], $0x1400  }
0x40: {  	[sflag:s9] =	ssyncset.done $0x0  }
0x41: {  	s10 =	simm.s32 $0xA;
	[sflag:s9] =	ssyncadd.s32 $0xFFFFEC00  }
0x42: {  	_ =	swait.ge [sflag:s10], $0x1400  }
0x43: {  	[sflag:s10] =	ssyncset.done $0x0  }
0x44: {  	s24 =	simm.s32 $0xB;
	[sflag:s10] =	ssyncadd.s32 $0xFFFFEC00  }
0x45: {  	_ =	swait.ge [sflag:s24], $0x1400  }
0x46: {  	[sflag:s24] =	ssyncset.done $0x0  }
0x47: {  	s9 =	simm.s32 $0xC;
	[sflag:s24] =	ssyncadd.s32 $0xFFFFEC00  }
0x48: {  	_ =	swait.ge [sflag:s9], $0x1400  }
0x49: {  	[sflag:s9] =	ssyncset.done $0x0  }
0x4a: {  	s10 =	simm.s32 $0xD;
	[sflag:s9] =	ssyncadd.s32 $0xFFFFEC00  }
0x4b: {  	_ =	swait.ge [sflag:s10], $0x1400  }
0x4c: {  	[sflag:s10] =	ssyncset.done $0x0  }
0x4d: {  	[sflag:s10] =	ssyncadd.s32 $0xFFFFEC00  }
0x4e: {  	[bflag:$0x0] =	sbarrier.arrive $0xFFFF  }
0x4f: {  	s9 =	smov.u32 s5;
	s10 =	simm.s32 $0x10;
	s24 =	rddreg [dreg:$0x8]  }
0x50: {  	[hbm:s24@s10], [sflag:s9] =	dma.strided [spmem:s6@s8], $0x1400, s25, $0x8   }
0x51: {  	_ =	swait.ge [sflag:s11], $0x1400  }
0x52: {  	s3 =	sadd.s32 $0x1, s3;
	s24 =	rddreg [dreg:$0x7]  }
0x53: {  	p0 =	sne.s32 s3, s24  }
.Ltmp1:
0x54: {  	_ = 	snop;
	(pc) =	sbr.rel @!p0 .LBB2_5-.Ltmp1, $3  }
0x55: {  	_ =	sdelay $0x1  }
0x56: {  	[sflag:s11] =	ssyncset.done $0x0  }
0x57: {  	[sflag:s11] =	ssyncadd.s32 $0xFFFFEC00  }
.LBB2_1:
0x58: {  	s6 =	simm.s32 $0x0;
	s7 =	rddreg [dreg:$0x3]  }
0x59: {  	[tilespmem:s6], [sflag:$0xE] =	stream.linear.gather [hbm4b:s7+s6], $0x2710, $0x38;
	[tilespmem:$0x1DE20] =	vst v63  }
0x5a: {  	_ =	swait.ge [sflag:s11], $0x2710  }
0x5b: {  	[sflag:s11] =	ssyncset.done $0x0  }
0x5c: {  	s8 =	simm.s32 $0x2710;
	s10 =	rddreg [dreg:$0x4];
	[sflag:s11] =	ssyncadd.s32 $0xFFFFD8F0  }
0x5d: {  	[tilespmem:s8], [sflag:$0xE] =	stream.linear.gather [hbm4b:s10+s6], $0x2710, $0x38;
	[tilespmem:$0x1DE20] =	vst v63  }
0x5e: {  	_ =	swait.ge [sflag:s11], $0x2710  }
0x5f: {  	[sflag:s11] =	ssyncset.done $0x0  }
0x60: {  	[sflag:s11] =	ssyncadd.s32 $0xFFFFD8F0  }
0x61: {  	[tilespmem:s14], [sflag:$0x1] =	stream.indirect.gather [hbm4b:s4+s13], $0x40, s6, s13, $0xb8;
	[tilespmem:$0x1DE20] =	vst v63  }
0x62: {  	_ = 	snop  }
0x63: {  	[tilespmem:s15], [sflag:$0x1] =	stream.indirect.gather [hbm4b:s4+s13], $0x40, s13, s13, $0xb8;
	[tilespmem:$0x1DE20] =	vst v63  }
0x64: {  	s24 =	simm.s32 $0xA0  }
0x65: {  	[tilespmem:s17], [sflag:$0x1] =	stream.indirect.gather [hbm4b:s4+s13], $0x40, s24, s13, $0xb8;
	[tilespmem:$0x1DE20] =	vst v63  }
0x66: {  	s5 =	simm.s32 $0xF0  }
0x67: {  	[tilespmem:s19], [sflag:$0x1] =	stream.indirect.gather [hbm4b:s4+s13], $0x40, s5, s13, $0xb8;
	[tilespmem:$0x1DE20] =	vst v63  }
0x68: {  	s7 =	simm.s32 $0x140;
	s10 =	rddreg [dreg:$0x5]  }
0x69: {  	[tilespmem:s21], [sflag:$0x1] =	stream.indirect.gather [hbm4b:s4+s13], $0x40, s7, s13, $0xb8;
	[tilespmem:$0x1DE20] =	vst v63  }
0x6a: {  	s8 =	simm.s32 $0x190;
	s6 =	sshrl.u32 s10, $0x3;
	s24 =	rddreg [dreg:$0x6]  }
0x6b: {  	[tilespmem:s23], [sflag:$0x1] =	stream.indirect.gather [hbm4b:s4+s13], $0x40, s8, s13, $0xb8;
	[tilespmem:$0x1DE20] =	vst v63  }
0x6c: {  	[spmem:s6], [sflag:s9] =	dma.local [hbm:s24], $0x1400  }
0x6d: {  	_ =	swait.ge [sflag:s11], $0x1400  }
0x6e: {  	[sflag:s11] =	ssyncset.done $0x0  }
0x6f: {  	s5 =	smov.u32 s9;
	[sflag:s11] =	ssyncadd.s32 $0xFFFFEC00  }
0x70: {  	s7 =	simm.s32 $0x3;
	s8 =	simm.s32 $0x0;
	[bflag:$0x0] =	sbarrier.arrive $0xFFFF  }
.LBB2_2:
0x71: {  	_ =	swait.ge [sflag:s25], $0x1400  }
0x72: {  	s9 =	sshra.s32 s8, $0x2;
	[sflag:s25] =	ssyncset.done $0x0  }
0x73: {  	p0 =	seq.s32 s8, $0x0;
	s10 =	sadd.s32 $0x2710, s9;
	[sflag:s25] =	ssyncadd.s32 $0xFFFFEC00  }
0x74: {  	[spmem:s2] =	stream.indirect.scatter.add.f32 [tilespmem:s14], [sflag:$0x2], $0x40, s10, s13, $0xb8;
	[tilespmem:$0x1DE20] =	vst v63  }
0x75: {  	s10 =	simm.s32 @!p0 $0x8  }
0x76: {  	_ =	swait.ge @!p0 [sflag:s10], $0x1400  }
0x77: {  	[sflag:s10] =	ssyncset.done @!p0 $0x0  }
0x78: {  	s24 =	sadd.s32 $0x1E0, s9;
	[sflag:s10] =	ssyncadd.s32 @!p0 $0xFFFFEC00  }
0x79: {  	[tilespmem:s26], [sflag:$0x1] =	stream.indirect.gather [hbm4b:s4+s13], $0x40, s24, s13, $0xb8;
	[tilespmem:$0x1DE20] =	vst v63  }
0x7a: {  	_ =	swait.ge [sflag:s25], $0x1400  }
0x7b: {  	[sflag:s25] =	ssyncset.done $0x0  }
0x7c: {  	s10 =	simm.s32 @!p0 $0x9;
	s24 =	sadd.s32 $0x2760, s9;
	[sflag:s25] =	ssyncadd.s32 $0xFFFFEC00  }
0x7d: {  	[spmem:s2] =	stream.indirect.scatter.add.f32 [tilespmem:s15], [sflag:$0x3], $0x40, s24, s13, $0xb8;
	[tilespmem:$0x1DE20] =	vst v63  }
0x7e: {  	_ =	swait.ge @!p0 [sflag:s10], $0x1400  }
0x7f: {  	[sflag:s10] =	ssyncset.done @!p0 $0x0  }
0x80: {  	s24 =	sadd.s32 $0x230, s9;
	[sflag:s10] =	ssyncadd.s32 @!p0 $0xFFFFEC00  }
0x81: {  	[tilespmem:s28], [sflag:$0x1] =	stream.indirect.gather [hbm4b:s4+s13], $0x40, s24, s13, $0xb8;
	[tilespmem:$0x1DE20] =	vst v63  }
0x82: {  	s10 =	sadd.s32 $0xFFFFFFFF, s7;
	_ =	swait.ge [sflag:s25], $0x1400  }
0x83: {  	p1 =	slt.u32 s10, $0x6;
	[sflag:s25] =	ssyncset.done $0x0  }
0x84: {  	s24 =	sadd.s32 $0x27B0, s9;
	s10 =	simm.s32 @!p1 $0xA;
	[sflag:s25] =	ssyncadd.s32 $0xFFFFEC00  }
0x85: {  	[spmem:s2] =	stream.indirect.scatter.add.f32 [tilespmem:s17], [sflag:$0x4], $0x40, s24, s13, $0xb8;
	[tilespmem:$0x1DE20] =	vst v63  }
0x86: {  	_ =	swait.ge @!p1 [sflag:s10], $0x1400  }
0x87: {  	[sflag:s10] =	ssyncset.done @!p1 $0x0  }
0x88: {  	s24 =	sadd.s32 $0x280, s9;
	[sflag:s10] =	ssyncadd.s32 @!p1 $0xFFFFEC00  }
0x89: {  	[tilespmem:s29], [sflag:$0x1] =	stream.indirect.gather [hbm4b:s4+s13], $0x40, s24, s13, $0xb8;
	[tilespmem:$0x1DE20] =	vst v63  }
0x8a: {  	_ =	swait.ge [sflag:s25], $0x1400  }
0x8b: {  	p1 =	slt.u32 s7, $0x6;
	[sflag:s25] =	ssyncset.done $0x0  }
0x8c: {  	s24 =	sadd.s32 $0x2800, s9;
	s10 =	simm.s32 @!p1 $0xB;
	[sflag:s25] =	ssyncadd.s32 $0xFFFFEC00  }
0x8d: {  	[spmem:s2] =	stream.indirect.scatter.add.f32 [tilespmem:s19], [sflag:$0x5], $0x40, s24, s13, $0xb8;
	[tilespmem:$0x1DE20] =	vst v63  }
0x8e: {  	_ =	swait.ge @!p1 [sflag:s10], $0x1400  }
0x8f: {  	[sflag:s10] =	ssyncset.done @!p1 $0x0  }
0x90: {  	s24 =	sadd.s32 $0x2D0, s9;
	[sflag:s10] =	ssyncadd.s32 @!p1 $0xFFFFEC00  }
0x91: {  	[tilespmem:s30], [sflag:$0x1] =	stream.indirect.gather [hbm4b:s4+s13], $0x40, s24, s13, $0xb8;
	[tilespmem:$0x1DE20] =	vst v63  }
0x92: {  	_ =	swait.ge [sflag:s25], $0x1400  }
0x93: {  	[sflag:s25] =	ssyncset.done $0x0  }
0x94: {  	s10 =	simm.s32 @!p0 $0xC;
	s24 =	sadd.s32 $0x2850, s9;
	[sflag:s25] =	ssyncadd.s32 $0xFFFFEC00  }
0x95: {  	[spmem:s2] =	stream.indirect.scatter.add.f32 [tilespmem:s21], [sflag:$0x6], $0x40, s24, s13, $0xb8;
	[tilespmem:$0x1DE20] =	vst v63  }
0x96: {  	_ =	swait.ge @!p0 [sflag:s10], $0x1400  }
0x97: {  	[sflag:s10] =	ssyncset.done @!p0 $0x0  }
0x98: {  	s24 =	sadd.s32 $0x320, s9;
	[sflag:s10] =	ssyncadd.s32 @!p0 $0xFFFFEC00  }
0x99: {  	[tilespmem:s31], [sflag:$0x1] =	stream.indirect.gather [hbm4b:s4+s13], $0x40, s24, s13, $0xb8;
	[tilespmem:$0x1DE20] =	vst v63  }
0x9a: {  	_ =	swait.ge [sflag:s25], $0x1400  }
0x9b: {  	[sflag:s25] =	ssyncset.done $0x0  }
0x9c: {  	s10 =	simm.s32 @!p0 $0xD;
	s24 =	sadd.s32 $0x28A0, s9;
	[sflag:s25] =	ssyncadd.s32 $0xFFFFEC00  }
0x9d: {  	[spmem:s2] =	stream.indirect.scatter.add.f32 [tilespmem:s23], [sflag:$0x7], $0x40, s24, s13, $0xb8;
	[tilespmem:$0x1DE20] =	vst v63  }
0x9e: {  	_ =	swait.ge @!p0 [sflag:s10], $0x1400  }
0x9f: {  	[sflag:s10] =	ssyncset.done @!p0 $0x0  }
0xa0: {  	s24 =	sadd.s32 $0x370, s9;
	[sflag:s10] =	ssyncadd.s32 @!p0 $0xFFFFEC00  }
0xa1: {  	[tilespmem:s0], [sflag:$0x1] =	stream.indirect.gather [hbm4b:s4+s13], $0x40, s24, s13, $0xb8;
	[tilespmem:$0x1DE20] =	vst v63  }
0xa2: {  	_ =	swait.ge [sflag:s25], $0x1400  }
0xa3: {  	[sflag:s25] =	ssyncset.done $0x0  }
0xa4: {  	s24 =	sadd.s32 $0x28F0, s9;
	[sflag:s25] =	ssyncadd.s32 $0xFFFFEC00  }
0xa5: {  	[spmem:s2] =	stream.indirect.scatter.add.f32 [tilespmem:s26], [sflag:$0x8], $0x40, s24, s13, $0xb8;
	[tilespmem:$0x1DE20] =	vst v63  }
0xa6: {  	_ =	swait.ge [sflag:s1], $0x1400  }
0xa7: {  	[sflag:s1] =	ssyncset.done $0x0  }
0xa8: {  	s24 =	sadd.s32 $0x3C0, s9;
	[sflag:s1] =	ssyncadd.s32 $0xFFFFEC00  }
0xa9: {  	[tilespmem:s14], [sflag:$0x1] =	stream.indirect.gather [hbm4b:s4+s13], $0x40, s24, s13, $0xb8;
	[tilespmem:$0x1DE20] =	vst v63  }
0xaa: {  	_ =	swait.ge [sflag:s25], $0x1400  }
0xab: {  	[sflag:s25] =	ssyncset.done $0x0  }
0xac: {  	s24 =	sadd.s32 $0x2940, s9;
	[sflag:s25] =	ssyncadd.s32 $0xFFFFEC00  }
0xad: {  	[spmem:s2] =	stream.indirect.scatter.add.f32 [tilespmem:s28], [sflag:$0x9], $0x40, s24, s13, $0xb8;
	[tilespmem:$0x1DE20] =	vst v63  }
0xae: {  	_ =	swait.ge [sflag:s12], $0x1400  }
0xaf: {  	[sflag:s12] =	ssyncset.done $0x0  }
0xb0: {  	s24 =	sadd.s32 $0x410, s9;
	[sflag:s12] =	ssyncadd.s32 $0xFFFFEC00  }
0xb1: {  	[tilespmem:s15], [sflag:$0x1] =	stream.indirect.gather [hbm4b:s4+s13], $0x40, s24, s13, $0xb8;
	[tilespmem:$0x1DE20] =	vst v63  }
0xb2: {  	_ =	swait.ge [sflag:s25], $0x1400  }
0xb3: {  	[sflag:s25] =	ssyncset.done $0x0  }
0xb4: {  	s24 =	sadd.s32 $0x2990, s9;
	[sflag:s25] =	ssyncadd.s32 $0xFFFFEC00  }
0xb5: {  	[spmem:s2] =	stream.indirect.scatter.add.f32 [tilespmem:s29], [sflag:$0xA], $0x40, s24, s13, $0xb8;
	[tilespmem:$0x1DE20] =	vst v63  }
0xb6: {  	_ =	swait.ge [sflag:s16], $0x1400  }
0xb7: {  	[sflag:s16] =	ssyncset.done $0x0  }
0xb8: {  	s24 =	sadd.s32 $0x460, s9;
	[sflag:s16] =	ssyncadd.s32 $0xFFFFEC00  }
0xb9: {  	[tilespmem:s17], [sflag:$0x1] =	stream.indirect.gather [hbm4b:s4+s13], $0x40, s24, s13, $0xb8;
	[tilespmem:$0x1DE20] =	vst v63  }
0xba: {  	_ =	swait.ge [sflag:s25], $0x1400  }
0xbb: {  	[sflag:s25] =	ssyncset.done $0x0  }
0xbc: {  	s24 =	sadd.s32 $0x29E0, s9;
	[sflag:s25] =	ssyncadd.s32 $0xFFFFEC00  }
0xbd: {  	[spmem:s2] =	stream.indirect.scatter.add.f32 [tilespmem:s30], [sflag:$0xB], $0x40, s24, s13, $0xb8;
	[tilespmem:$0x1DE20] =	vst v63  }
0xbe: {  	_ =	swait.ge [sflag:s18], $0x1400  }
0xbf: {  	[sflag:s18] =	ssyncset.done $0x0  }
0xc0: {  	s24 =	sadd.s32 $0x4B0, s9;
	[sflag:s18] =	ssyncadd.s32 $0xFFFFEC00  }
0xc1: {  	[tilespmem:s19], [sflag:$0x1] =	stream.indirect.gather [hbm4b:s4+s13], $0x40, s24, s13, $0xb8;
	[tilespmem:$0x1DE20] =	vst v63  }
0xc2: {  	_ =	swait.ge [sflag:s25], $0x1400  }
0xc3: {  	[sflag:s25] =	ssyncset.done $0x0  }
0xc4: {  	s24 =	sadd.s32 $0x2A30, s9;
	[sflag:s25] =	ssyncadd.s32 $0xFFFFEC00  }
0xc5: {  	[spmem:s2] =	stream.indirect.scatter.add.f32 [tilespmem:s31], [sflag:$0xC], $0x40, s24, s13, $0xb8;
	[tilespmem:$0x1DE20] =	vst v63  }
0xc6: {  	_ =	swait.ge [sflag:s20], $0x1400  }
0xc7: {  	[sflag:s20] =	ssyncset.done $0x0  }
0xc8: {  	p0 =	seq.s32 s8, $0x8700;
	s24 =	sadd.s32 $0x500, s9;
	[sflag:s20] =	ssyncadd.s32 $0xFFFFEC00  }
0xc9: {  	[tilespmem:s21], [sflag:$0x1] =	stream.indirect.gather [hbm4b:s4+s13], $0x40, s24, s13, $0xb8;
	[tilespmem:$0x1DE20] =	vst v63  }
.Ltmp2:
0xca: {  	_ = 	snop;
	(pc) =	sbr.rel @p0 .LBB2_4-.Ltmp2, $4  }
0xcb: {  	_ =	swait.ge [sflag:s25], $0x1400  }
0xcc: {  	[sflag:s25] =	ssyncset.done $0x0  }
0xcd: {  	s24 =	sadd.s32 $0x2A80, s9;
	[sflag:s25] =	ssyncadd.s32 $0xFFFFEC00  }
0xce: {  	[spmem:s2] =	stream.indirect.scatter.add.f32 [tilespmem:s0], [sflag:$0xD], $0x40, s24, s13, $0xb8;
	[tilespmem:$0x1DE20] =	vst v63  }
.Ltmp3:
0xcf: {  	(pc) =	sbr.rel .LBB2_2-.Ltmp3, $4  }
0xd0: {  	_ =	swait.ge [sflag:s22], $0x1400  }
0xd1: {  	s9 =	sadd.s32 $0x550, s9;
	[sflag:s22] =	ssyncset.done $0x0  }
0xd2: {  	s8 =	sadd.s32 $0xF00, s8;
	s7 =	sadd.s32 $0xC, s7;
	[sflag:s22] =	ssyncadd.s32 $0xFFFFEC00  }
0xd3: {  	[tilespmem:s23], [sflag:$0x1] =	stream.indirect.gather [hbm4b:s4+s13], $0x40, s9, s13, $0xb8;
	[tilespmem:$0x1DE20] =	vst v63  }
.LBB2_5:
0xd4: {  	_ =	sfence.sel $0x180000  }
0xd5: {  	[bflag:$0x0] =	sbarrier.arrive $0xFFFF  }
0xd6: {  	_ =	strace $0x9000004A  }
0xd7: {  	s0 =	stileid.u32;
	[bflag:$0x2] =	sbarrier.arrive $0xFFFF  }
0xd8: {  	p0 =	sne.s32 s0, $0x0;
	s0 =	rddreg [dreg:$0x2]  }
0xd9: {  	s0 =	sadd.s32 @!p0 $0x100000, s0  }
0xda: {  	[sflag:s0] =	ssyncadd.tile.s32 @!p0 $0x1;
	_ =	shalt  }
.Lfunc_end2:
_tile_overlayer_lowered:
.L_overlay_start_2:
0xdb: {  	(tag) =	ssettag $0x2  }
0xdc: {  	s0 =	rddreg [dreg:$0x0];
	s2 =	stileid.u32  }
0xdd: {  	s1 =	rddreg [dreg:$0x1];
	p0 =	sne.s32 s2, $0x0  }
0xde: {  	s3 =	rddreg [dreg:$0x2];
	[bflag:$0x3] =	sbarrier.arrive $0xFFFF;
	s2 =	simm.s32 @!p0 $0x1C0E  }
0xdf: {  	[timem:s3], [sflag:s2] =	dma.local @!p0 [hbm:s0], s1  }
0xe0: {  	s0 =	simm.s32 @!p0 $0xE  }
0xe1: {  	_ =	swait.ge @!p0 [sflag:s0], s1  }
0xe2: {  	s1 =	ssub.s32 @!p0 $0x0, s1;
	[sflag:s0] =	ssyncset.done @!p0 $0x0  }
0xe3: {  	[sflag:s0] =	ssyncadd.s32 @!p0 s1  }
0xe4: {  	[bflag:$0x3] =	sbarrier.arrive $0xFFFF  }
0xe5: {  	_ =	shalt  }

// kernel: kernel.14.cloned.1.call-start
scs
__scs_entry_jumppad:
0x0: {  	(pc) =	sbr.rel $0x88, $3  }
0x1: {  	(tag) =	ssettag $0x0;
	lr =	simm.s32 $0x1  }
0x2: {  	[smem:$0x3F96] =	sst lr;
	_ =	strace $0xD0000000  }
0x3: {  	_ = 	snop  }
0x4: {  	_ = 	snop  }
0x5: {  	_ = 	snop  }
0x6: {  	_ = 	snop  }
0x7: {  	_ = 	snop  }
__scs_overlays_trampoline_lowered:
0x8: {  	[smem:$0x3FA5] =	sst s0  }
0x9: {  	[smem:$0x3FA6] =	sst s1  }
0xa: {  	[smem:$0x3FA7] =	sst s2  }
0xb: {  	[smem:$0x3FA8] =	sst s3  }
0xc: {  	[smem:$0x3FA9] =	sst s4  }
0xd: {  	[smem:$0x3FAA] =	sst s5  }
0xe: {  	[smem:$0x3FAB] =	sst s6  }
0xf: {  	[smem:$0x3FAC] =	sst s7  }
0x10: {  	[smem:$0x3FAD] =	sst s8  }
0x11: {  	[smem:$0x3FAE] =	sst s9;
	s0 =	simm.s32 @!p0 $0x0  }
0x12: {  	s1 =	sld [smem:$0x3F94];
	s0 =	simm.s32 @p0 $0x1  }
0x13: {  	[smem:$0x3FAF] =	sst s0;
	s0 =	simm.s32 @!p1 $0x0  }
0x14: {  	s2 =	sld [smem:$0x3F93];
	s0 =	simm.s32 @p1 $0x1  }
0x15: {  	[smem:$0x3FB0] =	sst s0;
	s0 =	simm.s32 @!p2 $0x0  }
0x16: {  	s3 =	sld [smem:$0x3FDB];
	s0 =	simm.s32 @p2 $0x1  }
0x17: {  	s4 =	simm.s32 $0x1BF5;
	[smem:$0x3FB2] =	sst s0  }
0x18: {  	s0 =	sld [smem:$0x3F95];
	_ =	swait.ge [sflag:s4], $0x0  }
0x19: {  	s7 =	sld [smem:$0x3F96]  }
0x1a: {  	s8 =	sadd.s32 $0xFFFFE003, lr  }
0x1b: {  	s9 =	sadd.s32 $0xFFFFFEF7, lr;
	s5 =	simm.s32 $0xFFFFFFFF;
	p2 =	slt.u32 s8, $0xFFFFF086  }
0x1c: {  	p1 =	slt.u32 s9, $0xF7A;
	s5 =	simm.s32 @!p2 $0x0  }
0x1d: {  	s5 =	simm.s32 @p1 $0x1;
	p0 =	seq.s32 s7, s2  }
0x1e: {  	s7 =	smul.u32 @!p0 $0xF7A, s2;
	p2 =	seq.s32 @!p0 s5, $0x0  }
0x1f: {  	s9 =	smul.u32 $0xF7A, s1;
	s8 =	simm.s32 @!p0 $0x1BF5;
	p2 =	por !p2, p0  }
0x20: {  	[sflag:s8] =	ssyncset.s32 @!p0 $0xFFFFF086;
	s6 =	sadd.s32 @!p0 s3, s7;
	s7 =	simm.s32 @!p0 $0x108  }
0x21: {  	s3 =	sadd.s32 s3, s9;
	s6 =	sadd.s32 @!p0 $0x88, s6;
	s7 =	simm.s32 @p2 $0x1082  }
0x22: {  	[simem:s7], [sflag:s8] =	dma.local @!p0 [hbm:s6], $0xF7A  }
0x23: {  	s9 =	sor.u32 $0xD0000000, s2;
	s6 =	simm.s32 $0x108;
	_ =	swait.ge @!p0 [sflag:s8], $0x0  }
0x24: {  	s3 =	sadd.s32 $0x88, s3;
	s6 =	simm.s32 @!p1 $0x1082;
	[sflag:s4] =	ssyncset.s32 $0xFFFFF086  }
0x25: {  	[simem:s6], [sflag:s4] =	dma.local [hbm:s3], $0xF7A  }
0x26: {  	[smem:$0x3F96] =	sst s1;
	(tag) =	ssettag s2;
	_ =	strace s9  }
0x27: {  	s1 =	sld [smem:$0x3FA6]  }
0x28: {  	s2 =	sld [smem:$0x3FA7]  }
0x29: {  	s4 =	sld [smem:$0x3FA9]  }
0x2a: {  	p0 =	seq.s32 s5, $0x0;
	s5 =	sld [smem:$0x3FAA]  }
0x2b: {  	s6 =	sld [smem:$0x3FAB]  }
0x2c: {  	s7 =	sld [smem:$0x3FAC]  }
0x2d: {  	s3 =	simm.s32 $0x108;
	s8 =	sld [smem:$0x3FAD]  }
0x2e: {  	s3 =	simm.s32 @!p0 $0x1082;
	s9 =	sld [smem:$0x3FAE]  }
0x2f: {  	lr =	sadd.s32 s0, s3;
	s0 =	sld [smem:$0x3FA5]  }
0x30: {  	s3 =	sld [smem:$0x3FA8]  }
0x31: {  	[smem:$0x3FB1] =	sst s10  }
0x32: {  	s10 =	sld [smem:$0x3FAF];
	_ =	sdelay $0x3  }
0x33: {  	p0 =	seq.s32 s10, $0x1;
	s10 =	sld [smem:$0x3FB1];
	_ =	sdelay $0x3  }
0x34: {  	[smem:$0x3FB1] =	sst s10  }
0x35: {  	s10 =	sld [smem:$0x3FB0];
	_ =	sdelay $0x3  }
0x36: {  	p1 =	seq.s32 s10, $0x1;
	s10 =	sld [smem:$0x3FB1];
	_ =	sdelay $0x3  }
0x37: {  	[smem:$0x3FB1] =	sst s10  }
0x38: {  	s10 =	sld [smem:$0x3FB2]  }
0x39: {  	_ = 	snop;
	(pc) =	sbr.ind lr, $3  }
0x3a: {  	_ = 	snop  }
0x3b: {  	_ = 	snop  }
0x3c: {  	p2 =	seq.s32 s10, $0x1;
	s10 =	sld [smem:$0x3FB1]  }
0x3d: {  	_ =	shalt  }
0x3e: {  	_ =	shalt  }
0x3f: {  	_ =	shalt  }
0x40: {  	_ =	shalt  }
0x41: {  	_ =	shalt  }
0x42: {  	_ =	shalt  }
0x43: {  	_ =	shalt  }
0x44: {  	_ =	shalt  }
0x45: {  	_ =	shalt  }
0x46: {  	_ =	shalt  }
0x47: {  	_ =	shalt  }
0x48: {  	_ =	shalt  }
0x49: {  	_ =	shalt  }
0x4a: {  	_ =	shalt  }
0x4b: {  	_ =	shalt  }
0x4c: {  	_ =	shalt  }
0x4d: {  	_ =	shalt  }
0x4e: {  	_ =	shalt  }
0x4f: {  	_ =	shalt  }
0x50: {  	_ =	shalt  }
0x51: {  	_ =	shalt  }
0x52: {  	_ =	shalt  }
0x53: {  	_ =	shalt  }
0x54: {  	_ =	shalt  }
0x55: {  	_ =	shalt  }
0x56: {  	_ =	shalt  }
0x57: {  	_ =	shalt  }
0x58: {  	_ =	shalt  }
0x59: {  	_ =	shalt  }
0x5a: {  	_ =	shalt  }
0x5b: {  	_ =	shalt  }
0x5c: {  	_ =	shalt  }
0x5d: {  	_ =	shalt  }
0x5e: {  	_ =	shalt  }
0x5f: {  	_ =	shalt  }
0x60: {  	_ =	shalt  }
0x61: {  	_ =	shalt  }
0x62: {  	_ =	shalt  }
0x63: {  	_ =	shalt  }
0x64: {  	_ =	shalt  }
0x65: {  	_ =	shalt  }
0x66: {  	_ =	shalt  }
0x67: {  	_ =	shalt  }
0x68: {  	_ =	shalt  }
0x69: {  	_ =	shalt  }
0x6a: {  	_ =	shalt  }
0x6b: {  	_ =	shalt  }
0x6c: {  	_ =	shalt  }
0x6d: {  	_ =	shalt  }
0x6e: {  	_ =	shalt  }
0x6f: {  	_ =	shalt  }
0x70: {  	_ =	shalt  }
0x71: {  	_ =	shalt  }
0x72: {  	_ =	shalt  }
0x73: {  	_ =	shalt  }
0x74: {  	_ =	shalt  }
0x75: {  	_ =	shalt  }
0x76: {  	_ =	shalt  }
0x77: {  	_ =	shalt  }
0x78: {  	_ =	shalt  }
0x79: {  	_ =	shalt  }
0x7a: {  	_ =	shalt  }
0x7b: {  	_ =	shalt  }
0x7c: {  	_ =	shalt  }
0x7d: {  	_ =	shalt  }
0x7e: {  	_ =	shalt  }
0x7f: {  	_ =	shalt  }
0x80: {  	_ =	shalt  }
0x81: {  	_ =	shalt  }
0x82: {  	_ =	shalt  }
0x83: {  	_ =	shalt  }
0x84: {  	_ =	shalt  }
0x85: {  	_ =	shalt  }
0x86: {  	_ =	shalt  }
0x87: {  	_ =	shalt  }
.Lfunc_end0:
.L_simem_size_0:
called_computation.2_lowered:
.L_overlay_start_0:
0x88: {  	s2 =	sld [smem:$0x3FD9]  }
0x89: {  	s3 =	sld [smem:$0x3FFE];
	_ =	sdelay $0x1  }
0x8a: {  	s1 =	srdreg.scid  }
0x8b: {  	s0 =	sand.u32 $0x1, s1  }
0x8c: {  	s16 =	sshll.u32 s0, $0xA;
	s2 =	sadd.s32 s3, s2  }
0x8d: {  	s2 =	sadd.s32 s2, s16  }
0x8e: {  	[smem:$0x3FBD] =	sst s2  }
0x8f: {  	_ = 	snop  }
0x90: {  	(tm) =	ssettm $0x1  }
0x91: {  	s17 =	sld [smem:$0x3FFB];
	_ =	sdelay $0x3  }
0x92: {  	_ =	strace s17  }
0x93: {  	s2 =	sld [smem:$0x3FFC];
	_ =	sdelay $0x3  }
0x94: {  	_ =	strace s2  }
0x95: {  	s2 =	sld [smem:$0x3FFD];
	_ =	sdelay $0x3  }
0x96: {  	_ =	strace s2  }
0x97: {  	_ =	strace $0x8FFFFFFF  }
0x98: {  	s18 =	sld [smem:$0x3FDB];
	_ =	sdelay $0x1  }
0x99: {  	s19 =	simm.s32 $_scs_section_size  }
0x9a: {  	s4 =	simm.s32 $_size__tile_overlayer_lowered;
	s5 =	simm.s32 $_tile_overlayer_lowered  }
0x9b: {  	s22 =	simm.s32 $0x1BFF;
	s21 =	sshll.u32 s5, $0x1;
	s2 =	sadd.s32 s19, s18  }
0x9c: {  	s6 =	simm.s32 $0x0;
	s20 =	sshll.u32 s4, $0x1;
	s4 =	sadd.s32 s21, s2  }
0x9d: {  	[timem:s6], [sflag:s22] =	dma.local [hbm:s4], s20  }
0x9e: {  	_ =	swait.ge [sflag:s22], s20  }
0x9f: {  	s3 =	ssub.s32 $0x0, s20;
	[sflag:s22] =	ssyncset.done $0x0  }
0xa0: {  	[sflag:s22] =	ssyncadd.s32 s3;
	_ =	sdelay $0x1  }
0xa1: {  	s23 =	simm.s32 $0x1B8B  }
0xa2: {  	_ =	swait.ge [sflag:s23], $0x1  }
0xa3: {  	[sflag:s23] =	ssyncset.done $0x0  }
0xa4: {  	s25 =	simm.s32 $0x1B8E;
	s24 =	sld [smem:$0x3FFE];
	[sflag:s23] =	ssyncadd.s32 $0xFFFFFFFF  }
0xa5: {  	s26 =	simm.s32 $execute0_lowered;
	[smem:$0x3FD2] =	sst s25  }
0xa6: {  	s4 =	sshll.u32 s26, $0x1;
	_ =	strace $0x8000004C;
	[dreg:$0x1] =	wrdreg $0xFFFFFFFF  }
0xa7: {  	s28 =	simm.s32 $_size_execute0_lowered;
	s2 =	sadd.s32 s2, s4;
	[dreg:$0x0] =	wrdreg $0x0  }
0xa8: {  	s4 =	sshll.u32 s28, $0x1;
	[dreg:$0x2] =	wrdreg s2  }
0xa9: {  	[dreg:$0x3] =	wrdreg s4  }
0xaa: {  	[dreg:$0x4] =	wrdreg $0xC0  }
0xab: {  	_ =	task [dreg:s6], $0x5FFFF  }
0xac: {  	[dreg:$0x1] =	wrdreg $0xFFFFFFFF  }
0xad: {  	[dreg:$0x0] =	wrdreg $0x60  }
0xae: {  	[dreg:$0x2] =	wrdreg s24  }
0xaf: {  	[dreg:$0x3] =	wrdreg $0x13E200  }
0xb0: {  	[dreg:$0x4] =	wrdreg $0x9  }
0xb1: {  	_ =	task.clear_ibuf [dreg:s6], $0x5FFFF;
	_ =	strace $0x9000004C  }
0xb2: {  	s29 =	simm.s32 $0x9;
	_ =	strace $0x8000004E  }
0xb3: {  	_ =	swait.ge [sflag:s29], $0x1  }
0xb4: {  	[sflag:s29] =	ssyncadd.s32 $0xFFFFFFFF  }
0xb5: {  	_ =	strace $0x9000004E  }
0xb6: {  	_ =	sfence  }
0xb7: {  	s30 =	sld [smem:$0x0];
	_ =	sdelay $0x2  }
0xb8: {  	s31 =	sshll.u32 s1, $0xD;
	s1 =	sshrl.u32 s1, $0x2  }
0xb9: {  	s3 =	sand.u32 $0x4000, s31;
	s1 =	sadd.s32 s1, s30  }
0xba: {  	s0 =	sor.u32 s3, s0;
	s1 =	sshll.u32 s1, $0x11  }
0xbb: {  	s0 =	sor.u32 s1, s0  }
0xbc: {  	s0 =	sadd.s32 $0x8F2B, s0  }
0xbd: {  	[sflag:s0] =	ssyncadd.remote.s32 $0x1  }
0xbe: {  	_ =	sfence.sel $0xFFFF  }
0xbf: {  	[dreg:$0x0] =	wrdreg $0xFFFFFFFF;
	(pc) =	sbr.abs _section_cstart, $3  }
0xc0: {  	[dreg:$0x1] =	wrdreg $0xFFFFFFFF  }
0xc1: {  	_ =	task.clear_ibuf [dreg:s6], $0x2FFFF;
	_ =	strace $0x9FFFFFFF  }
0xc2: {  	(tm) =	ssettm $0x7FFFFFFF  }
0xc3: {  	_ =	shalt  }
tec
execute0_lowered:
.L_overlay_start_1:
0x0: {  	(tag) =	ssettag $0x1  }
0x1: {  	s0 =	srdreg.scid;
	s1 =	rddreg [dreg:$0x0]  }
0x2: {  	s2 =	rddreg [dreg:$0x1];
	s7 =	stileid.u32  }
0x3: {  	s5 =	simm.s32 $0x0;
	s11 =	simm.s32 $0xE;
	s13 =	simm.s32 $0x50  }
0x4: {  	s14 =	simm.s32 $0x4E20;
	s15 =	simm.s32 $0x6220;
	s17 =	simm.s32 $0x7620  }
0x5: {  	s19 =	simm.s32 $0x8A20;
	s28 =	simm.s32 $0xDA20;
	s29 =	simm.s32 $0xEE20  }
0x6: {  	s30 =	simm.s32 $0x10220;
	s31 =	simm.s32 $0x11620;
	s12 =	simm.s32 $0x3  }
0x7: {  	s16 =	simm.s32 $0x4;
	s18 =	simm.s32 $0x5;
	s3 =	sand.u32 $0x1, s0  }
0x8: {  	[smem:$0x7FF] =	sst s5;
	s0 =	sshll.u32 s0, $0x3;
	s6 =	smul.u32 $0xA000, s7  }
0x9: {  	s23 =	smul.u32 $0x2800, s7;
	s26 =	sshll.u32 s7, $0x6;
	s4 =	sshll.u32 s3, $0x4  }
0xa: {  	_ =	strace $0x8000004D;
	s0 =	sand.u32 $0x8, s0;
	s3 =	ssub.s32 $0x2, s3  }
0xb: {  	s9 =	sor.u32 $0x1C0E, s26;
	s26 =	simm.s32 $0xC620;
	s4 =	sor.u32 s7, s4  }
0xc: {  	s0 =	sadd.s32 s0, s1;
	s21 =	sshrl.u32 s3, $0x1;
	s24 =	sadd.s32 s6, s2  }
0xd: {  	s25 =	sshrl.u32 s6, $0x3;
	s20 =	smul.u32 $0x2710, s4;
	s0 =	sadd.s32 s23, s0  }
0xe: {  	s4 =	sadd.s32 $0x66E00, s1;
	[dreg:$0x5] =	wrdreg s24;
	s0 =	sadd.s32 $0x7AE00, s0  }
0xf: {  	s23 =	simm.s32 $0xB220;
	s5 =	sshrl.u32 s20, $0x3;
	[dreg:$0x8] =	wrdreg s0  }
0x10: {  	s0 =	simm.s32 $0x12A20;
	s20 =	simm.s32 $0x6;
	s5 =	sadd.s32 s5, s1  }
.Ltmp0:
0x11: {  	s1 =	ssub.s32 s3, s21;
	s22 =	sadd.s32 $0x3400, s5;
	(pc) =	sbr.rel .LBB2_1-.Ltmp0, $4  }
0x12: {  	s21 =	simm.s32 $0x9E20;
	s5 =	sadd.s32 $0xD040, s5;
	[dreg:$0x3] =	wrdreg s22  }
0x13: {  	s3 =	simm.s32 $0x0;
	s1 =	smax.u32 s1, $0x1;
	[dreg:$0x4] =	wrdreg s5  }
0x14: {  	s5 =	sadd.s32 s4, s25;
	[dreg:$0x7] =	wrdreg s1;
	s25 =	simm.s32 $0x1  }
0x15: {  	s1 =	simm.s32 $0x2;
	s22 =	simm.s32 $0x7;
	[dreg:$0x6] =	wrdreg s5  }
.LBB2_4:
0x16: {  	_ =	swait.ge [sflag:s25], $0x1400  }
0x17: {  	[sflag:s25] =	ssyncset.done $0x0  }
0x18: {  	s7 =	simm.s32 $0x4C90;
	[sflag:s25] =	ssyncadd.s32 $0xFFFFEC00  }
0x19: {  	[spmem:s2] =	stream.indirect.scatter.add.f32 [tilespmem:s14], [sflag:$0x2], $0x40, s7, s13, $0xb8;
	[tilespmem:$0x1DE20] =	vst v63  }
0x1a: {  	_ =	swait.ge [sflag:s25], $0x1400  }
0x1b: {  	[sflag:s25] =	ssyncset.done $0x0  }
0x1c: {  	s9 =	simm.s32 $0x4CE0;
	[sflag:s25] =	ssyncadd.s32 $0xFFFFEC00  }
0x1d: {  	[spmem:s2] =	stream.indirect.scatter.add.f32 [tilespmem:s15], [sflag:$0x3], $0x40, s9, s13, $0xb8;
	[tilespmem:$0x1DE20] =	vst v63  }
0x1e: {  	_ =	swait.ge [sflag:s25], $0x1400  }
0x1f: {  	[sflag:s25] =	ssyncset.done $0x0  }
0x20: {  	s10 =	simm.s32 $0x4D30;
	[sflag:s25] =	ssyncadd.s32 $0xFFFFEC00  }
0x21: {  	[spmem:s2] =	stream.indirect.scatter.add.f32 [tilespmem:s17], [sflag:$0x4], $0x40, s10, s13, $0xb8;
	[tilespmem:$0x1DE20] =	vst v63  }
0x22: {  	_ =	swait.ge [sflag:s25], $0x1400  }
0x23: {  	[sflag:s25] =	ssyncset.done $0x0  }
0x24: {  	s24 =	simm.s32 $0x4D80;
	[sflag:s25] =	ssyncadd.s32 $0xFFFFEC00  }
0x25: {  	[spmem:s2] =	stream.indirect.scatter.add.f32 [tilespmem:s19], [sflag:$0x5], $0x40, s24, s13, $0xb8;
	[tilespmem:$0x1DE20] =	vst v63  }
0x26: {  	_ =	swait.ge [sflag:s25], $0x1400  }
0x27: {  	[sflag:s25] =	ssyncset.done $0x0  }
0x28: {  	s8 =	simm.s32 $0x4DD0;
	[sflag:s25] =	ssyncadd.s32 $0xFFFFEC00  }
0x29: {  	[spmem:s2] =	stream.indirect.scatter.add.f32 [tilespmem:s21], [sflag:$0x6], $0x40, s8, s13, $0xb8;
	[tilespmem:$0x1DE20] =	vst v63  }
0x2a: {  	_ =	swait.ge [sflag:s1], $0x1400  }
0x2b: {  	[sflag:s1] =	ssyncset.done $0x0  }
0x2c: {  	[sflag:s1] =	ssyncadd.s32 $0xFFFFEC00  }
0x2d: {  	_ =	swait.ge [sflag:s12], $0x1400  }
0x2e: {  	[sflag:s12] =	ssyncset.done $0x0  }
0x2f: {  	[sflag:s12] =	ssyncadd.s32 $0xFFFFEC00  }
0x30: {  	_ =	swait.ge [sflag:s16], $0x1400  }
0x31: {  	[sflag:s16] =	ssyncset.done $0x0  }
0x32: {  	[sflag:s16] =	ssyncadd.s32 $0xFFFFEC00  }
0x33: {  	_ =	swait.ge [sflag:s18], $0x1400  }
0x34: {  	[sflag:s18] =	ssyncset.done $0x0  }
0x35: {  	[sflag:s18] =	ssyncadd.s32 $0xFFFFEC00  }
0x36: {  	_ =	swait.ge [sflag:s20], $0x1400  }
0x37: {  	[sflag:s20] =	ssyncset.done $0x0  }
0x38: {  	[sflag:s20] =	ssyncadd.s32 $0xFFFFEC00  }
0x39: {  	_ =	swait.ge [sflag:s22], $0x1400  }
0x3a: {  	[sflag:s22] =	ssyncset.done $0x0  }
0x3b: {  	s8 =	simm.s32 $0x8;
	[sflag:s22] =	ssyncadd.s32 $0xFFFFEC00  }
0x3c: {  	_ =	swait.ge [sflag:s8], $0x1400  }
0x3d: {  	[sflag:s8] =	ssyncset.done $0x0  }
0x3e: {  	s9 =	simm.s32 $0x9;
	[sflag:s8] =	ssyncadd.s32 $0xFFFFEC00  }
0x3f: {  	_ =	swait.ge [sflag:s9], $0x1400  }
0x40: {  	[sflag:s9] =	ssyncset.done $0x0  }
0x41: {  	s10 =	simm.s32 $0xA;
	[sflag:s9] =	ssyncadd.s32 $0xFFFFEC00  }
0x42: {  	_ =	swait.ge [sflag:s10], $0x1400  }
0x43: {  	[sflag:s10] =	ssyncset.done $0x0  }
0x44: {  	s24 =	simm.s32 $0xB;
	[sflag:s10] =	ssyncadd.s32 $0xFFFFEC00  }
0x45: {  	_ =	swait.ge [sflag:s24], $0x1400  }
0x46: {  	[sflag:s24] =	ssyncset.done $0x0  }
0x47: {  	s9 =	simm.s32 $0xC;
	[sflag:s24] =	ssyncadd.s32 $0xFFFFEC00  }
0x48: {  	_ =	swait.ge [sflag:s9], $0x1400  }
0x49: {  	[sflag:s9] =	ssyncset.done $0x0  }
0x4a: {  	s10 =	simm.s32 $0xD;
	[sflag:s9] =	ssyncadd.s32 $0xFFFFEC00  }
0x4b: {  	_ =	swait.ge [sflag:s10], $0x1400  }
0x4c: {  	[sflag:s10] =	ssyncset.done $0x0  }
0x4d: {  	[sflag:s10] =	ssyncadd.s32 $0xFFFFEC00  }
0x4e: {  	[bflag:$0x0] =	sbarrier.arrive $0xFFFF  }
0x4f: {  	s9 =	smov.u32 s5;
	s10 =	simm.s32 $0x10;
	s24 =	rddreg [dreg:$0x8]  }
0x50: {  	[hbm:s24@s10], [sflag:s9] =	dma.strided [spmem:s6@s8], $0x1400, s25, $0x8   }
0x51: {  	_ =	swait.ge [sflag:s11], $0x1400  }
0x52: {  	s3 =	sadd.s32 $0x1, s3;
	s24 =	rddreg [dreg:$0x7]  }
0x53: {  	p0 =	sne.s32 s3, s24  }
.Ltmp1:
0x54: {  	_ = 	snop;
	(pc) =	sbr.rel @!p0 .LBB2_5-.Ltmp1, $3  }
0x55: {  	_ =	sdelay $0x1  }
0x56: {  	[sflag:s11] =	ssyncset.done $0x0  }
0x57: {  	[sflag:s11] =	ssyncadd.s32 $0xFFFFEC00  }
.LBB2_1:
0x58: {  	s6 =	simm.s32 $0x0;
	s7 =	rddreg [dreg:$0x3]  }
0x59: {  	[tilespmem:s6], [sflag:$0xE] =	stream.linear.gather [hbm4b:s7+s6], $0x2710, $0x38;
	[tilespmem:$0x1DE20] =	vst v63  }
0x5a: {  	_ =	swait.ge [sflag:s11], $0x2710  }
0x5b: {  	[sflag:s11] =	ssyncset.done $0x0  }
0x5c: {  	s8 =	simm.s32 $0x2710;
	s10 =	rddreg [dreg:$0x4];
	[sflag:s11] =	ssyncadd.s32 $0xFFFFD8F0  }
0x5d: {  	[tilespmem:s8], [sflag:$0xE] =	stream.linear.gather [hbm4b:s10+s6], $0x2710, $0x38;
	[tilespmem:$0x1DE20] =	vst v63  }
0x5e: {  	_ =	swait.ge [sflag:s11], $0x2710  }
0x5f: {  	[sflag:s11] =	ssyncset.done $0x0  }
0x60: {  	[sflag:s11] =	ssyncadd.s32 $0xFFFFD8F0  }
0x61: {  	[tilespmem:s14], [sflag:$0x1] =	stream.indirect.gather [hbm4b:s4+s13], $0x40, s6, s13, $0xb8;
	[tilespmem:$0x1DE20] =	vst v63  }
0x62: {  	_ = 	snop  }
0x63: {  	[tilespmem:s15], [sflag:$0x1] =	stream.indirect.gather [hbm4b:s4+s13], $0x40, s13, s13, $0xb8;
	[tilespmem:$0x1DE20] =	vst v63  }
0x64: {  	s24 =	simm.s32 $0xA0  }
0x65: {  	[tilespmem:s17], [sflag:$0x1] =	stream.indirect.gather [hbm4b:s4+s13], $0x40, s24, s13, $0xb8;
	[tilespmem:$0x1DE20] =	vst v63  }
0x66: {  	s5 =	simm.s32 $0xF0  }
0x67: {  	[tilespmem:s19], [sflag:$0x1] =	stream.indirect.gather [hbm4b:s4+s13], $0x40, s5, s13, $0xb8;
	[tilespmem:$0x1DE20] =	vst v63  }
0x68: {  	s7 =	simm.s32 $0x140;
	s10 =	rddreg [dreg:$0x5]  }
0x69: {  	[tilespmem:s21], [sflag:$0x1] =	stream.indirect.gather [hbm4b:s4+s13], $0x40, s7, s13, $0xb8;
	[tilespmem:$0x1DE20] =	vst v63  }
0x6a: {  	s8 =	simm.s32 $0x190;
	s6 =	sshrl.u32 s10, $0x3;
	s24 =	rddreg [dreg:$0x6]  }
0x6b: {  	[tilespmem:s23], [sflag:$0x1] =	stream.indirect.gather [hbm4b:s4+s13], $0x40, s8, s13, $0xb8;
	[tilespmem:$0x1DE20] =	vst v63  }
0x6c: {  	[spmem:s6], [sflag:s9] =	dma.local [hbm:s24], $0x1400  }
0x6d: {  	_ =	swait.ge [sflag:s11], $0x1400  }
0x6e: {  	[sflag:s11] =	ssyncset.done $0x0  }
0x6f: {  	s5 =	smov.u32 s9;
	[sflag:s11] =	ssyncadd.s32 $0xFFFFEC00  }
0x70: {  	s7 =	simm.s32 $0x3;
	s8 =	simm.s32 $0x0;
	[bflag:$0x0] =	sbarrier.arrive $0xFFFF  }
.LBB2_2:
0x71: {  	_ =	swait.ge [sflag:s25], $0x1400  }
0x72: {  	s9 =	sshra.s32 s8, $0x2;
	[sflag:s25] =	ssyncset.done $0x0  }
0x73: {  	p0 =	seq.s32 s8, $0x0;
	s10 =	sadd.s32 $0x2710, s9;
	[sflag:s25] =	ssyncadd.s32 $0xFFFFEC00  }
0x74: {  	[spmem:s2] =	stream.indirect.scatter.add.f32 [tilespmem:s14], [sflag:$0x2], $0x40, s10, s13, $0xb8;
	[tilespmem:$0x1DE20] =	vst v63  }
0x75: {  	s10 =	simm.s32 @!p0 $0x8  }
0x76: {  	_ =	swait.ge @!p0 [sflag:s10], $0x1400  }
0x77: {  	[sflag:s10] =	ssyncset.done @!p0 $0x0  }
0x78: {  	s24 =	sadd.s32 $0x1E0, s9;
	[sflag:s10] =	ssyncadd.s32 @!p0 $0xFFFFEC00  }
0x79: {  	[tilespmem:s26], [sflag:$0x1] =	stream.indirect.gather [hbm4b:s4+s13], $0x40, s24, s13, $0xb8;
	[tilespmem:$0x1DE20] =	vst v63  }
0x7a: {  	_ =	swait.ge [sflag:s25], $0x1400  }
0x7b: {  	[sflag:s25] =	ssyncset.done $0x0  }
0x7c: {  	s10 =	simm.s32 @!p0 $0x9;
	s24 =	sadd.s32 $0x2760, s9;
	[sflag:s25] =	ssyncadd.s32 $0xFFFFEC00  }
0x7d: {  	[spmem:s2] =	stream.indirect.scatter.add.f32 [tilespmem:s15], [sflag:$0x3], $0x40, s24, s13, $0xb8;
	[tilespmem:$0x1DE20] =	vst v63  }
0x7e: {  	_ =	swait.ge @!p0 [sflag:s10], $0x1400  }
0x7f: {  	[sflag:s10] =	ssyncset.done @!p0 $0x0  }
0x80: {  	s24 =	sadd.s32 $0x230, s9;
	[sflag:s10] =	ssyncadd.s32 @!p0 $0xFFFFEC00  }
0x81: {  	[tilespmem:s28], [sflag:$0x1] =	stream.indirect.gather [hbm4b:s4+s13], $0x40, s24, s13, $0xb8;
	[tilespmem:$0x1DE20] =	vst v63  }
0x82: {  	s10 =	sadd.s32 $0xFFFFFFFF, s7;
	_ =	swait.ge [sflag:s25], $0x1400  }
0x83: {  	p1 =	slt.u32 s10, $0x6;
	[sflag:s25] =	ssyncset.done $0x0  }
0x84: {  	s24 =	sadd.s32 $0x27B0, s9;
	s10 =	simm.s32 @!p1 $0xA;
	[sflag:s25] =	ssyncadd.s32 $0xFFFFEC00  }
0x85: {  	[spmem:s2] =	stream.indirect.scatter.add.f32 [tilespmem:s17], [sflag:$0x4], $0x40, s24, s13, $0xb8;
	[tilespmem:$0x1DE20] =	vst v63  }
0x86: {  	_ =	swait.ge @!p1 [sflag:s10], $0x1400  }
0x87: {  	[sflag:s10] =	ssyncset.done @!p1 $0x0  }
0x88: {  	s24 =	sadd.s32 $0x280, s9;
	[sflag:s10] =	ssyncadd.s32 @!p1 $0xFFFFEC00  }
0x89: {  	[tilespmem:s29], [sflag:$0x1] =	stream.indirect.gather [hbm4b:s4+s13], $0x40, s24, s13, $0xb8;
	[tilespmem:$0x1DE20] =	vst v63  }
0x8a: {  	_ =	swait.ge [sflag:s25], $0x1400  }
0x8b: {  	p1 =	slt.u32 s7, $0x6;
	[sflag:s25] =	ssyncset.done $0x0  }
0x8c: {  	s24 =	sadd.s32 $0x2800, s9;
	s10 =	simm.s32 @!p1 $0xB;
	[sflag:s25] =	ssyncadd.s32 $0xFFFFEC00  }
0x8d: {  	[spmem:s2] =	stream.indirect.scatter.add.f32 [tilespmem:s19], [sflag:$0x5], $0x40, s24, s13, $0xb8;
	[tilespmem:$0x1DE20] =	vst v63  }
0x8e: {  	_ =	swait.ge @!p1 [sflag:s10], $0x1400  }
0x8f: {  	[sflag:s10] =	ssyncset.done @!p1 $0x0  }
0x90: {  	s24 =	sadd.s32 $0x2D0, s9;
	[sflag:s10] =	ssyncadd.s32 @!p1 $0xFFFFEC00  }
0x91: {  	[tilespmem:s30], [sflag:$0x1] =	stream.indirect.gather [hbm4b:s4+s13], $0x40, s24, s13, $0xb8;
	[tilespmem:$0x1DE20] =	vst v63  }
0x92: {  	_ =	swait.ge [sflag:s25], $0x1400  }
0x93: {  	[sflag:s25] =	ssyncset.done $0x0  }
0x94: {  	s10 =	simm.s32 @!p0 $0xC;
	s24 =	sadd.s32 $0x2850, s9;
	[sflag:s25] =	ssyncadd.s32 $0xFFFFEC00  }
0x95: {  	[spmem:s2] =	stream.indirect.scatter.add.f32 [tilespmem:s21], [sflag:$0x6], $0x40, s24, s13, $0xb8;
	[tilespmem:$0x1DE20] =	vst v63  }
0x96: {  	_ =	swait.ge @!p0 [sflag:s10], $0x1400  }
0x97: {  	[sflag:s10] =	ssyncset.done @!p0 $0x0  }
0x98: {  	s24 =	sadd.s32 $0x320, s9;
	[sflag:s10] =	ssyncadd.s32 @!p0 $0xFFFFEC00  }
0x99: {  	[tilespmem:s31], [sflag:$0x1] =	stream.indirect.gather [hbm4b:s4+s13], $0x40, s24, s13, $0xb8;
	[tilespmem:$0x1DE20] =	vst v63  }
0x9a: {  	_ =	swait.ge [sflag:s25], $0x1400  }
0x9b: {  	[sflag:s25] =	ssyncset.done $0x0  }
0x9c: {  	s10 =	simm.s32 @!p0 $0xD;
	s24 =	sadd.s32 $0x28A0, s9;
	[sflag:s25] =	ssyncadd.s32 $0xFFFFEC00  }
0x9d: {  	[spmem:s2] =	stream.indirect.scatter.add.f32 [tilespmem:s23], [sflag:$0x7], $0x40, s24, s13, $0xb8;
	[tilespmem:$0x1DE20] =	vst v63  }
0x9e: {  	_ =	swait.ge @!p0 [sflag:s10], $0x1400  }
0x9f: {  	[sflag:s10] =	ssyncset.done @!p0 $0x0  }
0xa0: {  	s24 =	sadd.s32 $0x370, s9;
	[sflag:s10] =	ssyncadd.s32 @!p0 $0xFFFFEC00  }
0xa1: {  	[tilespmem:s0], [sflag:$0x1] =	stream.indirect.gather [hbm4b:s4+s13], $0x40, s24, s13, $0xb8;
	[tilespmem:$0x1DE20] =	vst v63  }
0xa2: {  	_ =	swait.ge [sflag:s25], $0x1400  }
0xa3: {  	[sflag:s25] =	ssyncset.done $0x0  }
0xa4: {  	s24 =	sadd.s32 $0x28F0, s9;
	[sflag:s25] =	ssyncadd.s32 $0xFFFFEC00  }
0xa5: {  	[spmem:s2] =	stream.indirect.scatter.add.f32 [tilespmem:s26], [sflag:$0x8], $0x40, s24, s13, $0xb8;
	[tilespmem:$0x1DE20] =	vst v63  }
0xa6: {  	_ =	swait.ge [sflag:s1], $0x1400  }
0xa7: {  	[sflag:s1] =	ssyncset.done $0x0  }
0xa8: {  	s24 =	sadd.s32 $0x3C0, s9;
	[sflag:s1] =	ssyncadd.s32 $0xFFFFEC00  }
0xa9: {  	[tilespmem:s14], [sflag:$0x1] =	stream.indirect.gather [hbm4b:s4+s13], $0x40, s24, s13, $0xb8;
	[tilespmem:$0x1DE20] =	vst v63  }
0xaa: {  	_ =	swait.ge [sflag:s25], $0x1400  }
0xab: {  	[sflag:s25] =	ssyncset.done $0x0  }
0xac: {  	s24 =	sadd.s32 $0x2940, s9;
	[sflag:s25] =	ssyncadd.s32 $0xFFFFEC00  }
0xad: {  	[spmem:s2] =	stream.indirect.scatter.add.f32 [tilespmem:s28], [sflag:$0x9], $0x40, s24, s13, $0xb8;
	[tilespmem:$0x1DE20] =	vst v63  }
0xae: {  	_ =	swait.ge [sflag:s12], $0x1400  }
0xaf: {  	[sflag:s12] =	ssyncset.done $0x0  }
0xb0: {  	s24 =	sadd.s32 $0x410, s9;
	[sflag:s12] =	ssyncadd.s32 $0xFFFFEC00  }
0xb1: {  	[tilespmem:s15], [sflag:$0x1] =	stream.indirect.gather [hbm4b:s4+s13], $0x40, s24, s13, $0xb8;
	[tilespmem:$0x1DE20] =	vst v63  }
0xb2: {  	_ =	swait.ge [sflag:s25], $0x1400  }
0xb3: {  	[sflag:s25] =	ssyncset.done $0x0  }
0xb4: {  	s24 =	sadd.s32 $0x2990, s9;
	[sflag:s25] =	ssyncadd.s32 $0xFFFFEC00  }
0xb5: {  	[spmem:s2] =	stream.indirect.scatter.add.f32 [tilespmem:s29], [sflag:$0xA], $0x40, s24, s13, $0xb8;
	[tilespmem:$0x1DE20] =	vst v63  }
0xb6: {  	_ =	swait.ge [sflag:s16], $0x1400  }
0xb7: {  	[sflag:s16] =	ssyncset.done $0x0  }
0xb8: {  	s24 =	sadd.s32 $0x460, s9;
	[sflag:s16] =	ssyncadd.s32 $0xFFFFEC00  }
0xb9: {  	[tilespmem:s17], [sflag:$0x1] =	stream.indirect.gather [hbm4b:s4+s13], $0x40, s24, s13, $0xb8;
	[tilespmem:$0x1DE20] =	vst v63  }
0xba: {  	_ =	swait.ge [sflag:s25], $0x1400  }
0xbb: {  	[sflag:s25] =	ssyncset.done $0x0  }
0xbc: {  	s24 =	sadd.s32 $0x29E0, s9;
	[sflag:s25] =	ssyncadd.s32 $0xFFFFEC00  }
0xbd: {  	[spmem:s2] =	stream.indirect.scatter.add.f32 [tilespmem:s30], [sflag:$0xB], $0x40, s24, s13, $0xb8;
	[tilespmem:$0x1DE20] =	vst v63  }
0xbe: {  	_ =	swait.ge [sflag:s18], $0x1400  }
0xbf: {  	[sflag:s18] =	ssyncset.done $0x0  }
0xc0: {  	s24 =	sadd.s32 $0x4B0, s9;
	[sflag:s18] =	ssyncadd.s32 $0xFFFFEC00  }
0xc1: {  	[tilespmem:s19], [sflag:$0x1] =	stream.indirect.gather [hbm4b:s4+s13], $0x40, s24, s13, $0xb8;
	[tilespmem:$0x1DE20] =	vst v63  }
0xc2: {  	_ =	swait.ge [sflag:s25], $0x1400  }
0xc3: {  	[sflag:s25] =	ssyncset.done $0x0  }
0xc4: {  	s24 =	sadd.s32 $0x2A30, s9;
	[sflag:s25] =	ssyncadd.s32 $0xFFFFEC00  }
0xc5: {  	[spmem:s2] =	stream.indirect.scatter.add.f32 [tilespmem:s31], [sflag:$0xC], $0x40, s24, s13, $0xb8;
	[tilespmem:$0x1DE20] =	vst v63  }
0xc6: {  	_ =	swait.ge [sflag:s20], $0x1400  }
0xc7: {  	[sflag:s20] =	ssyncset.done $0x0  }
0xc8: {  	p0 =	seq.s32 s8, $0x8700;
	s24 =	sadd.s32 $0x500, s9;
	[sflag:s20] =	ssyncadd.s32 $0xFFFFEC00  }
0xc9: {  	[tilespmem:s21], [sflag:$0x1] =	stream.indirect.gather [hbm4b:s4+s13], $0x40, s24, s13, $0xb8;
	[tilespmem:$0x1DE20] =	vst v63  }
.Ltmp2:
0xca: {  	_ = 	snop;
	(pc) =	sbr.rel @p0 .LBB2_4-.Ltmp2, $4  }
0xcb: {  	_ =	swait.ge [sflag:s25], $0x1400  }
0xcc: {  	[sflag:s25] =	ssyncset.done $0x0  }
0xcd: {  	s24 =	sadd.s32 $0x2A80, s9;
	[sflag:s25] =	ssyncadd.s32 $0xFFFFEC00  }
0xce: {  	[spmem:s2] =	stream.indirect.scatter.add.f32 [tilespmem:s0], [sflag:$0xD], $0x40, s24, s13, $0xb8;
	[tilespmem:$0x1DE20] =	vst v63  }
.Ltmp3:
0xcf: {  	(pc) =	sbr.rel .LBB2_2-.Ltmp3, $4  }
0xd0: {  	_ =	swait.ge [sflag:s22], $0x1400  }
0xd1: {  	s9 =	sadd.s32 $0x550, s9;
	[sflag:s22] =	ssyncset.done $0x0  }
0xd2: {  	s8 =	sadd.s32 $0xF00, s8;
	s7 =	sadd.s32 $0xC, s7;
	[sflag:s22] =	ssyncadd.s32 $0xFFFFEC00  }
0xd3: {  	[tilespmem:s23], [sflag:$0x1] =	stream.indirect.gather [hbm4b:s4+s13], $0x40, s9, s13, $0xb8;
	[tilespmem:$0x1DE20] =	vst v63  }
.LBB2_5:
0xd4: {  	_ =	sfence.sel $0x180000  }
0xd5: {  	[bflag:$0x0] =	sbarrier.arrive $0xFFFF  }
0xd6: {  	_ =	strace $0x9000004D  }
0xd7: {  	s0 =	stileid.u32;
	[bflag:$0x2] =	sbarrier.arrive $0xFFFF  }
0xd8: {  	p0 =	sne.s32 s0, $0x0;
	s0 =	rddreg [dreg:$0x2]  }
0xd9: {  	s0 =	sadd.s32 @!p0 $0x100000, s0  }
0xda: {  	[sflag:s0] =	ssyncadd.tile.s32 @!p0 $0x1;
	_ =	shalt  }
.Lfunc_end2:
_tile_overlayer_lowered:
.L_overlay_start_2:
0xdb: {  	(tag) =	ssettag $0x2  }
0xdc: {  	s0 =	rddreg [dreg:$0x0];
	s2 =	stileid.u32  }
0xdd: {  	s1 =	rddreg [dreg:$0x1];
	p0 =	sne.s32 s2, $0x0  }
0xde: {  	s3 =	rddreg [dreg:$0x2];
	[bflag:$0x3] =	sbarrier.arrive $0xFFFF;
	s2 =	simm.s32 @!p0 $0x1C0E  }
0xdf: {  	[timem:s3], [sflag:s2] =	dma.local @!p0 [hbm:s0], s1  }
0xe0: {  	s0 =	simm.s32 @!p0 $0xE  }
0xe1: {  	_ =	swait.ge @!p0 [sflag:s0], s1  }
0xe2: {  	s1 =	ssub.s32 @!p0 $0x0, s1;
	[sflag:s0] =	ssyncset.done @!p0 $0x0  }
0xe3: {  	[sflag:s0] =	ssyncadd.s32 @!p0 s1  }
0xe4: {  	[bflag:$0x3] =	sbarrier.arrive $0xFFFF  }
0xe5: {  	_ =	shalt  }

// kernel: kernel.8.cloned.1.call-start
scs
__scs_entry_jumppad:
0x0: {  	(pc) =	sbr.rel $0x88, $3  }
0x1: {  	(tag) =	ssettag $0x0;
	lr =	simm.s32 $0x1  }
0x2: {  	[smem:$0x3F96] =	sst lr;
	_ =	strace $0xD0000000  }
0x3: {  	_ = 	snop  }
0x4: {  	_ = 	snop  }
0x5: {  	_ = 	snop  }
0x6: {  	_ = 	snop  }
0x7: {  	_ = 	snop  }
__scs_overlays_trampoline_lowered:
0x8: {  	[smem:$0x3FA5] =	sst s0  }
0x9: {  	[smem:$0x3FA6] =	sst s1  }
0xa: {  	[smem:$0x3FA7] =	sst s2  }
0xb: {  	[smem:$0x3FA8] =	sst s3  }
0xc: {  	[smem:$0x3FA9] =	sst s4  }
0xd: {  	[smem:$0x3FAA] =	sst s5  }
0xe: {  	[smem:$0x3FAB] =	sst s6  }
0xf: {  	[smem:$0x3FAC] =	sst s7  }
0x10: {  	[smem:$0x3FAD] =	sst s8  }
0x11: {  	[smem:$0x3FAE] =	sst s9;
	s0 =	simm.s32 @!p0 $0x0  }
0x12: {  	s1 =	sld [smem:$0x3F94];
	s0 =	simm.s32 @p0 $0x1  }
0x13: {  	[smem:$0x3FAF] =	sst s0;
	s0 =	simm.s32 @!p1 $0x0  }
0x14: {  	s2 =	sld [smem:$0x3F93];
	s0 =	simm.s32 @p1 $0x1  }
0x15: {  	[smem:$0x3FB0] =	sst s0;
	s0 =	simm.s32 @!p2 $0x0  }
0x16: {  	s3 =	sld [smem:$0x3FDB];
	s0 =	simm.s32 @p2 $0x1  }
0x17: {  	s4 =	simm.s32 $0x1BF5;
	[smem:$0x3FB2] =	sst s0  }
0x18: {  	s0 =	sld [smem:$0x3F95];
	_ =	swait.ge [sflag:s4], $0x0  }
0x19: {  	s7 =	sld [smem:$0x3F96]  }
0x1a: {  	s8 =	sadd.s32 $0xFFFFE003, lr  }
0x1b: {  	s9 =	sadd.s32 $0xFFFFFEF7, lr;
	s5 =	simm.s32 $0xFFFFFFFF;
	p2 =	slt.u32 s8, $0xFFFFF086  }
0x1c: {  	p1 =	slt.u32 s9, $0xF7A;
	s5 =	simm.s32 @!p2 $0x0  }
0x1d: {  	s5 =	simm.s32 @p1 $0x1;
	p0 =	seq.s32 s7, s2  }
0x1e: {  	s7 =	smul.u32 @!p0 $0xF7A, s2;
	p2 =	seq.s32 @!p0 s5, $0x0  }
0x1f: {  	s9 =	smul.u32 $0xF7A, s1;
	s8 =	simm.s32 @!p0 $0x1BF5;
	p2 =	por !p2, p0  }
0x20: {  	[sflag:s8] =	ssyncset.s32 @!p0 $0xFFFFF086;
	s6 =	sadd.s32 @!p0 s3, s7;
	s7 =	simm.s32 @!p0 $0x108  }
0x21: {  	s3 =	sadd.s32 s3, s9;
	s6 =	sadd.s32 @!p0 $0x88, s6;
	s7 =	simm.s32 @p2 $0x1082  }
0x22: {  	[simem:s7], [sflag:s8] =	dma.local @!p0 [hbm:s6], $0xF7A  }
0x23: {  	s9 =	sor.u32 $0xD0000000, s2;
	s6 =	simm.s32 $0x108;
	_ =	swait.ge @!p0 [sflag:s8], $0x0  }
0x24: {  	s3 =	sadd.s32 $0x88, s3;
	s6 =	simm.s32 @!p1 $0x1082;
	[sflag:s4] =	ssyncset.s32 $0xFFFFF086  }
0x25: {  	[simem:s6], [sflag:s4] =	dma.local [hbm:s3], $0xF7A  }
0x26: {  	[smem:$0x3F96] =	sst s1;
	(tag) =	ssettag s2;
	_ =	strace s9  }
0x27: {  	s1 =	sld [smem:$0x3FA6]  }
0x28: {  	s2 =	sld [smem:$0x3FA7]  }
0x29: {  	s4 =	sld [smem:$0x3FA9]  }
0x2a: {  	p0 =	seq.s32 s5, $0x0;
	s5 =	sld [smem:$0x3FAA]  }
0x2b: {  	s6 =	sld [smem:$0x3FAB]  }
0x2c: {  	s7 =	sld [smem:$0x3FAC]  }
0x2d: {  	s3 =	simm.s32 $0x108;
	s8 =	sld [smem:$0x3FAD]  }
0x2e: {  	s3 =	simm.s32 @!p0 $0x1082;
	s9 =	sld [smem:$0x3FAE]  }
0x2f: {  	lr =	sadd.s32 s0, s3;
	s0 =	sld [smem:$0x3FA5]  }
0x30: {  	s3 =	sld [smem:$0x3FA8]  }
0x31: {  	[smem:$0x3FB1] =	sst s10  }
0x32: {  	s10 =	sld [smem:$0x3FAF];
	_ =	sdelay $0x3  }
0x33: {  	p0 =	seq.s32 s10, $0x1;
	s10 =	sld [smem:$0x3FB1];
	_ =	sdelay $0x3  }
0x34: {  	[smem:$0x3FB1] =	sst s10  }
0x35: {  	s10 =	sld [smem:$0x3FB0];
	_ =	sdelay $0x3  }
0x36: {  	p1 =	seq.s32 s10, $0x1;
	s10 =	sld [smem:$0x3FB1];
	_ =	sdelay $0x3  }
0x37: {  	[smem:$0x3FB1] =	sst s10  }
0x38: {  	s10 =	sld [smem:$0x3FB2]  }
0x39: {  	_ = 	snop;
	(pc) =	sbr.ind lr, $3  }
0x3a: {  	_ = 	snop  }
0x3b: {  	_ = 	snop  }
0x3c: {  	p2 =	seq.s32 s10, $0x1;
	s10 =	sld [smem:$0x3FB1]  }
0x3d: {  	_ =	shalt  }
0x3e: {  	_ =	shalt  }
0x3f: {  	_ =	shalt  }
0x40: {  	_ =	shalt  }
0x41: {  	_ =	shalt  }
0x42: {  	_ =	shalt  }
0x43: {  	_ =	shalt  }
0x44: {  	_ =	shalt  }
0x45: {  	_ =	shalt  }
0x46: {  	_ =	shalt  }
0x47: {  	_ =	shalt  }
0x48: {  	_ =	shalt  }
0x49: {  	_ =	shalt  }
0x4a: {  	_ =	shalt  }
0x4b: {  	_ =	shalt  }
0x4c: {  	_ =	shalt  }
0x4d: {  	_ =	shalt  }
0x4e: {  	_ =	shalt  }
0x4f: {  	_ =	shalt  }
0x50: {  	_ =	shalt  }
0x51: {  	_ =	shalt  }
0x52: {  	_ =	shalt  }
0x53: {  	_ =	shalt  }
0x54: {  	_ =	shalt  }
0x55: {  	_ =	shalt  }
0x56: {  	_ =	shalt  }
0x57: {  	_ =	shalt  }
0x58: {  	_ =	shalt  }
0x59: {  	_ =	shalt  }
0x5a: {  	_ =	shalt  }
0x5b: {  	_ =	shalt  }
0x5c: {  	_ =	shalt  }
0x5d: {  	_ =	shalt  }
0x5e: {  	_ =	shalt  }
0x5f: {  	_ =	shalt  }
0x60: {  	_ =	shalt  }
0x61: {  	_ =	shalt  }
0x62: {  	_ =	shalt  }
0x63: {  	_ =	shalt  }
0x64: {  	_ =	shalt  }
0x65: {  	_ =	shalt  }
0x66: {  	_ =	shalt  }
0x67: {  	_ =	shalt  }
0x68: {  	_ =	shalt  }
0x69: {  	_ =	shalt  }
0x6a: {  	_ =	shalt  }
0x6b: {  	_ =	shalt  }
0x6c: {  	_ =	shalt  }
0x6d: {  	_ =	shalt  }
0x6e: {  	_ =	shalt  }
0x6f: {  	_ =	shalt  }
0x70: {  	_ =	shalt  }
0x71: {  	_ =	shalt  }
0x72: {  	_ =	shalt  }
0x73: {  	_ =	shalt  }
0x74: {  	_ =	shalt  }
0x75: {  	_ =	shalt  }
0x76: {  	_ =	shalt  }
0x77: {  	_ =	shalt  }
0x78: {  	_ =	shalt  }
0x79: {  	_ =	shalt  }
0x7a: {  	_ =	shalt  }
0x7b: {  	_ =	shalt  }
0x7c: {  	_ =	shalt  }
0x7d: {  	_ =	shalt  }
0x7e: {  	_ =	shalt  }
0x7f: {  	_ =	shalt  }
0x80: {  	_ =	shalt  }
0x81: {  	_ =	shalt  }
0x82: {  	_ =	shalt  }
0x83: {  	_ =	shalt  }
0x84: {  	_ =	shalt  }
0x85: {  	_ =	shalt  }
0x86: {  	_ =	shalt  }
0x87: {  	_ =	shalt  }
.Lfunc_end0:
.L_simem_size_0:
called_computation_lowered:
.L_overlay_start_0:
0x88: {  	s2 =	sld [smem:$0x3FD9]  }
0x89: {  	s3 =	sld [smem:$0x3FFE];
	_ =	sdelay $0x1  }
0x8a: {  	s1 =	srdreg.scid  }
0x8b: {  	s0 =	sand.u32 $0x1, s1  }
0x8c: {  	s16 =	sshll.u32 s0, $0xA;
	s2 =	sadd.s32 s3, s2  }
0x8d: {  	s2 =	sadd.s32 s2, s16  }
0x8e: {  	[smem:$0x3FBD] =	sst s2  }
0x8f: {  	_ = 	snop  }
0x90: {  	(tm) =	ssettm $0x1  }
0x91: {  	s17 =	sld [smem:$0x3FFB];
	_ =	sdelay $0x3  }
0x92: {  	_ =	strace s17  }
0x93: {  	s2 =	sld [smem:$0x3FFC];
	_ =	sdelay $0x3  }
0x94: {  	_ =	strace s2  }
0x95: {  	s2 =	sld [smem:$0x3FFD];
	_ =	sdelay $0x3  }
0x96: {  	_ =	strace s2  }
0x97: {  	_ =	strace $0x8FFFFFFF  }
0x98: {  	s18 =	sld [smem:$0x3FDB];
	_ =	sdelay $0x1  }
0x99: {  	s19 =	simm.s32 $_scs_section_size  }
0x9a: {  	s4 =	simm.s32 $_size__tile_overlayer_lowered;
	s5 =	simm.s32 $_tile_overlayer_lowered  }
0x9b: {  	s22 =	simm.s32 $0x1BFF;
	s21 =	sshll.u32 s5, $0x1;
	s2 =	sadd.s32 s19, s18  }
0x9c: {  	s6 =	simm.s32 $0x0;
	s20 =	sshll.u32 s4, $0x1;
	s4 =	sadd.s32 s21, s2  }
0x9d: {  	[timem:s6], [sflag:s22] =	dma.local [hbm:s4], s20  }
0x9e: {  	_ =	swait.ge [sflag:s22], s20  }
0x9f: {  	s3 =	ssub.s32 $0x0, s20;
	[sflag:s22] =	ssyncset.done $0x0  }
0xa0: {  	[sflag:s22] =	ssyncadd.s32 s3;
	_ =	sdelay $0x1  }
0xa1: {  	s23 =	simm.s32 $0x1B8B  }
0xa2: {  	_ =	swait.ge [sflag:s23], $0x1  }
0xa3: {  	[sflag:s23] =	ssyncset.done $0x0  }
0xa4: {  	s25 =	simm.s32 $0x1B8E;
	s24 =	sld [smem:$0x3FFE];
	[sflag:s23] =	ssyncadd.s32 $0xFFFFFFFF  }
0xa5: {  	s26 =	simm.s32 $execute0_lowered;
	[smem:$0x3FD2] =	sst s25  }
0xa6: {  	s4 =	sshll.u32 s26, $0x1;
	_ =	strace $0x80000046;
	[dreg:$0x1] =	wrdreg $0xFFFFFFFF  }
0xa7: {  	s28 =	simm.s32 $_size_execute0_lowered;
	s2 =	sadd.s32 s2, s4;
	[dreg:$0x0] =	wrdreg $0x0  }
0xa8: {  	s4 =	sshll.u32 s28, $0x1;
	[dreg:$0x2] =	wrdreg s2  }
0xa9: {  	[dreg:$0x3] =	wrdreg s4  }
0xaa: {  	[dreg:$0x4] =	wrdreg $0xC0  }
0xab: {  	_ =	task [dreg:s6], $0x5FFFF  }
0xac: {  	[dreg:$0x1] =	wrdreg $0xFFFFFFFF  }
0xad: {  	[dreg:$0x0] =	wrdreg $0x60  }
0xae: {  	[dreg:$0x2] =	wrdreg s24  }
0xaf: {  	[dreg:$0x3] =	wrdreg $0x2C100  }
0xb0: {  	[dreg:$0x4] =	wrdreg $0x9  }
0xb1: {  	_ =	task.clear_ibuf [dreg:s6], $0x5FFFF;
	_ =	strace $0x90000046  }
0xb2: {  	s29 =	simm.s32 $0x9;
	_ =	strace $0x80000048  }
0xb3: {  	_ =	swait.ge [sflag:s29], $0x1  }
0xb4: {  	[sflag:s29] =	ssyncadd.s32 $0xFFFFFFFF  }
0xb5: {  	_ =	strace $0x90000048  }
0xb6: {  	_ =	sfence  }
0xb7: {  	s30 =	sld [smem:$0x0];
	_ =	sdelay $0x2  }
0xb8: {  	s31 =	sshll.u32 s1, $0xD;
	s1 =	sshrl.u32 s1, $0x2  }
0xb9: {  	s3 =	sand.u32 $0x4000, s31;
	s1 =	sadd.s32 s1, s30  }
0xba: {  	s0 =	sor.u32 s3, s0;
	s1 =	sshll.u32 s1, $0x11  }
0xbb: {  	s0 =	sor.u32 s1, s0  }
0xbc: {  	s0 =	sadd.s32 $0x8F2B, s0  }
0xbd: {  	[sflag:s0] =	ssyncadd.remote.s32 $0x1  }
0xbe: {  	_ =	sfence.sel $0xFFFF  }
0xbf: {  	[dreg:$0x0] =	wrdreg $0xFFFFFFFF;
	(pc) =	sbr.abs _section_cstart, $3  }
0xc0: {  	[dreg:$0x1] =	wrdreg $0xFFFFFFFF  }
0xc1: {  	_ =	task.clear_ibuf [dreg:s6], $0x2FFFF;
	_ =	strace $0x9FFFFFFF  }
0xc2: {  	(tm) =	ssettm $0x7FFFFFFF  }
0xc3: {  	_ =	shalt  }
tec
execute0_lowered:
.L_overlay_start_1:
0x0: {  	(tag) =	ssettag $0x1  }
0x1: {  	s4 =	rddreg [dreg:$0x0]  }
0x2: {  	s2 =	rddreg [dreg:$0x1];
	s3 =	srdreg.scid  }
0x3: {  	s0 =	rddreg [dreg:$0x2];
	s1 =	stileid.u32;
	s12 =	simm.s32 $0x2710  }
0x4: {  	s13 =	simm.s32 $0xA0;
	s14 =	simm.s32 $0xF0;
	s15 =	simm.s32 $0x140  }
0x5: {  	s16 =	simm.s32 $0x190;
	s17 =	simm.s32 $0x1E0;
	s18 =	simm.s32 $0x230  }
0x6: {  	s19 =	simm.s32 $0x280;
	s20 =	simm.s32 $0x2D0;
	s21 =	simm.s32 $0x320  }
0x7: {  	s22 =	simm.s32 $0x370;
	s23 =	simm.s32 $0x3C0;
	s24 =	simm.s32 $0x410  }
0x8: {  	s25 =	simm.s32 $0x460;
	s26 =	simm.s32 $0x4B0;
	s28 =	simm.s32 $0x1  }
0x9: {  	s29 =	simm.s32 $0x0;
	s5 =	sand.u32 $0x1, s3;
	s3 =	simm.s32 $0x0  }
0xa: {  	s6 =	smul.u32 $0x2800, s1;
	s31 =	sshll.u32 s1, $0x6;
	s7 =	sshll.u32 s5, $0x4  }
0xb: {  	[smem:$0x7FF] =	sst s3;
	s8 =	smul.u32 $0x28000, s5;
	s5 =	ssub.s32 $0x2, s5  }
0xc: {  	s7 =	sor.u32 s1, s7;
	_ =	strace $0x80000047;
	s9 =	sshrl.u32 s6, $0x3  }
0xd: {  	s10 =	sshrl.u32 s5, $0x1;
	s11 =	sadd.s32 s6, s2;
	s7 =	smul.u32 $0x2710, s7  }
0xe: {  	s9 =	sadd.s32 s9, s4;
	s8 =	sadd.s32 s6, s8;
	s10 =	ssub.s32 s5, s10  }
0xf: {  	s8 =	sshrl.u32 s8, $0x3;
	s5 =	sadd.s32 $0x16E00, s9;
	s7 =	sshrl.u32 s7, $0x3  }
0x10: {  	s9 =	sor.u32 $0x1C02, s31;
	s8 =	sadd.s32 s8, s4;
	s4 =	sadd.s32 s4, s7  }
0x11: {  	s6 =	sadd.s32 $0x1BE00, s8;
	s7 =	smax.u32 s10, $0x1;
	s8 =	simm.s32 $0x2  }
0x12: {  	v0 =	vimm.f32 $1.000000000e+00;
	s10 =	sshrl.u32 s11, $0x3;
	s11 =	simm.s32 $0x50;
	s4 =	sadd.s32 $0xD040, s4  }
.LBB2_1:
0x13: {  	[tilespmem:s3], [sflag:$0x2] =	stream.linear.gather [hbm4b:s4+s3], $0x2710, $0x38;
	[tilespmem:$0x5410] =	vst v63  }
0x14: {  	_ =	swait.ge [sflag:s8], $0x2710  }
0x15: {  	[sflag:s8] =	ssyncset.done $0x0  }
0x16: {  	s30 =	simm.s32 $0x40;
	s31 =	simm.s32 $0x0;
	[sflag:s8] =	ssyncadd.s32 $0xFFFFD8F0  }
.LBB2_2:
0x17: {  	p0 =	sne.s32 s30, $0x13C0;
	[tilespmem:s31+$0x2710] =	vst v0;
	s31 =	smov.u32 s30;
	s30 =	sadd.s32 $0x40, s30  }
.Ltmp0:
0x18: {  	(pc) =	sbr.rel @p0 .LBB2_2-.Ltmp0, $2  }
0x19: {  	_ =	sdelay $0x2  }
0x1a: {  	s31 =	sshra.s32 s31, $0x2  }
0x1b: {  	[tilespmem:s31+$0x2710] =	vst v0  }
0x1c: {  	[spmem:s10], [sflag:s9] =	dma.local [hbm:s5], $0x500  }
0x1d: {  	_ =	swait.ge [sflag:s8], $0x500  }
0x1e: {  	[sflag:s8] =	ssyncset.done $0x0  }
0x1f: {  	[sflag:s8] =	ssyncadd.s32 $0xFFFFFB00  }
0x20: {  	[bflag:$0x0] =	sbarrier.arrive $0xFFFF  }
0x21: {  	[spmem:s2] =	stream.indirect.scatter.add.f32 [tilespmem:s12], [sflag:$0x1], $0x10, s3, s11, $0xb8;
	[tilespmem:$0x5410] =	vst v63  }
0x22: {  	_ = 	snop  }
0x23: {  	[spmem:s2] =	stream.indirect.scatter.add.f32 [tilespmem:s12], [sflag:$0x1], $0x10, s11, s11, $0xb8;
	[tilespmem:$0x5410] =	vst v63  }
0x24: {  	_ = 	snop  }
0x25: {  	[spmem:s2] =	stream.indirect.scatter.add.f32 [tilespmem:s12], [sflag:$0x1], $0x10, s13, s11, $0xb8;
	[tilespmem:$0x5410] =	vst v63  }
0x26: {  	_ = 	snop  }
0x27: {  	[spmem:s2] =	stream.indirect.scatter.add.f32 [tilespmem:s12], [sflag:$0x1], $0x10, s14, s11, $0xb8;
	[tilespmem:$0x5410] =	vst v63  }
0x28: {  	_ = 	snop  }
0x29: {  	[spmem:s2] =	stream.indirect.scatter.add.f32 [tilespmem:s12], [sflag:$0x1], $0x10, s15, s11, $0xb8;
	[tilespmem:$0x5410] =	vst v63  }
0x2a: {  	_ = 	snop  }
0x2b: {  	[spmem:s2] =	stream.indirect.scatter.add.f32 [tilespmem:s12], [sflag:$0x1], $0x10, s16, s11, $0xb8;
	[tilespmem:$0x5410] =	vst v63  }
0x2c: {  	_ = 	snop  }
0x2d: {  	[spmem:s2] =	stream.indirect.scatter.add.f32 [tilespmem:s12], [sflag:$0x1], $0x10, s17, s11, $0xb8;
	[tilespmem:$0x5410] =	vst v63  }
0x2e: {  	_ = 	snop  }
0x2f: {  	[spmem:s2] =	stream.indirect.scatter.add.f32 [tilespmem:s12], [sflag:$0x1], $0x10, s18, s11, $0xb8;
	[tilespmem:$0x5410] =	vst v63  }
0x30: {  	_ = 	snop  }
0x31: {  	[spmem:s2] =	stream.indirect.scatter.add.f32 [tilespmem:s12], [sflag:$0x1], $0x10, s19, s11, $0xb8;
	[tilespmem:$0x5410] =	vst v63  }
0x32: {  	_ = 	snop  }
0x33: {  	[spmem:s2] =	stream.indirect.scatter.add.f32 [tilespmem:s12], [sflag:$0x1], $0x10, s20, s11, $0xb8;
	[tilespmem:$0x5410] =	vst v63  }
0x34: {  	_ = 	snop  }
0x35: {  	[spmem:s2] =	stream.indirect.scatter.add.f32 [tilespmem:s12], [sflag:$0x1], $0x10, s21, s11, $0xb8;
	[tilespmem:$0x5410] =	vst v63  }
0x36: {  	_ = 	snop  }
0x37: {  	[spmem:s2] =	stream.indirect.scatter.add.f32 [tilespmem:s12], [sflag:$0x1], $0x10, s22, s11, $0xb8;
	[tilespmem:$0x5410] =	vst v63  }
0x38: {  	_ = 	snop  }
0x39: {  	[spmem:s2] =	stream.indirect.scatter.add.f32 [tilespmem:s12], [sflag:$0x1], $0x10, s23, s11, $0xb8;
	[tilespmem:$0x5410] =	vst v63  }
0x3a: {  	_ = 	snop  }
0x3b: {  	[spmem:s2] =	stream.indirect.scatter.add.f32 [tilespmem:s12], [sflag:$0x1], $0x10, s24, s11, $0xb8;
	[tilespmem:$0x5410] =	vst v63  }
0x3c: {  	_ = 	snop  }
0x3d: {  	[spmem:s2] =	stream.indirect.scatter.add.f32 [tilespmem:s12], [sflag:$0x1], $0x10, s25, s11, $0xb8;
	[tilespmem:$0x5410] =	vst v63  }
0x3e: {  	_ = 	snop  }
0x3f: {  	[spmem:s2] =	stream.indirect.scatter.add.f32 [tilespmem:s12], [sflag:$0x1], $0x10, s26, s11, $0xb8;
	[tilespmem:$0x5410] =	vst v63  }
0x40: {  	_ =	swait.ge [sflag:s28], $0x500  }
0x41: {  	[sflag:s28] =	ssyncset.done $0x0  }
0x42: {  	s30 =	simm.s32 $0x1540;
	s31 =	simm.s32 $0x500;
	[sflag:s28] =	ssyncadd.s32 $0xFFFFFB00  }
.LBB2_4:
0x43: {  	[spmem:s2] =	stream.indirect.scatter.add.f32 [tilespmem:s12], [sflag:$0x1], $0x10, s31, s11, $0xb8;
	[tilespmem:$0x5410] =	vst v63  }
0x44: {  	s31 =	smov.u32 s30;
	p0 =	sne.s32 s30, $0x9B00  }
.Ltmp1:
0x45: {  	s30 =	sadd.s32 $0x140, s30;
	(pc) =	sbr.rel @p0 .LBB2_4-.Ltmp1, $4  }
0x46: {  	_ = 	snop  }
0x47: {  	_ =	swait.ge [sflag:s28], $0x500  }
0x48: {  	[sflag:s28] =	ssyncset.done $0x0  }
0x49: {  	s31 =	sshra.s32 s31, $0x2;
	[sflag:s28] =	ssyncadd.s32 $0xFFFFFB00  }
0x4a: {  	[spmem:s2] =	stream.indirect.scatter.add.f32 [tilespmem:s12], [sflag:$0x1], $0x10, s31, s11, $0xb8;
	[tilespmem:$0x5410] =	vst v63  }
0x4b: {  	_ =	swait.ge [sflag:s28], $0x500  }
0x4c: {  	[sflag:s28] =	ssyncset.done $0x0  }
0x4d: {  	[sflag:s28] =	ssyncadd.s32 $0xFFFFFB00  }
0x4e: {  	_ =	swait.ge [sflag:s28], $0x500  }
0x4f: {  	[sflag:s28] =	ssyncset.done $0x0  }
0x50: {  	[sflag:s28] =	ssyncadd.s32 $0xFFFFFB00  }
0x51: {  	_ =	swait.ge [sflag:s28], $0x500  }
0x52: {  	[sflag:s28] =	ssyncset.done $0x0  }
0x53: {  	[sflag:s28] =	ssyncadd.s32 $0xFFFFFB00  }
0x54: {  	_ =	swait.ge [sflag:s28], $0x500  }
0x55: {  	[sflag:s28] =	ssyncset.done $0x0  }
0x56: {  	[sflag:s28] =	ssyncadd.s32 $0xFFFFFB00  }
0x57: {  	_ =	swait.ge [sflag:s28], $0x500  }
0x58: {  	[sflag:s28] =	ssyncset.done $0x0  }
0x59: {  	[sflag:s28] =	ssyncadd.s32 $0xFFFFFB00  }
0x5a: {  	_ =	swait.ge [sflag:s28], $0x500  }
0x5b: {  	[sflag:s28] =	ssyncset.done $0x0  }
0x5c: {  	[sflag:s28] =	ssyncadd.s32 $0xFFFFFB00  }
0x5d: {  	_ =	swait.ge [sflag:s28], $0x500  }
0x5e: {  	[sflag:s28] =	ssyncset.done $0x0  }
0x5f: {  	[sflag:s28] =	ssyncadd.s32 $0xFFFFFB00  }
0x60: {  	_ =	swait.ge [sflag:s28], $0x500  }
0x61: {  	[sflag:s28] =	ssyncset.done $0x0  }
0x62: {  	[sflag:s28] =	ssyncadd.s32 $0xFFFFFB00  }
0x63: {  	_ =	swait.ge [sflag:s28], $0x500  }
0x64: {  	[sflag:s28] =	ssyncset.done $0x0  }
0x65: {  	[sflag:s28] =	ssyncadd.s32 $0xFFFFFB00  }
0x66: {  	_ =	swait.ge [sflag:s28], $0x500  }
0x67: {  	[sflag:s28] =	ssyncset.done $0x0  }
0x68: {  	[sflag:s28] =	ssyncadd.s32 $0xFFFFFB00  }
0x69: {  	_ =	swait.ge [sflag:s28], $0x500  }
0x6a: {  	[sflag:s28] =	ssyncset.done $0x0  }
0x6b: {  	[sflag:s28] =	ssyncadd.s32 $0xFFFFFB00  }
0x6c: {  	_ =	swait.ge [sflag:s28], $0x500  }
0x6d: {  	[sflag:s28] =	ssyncset.done $0x0  }
0x6e: {  	[sflag:s28] =	ssyncadd.s32 $0xFFFFFB00  }
0x6f: {  	_ =	swait.ge [sflag:s28], $0x500  }
0x70: {  	[sflag:s28] =	ssyncset.done $0x0  }
0x71: {  	[sflag:s28] =	ssyncadd.s32 $0xFFFFFB00  }
0x72: {  	_ =	swait.ge [sflag:s28], $0x500  }
0x73: {  	[sflag:s28] =	ssyncset.done $0x0  }
0x74: {  	[sflag:s28] =	ssyncadd.s32 $0xFFFFFB00  }
0x75: {  	_ =	swait.ge [sflag:s28], $0x500  }
0x76: {  	[sflag:s28] =	ssyncset.done $0x0  }
0x77: {  	[sflag:s28] =	ssyncadd.s32 $0xFFFFFB00  }
0x78: {  	_ =	swait.ge [sflag:s28], $0x500  }
0x79: {  	s29 =	sadd.s32 $0x1, s29;
	[sflag:s28] =	ssyncset.done $0x0  }
0x7a: {  	p0 =	sne.s32 s29, s7;
	[sflag:s28] =	ssyncadd.s32 $0xFFFFFB00  }
.Ltmp2:
0x7b: {  	[bflag:$0x0] =	sbarrier.arrive $0xFFFF;
	(pc) =	sbr.rel @p0 .LBB2_1-.Ltmp2, $4  }
0x7c: {  	[hbm:s6], [sflag:s9] =	dma.local [spmem:s10], $0x500  }
0x7d: {  	_ =	swait.ge [sflag:s8], $0x500  }
0x7e: {  	[sflag:s8] =	ssyncset.done $0x0  }
0x7f: {  	[sflag:s8] =	ssyncadd.s32 $0xFFFFFB00  }
0x80: {  	_ =	sfence.sel $0x180000  }
0x81: {  	[bflag:$0x0] =	sbarrier.arrive $0xFFFF  }
0x82: {  	p0 =	sne.s32 s1, $0x0;
	_ =	strace $0x90000047  }
0x83: {  	s0 =	sadd.s32 @!p0 $0x100000, s0;
	[bflag:$0x2] =	sbarrier.arrive $0xFFFF  }
0x84: {  	[sflag:s0] =	ssyncadd.tile.s32 @!p0 $0x1;
	_ =	shalt  }
.Lfunc_end2:
_tile_overlayer_lowered:
.L_overlay_start_2:
0x85: {  	(tag) =	ssettag $0x2  }
0x86: {  	s0 =	rddreg [dreg:$0x0];
	s2 =	stileid.u32  }
0x87: {  	s1 =	rddreg [dreg:$0x1];
	p0 =	sne.s32 s2, $0x0  }
0x88: {  	s3 =	rddreg [dreg:$0x2];
	[bflag:$0x3] =	sbarrier.arrive $0xFFFF;
	s2 =	simm.s32 @!p0 $0x1C02  }
0x89: {  	[timem:s3], [sflag:s2] =	dma.local @!p0 [hbm:s0], s1  }
0x8a: {  	s0 =	simm.s32 @!p0 $0x2  }
0x8b: {  	_ =	swait.ge @!p0 [sflag:s0], s1  }
0x8c: {  	s1 =	ssub.s32 @!p0 $0x0, s1;
	[sflag:s0] =	ssyncset.done @!p0 $0x0  }
0x8d: {  	[sflag:s0] =	ssyncadd.s32 @!p0 s1  }
0x8e: {  	[bflag:$0x3] =	sbarrier.arrive $0xFFFF  }
0x8f: {  	_ =	shalt  }

</sc_bundles>
